<compile_context>
chip_gen: v7x
topology: tpu7x:2x2x1
jax: 0.10.2.dev20260603
libtpu: 0.0.44.dev20260713+nightly
codegen_flags: <defaults>
</compile_context>

<pallas_src>
import jax
import jax.numpy as jnp
from jax import lax
from jax.experimental import pallas as pl
from jax.experimental.pallas import tpu as pltpu
from jax.experimental.pallas import tpu_sc as plsc

N = 10000
D = 128
E = 320000
N_CLS = 10
NC, NS = 2, 16
NW = NC * NS
EW = E // NW
CH = 80
NCHUNK = EW // CH
RT_A = 624
RT_LAST = N - (NS - 1) * RT_A

_MESH = plsc.VectorSubcoreMesh(
    core_axis_name="c", subcore_axis_name="s", num_cores=NC, num_subcores=NS)


def _per_tile_rows(s, fn):
    r0 = s * RT_A

    @pl.when(s < NS - 1)
    def _():
        fn(r0, RT_A)

    @pl.when(s == NS - 1)
    def _():
        fn(r0, RT_LAST)



def _deg_body(col_hbm, ones_hbm, zeros_hbm, out_hbm, idx_v, ones_v, acc,
              sm0, sm1):
    c = lax.axis_index("c")
    s = lax.axis_index("s")
    wid = s * NC + c
    pltpu.sync_copy(ones_hbm, ones_v)
    pltpu.sync_copy(col_hbm.at[wid], idx_v)
    _per_tile_rows(s, lambda r0, nr: pltpu.sync_copy(
        zeros_hbm.at[pl.ds(r0, nr)], acc.at[pl.ds(r0, nr)]))
    plsc.subcore_barrier()

    def _scat(j, b, ssems):
        pltpu.async_copy(ones_v, acc.at[idx_v.at[j]], ssems[b], add=True)

    def _sdrain(b, ssems):
        pltpu.make_async_copy(ones_v, acc.at[idx_v.at[0]], ssems[b]).wait()

    def step(j, carry):
        def one(b):
            @pl.when(j >= 2)
            def _():
                _sdrain(b, (sm0, sm1))

            _scat(j, b, (sm0, sm1))

        @pl.when(j % 2 == 0)
        def _():
            one(0)

        @pl.when(j % 2 == 1)
        def _():
            one(1)

        return carry

    lax.fori_loop(0, NCHUNK, step, 0)
    _sdrain(0, (sm0, sm1))
    _sdrain(1, (sm0, sm1))
    plsc.subcore_barrier()
    _per_tile_rows(s, lambda r0, nr: pltpu.sync_copy(
        acc.at[pl.ds(r0, nr)], out_hbm.at[c, pl.ds(r0, nr)]))


_deg_call = pl.kernel(
    _deg_body,
    out_type=jax.ShapeDtypeStruct((NC, N, D), jnp.float32),
    mesh=_MESH,
    scratch_types=[
        pltpu.VMEM((NCHUNK, CH), jnp.int32),
        pltpu.VMEM((CH, D), jnp.float32),
        pltpu.VMEM_SHARED((N, D), jnp.float32),
        pltpu.SemaphoreType.DMA,
        pltpu.SemaphoreType.DMA,
    ],
)


NB = 4


def _agg_body(hp_hbm, rc_hbm, zeros_hbm, out_hbm, rc_v, rows_v, acc,
              is0, is1, is2, is3, gs0, gs1, gs2, gs3, ss0, ss1, ss2, ss3):
    c = lax.axis_index("c")
    s = lax.axis_index("s")
    wid = s * NC + c
    isems = (is0, is1, is2, is3)
    gsems = (gs0, gs1, gs2, gs3)
    ssems = (ss0, ss1, ss2, ss3)

    def _init(r0, nr):
        @pl.when(c == 0)
        def _():
            pltpu.sync_copy(hp_hbm.at[pl.ds(r0, nr)], acc.at[pl.ds(r0, nr)])

        @pl.when(c != 0)
        def _():
            pltpu.sync_copy(zeros_hbm.at[pl.ds(r0, nr)], acc.at[pl.ds(r0, nr)])

    def fire_idx(j, b):
        pltpu.async_copy(rc_hbm.at[wid, j], rc_v.at[b], isems[b])

    def wait_idx(b):
        pltpu.make_async_copy(rc_hbm.at[wid, 0], rc_v.at[b], isems[b]).wait()

    def fire_gather(j, b):
        pltpu.async_copy(hp_hbm.at[rc_v.at[b, 0]], rows_v.at[b], gsems[b])

    def wait_gather(b):
        pltpu.make_async_copy(
            hp_hbm.at[rc_v.at[b, 0]], rows_v.at[b], gsems[b]).wait()

    def fire_scat(j, b):
        pltpu.async_copy(
            rows_v.at[b], acc.at[rc_v.at[b, 1]], ssems[b], add=True)

    def wait_scat(b):
        pltpu.make_async_copy(
            rows_v.at[b], acc.at[rc_v.at[b, 1]], ssems[b]).wait()

    fire_idx(0, 0)
    fire_idx(1, 1)
    fire_idx(2, 2)
    _per_tile_rows(s, _init)
    wait_idx(0)
    fire_gather(0, 0)
    wait_idx(1)
    fire_gather(1, 1)
    plsc.subcore_barrier()

    def body(j, carry):
        def stepb(b):
            b2 = (b + 2) % NB
            b3 = (b + 3) % NB

            @pl.when(j + 3 < NCHUNK)
            def _():
                @pl.when(j >= 1)
                def _():
                    wait_scat(b3)

                fire_idx(j + 3, b3)

            @pl.when(j + 2 < NCHUNK)
            def _():
                wait_idx(b2)
                fire_gather(j + 2, b2)

            wait_gather(b)
            fire_scat(j, b)

        for bb in range(NB):
            @pl.when(j % NB == bb)
            def _(bb=bb):
                stepb(bb)

        return carry

    lax.fori_loop(0, NCHUNK, body, 0)
    for b in range(NB):
        wait_scat(b)
    plsc.subcore_barrier()
    _per_tile_rows(s, lambda r0, nr: pltpu.sync_copy(
        acc.at[pl.ds(r0, nr)], out_hbm.at[c, pl.ds(r0, nr)]))


_agg_call = pl.kernel(
    _agg_body,
    out_type=jax.ShapeDtypeStruct((NC, N, D), jnp.float32),
    mesh=_MESH,
    scratch_types=[
        pltpu.VMEM((NB, 2, CH), jnp.int32),
        pltpu.VMEM((NB, CH, D), jnp.float32),
        pltpu.VMEM_SHARED((N, D), jnp.float32),
    ] + [pltpu.SemaphoreType.DMA] * (3 * NB),
)



BN = 2000


def _dinv(degp_ref):
    deg = degp_ref[0, :, 0] + degp_ref[1, :, 0] + 1.0
    return lax.rsqrt(deg)[:, None]


def _tc_first_body(x_ref, w_ref, degp_ref, out_ref):
    dinv = _dinv(degp_ref)
    t = jnp.dot(x_ref[...], w_ref[...], preferred_element_type=jnp.float32)
    out_ref[...] = dinv * t


def _tc_mid_body(aggp_ref, degp_ref, b_ref, w_ref, out_ref):
    dinv = _dinv(degp_ref)
    h = jax.nn.relu(dinv * (aggp_ref[0] + aggp_ref[1]) + b_ref[...])
    t = jnp.dot(h, w_ref[...], preferred_element_type=jnp.float32)
    out_ref[...] = dinv * t


def _tc_final_body(aggp_ref, degp_ref, b3_ref, wf1_ref, bf1_ref, wf2_ref,
                   bf2_ref, out_ref):
    dinv = _dinv(degp_ref)
    h = jax.nn.relu(dinv * (aggp_ref[0] + aggp_ref[1]) + b3_ref[...])
    h = jax.nn.relu(
        jnp.dot(h, wf1_ref[...], preferred_element_type=jnp.float32)
        + bf1_ref[...])
    out_ref[...] = (
        jnp.dot(h, wf2_ref[...], preferred_element_type=jnp.float32)
        + bf2_ref[...])


def _row_block(i):
    return (i, 0)


_spec_x = pl.BlockSpec((BN, D), _row_block)
_spec_aggp = pl.BlockSpec((NC, BN, D), lambda i: (0, i, 0))
_spec_degp = pl.BlockSpec((NC, BN, D), lambda i: (0, i, 0))
_spec_w = pl.BlockSpec((D, D), lambda i: (0, 0))
_spec_b = pl.BlockSpec((1, D), lambda i: (0, 0))
_spec_wf2 = pl.BlockSpec((D, N_CLS), lambda i: (0, 0))
_spec_bf2 = pl.BlockSpec((1, N_CLS), lambda i: (0, 0))

_GRID = N // BN

_tc_first = pl.pallas_call(
    _tc_first_body,
    grid=(_GRID,),
    in_specs=[_spec_x, _spec_w, _spec_degp],
    out_specs=_spec_x,
    out_shape=jax.ShapeDtypeStruct((N, D), jnp.float32),
)

_tc_mid = pl.pallas_call(
    _tc_mid_body,
    grid=(_GRID,),
    in_specs=[_spec_aggp, _spec_degp, _spec_b, _spec_w],
    out_specs=_spec_x,
    out_shape=jax.ShapeDtypeStruct((N, D), jnp.float32),
)

_tc_final = pl.pallas_call(
    _tc_final_body,
    grid=(_GRID,),
    in_specs=[_spec_aggp, _spec_degp, _spec_b, _spec_w, _spec_b,
              _spec_wf2, _spec_bf2],
    out_specs=pl.BlockSpec((BN, N_CLS), _row_block),
    out_shape=jax.ShapeDtypeStruct((N, N_CLS), jnp.float32),
)



def kernel(x, edge_index, W1, b1, W2, b2, W3, b3, Wf1, bf1, Wf2, bf2):
    row3 = edge_index[0].reshape(NW, NCHUNK, CH)
    col3 = edge_index[1].reshape(NW, NCHUNK, CH)
    rc = jnp.stack([row3, col3], axis=2)
    zeros = jnp.zeros((N, D), jnp.float32)
    ones_ch = jnp.ones((CH, D), jnp.float32)

    degp = _deg_call(col3, ones_ch, zeros)

    t1 = _tc_first(x, W1, degp)
    a1 = _agg_call(t1, rc, zeros)
    t2 = _tc_mid(a1, degp, b1.reshape(1, D), W2)
    a2 = _agg_call(t2, rc, zeros)
    t3 = _tc_mid(a2, degp, b2.reshape(1, D), W3)
    a3 = _agg_call(t3, rc, zeros)
    out = _tc_final(a3, degp, b3.reshape(1, D), Wf1, bf1.reshape(1, D),
                    Wf2, bf2.reshape(1, N_CLS))
    return out

# --- scband reference (transcript-rebuilt; emitter-appended) ---
"""Pipeline reference for scband-gcn-3l-5025111736761 (READ-ONLY COPY).

The authoritative reference and input builder live on the scoring server;
editing this copy changes nothing except your own understanding.
"""

import jax, jax.numpy as jnp
import numpy as np

N = 10000
E = 320000
D_NODE = 128
D_HID = 128
N_CLS = 10


def _glorot(key, shape):
    fan_in, fan_out = shape[0], shape[1]
    s = float(np.sqrt(6.0 / (fan_in + fan_out)))
    return jax.random.uniform(key, shape, dtype=jnp.float32, minval=-s, maxval=s)


def setup_inputs(seed: int = 0):
    key = jax.random.key(seed)
    ks = jax.random.split(key, 8)
    x = jax.random.normal(ks[0], (N, D_NODE), dtype=jnp.float32)
    edge_index = jax.random.randint(ks[1], (2, E), 0, N, dtype=jnp.int32)
    W1 = _glorot(ks[2], (D_NODE, D_HID)); b1 = jnp.zeros((D_HID,), jnp.float32)
    W2 = _glorot(ks[3], (D_HID, D_HID)); b2 = jnp.zeros((D_HID,), jnp.float32)
    W3 = _glorot(ks[4], (D_HID, D_HID)); b3 = jnp.zeros((D_HID,), jnp.float32)
    Wf1 = _glorot(ks[5], (D_HID, D_HID)); bf1 = jnp.zeros((D_HID,), jnp.float32)
    Wf2 = _glorot(ks[6], (D_HID, N_CLS)); bf2 = jnp.zeros((N_CLS,), jnp.float32)
    return {"x": x, "edge_index": edge_index, "W1": W1, "b1": b1, "W2": W2, "b2": b2, "W3": W3, "b3": b3, "Wf1": Wf1, "bf1": bf1, "Wf2": Wf2, "bf2": bf2}


def _gcn_norm(edge_index, num_nodes):
    # add self loops with weight 1 (improved=False), symmetric normalization
    loop = jnp.arange(num_nodes, dtype=edge_index.dtype)
    row = jnp.concatenate([edge_index[0], loop])
    col = jnp.concatenate([edge_index[1], loop])
    w = jnp.ones(row.shape[0], jnp.float32)
    deg = jax.ops.segment_sum(w, col, num_segments=num_nodes)
    dinv = jnp.where(deg > 0, jax.lax.rsqrt(jnp.maximum(deg, 1e-12)), 0.0)
    norm = dinv[row] * w * dinv[col]
    return row, col, norm


def _conv(x, row, col, norm, W, b, num_nodes):
    h = x @ W
    msg = jnp.take(h, row, axis=0) * norm[:, None]
    out = jax.ops.segment_sum(msg, col, num_segments=num_nodes)
    return out + b


def reference(x, edge_index, W1, b1, W2, b2, W3, b3, Wf1, bf1, Wf2, bf2):
    num_nodes = x.shape[0]
    row, col, norm = _gcn_norm(edge_index, num_nodes)
    h = jax.nn.relu(_conv(x, row, col, norm, W1, b1, num_nodes))
    h = jax.nn.relu(_conv(h, row, col, norm, W2, b2, num_nodes))
    h = jax.nn.relu(_conv(h, row, col, norm, W3, b3, num_nodes))
    # node-level readout: identity pool; ffn (dropout is identity in eval)
    h = jax.nn.relu(h @ Wf1 + bf1)
    out = h @ Wf2 + bf2
    return out

if __name__ == "__main__":
    import jax
    _d = setup_inputs()
    print(jax.jit(kernel)(*tuple(_d.values())))

</pallas_src>

<mosaic_0001>
#map = affine_map<(d0, d1) -> (0, 0)>
#map1 = affine_map<(d0, d1) -> (0, 0, 0, 0)>
#map2 = affine_map<(d0, d1) -> (0, 0, 0)>
module attributes {stable_mosaic.version = 14 : i64} {
  func.func @_agg_body(%arg0: i32, %arg1: i32, %arg2: memref<10000x128xf32, #tpu.memory_space<hbm>>, %arg3: memref<32x125x2x80xi32, #tpu.memory_space<hbm>>, %arg4: memref<10000x128xf32, #tpu.memory_space<hbm>>, %arg5: memref<2x10000x128xf32, #tpu.memory_space<hbm>>, %arg6: memref<4x2x80xi32, #tpu.memory_space<vmem>>, %arg7: memref<4x80x128xf32, #tpu.memory_space<vmem>>, %arg8: memref<10000x128xf32, #tpu.memory_space<vmem_shared>>, %arg9: memref<!tpu.dma_semaphore, #tpu.memory_space<semaphore_mem>>, %arg10: memref<!tpu.dma_semaphore, #tpu.memory_space<semaphore_mem>>, %arg11: memref<!tpu.dma_semaphore, #tpu.memory_space<semaphore_mem>>, %arg12: memref<!tpu.dma_semaphore, #tpu.memory_space<semaphore_mem>>, %arg13: memref<!tpu.dma_semaphore, #tpu.memory_space<semaphore_mem>>, %arg14: memref<!tpu.dma_semaphore, #tpu.memory_space<semaphore_mem>>, %arg15: memref<!tpu.dma_semaphore, #tpu.memory_space<semaphore_mem>>, %arg16: memref<!tpu.dma_semaphore, #tpu.memory_space<semaphore_mem>>, %arg17: memref<!tpu.dma_semaphore, #tpu.memory_space<semaphore_mem>>, %arg18: memref<!tpu.dma_semaphore, #tpu.memory_space<semaphore_mem>>, %arg19: memref<!tpu.dma_semaphore, #tpu.memory_space<semaphore_mem>>, %arg20: memref<!tpu.dma_semaphore, #tpu.memory_space<semaphore_mem>>) attributes {dimension_semantics = [#tpu.dimension_semantics<core_parallel>, #tpu.dimension_semantics<subcore_parallel>], iteration_bounds = array<i64: 2, 16>, scalar_prefetch = 0 : i64, scratch_operands = 15 : i64, tpu.core_type = #tpu.core_type<sc_vector_subcore>, window_params = [{transform_indices = #map}, {transform_indices = #map1}, {transform_indices = #map}, {transform_indices = #map2}]} {
    %mul3A = arith.constant 2 : i32
    %mul3A_0 = arith.muli %arg1, %mul3A : i32
    %add3A = arith.addi %mul3A_0, %arg0 : i32
    %dma_start3A = arith.constant 0 : i32
    %dma_start3A_1 = arith.constant 0 : i32
    %dma_start3A_2 = arith.constant 0 : i32
    %dma_start3A_3 = arith.constant 0 : i32
    %dma_start3A_4 = tpu.memref_slice %arg6[%dma_start3A_1, %dma_start3A_2, %dma_start3A_3] : memref<4x2x80xi32, #tpu.memory_space<vmem>> -> memref<1x2x80xi32, #tpu.memory_space<vmem>>
    %dma_start3A_5 = tpu.memref_squeeze %dma_start3A_4 : memref<1x2x80xi32, #tpu.memory_space<vmem>> -> memref<2x80xi32, #tpu.memory_space<vmem>>
    %dma_start3A_6 = arith.constant 0 : i32
    %dma_start3A_7 = arith.constant 0 : i32
    %dma_start3A_8 = tpu.memref_slice %arg3[%add3A, %dma_start3A, %dma_start3A_6, %dma_start3A_7] : memref<32x125x2x80xi32, #tpu.memory_space<hbm>> -> memref<1x1x2x80xi32, #tpu.memory_space<hbm>>
    %dma_start3A_9 = tpu.memref_squeeze %dma_start3A_8 : memref<1x1x2x80xi32, #tpu.memory_space<hbm>> -> memref<2x80xi32, #tpu.memory_space<hbm>>
    %dma_start3A_10 = arith.constant 0 : i32
    %dma_start3A_11 = arith.constant 0 : i32
    %dma_start3A_12 = tpu.memref_slice %arg6[%dma_start3A_1, %dma_start3A_10, %dma_start3A_11] : memref<4x2x80xi32, #tpu.memory_space<vmem>> -> memref<1x2x80xi32, #tpu.memory_space<vmem>>
    %dma_start3A_13 = tpu.memref_squeeze %dma_start3A_12 : memref<1x2x80xi32, #tpu.memory_space<vmem>> -> memref<2x80xi32, #tpu.memory_space<vmem>>
    %dma_start3A_14 = arith.constant 0 : i32
    %dma_start3A_15 = arith.constant 0 : i32
    %dma_start3A_16 = tpu.memref_slice %arg3[%add3A, %dma_start3A, %dma_start3A_14, %dma_start3A_15] : memref<32x125x2x80xi32, #tpu.memory_space<hbm>> -> memref<1x1x2x80xi32, #tpu.memory_space<hbm>>
    %dma_start3A_17 = tpu.memref_squeeze %dma_start3A_16 : memref<1x1x2x80xi32, #tpu.memory_space<hbm>> -> memref<2x80xi32, #tpu.memory_space<hbm>>
    tpu.enqueue_dma source(%dma_start3A_17 : memref<2x80xi32, #tpu.memory_space<hbm>>) target(%dma_start3A_13 : memref<2x80xi32, #tpu.memory_space<vmem>>) target_semaphore(%arg9 : memref<!tpu.dma_semaphore, #tpu.memory_space<semaphore_mem>>)
    %dma_start3A_18 = arith.constant 1 : i32
    %dma_start3A_19 = arith.constant 1 : i32
    %dma_start3A_20 = arith.constant 0 : i32
    %dma_start3A_21 = arith.constant 0 : i32
    %dma_start3A_22 = tpu.memref_slice %arg6[%dma_start3A_19, %dma_start3A_20, %dma_start3A_21] : memref<4x2x80xi32, #tpu.memory_space<vmem>> -> memref<1x2x80xi32, #tpu.memory_space<vmem>>
    %dma_start3A_23 = tpu.memref_squeeze %dma_start3A_22 : memref<1x2x80xi32, #tpu.memory_space<vmem>> -> memref<2x80xi32, #tpu.memory_space<vmem>>
    %dma_start3A_24 = arith.constant 0 : i32
    %dma_start3A_25 = arith.constant 0 : i32
    %dma_start3A_26 = tpu.memref_slice %arg3[%add3A, %dma_start3A_18, %dma_start3A_24, %dma_start3A_25] : memref<32x125x2x80xi32, #tpu.memory_space<hbm>> -> memref<1x1x2x80xi32, #tpu.memory_space<hbm>>
    %dma_start3A_27 = tpu.memref_squeeze %dma_start3A_26 : memref<1x1x2x80xi32, #tpu.memory_space<hbm>> -> memref<2x80xi32, #tpu.memory_space<hbm>>
    %dma_start3A_28 = arith.constant 0 : i32
    %dma_start3A_29 = arith.constant 0 : i32
    %dma_start3A_30 = tpu.memref_slice %arg6[%dma_start3A_19, %dma_start3A_28, %dma_start3A_29] : memref<4x2x80xi32, #tpu.memory_space<vmem>> -> memref<1x2x80xi32, #tpu.memory_space<vmem>>
    %dma_start3A_31 = tpu.memref_squeeze %dma_start3A_30 : memref<1x2x80xi32, #tpu.memory_space<vmem>> -> memref<2x80xi32, #tpu.memory_space<vmem>>
    %dma_start3A_32 = arith.constant 0 : i32
    %dma_start3A_33 = arith.constant 0 : i32
    %dma_start3A_34 = tpu.memref_slice %arg3[%add3A, %dma_start3A_18, %dma_start3A_32, %dma_start3A_33] : memref<32x125x2x80xi32, #tpu.memory_space<hbm>> -> memref<1x1x2x80xi32, #tpu.memory_space<hbm>>
    %dma_start3A_35 = tpu.memref_squeeze %dma_start3A_34 : memref<1x1x2x80xi32, #tpu.memory_space<hbm>> -> memref<2x80xi32, #tpu.memory_space<hbm>>
    tpu.enqueue_dma source(%dma_start3A_35 : memref<2x80xi32, #tpu.memory_space<hbm>>) target(%dma_start3A_31 : memref<2x80xi32, #tpu.memory_space<vmem>>) target_semaphore(%arg10 : memref<!tpu.dma_semaphore, #tpu.memory_space<semaphore_mem>>)
    %dma_start3A_36 = arith.constant 2 : i32
    %dma_start3A_37 = arith.constant 2 : i32
    %dma_start3A_38 = arith.constant 0 : i32
    %dma_start3A_39 = arith.constant 0 : i32
    %dma_start3A_40 = tpu.memref_slice %arg6[%dma_start3A_37, %dma_start3A_38, %dma_start3A_39] : memref<4x2x80xi32, #tpu.memory_space<vmem>> -> memref<1x2x80xi32, #tpu.memory_space<vmem>>
    %dma_start3A_41 = tpu.memref_squeeze %dma_start3A_40 : memref<1x2x80xi32, #tpu.memory_space<vmem>> -> memref<2x80xi32, #tpu.memory_space<vmem>>
    %dma_start3A_42 = arith.constant 0 : i32
    %dma_start3A_43 = arith.constant 0 : i32
    %dma_start3A_44 = tpu.memref_slice %arg3[%add3A, %dma_start3A_36, %dma_start3A_42, %dma_start3A_43] : memref<32x125x2x80xi32, #tpu.memory_space<hbm>> -> memref<1x1x2x80xi32, #tpu.memory_space<hbm>>
    %dma_start3A_45 = tpu.memref_squeeze %dma_start3A_44 : memref<1x1x2x80xi32, #tpu.memory_space<hbm>> -> memref<2x80xi32, #tpu.memory_space<hbm>>
    %dma_start3A_46 = arith.constant 0 : i32
    %dma_start3A_47 = arith.constant 0 : i32
    %dma_start3A_48 = tpu.memref_slice %arg6[%dma_start3A_37, %dma_start3A_46, %dma_start3A_47] : memref<4x2x80xi32, #tpu.memory_space<vmem>> -> memref<1x2x80xi32, #tpu.memory_space<vmem>>
    %dma_start3A_49 = tpu.memref_squeeze %dma_start3A_48 : memref<1x2x80xi32, #tpu.memory_space<vmem>> -> memref<2x80xi32, #tpu.memory_space<vmem>>
    %dma_start3A_50 = arith.constant 0 : i32
    %dma_start3A_51 = arith.constant 0 : i32
    %dma_start3A_52 = tpu.memref_slice %arg3[%add3A, %dma_start3A_36, %dma_start3A_50, %dma_start3A_51] : memref<32x125x2x80xi32, #tpu.memory_space<hbm>> -> memref<1x1x2x80xi32, #tpu.memory_space<hbm>>
    %dma_start3A_53 = tpu.memref_squeeze %dma_start3A_52 : memref<1x1x2x80xi32, #tpu.memory_space<hbm>> -> memref<2x80xi32, #tpu.memory_space<hbm>>
    tpu.enqueue_dma source(%dma_start3A_53 : memref<2x80xi32, #tpu.memory_space<hbm>>) target(%dma_start3A_49 : memref<2x80xi32, #tpu.memory_space<vmem>>) target_semaphore(%arg11 : memref<!tpu.dma_semaphore, #tpu.memory_space<semaphore_mem>>)
    %mul3A_54 = arith.constant 624 : i32
    %mul3A_55 = arith.muli %arg1, %mul3A_54 : i32
    %lt3A = arith.constant 15 : i32
    %lt3A_56 = arith.cmpi slt, %arg1, %lt3A : i32
    %convert_element_type3A = arith.extui %lt3A_56 : i1 to i32
    %cond3A = arith.constant 0 : i32
    %cond3A_57 = arith.cmpi ne, %convert_element_type3A, %cond3A : i32
    scf.if %cond3A_57 {
      %eq3A_193 = arith.constant 0 : i32
      %eq3A_194 = arith.cmpi eq, %arg0, %eq3A_193 : i32
      %convert_element_type3A_195 = arith.extui %eq3A_194 : i1 to i32
      %cond3A_196 = arith.constant 0 : i32
      %cond3A_197 = arith.cmpi ne, %convert_element_type3A_195, %cond3A_196 : i32
      scf.if %cond3A_197 {
        "tpu.region"() ({
          %run_scoped3A = tpu.sem_alloc : memref<!tpu.dma_semaphore, #tpu.memory_space<semaphore_mem>>
          %dma_start3A_202 = arith.constant 0 : i32
          %dma_start3A_203 = tpu.memref_slice %arg8[%mul3A_55, %dma_start3A_202] : memref<10000x128xf32, #tpu.memory_space<vmem_shared>> -> memref<624x128xf32, #tpu.memory_space<vmem_shared>>
          %dma_start3A_204 = arith.constant 0 : i32
          %dma_start3A_205 = tpu.memref_slice %arg2[%mul3A_55, %dma_start3A_204] : memref<10000x128xf32, #tpu.memory_space<hbm>> -> memref<624x128xf32, #tpu.memory_space<hbm>>
          tpu.enqueue_dma source(%dma_start3A_205 : memref<624x128xf32, #tpu.memory_space<hbm>>) target(%dma_start3A_203 : memref<624x128xf32, #tpu.memory_space<vmem_shared>>) target_semaphore(%run_scoped3A : memref<!tpu.dma_semaphore, #tpu.memory_space<semaphore_mem>>)
          %dma_wait3A_206 = arith.constant 0 : i32
          %dma_wait3A_207 = tpu.memref_slice %arg8[%mul3A_55, %dma_wait3A_206] : memref<10000x128xf32, #tpu.memory_space<vmem_shared>> -> memref<624x128xf32, #tpu.memory_space<vmem_shared>>
          %dma_wait3A_208 = arith.constant 0 : i32
          %dma_wait3A_209 = tpu.memref_slice %arg2[%mul3A_55, %dma_wait3A_208] : memref<10000x128xf32, #tpu.memory_space<hbm>> -> memref<624x128xf32, #tpu.memory_space<hbm>>
          tpu.wait_dma2 semaphore(%run_scoped3A : memref<!tpu.dma_semaphore, #tpu.memory_space<semaphore_mem>>) src(%dma_wait3A_209 : memref<624x128xf32, #tpu.memory_space<hbm>>) dst(%dma_wait3A_207 : memref<624x128xf32, #tpu.memory_space<vmem_shared>>)
          tpu.yield
        }) : () -> ()
      } else {
      }
      %ne3A = arith.constant 0 : i32
      %ne3A_198 = arith.cmpi ne, %arg0, %ne3A : i32
      %convert_element_type3A_199 = arith.extui %ne3A_198 : i1 to i32
      %cond3A_200 = arith.constant 0 : i32
      %cond3A_201 = arith.cmpi ne, %convert_element_type3A_199, %cond3A_200 : i32
      scf.if %cond3A_201 {
        "tpu.region"() ({
          %run_scoped3A = tpu.sem_alloc : memref<!tpu.dma_semaphore, #tpu.memory_space<semaphore_mem>>
          %dma_start3A_202 = arith.constant 0 : i32
          %dma_start3A_203 = tpu.memref_slice %arg8[%mul3A_55, %dma_start3A_202] : memref<10000x128xf32, #tpu.memory_space<vmem_shared>> -> memref<624x128xf32, #tpu.memory_space<vmem_shared>>
          %dma_start3A_204 = arith.constant 0 : i32
          %dma_start3A_205 = tpu.memref_slice %arg4[%mul3A_55, %dma_start3A_204] : memref<10000x128xf32, #tpu.memory_space<hbm>> -> memref<624x128xf32, #tpu.memory_space<hbm>>
          tpu.enqueue_dma source(%dma_start3A_205 : memref<624x128xf32, #tpu.memory_space<hbm>>) target(%dma_start3A_203 : memref<624x128xf32, #tpu.memory_space<vmem_shared>>) target_semaphore(%run_scoped3A : memref<!tpu.dma_semaphore, #tpu.memory_space<semaphore_mem>>)
          %dma_wait3A_206 = arith.constant 0 : i32
          %dma_wait3A_207 = tpu.memref_slice %arg8[%mul3A_55, %dma_wait3A_206] : memref<10000x128xf32, #tpu.memory_space<vmem_shared>> -> memref<624x128xf32, #tpu.memory_space<vmem_shared>>
          %dma_wait3A_208 = arith.constant 0 : i32
          %dma_wait3A_209 = tpu.memref_slice %arg4[%mul3A_55, %dma_wait3A_208] : memref<10000x128xf32, #tpu.memory_space<hbm>> -> memref<624x128xf32, #tpu.memory_space<hbm>>
          tpu.wait_dma2 semaphore(%run_scoped3A : memref<!tpu.dma_semaphore, #tpu.memory_space<semaphore_mem>>) src(%dma_wait3A_209 : memref<624x128xf32, #tpu.memory_space<hbm>>) dst(%dma_wait3A_207 : memref<624x128xf32, #tpu.memory_space<vmem_shared>>)
          tpu.yield
        }) : () -> ()
      } else {
      }
    } else {
    }
    %eq3A = arith.constant 15 : i32
    %eq3A_58 = arith.cmpi eq, %arg1, %eq3A : i32
    %convert_element_type3A_59 = arith.extui %eq3A_58 : i1 to i32
    %cond3A_60 = arith.constant 0 : i32
    %cond3A_61 = arith.cmpi ne, %convert_element_type3A_59, %cond3A_60 : i32
    scf.if %cond3A_61 {
      %eq3A_193 = arith.constant 0 : i32
      %eq3A_194 = arith.cmpi eq, %arg0, %eq3A_193 : i32
      %convert_element_type3A_195 = arith.extui %eq3A_194 : i1 to i32
      %cond3A_196 = arith.constant 0 : i32
      %cond3A_197 = arith.cmpi ne, %convert_element_type3A_195, %cond3A_196 : i32
      scf.if %cond3A_197 {
        "tpu.region"() ({
          %run_scoped3A = tpu.sem_alloc : memref<!tpu.dma_semaphore, #tpu.memory_space<semaphore_mem>>
          %dma_start3A_202 = arith.constant 0 : i32
          %dma_start3A_203 = tpu.memref_slice %arg8[%mul3A_55, %dma_start3A_202] : memref<10000x128xf32, #tpu.memory_space<vmem_shared>> -> memref<640x128xf32, #tpu.memory_space<vmem_shared>>
          %dma_start3A_204 = arith.constant 0 : i32
          %dma_start3A_205 = tpu.memref_slice %arg2[%mul3A_55, %dma_start3A_204] : memref<10000x128xf32, #tpu.memory_space<hbm>> -> memref<640x128xf32, #tpu.memory_space<hbm>>
          tpu.enqueue_dma source(%dma_start3A_205 : memref<640x128xf32, #tpu.memory_space<hbm>>) target(%dma_start3A_203 : memref<640x128xf32, #tpu.memory_space<vmem_shared>>) target_semaphore(%run_scoped3A : memref<!tpu.dma_semaphore, #tpu.memory_space<semaphore_mem>>)
          %dma_wait3A_206 = arith.constant 0 : i32
          %dma_wait3A_207 = tpu.memref_slice %arg8[%mul3A_55, %dma_wait3A_206] : memref<10000x128xf32, #tpu.memory_space<vmem_shared>> -> memref<640x128xf32, #tpu.memory_space<vmem_shared>>
          %dma_wait3A_208 = arith.constant 0 : i32
          %dma_wait3A_209 = tpu.memref_slice %arg2[%mul3A_55, %dma_wait3A_208] : memref<10000x128xf32, #tpu.memory_space<hbm>> -> memref<640x128xf32, #tpu.memory_space<hbm>>
          tpu.wait_dma2 semaphore(%run_scoped3A : memref<!tpu.dma_semaphore, #tpu.memory_space<semaphore_mem>>) src(%dma_wait3A_209 : memref<640x128xf32, #tpu.memory_space<hbm>>) dst(%dma_wait3A_207 : memref<640x128xf32, #tpu.memory_space<vmem_shared>>)
          tpu.yield
        }) : () -> ()
      } else {
      }
      %ne3A = arith.constant 0 : i32
      %ne3A_198 = arith.cmpi ne, %arg0, %ne3A : i32
      %convert_element_type3A_199 = arith.extui %ne3A_198 : i1 to i32
      %cond3A_200 = arith.constant 0 : i32
      %cond3A_201 = arith.cmpi ne, %convert_element_type3A_199, %cond3A_200 : i32
      scf.if %cond3A_201 {
        "tpu.region"() ({
          %run_scoped3A = tpu.sem_alloc : memref<!tpu.dma_semaphore, #tpu.memory_space<semaphore_mem>>
          %dma_start3A_202 = arith.constant 0 : i32
          %dma_start3A_203 = tpu.memref_slice %arg8[%mul3A_55, %dma_start3A_202] : memref<10000x128xf32, #tpu.memory_space<vmem_shared>> -> memref<640x128xf32, #tpu.memory_space<vmem_shared>>
          %dma_start3A_204 = arith.constant 0 : i32
          %dma_start3A_205 = tpu.memref_slice %arg4[%mul3A_55, %dma_start3A_204] : memref<10000x128xf32, #tpu.memory_space<hbm>> -> memref<640x128xf32, #tpu.memory_space<hbm>>
          tpu.enqueue_dma source(%dma_start3A_205 : memref<640x128xf32, #tpu.memory_space<hbm>>) target(%dma_start3A_203 : memref<640x128xf32, #tpu.memory_space<vmem_shared>>) target_semaphore(%run_scoped3A : memref<!tpu.dma_semaphore, #tpu.memory_space<semaphore_mem>>)
          %dma_wait3A_206 = arith.constant 0 : i32
          %dma_wait3A_207 = tpu.memref_slice %arg8[%mul3A_55, %dma_wait3A_206] : memref<10000x128xf32, #tpu.memory_space<vmem_shared>> -> memref<640x128xf32, #tpu.memory_space<vmem_shared>>
          %dma_wait3A_208 = arith.constant 0 : i32
          %dma_wait3A_209 = tpu.memref_slice %arg4[%mul3A_55, %dma_wait3A_208] : memref<10000x128xf32, #tpu.memory_space<hbm>> -> memref<640x128xf32, #tpu.memory_space<hbm>>
          tpu.wait_dma2 semaphore(%run_scoped3A : memref<!tpu.dma_semaphore, #tpu.memory_space<semaphore_mem>>) src(%dma_wait3A_209 : memref<640x128xf32, #tpu.memory_space<hbm>>) dst(%dma_wait3A_207 : memref<640x128xf32, #tpu.memory_space<vmem_shared>>)
          tpu.yield
        }) : () -> ()
      } else {
      }
    } else {
    }
    %dma_wait3A = arith.constant 0 : i32
    %dma_wait3A_62 = arith.constant 0 : i32
    %dma_wait3A_63 = arith.constant 0 : i32
    %dma_wait3A_64 = arith.constant 0 : i32
    %dma_wait3A_65 = tpu.memref_slice %arg6[%dma_wait3A_62, %dma_wait3A_63, %dma_wait3A_64] : memref<4x2x80xi32, #tpu.memory_space<vmem>> -> memref<1x2x80xi32, #tpu.memory_space<vmem>>
    %dma_wait3A_66 = tpu.memref_squeeze %dma_wait3A_65 : memref<1x2x80xi32, #tpu.memory_space<vmem>> -> memref<2x80xi32, #tpu.memory_space<vmem>>
    %dma_wait3A_67 = arith.constant 0 : i32
    %dma_wait3A_68 = arith.constant 0 : i32
    %dma_wait3A_69 = tpu.memref_slice %arg3[%add3A, %dma_wait3A, %dma_wait3A_67, %dma_wait3A_68] : memref<32x125x2x80xi32, #tpu.memory_space<hbm>> -> memref<1x1x2x80xi32, #tpu.memory_space<hbm>>
    %dma_wait3A_70 = tpu.memref_squeeze %dma_wait3A_69 : memref<1x1x2x80xi32, #tpu.memory_space<hbm>> -> memref<2x80xi32, #tpu.memory_space<hbm>>
    %dma_wait3A_71 = arith.constant 0 : i32
    %dma_wait3A_72 = arith.constant 0 : i32
    %dma_wait3A_73 = tpu.memref_slice %arg6[%dma_wait3A_62, %dma_wait3A_71, %dma_wait3A_72] : memref<4x2x80xi32, #tpu.memory_space<vmem>> -> memref<1x2x80xi32, #tpu.memory_space<vmem>>
    %dma_wait3A_74 = tpu.memref_squeeze %dma_wait3A_73 : memref<1x2x80xi32, #tpu.memory_space<vmem>> -> memref<2x80xi32, #tpu.memory_space<vmem>>
    %dma_wait3A_75 = arith.constant 0 : i32
    %dma_wait3A_76 = arith.constant 0 : i32
    %dma_wait3A_77 = tpu.memref_slice %arg3[%add3A, %dma_wait3A, %dma_wait3A_75, %dma_wait3A_76] : memref<32x125x2x80xi32, #tpu.memory_space<hbm>> -> memref<1x1x2x80xi32, #tpu.memory_space<hbm>>
    %dma_wait3A_78 = tpu.memref_squeeze %dma_wait3A_77 : memref<1x1x2x80xi32, #tpu.memory_space<hbm>> -> memref<2x80xi32, #tpu.memory_space<hbm>>
    tpu.wait_dma2 semaphore(%arg9 : memref<!tpu.dma_semaphore, #tpu.memory_space<semaphore_mem>>) src(%dma_wait3A_78 : memref<2x80xi32, #tpu.memory_space<hbm>>) dst(%dma_wait3A_74 : memref<2x80xi32, #tpu.memory_space<vmem>>)
    %dma_start3A_79 = arith.constant 0 : i32
    %dma_start3A_80 = arith.constant 0 : i32
    %dma_start3A_81 = arith.constant 0 : i32
    %dma_start3A_82 = arith.constant 0 : i32
    %dma_start3A_83 = arith.constant 0 : i32
    %dma_start3A_84 = tpu.memref_slice %arg7[%dma_start3A_81, %dma_start3A_82, %dma_start3A_83] : memref<4x80x128xf32, #tpu.memory_space<vmem>> -> memref<1x80x128xf32, #tpu.memory_space<vmem>>
    %dma_start3A_85 = tpu.memref_squeeze %dma_start3A_84 : memref<1x80x128xf32, #tpu.memory_space<vmem>> -> memref<80x128xf32, #tpu.memory_space<vmem>>
    %dma_start3A_86 = arith.constant 0 : i32
    %dma_start3A_87 = tpu.memref_slice %arg6[%dma_start3A_79, %dma_start3A_80, %dma_start3A_86] : memref<4x2x80xi32, #tpu.memory_space<vmem>> -> memref<1x1x80xi32, #tpu.memory_space<vmem>>
    %dma_start3A_88 = tpu.memref_squeeze %dma_start3A_87 : memref<1x1x80xi32, #tpu.memory_space<vmem>> -> memref<80xi32, #tpu.memory_space<vmem>>
    %dma_start3A_89 = arith.constant 0 : i32
    %dma_start3A_90 = arith.constant 0 : i32
    %dma_start3A_91 = tpu.memref_slice %arg2[%dma_start3A_89, %dma_start3A_90] : memref<10000x128xf32, #tpu.memory_space<hbm>> -> memref<10000x128xf32, #tpu.memory_space<hbm>>
    tpu.enqueue_indirect_dma source(%dma_start3A_91 : memref<10000x128xf32, #tpu.memory_space<hbm>>) target(%dma_start3A_85 : memref<80x128xf32, #tpu.memory_space<vmem>>) offsets(%dma_start3A_88 : memref<80xi32, #tpu.memory_space<vmem>>) semaphore(%arg13 : memref<!tpu.dma_semaphore, #tpu.memory_space<semaphore_mem>>)
    %dma_wait3A_92 = arith.constant 0 : i32
    %dma_wait3A_93 = arith.constant 1 : i32
    %dma_wait3A_94 = arith.constant 0 : i32
    %dma_wait3A_95 = arith.constant 0 : i32
    %dma_wait3A_96 = tpu.memref_slice %arg6[%dma_wait3A_93, %dma_wait3A_94, %dma_wait3A_95] : memref<4x2x80xi32, #tpu.memory_space<vmem>> -> memref<1x2x80xi32, #tpu.memory_space<vmem>>
    %dma_wait3A_97 = tpu.memref_squeeze %dma_wait3A_96 : memref<1x2x80xi32, #tpu.memory_space<vmem>> -> memref<2x80xi32, #tpu.memory_space<vmem>>
    %dma_wait3A_98 = arith.constant 0 : i32
    %dma_wait3A_99 = arith.constant 0 : i32
    %dma_wait3A_100 = tpu.memref_slice %arg3[%add3A, %dma_wait3A_92, %dma_wait3A_98, %dma_wait3A_99] : memref<32x125x2x80xi32, #tpu.memory_space<hbm>> -> memref<1x1x2x80xi32, #tpu.memory_space<hbm>>
    %dma_wait3A_101 = tpu.memref_squeeze %dma_wait3A_100 : memref<1x1x2x80xi32, #tpu.memory_space<hbm>> -> memref<2x80xi32, #tpu.memory_space<hbm>>
    %dma_wait3A_102 = arith.constant 0 : i32
    %dma_wait3A_103 = arith.constant 0 : i32
    %dma_wait3A_104 = tpu.memref_slice %arg6[%dma_wait3A_93, %dma_wait3A_102, %dma_wait3A_103] : memref<4x2x80xi32, #tpu.memory_space<vmem>> -> memref<1x2x80xi32, #tpu.memory_space<vmem>>
    %dma_wait3A_105 = tpu.memref_squeeze %dma_wait3A_104 : memref<1x2x80xi32, #tpu.memory_space<vmem>> -> memref<2x80xi32, #tpu.memory_space<vmem>>
    %dma_wait3A_106 = arith.constant 0 : i32
    %dma_wait3A_107 = arith.constant 0 : i32
    %dma_wait3A_108 = tpu.memref_slice %arg3[%add3A, %dma_wait3A_92, %dma_wait3A_106, %dma_wait3A_107] : memref<32x125x2x80xi32, #tpu.memory_space<hbm>> -> memref<1x1x2x80xi32, #tpu.memory_space<hbm>>
    %dma_wait3A_109 = tpu.memref_squeeze %dma_wait3A_108 : memref<1x1x2x80xi32, #tpu.memory_space<hbm>> -> memref<2x80xi32, #tpu.memory_space<hbm>>
    tpu.wait_dma2 semaphore(%arg10 : memref<!tpu.dma_semaphore, #tpu.memory_space<semaphore_mem>>) src(%dma_wait3A_109 : memref<2x80xi32, #tpu.memory_space<hbm>>) dst(%dma_wait3A_105 : memref<2x80xi32, #tpu.memory_space<vmem>>)
    %dma_start3A_110 = arith.constant 1 : i32
    %dma_start3A_111 = arith.constant 0 : i32
    %dma_start3A_112 = arith.constant 1 : i32
    %dma_start3A_113 = arith.constant 0 : i32
    %dma_start3A_114 = arith.constant 0 : i32
    %dma_start3A_115 = tpu.memref_slice %arg7[%dma_start3A_112, %dma_start3A_113, %dma_start3A_114] : memref<4x80x128xf32, #tpu.memory_space<vmem>> -> memref<1x80x128xf32, #tpu.memory_space<vmem>>
    %dma_start3A_116 = tpu.memref_squeeze %dma_start3A_115 : memref<1x80x128xf32, #tpu.memory_space<vmem>> -> memref<80x128xf32, #tpu.memory_space<vmem>>
    %dma_start3A_117 = arith.constant 0 : i32
    %dma_start3A_118 = tpu.memref_slice %arg6[%dma_start3A_110, %dma_start3A_111, %dma_start3A_117] : memref<4x2x80xi32, #tpu.memory_space<vmem>> -> memref<1x1x80xi32, #tpu.memory_space<vmem>>
    %dma_start3A_119 = tpu.memref_squeeze %dma_start3A_118 : memref<1x1x80xi32, #tpu.memory_space<vmem>> -> memref<80xi32, #tpu.memory_space<vmem>>
    %dma_start3A_120 = arith.constant 0 : i32
    %dma_start3A_121 = arith.constant 0 : i32
    %dma_start3A_122 = tpu.memref_slice %arg2[%dma_start3A_120, %dma_start3A_121] : memref<10000x128xf32, #tpu.memory_space<hbm>> -> memref<10000x128xf32, #tpu.memory_space<hbm>>
    tpu.enqueue_indirect_dma source(%dma_start3A_122 : memref<10000x128xf32, #tpu.memory_space<hbm>>) target(%dma_start3A_116 : memref<80x128xf32, #tpu.memory_space<vmem>>) offsets(%dma_start3A_119 : memref<80xi32, #tpu.memory_space<vmem>>) semaphore(%arg14 : memref<!tpu.dma_semaphore, #tpu.memory_space<semaphore_mem>>)
    %barrier3A = arith.constant 0 : index
    tpu.barrier barrier_id(%barrier3A)
    %scan3A = arith.constant 0 : i32
    %scan3A_123 = arith.constant 0 : i32
    %scan3A_124 = arith.constant 125 : i32
    %scan3A_125 = arith.addi %scan3A_123, %scan3A_124 : i32
    %scan3A_126 = arith.constant 1 : i32
    scf.for %scan3A_193 = %scan3A_123 to %scan3A_125 step %scan3A_126  : i32 {
      %jit3A = arith.constant 4 : i32
      %eq3A_194 = arith.constant 0 : i32
      %eq3A_195 = arith.cmpi eq, %jit3A, %eq3A_194 : i32
      %jit3A_196 = arith.constant 1 : i32
      %select_n3A = arith.select %eq3A_195, %jit3A_196, %jit3A : i32
      %rem3A = arith.remsi %scan3A_193, %select_n3A : i32
      %ne3A = arith.constant 0 : i32
      %ne3A_197 = arith.cmpi ne, %rem3A, %ne3A : i32
      %lt3A_198 = arith.constant 0 : i32
      %lt3A_199 = arith.cmpi slt, %rem3A, %lt3A_198 : i32
      %lt3A_200 = arith.constant 0 : i32
      %lt3A_201 = arith.cmpi slt, %select_n3A, %lt3A_200 : i32
      %ne3A_202 = arith.xori %lt3A_199, %lt3A_201 : i1
      %and3A = arith.andi %ne3A_202, %ne3A_197 : i1
      %add3A_203 = arith.addi %rem3A, %select_n3A : i32
      %select_n3A_204 = arith.select %and3A, %add3A_203, %rem3A : i32
      %eq3A_205 = arith.constant 0 : i32
      %eq3A_206 = arith.cmpi eq, %select_n3A_204, %eq3A_205 : i32
      %convert_element_type3A_207 = arith.extui %eq3A_206 : i1 to i32
      %cond3A_208 = arith.constant 0 : i32
      %cond3A_209 = arith.cmpi ne, %convert_element_type3A_207, %cond3A_208 : i32
      scf.if %cond3A_209 {
        %add3A_273 = arith.constant 3 : i32
        %add3A_274 = arith.addi %scan3A_193, %add3A_273 : i32
        %lt3A_275 = arith.constant 125 : i32
        %lt3A_276 = arith.cmpi slt, %add3A_274, %lt3A_275 : i32
        %convert_element_type3A_277 = arith.extui %lt3A_276 : i1 to i32
        %cond3A_278 = arith.constant 0 : i32
        %cond3A_279 = arith.cmpi ne, %convert_element_type3A_277, %cond3A_278 : i32
        scf.if %cond3A_279 {
          %ge3A = arith.constant 1 : i32
          %ge3A_313 = arith.cmpi sge, %scan3A_193, %ge3A : i32
          %convert_element_type3A_314 = arith.extui %ge3A_313 : i1 to i32
          %cond3A_315 = arith.constant 0 : i32
          %cond3A_316 = arith.cmpi ne, %convert_element_type3A_314, %cond3A_315 : i32
          scf.if %cond3A_316 {
            %dma_wait3A_336 = arith.constant 3 : i32
            %dma_wait3A_337 = arith.constant 3 : i32
            %dma_wait3A_338 = arith.constant 1 : i32
            %dma_wait3A_339 = arith.constant 0 : i32
            %dma_wait3A_340 = arith.constant 0 : i32
            %dma_wait3A_341 = tpu.memref_slice %arg7[%dma_wait3A_336, %dma_wait3A_339, %dma_wait3A_340] : memref<4x80x128xf32, #tpu.memory_space<vmem>> -> memref<1x80x128xf32, #tpu.memory_space<vmem>>
            %dma_wait3A_342 = tpu.memref_squeeze %dma_wait3A_341 : memref<1x80x128xf32, #tpu.memory_space<vmem>> -> memref<80x128xf32, #tpu.memory_space<vmem>>
            %dma_wait3A_343 = arith.constant 0 : i32
            %dma_wait3A_344 = tpu.memref_slice %arg6[%dma_wait3A_337, %dma_wait3A_338, %dma_wait3A_343] : memref<4x2x80xi32, #tpu.memory_space<vmem>> -> memref<1x1x80xi32, #tpu.memory_space<vmem>>
            %dma_wait3A_345 = tpu.memref_squeeze %dma_wait3A_344 : memref<1x1x80xi32, #tpu.memory_space<vmem>> -> memref<80xi32, #tpu.memory_space<vmem>>
            %dma_wait3A_346 = arith.constant 0 : i32
            %dma_wait3A_347 = arith.constant 0 : i32
            %dma_wait3A_348 = tpu.memref_slice %arg8[%dma_wait3A_346, %dma_wait3A_347] : memref<10000x128xf32, #tpu.memory_space<vmem_shared>> -> memref<10000x128xf32, #tpu.memory_space<vmem_shared>>
            tpu.wait_indirect_dma semaphore(%arg20 : memref<!tpu.dma_semaphore, #tpu.memory_space<semaphore_mem>>) src(%dma_wait3A_342 : memref<80x128xf32, #tpu.memory_space<vmem>>) dst(%dma_wait3A_348 : memref<10000x128xf32, #tpu.memory_space<vmem_shared>>)
          } else {
          }
          %add3A_317 = arith.constant 3 : i32
          %add3A_318 = arith.addi %scan3A_193, %add3A_317 : i32
          %dma_start3A_319 = arith.constant 3 : i32
          %dma_start3A_320 = arith.constant 0 : i32
          %dma_start3A_321 = arith.constant 0 : i32
          %dma_start3A_322 = tpu.memref_slice %arg6[%dma_start3A_319, %dma_start3A_320, %dma_start3A_321] : memref<4x2x80xi32, #tpu.memory_space<vmem>> -> memref<1x2x80xi32, #tpu.memory_space<vmem>>
          %dma_start3A_323 = tpu.memref_squeeze %dma_start3A_322 : memref<1x2x80xi32, #tpu.memory_space<vmem>> -> memref<2x80xi32, #tpu.memory_space<vmem>>
          %dma_start3A_324 = arith.constant 0 : i32
          %dma_start3A_325 = arith.constant 0 : i32
          %dma_start3A_326 = tpu.memref_slice %arg3[%add3A, %add3A_318, %dma_start3A_324, %dma_start3A_325] : memref<32x125x2x80xi32, #tpu.memory_space<hbm>> -> memref<1x1x2x80xi32, #tpu.memory_space<hbm>>
          %dma_start3A_327 = tpu.memref_squeeze %dma_start3A_326 : memref<1x1x2x80xi32, #tpu.memory_space<hbm>> -> memref<2x80xi32, #tpu.memory_space<hbm>>
          %dma_start3A_328 = arith.constant 0 : i32
          %dma_start3A_329 = arith.constant 0 : i32
          %dma_start3A_330 = tpu.memref_slice %arg6[%dma_start3A_319, %dma_start3A_328, %dma_start3A_329] : memref<4x2x80xi32, #tpu.memory_space<vmem>> -> memref<1x2x80xi32, #tpu.memory_space<vmem>>
          %dma_start3A_331 = tpu.memref_squeeze %dma_start3A_330 : memref<1x2x80xi32, #tpu.memory_space<vmem>> -> memref<2x80xi32, #tpu.memory_space<vmem>>
          %dma_start3A_332 = arith.constant 0 : i32
          %dma_start3A_333 = arith.constant 0 : i32
          %dma_start3A_334 = tpu.memref_slice %arg3[%add3A, %add3A_318, %dma_start3A_332, %dma_start3A_333] : memref<32x125x2x80xi32, #tpu.memory_space<hbm>> -> memref<1x1x2x80xi32, #tpu.memory_space<hbm>>
          %dma_start3A_335 = tpu.memref_squeeze %dma_start3A_334 : memref<1x1x2x80xi32, #tpu.memory_space<hbm>> -> memref<2x80xi32, #tpu.memory_space<hbm>>
          tpu.enqueue_dma source(%dma_start3A_335 : memref<2x80xi32, #tpu.memory_space<hbm>>) target(%dma_start3A_331 : memref<2x80xi32, #tpu.memory_space<vmem>>) target_semaphore(%arg12 : memref<!tpu.dma_semaphore, #tpu.memory_space<semaphore_mem>>)
        } else {
        }
        %add3A_280 = arith.constant 2 : i32
        %add3A_281 = arith.addi %scan3A_193, %add3A_280 : i32
        %lt3A_282 = arith.constant 125 : i32
        %lt3A_283 = arith.cmpi slt, %add3A_281, %lt3A_282 : i32
        %convert_element_type3A_284 = arith.extui %lt3A_283 : i1 to i32
        %cond3A_285 = arith.constant 0 : i32
        %cond3A_286 = arith.cmpi ne, %convert_element_type3A_284, %cond3A_285 : i32
        scf.if %cond3A_286 {
          %dma_wait3A_313 = arith.constant 0 : i32
          %dma_wait3A_314 = arith.constant 2 : i32
          %dma_wait3A_315 = arith.constant 0 : i32
          %dma_wait3A_316 = arith.constant 0 : i32
          %dma_wait3A_317 = tpu.memref_slice %arg6[%dma_wait3A_314, %dma_wait3A_315, %dma_wait3A_316] : memref<4x2x80xi32, #tpu.memory_space<vmem>> -> memref<1x2x80xi32, #tpu.memory_space<vmem>>
          %dma_wait3A_318 = tpu.memref_squeeze %dma_wait3A_317 : memref<1x2x80xi32, #tpu.memory_space<vmem>> -> memref<2x80xi32, #tpu.memory_space<vmem>>
          %dma_wait3A_319 = arith.constant 0 : i32
          %dma_wait3A_320 = arith.constant 0 : i32
          %dma_wait3A_321 = tpu.memref_slice %arg3[%add3A, %dma_wait3A_313, %dma_wait3A_319, %dma_wait3A_320] : memref<32x125x2x80xi32, #tpu.memory_space<hbm>> -> memref<1x1x2x80xi32, #tpu.memory_space<hbm>>
          %dma_wait3A_322 = tpu.memref_squeeze %dma_wait3A_321 : memref<1x1x2x80xi32, #tpu.memory_space<hbm>> -> memref<2x80xi32, #tpu.memory_space<hbm>>
          %dma_wait3A_323 = arith.constant 0 : i32
          %dma_wait3A_324 = arith.constant 0 : i32
          %dma_wait3A_325 = tpu.memref_slice %arg6[%dma_wait3A_314, %dma_wait3A_323, %dma_wait3A_324] : memref<4x2x80xi32, #tpu.memory_space<vmem>> -> memref<1x2x80xi32, #tpu.memory_space<vmem>>
          %dma_wait3A_326 = tpu.memref_squeeze %dma_wait3A_325 : memref<1x2x80xi32, #tpu.memory_space<vmem>> -> memref<2x80xi32, #tpu.memory_space<vmem>>
          %dma_wait3A_327 = arith.constant 0 : i32
          %dma_wait3A_328 = arith.constant 0 : i32
          %dma_wait3A_329 = tpu.memref_slice %arg3[%add3A, %dma_wait3A_313, %dma_wait3A_327, %dma_wait3A_328] : memref<32x125x2x80xi32, #tpu.memory_space<hbm>> -> memref<1x1x2x80xi32, #tpu.memory_space<hbm>>
          %dma_wait3A_330 = tpu.memref_squeeze %dma_wait3A_329 : memref<1x1x2x80xi32, #tpu.memory_space<hbm>> -> memref<2x80xi32, #tpu.memory_space<hbm>>
          tpu.wait_dma2 semaphore(%arg11 : memref<!tpu.dma_semaphore, #tpu.memory_space<semaphore_mem>>) src(%dma_wait3A_330 : memref<2x80xi32, #tpu.memory_space<hbm>>) dst(%dma_wait3A_326 : memref<2x80xi32, #tpu.memory_space<vmem>>)
          %add3A_331 = arith.constant 2 : i32
          %add3A_332 = arith.addi %scan3A_193, %add3A_331 : i32
          %dma_start3A_333 = arith.constant 2 : i32
          %dma_start3A_334 = arith.constant 0 : i32
          %dma_start3A_335 = arith.constant 2 : i32
          %dma_start3A_336 = arith.constant 0 : i32
          %dma_start3A_337 = arith.constant 0 : i32
          %dma_start3A_338 = tpu.memref_slice %arg7[%dma_start3A_335, %dma_start3A_336, %dma_start3A_337] : memref<4x80x128xf32, #tpu.memory_space<vmem>> -> memref<1x80x128xf32, #tpu.memory_space<vmem>>
          %dma_start3A_339 = tpu.memref_squeeze %dma_start3A_338 : memref<1x80x128xf32, #tpu.memory_space<vmem>> -> memref<80x128xf32, #tpu.memory_space<vmem>>
          %dma_start3A_340 = arith.constant 0 : i32
          %dma_start3A_341 = tpu.memref_slice %arg6[%dma_start3A_333, %dma_start3A_334, %dma_start3A_340] : memref<4x2x80xi32, #tpu.memory_space<vmem>> -> memref<1x1x80xi32, #tpu.memory_space<vmem>>
          %dma_start3A_342 = tpu.memref_squeeze %dma_start3A_341 : memref<1x1x80xi32, #tpu.memory_space<vmem>> -> memref<80xi32, #tpu.memory_space<vmem>>
          %dma_start3A_343 = arith.constant 0 : i32
          %dma_start3A_344 = arith.constant 0 : i32
          %dma_start3A_345 = tpu.memref_slice %arg2[%dma_start3A_343, %dma_start3A_344] : memref<10000x128xf32, #tpu.memory_space<hbm>> -> memref<10000x128xf32, #tpu.memory_space<hbm>>
          tpu.enqueue_indirect_dma source(%dma_start3A_345 : memref<10000x128xf32, #tpu.memory_space<hbm>>) target(%dma_start3A_339 : memref<80x128xf32, #tpu.memory_space<vmem>>) offsets(%dma_start3A_342 : memref<80xi32, #tpu.memory_space<vmem>>) semaphore(%arg15 : memref<!tpu.dma_semaphore, #tpu.memory_space<semaphore_mem>>)
        } else {
        }
        %dma_wait3A_287 = arith.constant 0 : i32
        %dma_wait3A_288 = arith.constant 0 : i32
        %dma_wait3A_289 = arith.constant 0 : i32
        %dma_wait3A_290 = arith.constant 0 : i32
        %dma_wait3A_291 = arith.constant 0 : i32
        %dma_wait3A_292 = tpu.memref_slice %arg7[%dma_wait3A_289, %dma_wait3A_290, %dma_wait3A_291] : memref<4x80x128xf32, #tpu.memory_space<vmem>> -> memref<1x80x128xf32, #tpu.memory_space<vmem>>
        %dma_wait3A_293 = tpu.memref_squeeze %dma_wait3A_292 : memref<1x80x128xf32, #tpu.memory_space<vmem>> -> memref<80x128xf32, #tpu.memory_space<vmem>>
        %dma_wait3A_294 = arith.constant 0 : i32
        %dma_wait3A_295 = tpu.memref_slice %arg6[%dma_wait3A_287, %dma_wait3A_288, %dma_wait3A_294] : memref<4x2x80xi32, #tpu.memory_space<vmem>> -> memref<1x1x80xi32, #tpu.memory_space<vmem>>
        %dma_wait3A_296 = tpu.memref_squeeze %dma_wait3A_295 : memref<1x1x80xi32, #tpu.memory_space<vmem>> -> memref<80xi32, #tpu.memory_space<vmem>>
        %dma_wait3A_297 = arith.constant 0 : i32
        %dma_wait3A_298 = arith.constant 0 : i32
        %dma_wait3A_299 = tpu.memref_slice %arg2[%dma_wait3A_297, %dma_wait3A_298] : memref<10000x128xf32, #tpu.memory_space<hbm>> -> memref<10000x128xf32, #tpu.memory_space<hbm>>
        tpu.wait_indirect_dma semaphore(%arg13 : memref<!tpu.dma_semaphore, #tpu.memory_space<semaphore_mem>>) src(%dma_wait3A_299 : memref<10000x128xf32, #tpu.memory_space<hbm>>) dst(%dma_wait3A_293 : memref<80x128xf32, #tpu.memory_space<vmem>>)
        %dma_start3A_300 = arith.constant 0 : i32
        %dma_start3A_301 = arith.constant 0 : i32
        %dma_start3A_302 = arith.constant 1 : i32
        %dma_start3A_303 = arith.constant 0 : i32
        %dma_start3A_304 = arith.constant 0 : i32
        %dma_start3A_305 = tpu.memref_slice %arg7[%dma_start3A_300, %dma_start3A_303, %dma_start3A_304] : memref<4x80x128xf32, #tpu.memory_space<vmem>> -> memref<1x80x128xf32, #tpu.memory_space<vmem>>
        %dma_start3A_306 = tpu.memref_squeeze %dma_start3A_305 : memref<1x80x128xf32, #tpu.memory_space<vmem>> -> memref<80x128xf32, #tpu.memory_space<vmem>>
        %dma_start3A_307 = arith.constant 0 : i32
        %dma_start3A_308 = tpu.memref_slice %arg6[%dma_start3A_301, %dma_start3A_302, %dma_start3A_307] : memref<4x2x80xi32, #tpu.memory_space<vmem>> -> memref<1x1x80xi32, #tpu.memory_space<vmem>>
        %dma_start3A_309 = tpu.memref_squeeze %dma_start3A_308 : memref<1x1x80xi32, #tpu.memory_space<vmem>> -> memref<80xi32, #tpu.memory_space<vmem>>
        %dma_start3A_310 = arith.constant 0 : i32
        %dma_start3A_311 = arith.constant 0 : i32
        %dma_start3A_312 = tpu.memref_slice %arg8[%dma_start3A_310, %dma_start3A_311] : memref<10000x128xf32, #tpu.memory_space<vmem_shared>> -> memref<10000x128xf32, #tpu.memory_space<vmem_shared>>
        tpu.enqueue_indirect_dma source(%dma_start3A_306 : memref<80x128xf32, #tpu.memory_space<vmem>>) target(%dma_start3A_312 : memref<10000x128xf32, #tpu.memory_space<vmem_shared>>) offsets(%dma_start3A_309 : memref<80xi32, #tpu.memory_space<vmem>>) semaphore(%arg17 : memref<!tpu.dma_semaphore, #tpu.memory_space<semaphore_mem>>) {add = true}
      } else {
      }
      %jit3A_210 = arith.constant 4 : i32
      %eq3A_211 = arith.constant 0 : i32
      %eq3A_212 = arith.cmpi eq, %jit3A_210, %eq3A_211 : i32
      %jit3A_213 = arith.constant 1 : i32
      %select_n3A_214 = arith.select %eq3A_212, %jit3A_213, %jit3A_210 : i32
      %rem3A_215 = arith.remsi %scan3A_193, %select_n3A_214 : i32
      %ne3A_216 = arith.constant 0 : i32
      %ne3A_217 = arith.cmpi ne, %rem3A_215, %ne3A_216 : i32
      %lt3A_218 = arith.constant 0 : i32
      %lt3A_219 = arith.cmpi slt, %rem3A_215, %lt3A_218 : i32
      %lt3A_220 = arith.constant 0 : i32
      %lt3A_221 = arith.cmpi slt, %select_n3A_214, %lt3A_220 : i32
      %ne3A_222 = arith.xori %lt3A_219, %lt3A_221 : i1
      %and3A_223 = arith.andi %ne3A_222, %ne3A_217 : i1
      %add3A_224 = arith.addi %rem3A_215, %select_n3A_214 : i32
      %select_n3A_225 = arith.select %and3A_223, %add3A_224, %rem3A_215 : i32
      %eq3A_226 = arith.constant 1 : i32
      %eq3A_227 = arith.cmpi eq, %select_n3A_225, %eq3A_226 : i32
      %convert_element_type3A_228 = arith.extui %eq3A_227 : i1 to i32
      %cond3A_229 = arith.constant 0 : i32
      %cond3A_230 = arith.cmpi ne, %convert_element_type3A_228, %cond3A_229 : i32
      scf.if %cond3A_230 {
        %add3A_273 = arith.constant 3 : i32
        %add3A_274 = arith.addi %scan3A_193, %add3A_273 : i32
        %lt3A_275 = arith.constant 125 : i32
        %lt3A_276 = arith.cmpi slt, %add3A_274, %lt3A_275 : i32
        %convert_element_type3A_277 = arith.extui %lt3A_276 : i1 to i32
        %cond3A_278 = arith.constant 0 : i32
        %cond3A_279 = arith.cmpi ne, %convert_element_type3A_277, %cond3A_278 : i32
        scf.if %cond3A_279 {
          %ge3A = arith.constant 1 : i32
          %ge3A_313 = arith.cmpi sge, %scan3A_193, %ge3A : i32
          %convert_element_type3A_314 = arith.extui %ge3A_313 : i1 to i32
          %cond3A_315 = arith.constant 0 : i32
          %cond3A_316 = arith.cmpi ne, %convert_element_type3A_314, %cond3A_315 : i32
          scf.if %cond3A_316 {
            %dma_wait3A_336 = arith.constant 0 : i32
            %dma_wait3A_337 = arith.constant 0 : i32
            %dma_wait3A_338 = arith.constant 1 : i32
            %dma_wait3A_339 = arith.constant 0 : i32
            %dma_wait3A_340 = arith.constant 0 : i32
            %dma_wait3A_341 = tpu.memref_slice %arg7[%dma_wait3A_336, %dma_wait3A_339, %dma_wait3A_340] : memref<4x80x128xf32, #tpu.memory_space<vmem>> -> memref<1x80x128xf32, #tpu.memory_space<vmem>>
            %dma_wait3A_342 = tpu.memref_squeeze %dma_wait3A_341 : memref<1x80x128xf32, #tpu.memory_space<vmem>> -> memref<80x128xf32, #tpu.memory_space<vmem>>
            %dma_wait3A_343 = arith.constant 0 : i32
            %dma_wait3A_344 = tpu.memref_slice %arg6[%dma_wait3A_337, %dma_wait3A_338, %dma_wait3A_343] : memref<4x2x80xi32, #tpu.memory_space<vmem>> -> memref<1x1x80xi32, #tpu.memory_space<vmem>>
            %dma_wait3A_345 = tpu.memref_squeeze %dma_wait3A_344 : memref<1x1x80xi32, #tpu.memory_space<vmem>> -> memref<80xi32, #tpu.memory_space<vmem>>
            %dma_wait3A_346 = arith.constant 0 : i32
            %dma_wait3A_347 = arith.constant 0 : i32
            %dma_wait3A_348 = tpu.memref_slice %arg8[%dma_wait3A_346, %dma_wait3A_347] : memref<10000x128xf32, #tpu.memory_space<vmem_shared>> -> memref<10000x128xf32, #tpu.memory_space<vmem_shared>>
            tpu.wait_indirect_dma semaphore(%arg17 : memref<!tpu.dma_semaphore, #tpu.memory_space<semaphore_mem>>) src(%dma_wait3A_342 : memref<80x128xf32, #tpu.memory_space<vmem>>) dst(%dma_wait3A_348 : memref<10000x128xf32, #tpu.memory_space<vmem_shared>>)
          } else {
          }
          %add3A_317 = arith.constant 3 : i32
          %add3A_318 = arith.addi %scan3A_193, %add3A_317 : i32
          %dma_start3A_319 = arith.constant 0 : i32
          %dma_start3A_320 = arith.constant 0 : i32
          %dma_start3A_321 = arith.constant 0 : i32
          %dma_start3A_322 = tpu.memref_slice %arg6[%dma_start3A_319, %dma_start3A_320, %dma_start3A_321] : memref<4x2x80xi32, #tpu.memory_space<vmem>> -> memref<1x2x80xi32, #tpu.memory_space<vmem>>
          %dma_start3A_323 = tpu.memref_squeeze %dma_start3A_322 : memref<1x2x80xi32, #tpu.memory_space<vmem>> -> memref<2x80xi32, #tpu.memory_space<vmem>>
          %dma_start3A_324 = arith.constant 0 : i32
          %dma_start3A_325 = arith.constant 0 : i32
          %dma_start3A_326 = tpu.memref_slice %arg3[%add3A, %add3A_318, %dma_start3A_324, %dma_start3A_325] : memref<32x125x2x80xi32, #tpu.memory_space<hbm>> -> memref<1x1x2x80xi32, #tpu.memory_space<hbm>>
          %dma_start3A_327 = tpu.memref_squeeze %dma_start3A_326 : memref<1x1x2x80xi32, #tpu.memory_space<hbm>> -> memref<2x80xi32, #tpu.memory_space<hbm>>
          %dma_start3A_328 = arith.constant 0 : i32
          %dma_start3A_329 = arith.constant 0 : i32
          %dma_start3A_330 = tpu.memref_slice %arg6[%dma_start3A_319, %dma_start3A_328, %dma_start3A_329] : memref<4x2x80xi32, #tpu.memory_space<vmem>> -> memref<1x2x80xi32, #tpu.memory_space<vmem>>
          %dma_start3A_331 = tpu.memref_squeeze %dma_start3A_330 : memref<1x2x80xi32, #tpu.memory_space<vmem>> -> memref<2x80xi32, #tpu.memory_space<vmem>>
          %dma_start3A_332 = arith.constant 0 : i32
          %dma_start3A_333 = arith.constant 0 : i32
          %dma_start3A_334 = tpu.memref_slice %arg3[%add3A, %add3A_318, %dma_start3A_332, %dma_start3A_333] : memref<32x125x2x80xi32, #tpu.memory_space<hbm>> -> memref<1x1x2x80xi32, #tpu.memory_space<hbm>>
          %dma_start3A_335 = tpu.memref_squeeze %dma_start3A_334 : memref<1x1x2x80xi32, #tpu.memory_space<hbm>> -> memref<2x80xi32, #tpu.memory_space<hbm>>
          tpu.enqueue_dma source(%dma_start3A_335 : memref<2x80xi32, #tpu.memory_space<hbm>>) target(%dma_start3A_331 : memref<2x80xi32, #tpu.memory_space<vmem>>) target_semaphore(%arg9 : memref<!tpu.dma_semaphore, #tpu.memory_space<semaphore_mem>>)
        } else {
        }
        %add3A_280 = arith.constant 2 : i32
        %add3A_281 = arith.addi %scan3A_193, %add3A_280 : i32
        %lt3A_282 = arith.constant 125 : i32
        %lt3A_283 = arith.cmpi slt, %add3A_281, %lt3A_282 : i32
        %convert_element_type3A_284 = arith.extui %lt3A_283 : i1 to i32
        %cond3A_285 = arith.constant 0 : i32
        %cond3A_286 = arith.cmpi ne, %convert_element_type3A_284, %cond3A_285 : i32
        scf.if %cond3A_286 {
          %dma_wait3A_313 = arith.constant 0 : i32
          %dma_wait3A_314 = arith.constant 3 : i32
          %dma_wait3A_315 = arith.constant 0 : i32
          %dma_wait3A_316 = arith.constant 0 : i32
          %dma_wait3A_317 = tpu.memref_slice %arg6[%dma_wait3A_314, %dma_wait3A_315, %dma_wait3A_316] : memref<4x2x80xi32, #tpu.memory_space<vmem>> -> memref<1x2x80xi32, #tpu.memory_space<vmem>>
          %dma_wait3A_318 = tpu.memref_squeeze %dma_wait3A_317 : memref<1x2x80xi32, #tpu.memory_space<vmem>> -> memref<2x80xi32, #tpu.memory_space<vmem>>
          %dma_wait3A_319 = arith.constant 0 : i32
          %dma_wait3A_320 = arith.constant 0 : i32
          %dma_wait3A_321 = tpu.memref_slice %arg3[%add3A, %dma_wait3A_313, %dma_wait3A_319, %dma_wait3A_320] : memref<32x125x2x80xi32, #tpu.memory_space<hbm>> -> memref<1x1x2x80xi32, #tpu.memory_space<hbm>>
          %dma_wait3A_322 = tpu.memref_squeeze %dma_wait3A_321 : memref<1x1x2x80xi32, #tpu.memory_space<hbm>> -> memref<2x80xi32, #tpu.memory_space<hbm>>
          %dma_wait3A_323 = arith.constant 0 : i32
          %dma_wait3A_324 = arith.constant 0 : i32
          %dma_wait3A_325 = tpu.memref_slice %arg6[%dma_wait3A_314, %dma_wait3A_323, %dma_wait3A_324] : memref<4x2x80xi32, #tpu.memory_space<vmem>> -> memref<1x2x80xi32, #tpu.memory_space<vmem>>
          %dma_wait3A_326 = tpu.memref_squeeze %dma_wait3A_325 : memref<1x2x80xi32, #tpu.memory_space<vmem>> -> memref<2x80xi32, #tpu.memory_space<vmem>>
          %dma_wait3A_327 = arith.constant 0 : i32
          %dma_wait3A_328 = arith.constant 0 : i32
          %dma_wait3A_329 = tpu.memref_slice %arg3[%add3A, %dma_wait3A_313, %dma_wait3A_327, %dma_wait3A_328] : memref<32x125x2x80xi32, #tpu.memory_space<hbm>> -> memref<1x1x2x80xi32, #tpu.memory_space<hbm>>
          %dma_wait3A_330 = tpu.memref_squeeze %dma_wait3A_329 : memref<1x1x2x80xi32, #tpu.memory_space<hbm>> -> memref<2x80xi32, #tpu.memory_space<hbm>>
          tpu.wait_dma2 semaphore(%arg12 : memref<!tpu.dma_semaphore, #tpu.memory_space<semaphore_mem>>) src(%dma_wait3A_330 : memref<2x80xi32, #tpu.memory_space<hbm>>) dst(%dma_wait3A_326 : memref<2x80xi32, #tpu.memory_space<vmem>>)
          %add3A_331 = arith.constant 2 : i32
          %add3A_332 = arith.addi %scan3A_193, %add3A_331 : i32
          %dma_start3A_333 = arith.constant 3 : i32
          %dma_start3A_334 = arith.constant 0 : i32
          %dma_start3A_335 = arith.constant 3 : i32
          %dma_start3A_336 = arith.constant 0 : i32
          %dma_start3A_337 = arith.constant 0 : i32
          %dma_start3A_338 = tpu.memref_slice %arg7[%dma_start3A_335, %dma_start3A_336, %dma_start3A_337] : memref<4x80x128xf32, #tpu.memory_space<vmem>> -> memref<1x80x128xf32, #tpu.memory_space<vmem>>
          %dma_start3A_339 = tpu.memref_squeeze %dma_start3A_338 : memref<1x80x128xf32, #tpu.memory_space<vmem>> -> memref<80x128xf32, #tpu.memory_space<vmem>>
          %dma_start3A_340 = arith.constant 0 : i32
          %dma_start3A_341 = tpu.memref_slice %arg6[%dma_start3A_333, %dma_start3A_334, %dma_start3A_340] : memref<4x2x80xi32, #tpu.memory_space<vmem>> -> memref<1x1x80xi32, #tpu.memory_space<vmem>>
          %dma_start3A_342 = tpu.memref_squeeze %dma_start3A_341 : memref<1x1x80xi32, #tpu.memory_space<vmem>> -> memref<80xi32, #tpu.memory_space<vmem>>
          %dma_start3A_343 = arith.constant 0 : i32
          %dma_start3A_344 = arith.constant 0 : i32
          %dma_start3A_345 = tpu.memref_slice %arg2[%dma_start3A_343, %dma_start3A_344] : memref<10000x128xf32, #tpu.memory_space<hbm>> -> memref<10000x128xf32, #tpu.memory_space<hbm>>
          tpu.enqueue_indirect_dma source(%dma_start3A_345 : memref<10000x128xf32, #tpu.memory_space<hbm>>) target(%dma_start3A_339 : memref<80x128xf32, #tpu.memory_space<vmem>>) offsets(%dma_start3A_342 : memref<80xi32, #tpu.memory_space<vmem>>) semaphore(%arg16 : memref<!tpu.dma_semaphore, #tpu.memory_space<semaphore_mem>>)
        } else {
        }
        %dma_wait3A_287 = arith.constant 1 : i32
        %dma_wait3A_288 = arith.constant 0 : i32
        %dma_wait3A_289 = arith.constant 1 : i32
        %dma_wait3A_290 = arith.constant 0 : i32
        %dma_wait3A_291 = arith.constant 0 : i32
        %dma_wait3A_292 = tpu.memref_slice %arg7[%dma_wait3A_289, %dma_wait3A_290, %dma_wait3A_291] : memref<4x80x128xf32, #tpu.memory_space<vmem>> -> memref<1x80x128xf32, #tpu.memory_space<vmem>>
        %dma_wait3A_293 = tpu.memref_squeeze %dma_wait3A_292 : memref<1x80x128xf32, #tpu.memory_space<vmem>> -> memref<80x128xf32, #tpu.memory_space<vmem>>
        %dma_wait3A_294 = arith.constant 0 : i32
        %dma_wait3A_295 = tpu.memref_slice %arg6[%dma_wait3A_287, %dma_wait3A_288, %dma_wait3A_294] : memref<4x2x80xi32, #tpu.memory_space<vmem>> -> memref<1x1x80xi32, #tpu.memory_space<vmem>>
        %dma_wait3A_296 = tpu.memref_squeeze %dma_wait3A_295 : memref<1x1x80xi32, #tpu.memory_space<vmem>> -> memref<80xi32, #tpu.memory_space<vmem>>
        %dma_wait3A_297 = arith.constant 0 : i32
        %dma_wait3A_298 = arith.constant 0 : i32
        %dma_wait3A_299 = tpu.memref_slice %arg2[%dma_wait3A_297, %dma_wait3A_298] : memref<10000x128xf32, #tpu.memory_space<hbm>> -> memref<10000x128xf32, #tpu.memory_space<hbm>>
        tpu.wait_indirect_dma semaphore(%arg14 : memref<!tpu.dma_semaphore, #tpu.memory_space<semaphore_mem>>) src(%dma_wait3A_299 : memref<10000x128xf32, #tpu.memory_space<hbm>>) dst(%dma_wait3A_293 : memref<80x128xf32, #tpu.memory_space<vmem>>)
        %dma_start3A_300 = arith.constant 1 : i32
        %dma_start3A_301 = arith.constant 1 : i32
        %dma_start3A_302 = arith.constant 1 : i32
        %dma_start3A_303 = arith.constant 0 : i32
        %dma_start3A_304 = arith.constant 0 : i32
        %dma_start3A_305 = tpu.memref_slice %arg7[%dma_start3A_300, %dma_start3A_303, %dma_start3A_304] : memref<4x80x128xf32, #tpu.memory_space<vmem>> -> memref<1x80x128xf32, #tpu.memory_space<vmem>>
        %dma_start3A_306 = tpu.memref_squeeze %dma_start3A_305 : memref<1x80x128xf32, #tpu.memory_space<vmem>> -> memref<80x128xf32, #tpu.memory_space<vmem>>
        %dma_start3A_307 = arith.constant 0 : i32
        %dma_start3A_308 = tpu.memref_slice %arg6[%dma_start3A_301, %dma_start3A_302, %dma_start3A_307] : memref<4x2x80xi32, #tpu.memory_space<vmem>> -> memref<1x1x80xi32, #tpu.memory_space<vmem>>
        %dma_start3A_309 = tpu.memref_squeeze %dma_start3A_308 : memref<1x1x80xi32, #tpu.memory_space<vmem>> -> memref<80xi32, #tpu.memory_space<vmem>>
        %dma_start3A_310 = arith.constant 0 : i32
        %dma_start3A_311 = arith.constant 0 : i32
        %dma_start3A_312 = tpu.memref_slice %arg8[%dma_start3A_310, %dma_start3A_311] : memref<10000x128xf32, #tpu.memory_space<vmem_shared>> -> memref<10000x128xf32, #tpu.memory_space<vmem_shared>>
        tpu.enqueue_indirect_dma source(%dma_start3A_306 : memref<80x128xf32, #tpu.memory_space<vmem>>) target(%dma_start3A_312 : memref<10000x128xf32, #tpu.memory_space<vmem_shared>>) offsets(%dma_start3A_309 : memref<80xi32, #tpu.memory_space<vmem>>) semaphore(%arg18 : memref<!tpu.dma_semaphore, #tpu.memory_space<semaphore_mem>>) {add = true}
      } else {
      }
      %jit3A_231 = arith.constant 4 : i32
      %eq3A_232 = arith.constant 0 : i32
      %eq3A_233 = arith.cmpi eq, %jit3A_231, %eq3A_232 : i32
      %jit3A_234 = arith.constant 1 : i32
      %select_n3A_235 = arith.select %eq3A_233, %jit3A_234, %jit3A_231 : i32
      %rem3A_236 = arith.remsi %scan3A_193, %select_n3A_235 : i32
      %ne3A_237 = arith.constant 0 : i32
      %ne3A_238 = arith.cmpi ne, %rem3A_236, %ne3A_237 : i32
      %lt3A_239 = arith.constant 0 : i32
      %lt3A_240 = arith.cmpi slt, %rem3A_236, %lt3A_239 : i32
      %lt3A_241 = arith.constant 0 : i32
      %lt3A_242 = arith.cmpi slt, %select_n3A_235, %lt3A_241 : i32
      %ne3A_243 = arith.xori %lt3A_240, %lt3A_242 : i1
      %and3A_244 = arith.andi %ne3A_243, %ne3A_238 : i1
      %add3A_245 = arith.addi %rem3A_236, %select_n3A_235 : i32
      %select_n3A_246 = arith.select %and3A_244, %add3A_245, %rem3A_236 : i32
      %eq3A_247 = arith.constant 2 : i32
      %eq3A_248 = arith.cmpi eq, %select_n3A_246, %eq3A_247 : i32
      %convert_element_type3A_249 = arith.extui %eq3A_248 : i1 to i32
      %cond3A_250 = arith.constant 0 : i32
      %cond3A_251 = arith.cmpi ne, %convert_element_type3A_249, %cond3A_250 : i32
      scf.if %cond3A_251 {
        %add3A_273 = arith.constant 3 : i32
        %add3A_274 = arith.addi %scan3A_193, %add3A_273 : i32
        %lt3A_275 = arith.constant 125 : i32
        %lt3A_276 = arith.cmpi slt, %add3A_274, %lt3A_275 : i32
        %convert_element_type3A_277 = arith.extui %lt3A_276 : i1 to i32
        %cond3A_278 = arith.constant 0 : i32
        %cond3A_279 = arith.cmpi ne, %convert_element_type3A_277, %cond3A_278 : i32
        scf.if %cond3A_279 {
          %ge3A = arith.constant 1 : i32
          %ge3A_313 = arith.cmpi sge, %scan3A_193, %ge3A : i32
          %convert_element_type3A_314 = arith.extui %ge3A_313 : i1 to i32
          %cond3A_315 = arith.constant 0 : i32
          %cond3A_316 = arith.cmpi ne, %convert_element_type3A_314, %cond3A_315 : i32
          scf.if %cond3A_316 {
            %dma_wait3A_336 = arith.constant 1 : i32
            %dma_wait3A_337 = arith.constant 1 : i32
            %dma_wait3A_338 = arith.constant 1 : i32
            %dma_wait3A_339 = arith.constant 0 : i32
            %dma_wait3A_340 = arith.constant 0 : i32
            %dma_wait3A_341 = tpu.memref_slice %arg7[%dma_wait3A_336, %dma_wait3A_339, %dma_wait3A_340] : memref<4x80x128xf32, #tpu.memory_space<vmem>> -> memref<1x80x128xf32, #tpu.memory_space<vmem>>
            %dma_wait3A_342 = tpu.memref_squeeze %dma_wait3A_341 : memref<1x80x128xf32, #tpu.memory_space<vmem>> -> memref<80x128xf32, #tpu.memory_space<vmem>>
            %dma_wait3A_343 = arith.constant 0 : i32
            %dma_wait3A_344 = tpu.memref_slice %arg6[%dma_wait3A_337, %dma_wait3A_338, %dma_wait3A_343] : memref<4x2x80xi32, #tpu.memory_space<vmem>> -> memref<1x1x80xi32, #tpu.memory_space<vmem>>
            %dma_wait3A_345 = tpu.memref_squeeze %dma_wait3A_344 : memref<1x1x80xi32, #tpu.memory_space<vmem>> -> memref<80xi32, #tpu.memory_space<vmem>>
            %dma_wait3A_346 = arith.constant 0 : i32
            %dma_wait3A_347 = arith.constant 0 : i32
            %dma_wait3A_348 = tpu.memref_slice %arg8[%dma_wait3A_346, %dma_wait3A_347] : memref<10000x128xf32, #tpu.memory_space<vmem_shared>> -> memref<10000x128xf32, #tpu.memory_space<vmem_shared>>
            tpu.wait_indirect_dma semaphore(%arg18 : memref<!tpu.dma_semaphore, #tpu.memory_space<semaphore_mem>>) src(%dma_wait3A_342 : memref<80x128xf32, #tpu.memory_space<vmem>>) dst(%dma_wait3A_348 : memref<10000x128xf32, #tpu.memory_space<vmem_shared>>)
          } else {
          }
          %add3A_317 = arith.constant 3 : i32
          %add3A_318 = arith.addi %scan3A_193, %add3A_317 : i32
          %dma_start3A_319 = arith.constant 1 : i32
          %dma_start3A_320 = arith.constant 0 : i32
          %dma_start3A_321 = arith.constant 0 : i32
          %dma_start3A_322 = tpu.memref_slice %arg6[%dma_start3A_319, %dma_start3A_320, %dma_start3A_321] : memref<4x2x80xi32, #tpu.memory_space<vmem>> -> memref<1x2x80xi32, #tpu.memory_space<vmem>>
          %dma_start3A_323 = tpu.memref_squeeze %dma_start3A_322 : memref<1x2x80xi32, #tpu.memory_space<vmem>> -> memref<2x80xi32, #tpu.memory_space<vmem>>
          %dma_start3A_324 = arith.constant 0 : i32
          %dma_start3A_325 = arith.constant 0 : i32
          %dma_start3A_326 = tpu.memref_slice %arg3[%add3A, %add3A_318, %dma_start3A_324, %dma_start3A_325] : memref<32x125x2x80xi32, #tpu.memory_space<hbm>> -> memref<1x1x2x80xi32, #tpu.memory_space<hbm>>
          %dma_start3A_327 = tpu.memref_squeeze %dma_start3A_326 : memref<1x1x2x80xi32, #tpu.memory_space<hbm>> -> memref<2x80xi32, #tpu.memory_space<hbm>>
          %dma_start3A_328 = arith.constant 0 : i32
          %dma_start3A_329 = arith.constant 0 : i32
          %dma_start3A_330 = tpu.memref_slice %arg6[%dma_start3A_319, %dma_start3A_328, %dma_start3A_329] : memref<4x2x80xi32, #tpu.memory_space<vmem>> -> memref<1x2x80xi32, #tpu.memory_space<vmem>>
          %dma_start3A_331 = tpu.memref_squeeze %dma_start3A_330 : memref<1x2x80xi32, #tpu.memory_space<vmem>> -> memref<2x80xi32, #tpu.memory_space<vmem>>
          %dma_start3A_332 = arith.constant 0 : i32
          %dma_start3A_333 = arith.constant 0 : i32
          %dma_start3A_334 = tpu.memref_slice %arg3[%add3A, %add3A_318, %dma_start3A_332, %dma_start3A_333] : memref<32x125x2x80xi32, #tpu.memory_space<hbm>> -> memref<1x1x2x80xi32, #tpu.memory_space<hbm>>
          %dma_start3A_335 = tpu.memref_squeeze %dma_start3A_334 : memref<1x1x2x80xi32, #tpu.memory_space<hbm>> -> memref<2x80xi32, #tpu.memory_space<hbm>>
          tpu.enqueue_dma source(%dma_start3A_335 : memref<2x80xi32, #tpu.memory_space<hbm>>) target(%dma_start3A_331 : memref<2x80xi32, #tpu.memory_space<vmem>>) target_semaphore(%arg10 : memref<!tpu.dma_semaphore, #tpu.memory_space<semaphore_mem>>)
        } else {
        }
        %add3A_280 = arith.constant 2 : i32
        %add3A_281 = arith.addi %scan3A_193, %add3A_280 : i32
        %lt3A_282 = arith.constant 125 : i32
        %lt3A_283 = arith.cmpi slt, %add3A_281, %lt3A_282 : i32
        %convert_element_type3A_284 = arith.extui %lt3A_283 : i1 to i32
        %cond3A_285 = arith.constant 0 : i32
        %cond3A_286 = arith.cmpi ne, %convert_element_type3A_284, %cond3A_285 : i32
        scf.if %cond3A_286 {
          %dma_wait3A_313 = arith.constant 0 : i32
          %dma_wait3A_314 = arith.constant 0 : i32
          %dma_wait3A_315 = arith.constant 0 : i32
          %dma_wait3A_316 = arith.constant 0 : i32
          %dma_wait3A_317 = tpu.memref_slice %arg6[%dma_wait3A_314, %dma_wait3A_315, %dma_wait3A_316] : memref<4x2x80xi32, #tpu.memory_space<vmem>> -> memref<1x2x80xi32, #tpu.memory_space<vmem>>
          %dma_wait3A_318 = tpu.memref_squeeze %dma_wait3A_317 : memref<1x2x80xi32, #tpu.memory_space<vmem>> -> memref<2x80xi32, #tpu.memory_space<vmem>>
          %dma_wait3A_319 = arith.constant 0 : i32
          %dma_wait3A_320 = arith.constant 0 : i32
          %dma_wait3A_321 = tpu.memref_slice %arg3[%add3A, %dma_wait3A_313, %dma_wait3A_319, %dma_wait3A_320] : memref<32x125x2x80xi32, #tpu.memory_space<hbm>> -> memref<1x1x2x80xi32, #tpu.memory_space<hbm>>
          %dma_wait3A_322 = tpu.memref_squeeze %dma_wait3A_321 : memref<1x1x2x80xi32, #tpu.memory_space<hbm>> -> memref<2x80xi32, #tpu.memory_space<hbm>>
          %dma_wait3A_323 = arith.constant 0 : i32
          %dma_wait3A_324 = arith.constant 0 : i32
          %dma_wait3A_325 = tpu.memref_slice %arg6[%dma_wait3A_314, %dma_wait3A_323, %dma_wait3A_324] : memref<4x2x80xi32, #tpu.memory_space<vmem>> -> memref<1x2x80xi32, #tpu.memory_space<vmem>>
          %dma_wait3A_326 = tpu.memref_squeeze %dma_wait3A_325 : memref<1x2x80xi32, #tpu.memory_space<vmem>> -> memref<2x80xi32, #tpu.memory_space<vmem>>
          %dma_wait3A_327 = arith.constant 0 : i32
          %dma_wait3A_328 = arith.constant 0 : i32
          %dma_wait3A_329 = tpu.memref_slice %arg3[%add3A, %dma_wait3A_313, %dma_wait3A_327, %dma_wait3A_328] : memref<32x125x2x80xi32, #tpu.memory_space<hbm>> -> memref<1x1x2x80xi32, #tpu.memory_space<hbm>>
          %dma_wait3A_330 = tpu.memref_squeeze %dma_wait3A_329 : memref<1x1x2x80xi32, #tpu.memory_space<hbm>> -> memref<2x80xi32, #tpu.memory_space<hbm>>
          tpu.wait_dma2 semaphore(%arg9 : memref<!tpu.dma_semaphore, #tpu.memory_space<semaphore_mem>>) src(%dma_wait3A_330 : memref<2x80xi32, #tpu.memory_space<hbm>>) dst(%dma_wait3A_326 : memref<2x80xi32, #tpu.memory_space<vmem>>)
          %add3A_331 = arith.constant 2 : i32
          %add3A_332 = arith.addi %scan3A_193, %add3A_331 : i32
          %dma_start3A_333 = arith.constant 0 : i32
          %dma_start3A_334 = arith.constant 0 : i32
          %dma_start3A_335 = arith.constant 0 : i32
          %dma_start3A_336 = arith.constant 0 : i32
          %dma_start3A_337 = arith.constant 0 : i32
          %dma_start3A_338 = tpu.memref_slice %arg7[%dma_start3A_335, %dma_start3A_336, %dma_start3A_337] : memref<4x80x128xf32, #tpu.memory_space<vmem>> -> memref<1x80x128xf32, #tpu.memory_space<vmem>>
          %dma_start3A_339 = tpu.memref_squeeze %dma_start3A_338 : memref<1x80x128xf32, #tpu.memory_space<vmem>> -> memref<80x128xf32, #tpu.memory_space<vmem>>
          %dma_start3A_340 = arith.constant 0 : i32
          %dma_start3A_341 = tpu.memref_slice %arg6[%dma_start3A_333, %dma_start3A_334, %dma_start3A_340] : memref<4x2x80xi32, #tpu.memory_space<vmem>> -> memref<1x1x80xi32, #tpu.memory_space<vmem>>
          %dma_start3A_342 = tpu.memref_squeeze %dma_start3A_341 : memref<1x1x80xi32, #tpu.memory_space<vmem>> -> memref<80xi32, #tpu.memory_space<vmem>>
          %dma_start3A_343 = arith.constant 0 : i32
          %dma_start3A_344 = arith.constant 0 : i32
          %dma_start3A_345 = tpu.memref_slice %arg2[%dma_start3A_343, %dma_start3A_344] : memref<10000x128xf32, #tpu.memory_space<hbm>> -> memref<10000x128xf32, #tpu.memory_space<hbm>>
          tpu.enqueue_indirect_dma source(%dma_start3A_345 : memref<10000x128xf32, #tpu.memory_space<hbm>>) target(%dma_start3A_339 : memref<80x128xf32, #tpu.memory_space<vmem>>) offsets(%dma_start3A_342 : memref<80xi32, #tpu.memory_space<vmem>>) semaphore(%arg13 : memref<!tpu.dma_semaphore, #tpu.memory_space<semaphore_mem>>)
        } else {
        }
        %dma_wait3A_287 = arith.constant 2 : i32
        %dma_wait3A_288 = arith.constant 0 : i32
        %dma_wait3A_289 = arith.constant 2 : i32
        %dma_wait3A_290 = arith.constant 0 : i32
        %dma_wait3A_291 = arith.constant 0 : i32
        %dma_wait3A_292 = tpu.memref_slice %arg7[%dma_wait3A_289, %dma_wait3A_290, %dma_wait3A_291] : memref<4x80x128xf32, #tpu.memory_space<vmem>> -> memref<1x80x128xf32, #tpu.memory_space<vmem>>
        %dma_wait3A_293 = tpu.memref_squeeze %dma_wait3A_292 : memref<1x80x128xf32, #tpu.memory_space<vmem>> -> memref<80x128xf32, #tpu.memory_space<vmem>>
        %dma_wait3A_294 = arith.constant 0 : i32
        %dma_wait3A_295 = tpu.memref_slice %arg6[%dma_wait3A_287, %dma_wait3A_288, %dma_wait3A_294] : memref<4x2x80xi32, #tpu.memory_space<vmem>> -> memref<1x1x80xi32, #tpu.memory_space<vmem>>
        %dma_wait3A_296 = tpu.memref_squeeze %dma_wait3A_295 : memref<1x1x80xi32, #tpu.memory_space<vmem>> -> memref<80xi32, #tpu.memory_space<vmem>>
        %dma_wait3A_297 = arith.constant 0 : i32
        %dma_wait3A_298 = arith.constant 0 : i32
        %dma_wait3A_299 = tpu.memref_slice %arg2[%dma_wait3A_297, %dma_wait3A_298] : memref<10000x128xf32, #tpu.memory_space<hbm>> -> memref<10000x128xf32, #tpu.memory_space<hbm>>
        tpu.wait_indirect_dma semaphore(%arg15 : memref<!tpu.dma_semaphore, #tpu.memory_space<semaphore_mem>>) src(%dma_wait3A_299 : memref<10000x128xf32, #tpu.memory_space<hbm>>) dst(%dma_wait3A_293 : memref<80x128xf32, #tpu.memory_space<vmem>>)
        %dma_start3A_300 = arith.constant 2 : i32
        %dma_start3A_301 = arith.constant 2 : i32
        %dma_start3A_302 = arith.constant 1 : i32
        %dma_start3A_303 = arith.constant 0 : i32
        %dma_start3A_304 = arith.constant 0 : i32
        %dma_start3A_305 = tpu.memref_slice %arg7[%dma_start3A_300, %dma_start3A_303, %dma_start3A_304] : memref<4x80x128xf32, #tpu.memory_space<vmem>> -> memref<1x80x128xf32, #tpu.memory_space<vmem>>
        %dma_start3A_306 = tpu.memref_squeeze %dma_start3A_305 : memref<1x80x128xf32, #tpu.memory_space<vmem>> -> memref<80x128xf32, #tpu.memory_space<vmem>>
        %dma_start3A_307 = arith.constant 0 : i32
        %dma_start3A_308 = tpu.memref_slice %arg6[%dma_start3A_301, %dma_start3A_302, %dma_start3A_307] : memref<4x2x80xi32, #tpu.memory_space<vmem>> -> memref<1x1x80xi32, #tpu.memory_space<vmem>>
        %dma_start3A_309 = tpu.memref_squeeze %dma_start3A_308 : memref<1x1x80xi32, #tpu.memory_space<vmem>> -> memref<80xi32, #tpu.memory_space<vmem>>
        %dma_start3A_310 = arith.constant 0 : i32
        %dma_start3A_311 = arith.constant 0 : i32
        %dma_start3A_312 = tpu.memref_slice %arg8[%dma_start3A_310, %dma_start3A_311] : memref<10000x128xf32, #tpu.memory_space<vmem_shared>> -> memref<10000x128xf32, #tpu.memory_space<vmem_shared>>
        tpu.enqueue_indirect_dma source(%dma_start3A_306 : memref<80x128xf32, #tpu.memory_space<vmem>>) target(%dma_start3A_312 : memref<10000x128xf32, #tpu.memory_space<vmem_shared>>) offsets(%dma_start3A_309 : memref<80xi32, #tpu.memory_space<vmem>>) semaphore(%arg19 : memref<!tpu.dma_semaphore, #tpu.memory_space<semaphore_mem>>) {add = true}
      } else {
      }
      %jit3A_252 = arith.constant 4 : i32
      %eq3A_253 = arith.constant 0 : i32
      %eq3A_254 = arith.cmpi eq, %jit3A_252, %eq3A_253 : i32
      %jit3A_255 = arith.constant 1 : i32
      %select_n3A_256 = arith.select %eq3A_254, %jit3A_255, %jit3A_252 : i32
      %rem3A_257 = arith.remsi %scan3A_193, %select_n3A_256 : i32
      %ne3A_258 = arith.constant 0 : i32
      %ne3A_259 = arith.cmpi ne, %rem3A_257, %ne3A_258 : i32
      %lt3A_260 = arith.constant 0 : i32
      %lt3A_261 = arith.cmpi slt, %rem3A_257, %lt3A_260 : i32
      %lt3A_262 = arith.constant 0 : i32
      %lt3A_263 = arith.cmpi slt, %select_n3A_256, %lt3A_262 : i32
      %ne3A_264 = arith.xori %lt3A_261, %lt3A_263 : i1
      %and3A_265 = arith.andi %ne3A_264, %ne3A_259 : i1
      %add3A_266 = arith.addi %rem3A_257, %select_n3A_256 : i32
      %select_n3A_267 = arith.select %and3A_265, %add3A_266, %rem3A_257 : i32
      %eq3A_268 = arith.constant 3 : i32
      %eq3A_269 = arith.cmpi eq, %select_n3A_267, %eq3A_268 : i32
      %convert_element_type3A_270 = arith.extui %eq3A_269 : i1 to i32
      %cond3A_271 = arith.constant 0 : i32
      %cond3A_272 = arith.cmpi ne, %convert_element_type3A_270, %cond3A_271 : i32
      scf.if %cond3A_272 {
        %add3A_273 = arith.constant 3 : i32
        %add3A_274 = arith.addi %scan3A_193, %add3A_273 : i32
        %lt3A_275 = arith.constant 125 : i32
        %lt3A_276 = arith.cmpi slt, %add3A_274, %lt3A_275 : i32
        %convert_element_type3A_277 = arith.extui %lt3A_276 : i1 to i32
        %cond3A_278 = arith.constant 0 : i32
        %cond3A_279 = arith.cmpi ne, %convert_element_type3A_277, %cond3A_278 : i32
        scf.if %cond3A_279 {
          %ge3A = arith.constant 1 : i32
          %ge3A_313 = arith.cmpi sge, %scan3A_193, %ge3A : i32
          %convert_element_type3A_314 = arith.extui %ge3A_313 : i1 to i32
          %cond3A_315 = arith.constant 0 : i32
          %cond3A_316 = arith.cmpi ne, %convert_element_type3A_314, %cond3A_315 : i32
          scf.if %cond3A_316 {
            %dma_wait3A_336 = arith.constant 2 : i32
            %dma_wait3A_337 = arith.constant 2 : i32
            %dma_wait3A_338 = arith.constant 1 : i32
            %dma_wait3A_339 = arith.constant 0 : i32
            %dma_wait3A_340 = arith.constant 0 : i32
            %dma_wait3A_341 = tpu.memref_slice %arg7[%dma_wait3A_336, %dma_wait3A_339, %dma_wait3A_340] : memref<4x80x128xf32, #tpu.memory_space<vmem>> -> memref<1x80x128xf32, #tpu.memory_space<vmem>>
            %dma_wait3A_342 = tpu.memref_squeeze %dma_wait3A_341 : memref<1x80x128xf32, #tpu.memory_space<vmem>> -> memref<80x128xf32, #tpu.memory_space<vmem>>
            %dma_wait3A_343 = arith.constant 0 : i32
            %dma_wait3A_344 = tpu.memref_slice %arg6[%dma_wait3A_337, %dma_wait3A_338, %dma_wait3A_343] : memref<4x2x80xi32, #tpu.memory_space<vmem>> -> memref<1x1x80xi32, #tpu.memory_space<vmem>>
            %dma_wait3A_345 = tpu.memref_squeeze %dma_wait3A_344 : memref<1x1x80xi32, #tpu.memory_space<vmem>> -> memref<80xi32, #tpu.memory_space<vmem>>
            %dma_wait3A_346 = arith.constant 0 : i32
            %dma_wait3A_347 = arith.constant 0 : i32
            %dma_wait3A_348 = tpu.memref_slice %arg8[%dma_wait3A_346, %dma_wait3A_347] : memref<10000x128xf32, #tpu.memory_space<vmem_shared>> -> memref<10000x128xf32, #tpu.memory_space<vmem_shared>>
            tpu.wait_indirect_dma semaphore(%arg19 : memref<!tpu.dma_semaphore, #tpu.memory_space<semaphore_mem>>) src(%dma_wait3A_342 : memref<80x128xf32, #tpu.memory_space<vmem>>) dst(%dma_wait3A_348 : memref<10000x128xf32, #tpu.memory_space<vmem_shared>>)
          } else {
          }
          %add3A_317 = arith.constant 3 : i32
          %add3A_318 = arith.addi %scan3A_193, %add3A_317 : i32
          %dma_start3A_319 = arith.constant 2 : i32
          %dma_start3A_320 = arith.constant 0 : i32
          %dma_start3A_321 = arith.constant 0 : i32
          %dma_start3A_322 = tpu.memref_slice %arg6[%dma_start3A_319, %dma_start3A_320, %dma_start3A_321] : memref<4x2x80xi32, #tpu.memory_space<vmem>> -> memref<1x2x80xi32, #tpu.memory_space<vmem>>
          %dma_start3A_323 = tpu.memref_squeeze %dma_start3A_322 : memref<1x2x80xi32, #tpu.memory_space<vmem>> -> memref<2x80xi32, #tpu.memory_space<vmem>>
          %dma_start3A_324 = arith.constant 0 : i32
          %dma_start3A_325 = arith.constant 0 : i32
          %dma_start3A_326 = tpu.memref_slice %arg3[%add3A, %add3A_318, %dma_start3A_324, %dma_start3A_325] : memref<32x125x2x80xi32, #tpu.memory_space<hbm>> -> memref<1x1x2x80xi32, #tpu.memory_space<hbm>>
          %dma_start3A_327 = tpu.memref_squeeze %dma_start3A_326 : memref<1x1x2x80xi32, #tpu.memory_space<hbm>> -> memref<2x80xi32, #tpu.memory_space<hbm>>
          %dma_start3A_328 = arith.constant 0 : i32
          %dma_start3A_329 = arith.constant 0 : i32
          %dma_start3A_330 = tpu.memref_slice %arg6[%dma_start3A_319, %dma_start3A_328, %dma_start3A_329] : memref<4x2x80xi32, #tpu.memory_space<vmem>> -> memref<1x2x80xi32, #tpu.memory_space<vmem>>
          %dma_start3A_331 = tpu.memref_squeeze %dma_start3A_330 : memref<1x2x80xi32, #tpu.memory_space<vmem>> -> memref<2x80xi32, #tpu.memory_space<vmem>>
          %dma_start3A_332 = arith.constant 0 : i32
          %dma_start3A_333 = arith.constant 0 : i32
          %dma_start3A_334 = tpu.memref_slice %arg3[%add3A, %add3A_318, %dma_start3A_332, %dma_start3A_333] : memref<32x125x2x80xi32, #tpu.memory_space<hbm>> -> memref<1x1x2x80xi32, #tpu.memory_space<hbm>>
          %dma_start3A_335 = tpu.memref_squeeze %dma_start3A_334 : memref<1x1x2x80xi32, #tpu.memory_space<hbm>> -> memref<2x80xi32, #tpu.memory_space<hbm>>
          tpu.enqueue_dma source(%dma_start3A_335 : memref<2x80xi32, #tpu.memory_space<hbm>>) target(%dma_start3A_331 : memref<2x80xi32, #tpu.memory_space<vmem>>) target_semaphore(%arg11 : memref<!tpu.dma_semaphore, #tpu.memory_space<semaphore_mem>>)
        } else {
        }
        %add3A_280 = arith.constant 2 : i32
        %add3A_281 = arith.addi %scan3A_193, %add3A_280 : i32
        %lt3A_282 = arith.constant 125 : i32
        %lt3A_283 = arith.cmpi slt, %add3A_281, %lt3A_282 : i32
        %convert_element_type3A_284 = arith.extui %lt3A_283 : i1 to i32
        %cond3A_285 = arith.constant 0 : i32
        %cond3A_286 = arith.cmpi ne, %convert_element_type3A_284, %cond3A_285 : i32
        scf.if %cond3A_286 {
          %dma_wait3A_313 = arith.constant 0 : i32
          %dma_wait3A_314 = arith.constant 1 : i32
          %dma_wait3A_315 = arith.constant 0 : i32
          %dma_wait3A_316 = arith.constant 0 : i32
          %dma_wait3A_317 = tpu.memref_slice %arg6[%dma_wait3A_314, %dma_wait3A_315, %dma_wait3A_316] : memref<4x2x80xi32, #tpu.memory_space<vmem>> -> memref<1x2x80xi32, #tpu.memory_space<vmem>>
          %dma_wait3A_318 = tpu.memref_squeeze %dma_wait3A_317 : memref<1x2x80xi32, #tpu.memory_space<vmem>> -> memref<2x80xi32, #tpu.memory_space<vmem>>
          %dma_wait3A_319 = arith.constant 0 : i32
          %dma_wait3A_320 = arith.constant 0 : i32
          %dma_wait3A_321 = tpu.memref_slice %arg3[%add3A, %dma_wait3A_313, %dma_wait3A_319, %dma_wait3A_320] : memref<32x125x2x80xi32, #tpu.memory_space<hbm>> -> memref<1x1x2x80xi32, #tpu.memory_space<hbm>>
          %dma_wait3A_322 = tpu.memref_squeeze %dma_wait3A_321 : memref<1x1x2x80xi32, #tpu.memory_space<hbm>> -> memref<2x80xi32, #tpu.memory_space<hbm>>
          %dma_wait3A_323 = arith.constant 0 : i32
          %dma_wait3A_324 = arith.constant 0 : i32
          %dma_wait3A_325 = tpu.memref_slice %arg6[%dma_wait3A_314, %dma_wait3A_323, %dma_wait3A_324] : memref<4x2x80xi32, #tpu.memory_space<vmem>> -> memref<1x2x80xi32, #tpu.memory_space<vmem>>
          %dma_wait3A_326 = tpu.memref_squeeze %dma_wait3A_325 : memref<1x2x80xi32, #tpu.memory_space<vmem>> -> memref<2x80xi32, #tpu.memory_space<vmem>>
          %dma_wait3A_327 = arith.constant 0 : i32
          %dma_wait3A_328 = arith.constant 0 : i32
          %dma_wait3A_329 = tpu.memref_slice %arg3[%add3A, %dma_wait3A_313, %dma_wait3A_327, %dma_wait3A_328] : memref<32x125x2x80xi32, #tpu.memory_space<hbm>> -> memref<1x1x2x80xi32, #tpu.memory_space<hbm>>
          %dma_wait3A_330 = tpu.memref_squeeze %dma_wait3A_329 : memref<1x1x2x80xi32, #tpu.memory_space<hbm>> -> memref<2x80xi32, #tpu.memory_space<hbm>>
          tpu.wait_dma2 semaphore(%arg10 : memref<!tpu.dma_semaphore, #tpu.memory_space<semaphore_mem>>) src(%dma_wait3A_330 : memref<2x80xi32, #tpu.memory_space<hbm>>) dst(%dma_wait3A_326 : memref<2x80xi32, #tpu.memory_space<vmem>>)
          %add3A_331 = arith.constant 2 : i32
          %add3A_332 = arith.addi %scan3A_193, %add3A_331 : i32
          %dma_start3A_333 = arith.constant 1 : i32
          %dma_start3A_334 = arith.constant 0 : i32
          %dma_start3A_335 = arith.constant 1 : i32
          %dma_start3A_336 = arith.constant 0 : i32
          %dma_start3A_337 = arith.constant 0 : i32
          %dma_start3A_338 = tpu.memref_slice %arg7[%dma_start3A_335, %dma_start3A_336, %dma_start3A_337] : memref<4x80x128xf32, #tpu.memory_space<vmem>> -> memref<1x80x128xf32, #tpu.memory_space<vmem>>
          %dma_start3A_339 = tpu.memref_squeeze %dma_start3A_338 : memref<1x80x128xf32, #tpu.memory_space<vmem>> -> memref<80x128xf32, #tpu.memory_space<vmem>>
          %dma_start3A_340 = arith.constant 0 : i32
          %dma_start3A_341 = tpu.memref_slice %arg6[%dma_start3A_333, %dma_start3A_334, %dma_start3A_340] : memref<4x2x80xi32, #tpu.memory_space<vmem>> -> memref<1x1x80xi32, #tpu.memory_space<vmem>>
          %dma_start3A_342 = tpu.memref_squeeze %dma_start3A_341 : memref<1x1x80xi32, #tpu.memory_space<vmem>> -> memref<80xi32, #tpu.memory_space<vmem>>
          %dma_start3A_343 = arith.constant 0 : i32
          %dma_start3A_344 = arith.constant 0 : i32
          %dma_start3A_345 = tpu.memref_slice %arg2[%dma_start3A_343, %dma_start3A_344] : memref<10000x128xf32, #tpu.memory_space<hbm>> -> memref<10000x128xf32, #tpu.memory_space<hbm>>
          tpu.enqueue_indirect_dma source(%dma_start3A_345 : memref<10000x128xf32, #tpu.memory_space<hbm>>) target(%dma_start3A_339 : memref<80x128xf32, #tpu.memory_space<vmem>>) offsets(%dma_start3A_342 : memref<80xi32, #tpu.memory_space<vmem>>) semaphore(%arg14 : memref<!tpu.dma_semaphore, #tpu.memory_space<semaphore_mem>>)
        } else {
        }
        %dma_wait3A_287 = arith.constant 3 : i32
        %dma_wait3A_288 = arith.constant 0 : i32
        %dma_wait3A_289 = arith.constant 3 : i32
        %dma_wait3A_290 = arith.constant 0 : i32
        %dma_wait3A_291 = arith.constant 0 : i32
        %dma_wait3A_292 = tpu.memref_slice %arg7[%dma_wait3A_289, %dma_wait3A_290, %dma_wait3A_291] : memref<4x80x128xf32, #tpu.memory_space<vmem>> -> memref<1x80x128xf32, #tpu.memory_space<vmem>>
        %dma_wait3A_293 = tpu.memref_squeeze %dma_wait3A_292 : memref<1x80x128xf32, #tpu.memory_space<vmem>> -> memref<80x128xf32, #tpu.memory_space<vmem>>
        %dma_wait3A_294 = arith.constant 0 : i32
        %dma_wait3A_295 = tpu.memref_slice %arg6[%dma_wait3A_287, %dma_wait3A_288, %dma_wait3A_294] : memref<4x2x80xi32, #tpu.memory_space<vmem>> -> memref<1x1x80xi32, #tpu.memory_space<vmem>>
        %dma_wait3A_296 = tpu.memref_squeeze %dma_wait3A_295 : memref<1x1x80xi32, #tpu.memory_space<vmem>> -> memref<80xi32, #tpu.memory_space<vmem>>
        %dma_wait3A_297 = arith.constant 0 : i32
        %dma_wait3A_298 = arith.constant 0 : i32
        %dma_wait3A_299 = tpu.memref_slice %arg2[%dma_wait3A_297, %dma_wait3A_298] : memref<10000x128xf32, #tpu.memory_space<hbm>> -> memref<10000x128xf32, #tpu.memory_space<hbm>>
        tpu.wait_indirect_dma semaphore(%arg16 : memref<!tpu.dma_semaphore, #tpu.memory_space<semaphore_mem>>) src(%dma_wait3A_299 : memref<10000x128xf32, #tpu.memory_space<hbm>>) dst(%dma_wait3A_293 : memref<80x128xf32, #tpu.memory_space<vmem>>)
        %dma_start3A_300 = arith.constant 3 : i32
        %dma_start3A_301 = arith.constant 3 : i32
        %dma_start3A_302 = arith.constant 1 : i32
        %dma_start3A_303 = arith.constant 0 : i32
        %dma_start3A_304 = arith.constant 0 : i32
        %dma_start3A_305 = tpu.memref_slice %arg7[%dma_start3A_300, %dma_start3A_303, %dma_start3A_304] : memref<4x80x128xf32, #tpu.memory_space<vmem>> -> memref<1x80x128xf32, #tpu.memory_space<vmem>>
        %dma_start3A_306 = tpu.memref_squeeze %dma_start3A_305 : memref<1x80x128xf32, #tpu.memory_space<vmem>> -> memref<80x128xf32, #tpu.memory_space<vmem>>
        %dma_start3A_307 = arith.constant 0 : i32
        %dma_start3A_308 = tpu.memref_slice %arg6[%dma_start3A_301, %dma_start3A_302, %dma_start3A_307] : memref<4x2x80xi32, #tpu.memory_space<vmem>> -> memref<1x1x80xi32, #tpu.memory_space<vmem>>
        %dma_start3A_309 = tpu.memref_squeeze %dma_start3A_308 : memref<1x1x80xi32, #tpu.memory_space<vmem>> -> memref<80xi32, #tpu.memory_space<vmem>>
        %dma_start3A_310 = arith.constant 0 : i32
        %dma_start3A_311 = arith.constant 0 : i32
        %dma_start3A_312 = tpu.memref_slice %arg8[%dma_start3A_310, %dma_start3A_311] : memref<10000x128xf32, #tpu.memory_space<vmem_shared>> -> memref<10000x128xf32, #tpu.memory_space<vmem_shared>>
        tpu.enqueue_indirect_dma source(%dma_start3A_306 : memref<80x128xf32, #tpu.memory_space<vmem>>) target(%dma_start3A_312 : memref<10000x128xf32, #tpu.memory_space<vmem_shared>>) offsets(%dma_start3A_309 : memref<80xi32, #tpu.memory_space<vmem>>) semaphore(%arg20 : memref<!tpu.dma_semaphore, #tpu.memory_space<semaphore_mem>>) {add = true}
      } else {
      }
    }
    %scan3A_127 = arith.constant 125 : i32
    %dma_wait3A_128 = arith.constant 0 : i32
    %dma_wait3A_129 = arith.constant 0 : i32
    %dma_wait3A_130 = arith.constant 1 : i32
    %dma_wait3A_131 = arith.constant 0 : i32
    %dma_wait3A_132 = arith.constant 0 : i32
    %dma_wait3A_133 = tpu.memref_slice %arg7[%dma_wait3A_128, %dma_wait3A_131, %dma_wait3A_132] : memref<4x80x128xf32, #tpu.memory_space<vmem>> -> memref<1x80x128xf32, #tpu.memory_space<vmem>>
    %dma_wait3A_134 = tpu.memref_squeeze %dma_wait3A_133 : memref<1x80x128xf32, #tpu.memory_space<vmem>> -> memref<80x128xf32, #tpu.memory_space<vmem>>
    %dma_wait3A_135 = arith.constant 0 : i32
    %dma_wait3A_136 = tpu.memref_slice %arg6[%dma_wait3A_129, %dma_wait3A_130, %dma_wait3A_135] : memref<4x2x80xi32, #tpu.memory_space<vmem>> -> memref<1x1x80xi32, #tpu.memory_space<vmem>>
    %dma_wait3A_137 = tpu.memref_squeeze %dma_wait3A_136 : memref<1x1x80xi32, #tpu.memory_space<vmem>> -> memref<80xi32, #tpu.memory_space<vmem>>
    %dma_wait3A_138 = arith.constant 0 : i32
    %dma_wait3A_139 = arith.constant 0 : i32
    %dma_wait3A_140 = tpu.memref_slice %arg8[%dma_wait3A_138, %dma_wait3A_139] : memref<10000x128xf32, #tpu.memory_space<vmem_shared>> -> memref<10000x128xf32, #tpu.memory_space<vmem_shared>>
    tpu.wait_indirect_dma semaphore(%arg17 : memref<!tpu.dma_semaphore, #tpu.memory_space<semaphore_mem>>) src(%dma_wait3A_134 : memref<80x128xf32, #tpu.memory_space<vmem>>) dst(%dma_wait3A_140 : memref<10000x128xf32, #tpu.memory_space<vmem_shared>>)
    %dma_wait3A_141 = arith.constant 1 : i32
    %dma_wait3A_142 = arith.constant 1 : i32
    %dma_wait3A_143 = arith.constant 1 : i32
    %dma_wait3A_144 = arith.constant 0 : i32
    %dma_wait3A_145 = arith.constant 0 : i32
    %dma_wait3A_146 = tpu.memref_slice %arg7[%dma_wait3A_141, %dma_wait3A_144, %dma_wait3A_145] : memref<4x80x128xf32, #tpu.memory_space<vmem>> -> memref<1x80x128xf32, #tpu.memory_space<vmem>>
    %dma_wait3A_147 = tpu.memref_squeeze %dma_wait3A_146 : memref<1x80x128xf32, #tpu.memory_space<vmem>> -> memref<80x128xf32, #tpu.memory_space<vmem>>
    %dma_wait3A_148 = arith.constant 0 : i32
    %dma_wait3A_149 = tpu.memref_slice %arg6[%dma_wait3A_142, %dma_wait3A_143, %dma_wait3A_148] : memref<4x2x80xi32, #tpu.memory_space<vmem>> -> memref<1x1x80xi32, #tpu.memory_space<vmem>>
    %dma_wait3A_150 = tpu.memref_squeeze %dma_wait3A_149 : memref<1x1x80xi32, #tpu.memory_space<vmem>> -> memref<80xi32, #tpu.memory_space<vmem>>
    %dma_wait3A_151 = arith.constant 0 : i32
    %dma_wait3A_152 = arith.constant 0 : i32
    %dma_wait3A_153 = tpu.memref_slice %arg8[%dma_wait3A_151, %dma_wait3A_152] : memref<10000x128xf32, #tpu.memory_space<vmem_shared>> -> memref<10000x128xf32, #tpu.memory_space<vmem_shared>>
    tpu.wait_indirect_dma semaphore(%arg18 : memref<!tpu.dma_semaphore, #tpu.memory_space<semaphore_mem>>) src(%dma_wait3A_147 : memref<80x128xf32, #tpu.memory_space<vmem>>) dst(%dma_wait3A_153 : memref<10000x128xf32, #tpu.memory_space<vmem_shared>>)
    %dma_wait3A_154 = arith.constant 2 : i32
    %dma_wait3A_155 = arith.constant 2 : i32
    %dma_wait3A_156 = arith.constant 1 : i32
    %dma_wait3A_157 = arith.constant 0 : i32
    %dma_wait3A_158 = arith.constant 0 : i32
    %dma_wait3A_159 = tpu.memref_slice %arg7[%dma_wait3A_154, %dma_wait3A_157, %dma_wait3A_158] : memref<4x80x128xf32, #tpu.memory_space<vmem>> -> memref<1x80x128xf32, #tpu.memory_space<vmem>>
    %dma_wait3A_160 = tpu.memref_squeeze %dma_wait3A_159 : memref<1x80x128xf32, #tpu.memory_space<vmem>> -> memref<80x128xf32, #tpu.memory_space<vmem>>
    %dma_wait3A_161 = arith.constant 0 : i32
    %dma_wait3A_162 = tpu.memref_slice %arg6[%dma_wait3A_155, %dma_wait3A_156, %dma_wait3A_161] : memref<4x2x80xi32, #tpu.memory_space<vmem>> -> memref<1x1x80xi32, #tpu.memory_space<vmem>>
    %dma_wait3A_163 = tpu.memref_squeeze %dma_wait3A_162 : memref<1x1x80xi32, #tpu.memory_space<vmem>> -> memref<80xi32, #tpu.memory_space<vmem>>
    %dma_wait3A_164 = arith.constant 0 : i32
    %dma_wait3A_165 = arith.constant 0 : i32
    %dma_wait3A_166 = tpu.memref_slice %arg8[%dma_wait3A_164, %dma_wait3A_165] : memref<10000x128xf32, #tpu.memory_space<vmem_shared>> -> memref<10000x128xf32, #tpu.memory_space<vmem_shared>>
    tpu.wait_indirect_dma semaphore(%arg19 : memref<!tpu.dma_semaphore, #tpu.memory_space<semaphore_mem>>) src(%dma_wait3A_160 : memref<80x128xf32, #tpu.memory_space<vmem>>) dst(%dma_wait3A_166 : memref<10000x128xf32, #tpu.memory_space<vmem_shared>>)
    %dma_wait3A_167 = arith.constant 3 : i32
    %dma_wait3A_168 = arith.constant 3 : i32
    %dma_wait3A_169 = arith.constant 1 : i32
    %dma_wait3A_170 = arith.constant 0 : i32
    %dma_wait3A_171 = arith.constant 0 : i32
    %dma_wait3A_172 = tpu.memref_slice %arg7[%dma_wait3A_167, %dma_wait3A_170, %dma_wait3A_171] : memref<4x80x128xf32, #tpu.memory_space<vmem>> -> memref<1x80x128xf32, #tpu.memory_space<vmem>>
    %dma_wait3A_173 = tpu.memref_squeeze %dma_wait3A_172 : memref<1x80x128xf32, #tpu.memory_space<vmem>> -> memref<80x128xf32, #tpu.memory_space<vmem>>
    %dma_wait3A_174 = arith.constant 0 : i32
    %dma_wait3A_175 = tpu.memref_slice %arg6[%dma_wait3A_168, %dma_wait3A_169, %dma_wait3A_174] : memref<4x2x80xi32, #tpu.memory_space<vmem>> -> memref<1x1x80xi32, #tpu.memory_space<vmem>>
    %dma_wait3A_176 = tpu.memref_squeeze %dma_wait3A_175 : memref<1x1x80xi32, #tpu.memory_space<vmem>> -> memref<80xi32, #tpu.memory_space<vmem>>
    %dma_wait3A_177 = arith.constant 0 : i32
    %dma_wait3A_178 = arith.constant 0 : i32
    %dma_wait3A_179 = tpu.memref_slice %arg8[%dma_wait3A_177, %dma_wait3A_178] : memref<10000x128xf32, #tpu.memory_space<vmem_shared>> -> memref<10000x128xf32, #tpu.memory_space<vmem_shared>>
    tpu.wait_indirect_dma semaphore(%arg20 : memref<!tpu.dma_semaphore, #tpu.memory_space<semaphore_mem>>) src(%dma_wait3A_173 : memref<80x128xf32, #tpu.memory_space<vmem>>) dst(%dma_wait3A_179 : memref<10000x128xf32, #tpu.memory_space<vmem_shared>>)
    %barrier3A_180 = arith.constant 0 : index
    tpu.barrier barrier_id(%barrier3A_180)
    %mul3A_181 = arith.constant 624 : i32
    %mul3A_182 = arith.muli %arg1, %mul3A_181 : i32
    %lt3A_183 = arith.constant 15 : i32
    %lt3A_184 = arith.cmpi slt, %arg1, %lt3A_183 : i32
    %convert_element_type3A_185 = arith.extui %lt3A_184 : i1 to i32
    %cond3A_186 = arith.constant 0 : i32
    %cond3A_187 = arith.cmpi ne, %convert_element_type3A_185, %cond3A_186 : i32
    scf.if %cond3A_187 {
      "tpu.region"() ({
        %run_scoped3A = tpu.sem_alloc : memref<!tpu.dma_semaphore, #tpu.memory_space<semaphore_mem>>
        %dma_start3A_193 = arith.constant 0 : i32
        %dma_start3A_194 = tpu.memref_slice %arg5[%arg0, %mul3A_182, %dma_start3A_193] : memref<2x10000x128xf32, #tpu.memory_space<hbm>> -> memref<1x624x128xf32, #tpu.memory_space<hbm>>
        %dma_start3A_195 = tpu.memref_squeeze %dma_start3A_194 : memref<1x624x128xf32, #tpu.memory_space<hbm>> -> memref<624x128xf32, #tpu.memory_space<hbm>>
        %dma_start3A_196 = arith.constant 0 : i32
        %dma_start3A_197 = tpu.memref_slice %arg8[%mul3A_182, %dma_start3A_196] : memref<10000x128xf32, #tpu.memory_space<vmem_shared>> -> memref<624x128xf32, #tpu.memory_space<vmem_shared>>
        tpu.enqueue_dma source(%dma_start3A_197 : memref<624x128xf32, #tpu.memory_space<vmem_shared>>) target(%dma_start3A_195 : memref<624x128xf32, #tpu.memory_space<hbm>>) target_semaphore(%run_scoped3A : memref<!tpu.dma_semaphore, #tpu.memory_space<semaphore_mem>>)
        %dma_wait3A_198 = arith.constant 0 : i32
        %dma_wait3A_199 = tpu.memref_slice %arg5[%arg0, %mul3A_182, %dma_wait3A_198] : memref<2x10000x128xf32, #tpu.memory_space<hbm>> -> memref<1x624x128xf32, #tpu.memory_space<hbm>>
        %dma_wait3A_200 = tpu.memref_squeeze %dma_wait3A_199 : memref<1x624x128xf32, #tpu.memory_space<hbm>> -> memref<624x128xf32, #tpu.memory_space<hbm>>
        %dma_wait3A_201 = arith.constant 0 : i32
        %dma_wait3A_202 = tpu.memref_slice %arg8[%mul3A_182, %dma_wait3A_201] : memref<10000x128xf32, #tpu.memory_space<vmem_shared>> -> memref<624x128xf32, #tpu.memory_space<vmem_shared>>
        tpu.wait_dma2 semaphore(%run_scoped3A : memref<!tpu.dma_semaphore, #tpu.memory_space<semaphore_mem>>) src(%dma_wait3A_202 : memref<624x128xf32, #tpu.memory_space<vmem_shared>>) dst(%dma_wait3A_200 : memref<624x128xf32, #tpu.memory_space<hbm>>)
        tpu.yield
      }) : () -> ()
    } else {
    }
    %eq3A_188 = arith.constant 15 : i32
    %eq3A_189 = arith.cmpi eq, %arg1, %eq3A_188 : i32
    %convert_element_type3A_190 = arith.extui %eq3A_189 : i1 to i32
    %cond3A_191 = arith.constant 0 : i32
    %cond3A_192 = arith.cmpi ne, %convert_element_type3A_190, %cond3A_191 : i32
    scf.if %cond3A_192 {
      "tpu.region"() ({
        %run_scoped3A = tpu.sem_alloc : memref<!tpu.dma_semaphore, #tpu.memory_space<semaphore_mem>>
        %dma_start3A_193 = arith.constant 0 : i32
        %dma_start3A_194 = tpu.memref_slice %arg5[%arg0, %mul3A_182, %dma_start3A_193] : memref<2x10000x128xf32, #tpu.memory_space<hbm>> -> memref<1x640x128xf32, #tpu.memory_space<hbm>>
        %dma_start3A_195 = tpu.memref_squeeze %dma_start3A_194 : memref<1x640x128xf32, #tpu.memory_space<hbm>> -> memref<640x128xf32, #tpu.memory_space<hbm>>
        %dma_start3A_196 = arith.constant 0 : i32
        %dma_start3A_197 = tpu.memref_slice %arg8[%mul3A_182, %dma_start3A_196] : memref<10000x128xf32, #tpu.memory_space<vmem_shared>> -> memref<640x128xf32, #tpu.memory_space<vmem_shared>>
        tpu.enqueue_dma source(%dma_start3A_197 : memref<640x128xf32, #tpu.memory_space<vmem_shared>>) target(%dma_start3A_195 : memref<640x128xf32, #tpu.memory_space<hbm>>) target_semaphore(%run_scoped3A : memref<!tpu.dma_semaphore, #tpu.memory_space<semaphore_mem>>)
        %dma_wait3A_198 = arith.constant 0 : i32
        %dma_wait3A_199 = tpu.memref_slice %arg5[%arg0, %mul3A_182, %dma_wait3A_198] : memref<2x10000x128xf32, #tpu.memory_space<hbm>> -> memref<1x640x128xf32, #tpu.memory_space<hbm>>
        %dma_wait3A_200 = tpu.memref_squeeze %dma_wait3A_199 : memref<1x640x128xf32, #tpu.memory_space<hbm>> -> memref<640x128xf32, #tpu.memory_space<hbm>>
        %dma_wait3A_201 = arith.constant 0 : i32
        %dma_wait3A_202 = tpu.memref_slice %arg8[%mul3A_182, %dma_wait3A_201] : memref<10000x128xf32, #tpu.memory_space<vmem_shared>> -> memref<640x128xf32, #tpu.memory_space<vmem_shared>>
        tpu.wait_dma2 semaphore(%run_scoped3A : memref<!tpu.dma_semaphore, #tpu.memory_space<semaphore_mem>>) src(%dma_wait3A_202 : memref<640x128xf32, #tpu.memory_space<vmem_shared>>) dst(%dma_wait3A_200 : memref<640x128xf32, #tpu.memory_space<hbm>>)
        tpu.yield
      }) : () -> ()
    } else {
    }
    return
  }
}

#map = affine_map<(d0, d1) -> (0, 0, 0)>
#map1 = affine_map<(d0, d1) -> (0, 0)>
module attributes {stable_mosaic.version = 14 : i64} {
  func.func @_deg_body(%arg0: i32, %arg1: i32, %arg2: memref<32x125x80xi32, #tpu.memory_space<hbm>>, %arg3: memref<80x128xf32, #tpu.memory_space<hbm>>, %arg4: memref<10000x128xf32, #tpu.memory_space<hbm>>, %arg5: memref<2x10000x128xf32, #tpu.memory_space<hbm>>, %arg6: memref<125x80xi32, #tpu.memory_space<vmem>>, %arg7: memref<80x128xf32, #tpu.memory_space<vmem>>, %arg8: memref<10000x128xf32, #tpu.memory_space<vmem_shared>>, %arg9: memref<!tpu.dma_semaphore, #tpu.memory_space<semaphore_mem>>, %arg10: memref<!tpu.dma_semaphore, #tpu.memory_space<semaphore_mem>>) attributes {dimension_semantics = [#tpu.dimension_semantics<core_parallel>, #tpu.dimension_semantics<subcore_parallel>], iteration_bounds = array<i64: 2, 16>, scalar_prefetch = 0 : i64, scratch_operands = 5 : i64, tpu.core_type = #tpu.core_type<sc_vector_subcore>, window_params = [{transform_indices = #map}, {transform_indices = #map1}, {transform_indices = #map1}, {transform_indices = #map}]} {
    %mul3A = arith.constant 2 : i32
    %mul3A_0 = arith.muli %arg1, %mul3A : i32
    %add3A = arith.addi %mul3A_0, %arg0 : i32
    "tpu.region"() ({
      %run_scoped3A = tpu.sem_alloc : memref<!tpu.dma_semaphore, #tpu.memory_space<semaphore_mem>>
      tpu.enqueue_dma source(%arg3 : memref<80x128xf32, #tpu.memory_space<hbm>>) target(%arg7 : memref<80x128xf32, #tpu.memory_space<vmem>>) target_semaphore(%run_scoped3A : memref<!tpu.dma_semaphore, #tpu.memory_space<semaphore_mem>>)
      tpu.wait_dma2 semaphore(%run_scoped3A : memref<!tpu.dma_semaphore, #tpu.memory_space<semaphore_mem>>) src(%arg3 : memref<80x128xf32, #tpu.memory_space<hbm>>) dst(%arg7 : memref<80x128xf32, #tpu.memory_space<vmem>>)
      tpu.yield
    }) : () -> ()
    "tpu.region"() ({
      %run_scoped3A = tpu.sem_alloc : memref<!tpu.dma_semaphore, #tpu.memory_space<semaphore_mem>>
      %dma_start3A = arith.constant 0 : i32
      %dma_start3A_40 = arith.constant 0 : i32
      %dma_start3A_41 = tpu.memref_slice %arg2[%add3A, %dma_start3A, %dma_start3A_40] : memref<32x125x80xi32, #tpu.memory_space<hbm>> -> memref<1x125x80xi32, #tpu.memory_space<hbm>>
      %dma_start3A_42 = tpu.memref_squeeze %dma_start3A_41 : memref<1x125x80xi32, #tpu.memory_space<hbm>> -> memref<125x80xi32, #tpu.memory_space<hbm>>
      %dma_start3A_43 = arith.constant 0 : i32
      %dma_start3A_44 = arith.constant 0 : i32
      %dma_start3A_45 = tpu.memref_slice %arg2[%add3A, %dma_start3A_43, %dma_start3A_44] : memref<32x125x80xi32, #tpu.memory_space<hbm>> -> memref<1x125x80xi32, #tpu.memory_space<hbm>>
      %dma_start3A_46 = tpu.memref_squeeze %dma_start3A_45 : memref<1x125x80xi32, #tpu.memory_space<hbm>> -> memref<125x80xi32, #tpu.memory_space<hbm>>
      tpu.enqueue_dma source(%dma_start3A_46 : memref<125x80xi32, #tpu.memory_space<hbm>>) target(%arg6 : memref<125x80xi32, #tpu.memory_space<vmem>>) target_semaphore(%run_scoped3A : memref<!tpu.dma_semaphore, #tpu.memory_space<semaphore_mem>>)
      %dma_wait3A_47 = arith.constant 0 : i32
      %dma_wait3A_48 = arith.constant 0 : i32
      %dma_wait3A_49 = tpu.memref_slice %arg2[%add3A, %dma_wait3A_47, %dma_wait3A_48] : memref<32x125x80xi32, #tpu.memory_space<hbm>> -> memref<1x125x80xi32, #tpu.memory_space<hbm>>
      %dma_wait3A_50 = tpu.memref_squeeze %dma_wait3A_49 : memref<1x125x80xi32, #tpu.memory_space<hbm>> -> memref<125x80xi32, #tpu.memory_space<hbm>>
      %dma_wait3A_51 = arith.constant 0 : i32
      %dma_wait3A_52 = arith.constant 0 : i32
      %dma_wait3A_53 = tpu.memref_slice %arg2[%add3A, %dma_wait3A_51, %dma_wait3A_52] : memref<32x125x80xi32, #tpu.memory_space<hbm>> -> memref<1x125x80xi32, #tpu.memory_space<hbm>>
      %dma_wait3A_54 = tpu.memref_squeeze %dma_wait3A_53 : memref<1x125x80xi32, #tpu.memory_space<hbm>> -> memref<125x80xi32, #tpu.memory_space<hbm>>
      tpu.wait_dma2 semaphore(%run_scoped3A : memref<!tpu.dma_semaphore, #tpu.memory_space<semaphore_mem>>) src(%dma_wait3A_54 : memref<125x80xi32, #tpu.memory_space<hbm>>) dst(%arg6 : memref<125x80xi32, #tpu.memory_space<vmem>>)
      tpu.yield
    }) : () -> ()
    %mul3A_1 = arith.constant 624 : i32
    %mul3A_2 = arith.muli %arg1, %mul3A_1 : i32
    %lt3A = arith.constant 15 : i32
    %lt3A_3 = arith.cmpi slt, %arg1, %lt3A : i32
    %convert_element_type3A = arith.extui %lt3A_3 : i1 to i32
    %cond3A = arith.constant 0 : i32
    %cond3A_4 = arith.cmpi ne, %convert_element_type3A, %cond3A : i32
    scf.if %cond3A_4 {
      "tpu.region"() ({
        %run_scoped3A = tpu.sem_alloc : memref<!tpu.dma_semaphore, #tpu.memory_space<semaphore_mem>>
        %dma_start3A = arith.constant 0 : i32
        %dma_start3A_40 = tpu.memref_slice %arg8[%mul3A_2, %dma_start3A] : memref<10000x128xf32, #tpu.memory_space<vmem_shared>> -> memref<624x128xf32, #tpu.memory_space<vmem_shared>>
        %dma_start3A_41 = arith.constant 0 : i32
        %dma_start3A_42 = tpu.memref_slice %arg4[%mul3A_2, %dma_start3A_41] : memref<10000x128xf32, #tpu.memory_space<hbm>> -> memref<624x128xf32, #tpu.memory_space<hbm>>
        tpu.enqueue_dma source(%dma_start3A_42 : memref<624x128xf32, #tpu.memory_space<hbm>>) target(%dma_start3A_40 : memref<624x128xf32, #tpu.memory_space<vmem_shared>>) target_semaphore(%run_scoped3A : memref<!tpu.dma_semaphore, #tpu.memory_space<semaphore_mem>>)
        %dma_wait3A_43 = arith.constant 0 : i32
        %dma_wait3A_44 = tpu.memref_slice %arg8[%mul3A_2, %dma_wait3A_43] : memref<10000x128xf32, #tpu.memory_space<vmem_shared>> -> memref<624x128xf32, #tpu.memory_space<vmem_shared>>
        %dma_wait3A_45 = arith.constant 0 : i32
        %dma_wait3A_46 = tpu.memref_slice %arg4[%mul3A_2, %dma_wait3A_45] : memref<10000x128xf32, #tpu.memory_space<hbm>> -> memref<624x128xf32, #tpu.memory_space<hbm>>
        tpu.wait_dma2 semaphore(%run_scoped3A : memref<!tpu.dma_semaphore, #tpu.memory_space<semaphore_mem>>) src(%dma_wait3A_46 : memref<624x128xf32, #tpu.memory_space<hbm>>) dst(%dma_wait3A_44 : memref<624x128xf32, #tpu.memory_space<vmem_shared>>)
        tpu.yield
      }) : () -> ()
    } else {
    }
    %eq3A = arith.constant 15 : i32
    %eq3A_5 = arith.cmpi eq, %arg1, %eq3A : i32
    %convert_element_type3A_6 = arith.extui %eq3A_5 : i1 to i32
    %cond3A_7 = arith.constant 0 : i32
    %cond3A_8 = arith.cmpi ne, %convert_element_type3A_6, %cond3A_7 : i32
    scf.if %cond3A_8 {
      "tpu.region"() ({
        %run_scoped3A = tpu.sem_alloc : memref<!tpu.dma_semaphore, #tpu.memory_space<semaphore_mem>>
        %dma_start3A = arith.constant 0 : i32
        %dma_start3A_40 = tpu.memref_slice %arg8[%mul3A_2, %dma_start3A] : memref<10000x128xf32, #tpu.memory_space<vmem_shared>> -> memref<640x128xf32, #tpu.memory_space<vmem_shared>>
        %dma_start3A_41 = arith.constant 0 : i32
        %dma_start3A_42 = tpu.memref_slice %arg4[%mul3A_2, %dma_start3A_41] : memref<10000x128xf32, #tpu.memory_space<hbm>> -> memref<640x128xf32, #tpu.memory_space<hbm>>
        tpu.enqueue_dma source(%dma_start3A_42 : memref<640x128xf32, #tpu.memory_space<hbm>>) target(%dma_start3A_40 : memref<640x128xf32, #tpu.memory_space<vmem_shared>>) target_semaphore(%run_scoped3A : memref<!tpu.dma_semaphore, #tpu.memory_space<semaphore_mem>>)
        %dma_wait3A_43 = arith.constant 0 : i32
        %dma_wait3A_44 = tpu.memref_slice %arg8[%mul3A_2, %dma_wait3A_43] : memref<10000x128xf32, #tpu.memory_space<vmem_shared>> -> memref<640x128xf32, #tpu.memory_space<vmem_shared>>
        %dma_wait3A_45 = arith.constant 0 : i32
        %dma_wait3A_46 = tpu.memref_slice %arg4[%mul3A_2, %dma_wait3A_45] : memref<10000x128xf32, #tpu.memory_space<hbm>> -> memref<640x128xf32, #tpu.memory_space<hbm>>
        tpu.wait_dma2 semaphore(%run_scoped3A : memref<!tpu.dma_semaphore, #tpu.memory_space<semaphore_mem>>) src(%dma_wait3A_46 : memref<640x128xf32, #tpu.memory_space<hbm>>) dst(%dma_wait3A_44 : memref<640x128xf32, #tpu.memory_space<vmem_shared>>)
        tpu.yield
      }) : () -> ()
    } else {
    }
    %barrier3A = arith.constant 0 : index
    tpu.barrier barrier_id(%barrier3A)
    %scan3A = arith.constant 0 : i32
    %scan3A_9 = arith.constant 0 : i32
    %scan3A_10 = arith.constant 125 : i32
    %scan3A_11 = arith.addi %scan3A_9, %scan3A_10 : i32
    %scan3A_12 = arith.constant 1 : i32
    scf.for %scan3A_40 = %scan3A_9 to %scan3A_11 step %scan3A_12  : i32 {
      %jit3A = arith.constant 2 : i32
      %eq3A_41 = arith.constant 0 : i32
      %eq3A_42 = arith.cmpi eq, %jit3A, %eq3A_41 : i32
      %jit3A_43 = arith.constant 1 : i32
      %select_n3A = arith.select %eq3A_42, %jit3A_43, %jit3A : i32
      %rem3A = arith.remsi %scan3A_40, %select_n3A : i32
      %ne3A = arith.constant 0 : i32
      %ne3A_44 = arith.cmpi ne, %rem3A, %ne3A : i32
      %lt3A_45 = arith.constant 0 : i32
      %lt3A_46 = arith.cmpi slt, %rem3A, %lt3A_45 : i32
      %lt3A_47 = arith.constant 0 : i32
      %lt3A_48 = arith.cmpi slt, %select_n3A, %lt3A_47 : i32
      %ne3A_49 = arith.xori %lt3A_46, %lt3A_48 : i1
      %and3A = arith.andi %ne3A_49, %ne3A_44 : i1
      %add3A_50 = arith.addi %rem3A, %select_n3A : i32
      %select_n3A_51 = arith.select %and3A, %add3A_50, %rem3A : i32
      %eq3A_52 = arith.constant 0 : i32
      %eq3A_53 = arith.cmpi eq, %select_n3A_51, %eq3A_52 : i32
      %convert_element_type3A_54 = arith.extui %eq3A_53 : i1 to i32
      %cond3A_55 = arith.constant 0 : i32
      %cond3A_56 = arith.cmpi ne, %convert_element_type3A_54, %cond3A_55 : i32
      scf.if %cond3A_56 {
        %ge3A = arith.constant 2 : i32
        %ge3A_78 = arith.cmpi sge, %scan3A_40, %ge3A : i32
        %convert_element_type3A_79 = arith.extui %ge3A_78 : i1 to i32
        %cond3A_80 = arith.constant 0 : i32
        %cond3A_81 = arith.cmpi ne, %convert_element_type3A_79, %cond3A_80 : i32
        scf.if %cond3A_81 {
          %dma_wait3A_87 = arith.constant 0 : i32
          %dma_wait3A_88 = arith.constant 0 : i32
          %dma_wait3A_89 = tpu.memref_slice %arg6[%dma_wait3A_87, %dma_wait3A_88] : memref<125x80xi32, #tpu.memory_space<vmem>> -> memref<1x80xi32, #tpu.memory_space<vmem>>
          %dma_wait3A_90 = tpu.memref_squeeze %dma_wait3A_89 : memref<1x80xi32, #tpu.memory_space<vmem>> -> memref<80xi32, #tpu.memory_space<vmem>>
          %dma_wait3A_91 = arith.constant 0 : i32
          %dma_wait3A_92 = arith.constant 0 : i32
          %dma_wait3A_93 = tpu.memref_slice %arg8[%dma_wait3A_91, %dma_wait3A_92] : memref<10000x128xf32, #tpu.memory_space<vmem_shared>> -> memref<10000x128xf32, #tpu.memory_space<vmem_shared>>
          tpu.wait_indirect_dma semaphore(%arg9 : memref<!tpu.dma_semaphore, #tpu.memory_space<semaphore_mem>>) src(%arg7 : memref<80x128xf32, #tpu.memory_space<vmem>>) dst(%dma_wait3A_93 : memref<10000x128xf32, #tpu.memory_space<vmem_shared>>)
        } else {
        }
        %dma_start3A = arith.constant 0 : i32
        %dma_start3A_82 = tpu.memref_slice %arg6[%scan3A_40, %dma_start3A] : memref<125x80xi32, #tpu.memory_space<vmem>> -> memref<1x80xi32, #tpu.memory_space<vmem>>
        %dma_start3A_83 = tpu.memref_squeeze %dma_start3A_82 : memref<1x80xi32, #tpu.memory_space<vmem>> -> memref<80xi32, #tpu.memory_space<vmem>>
        %dma_start3A_84 = arith.constant 0 : i32
        %dma_start3A_85 = arith.constant 0 : i32
        %dma_start3A_86 = tpu.memref_slice %arg8[%dma_start3A_84, %dma_start3A_85] : memref<10000x128xf32, #tpu.memory_space<vmem_shared>> -> memref<10000x128xf32, #tpu.memory_space<vmem_shared>>
        tpu.enqueue_indirect_dma source(%arg7 : memref<80x128xf32, #tpu.memory_space<vmem>>) target(%dma_start3A_86 : memref<10000x128xf32, #tpu.memory_space<vmem_shared>>) offsets(%dma_start3A_83 : memref<80xi32, #tpu.memory_space<vmem>>) semaphore(%arg9 : memref<!tpu.dma_semaphore, #tpu.memory_space<semaphore_mem>>) {add = true}
      } else {
      }
      %jit3A_57 = arith.constant 2 : i32
      %eq3A_58 = arith.constant 0 : i32
      %eq3A_59 = arith.cmpi eq, %jit3A_57, %eq3A_58 : i32
      %jit3A_60 = arith.constant 1 : i32
      %select_n3A_61 = arith.select %eq3A_59, %jit3A_60, %jit3A_57 : i32
      %rem3A_62 = arith.remsi %scan3A_40, %select_n3A_61 : i32
      %ne3A_63 = arith.constant 0 : i32
      %ne3A_64 = arith.cmpi ne, %rem3A_62, %ne3A_63 : i32
      %lt3A_65 = arith.constant 0 : i32
      %lt3A_66 = arith.cmpi slt, %rem3A_62, %lt3A_65 : i32
      %lt3A_67 = arith.constant 0 : i32
      %lt3A_68 = arith.cmpi slt, %select_n3A_61, %lt3A_67 : i32
      %ne3A_69 = arith.xori %lt3A_66, %lt3A_68 : i1
      %and3A_70 = arith.andi %ne3A_69, %ne3A_64 : i1
      %add3A_71 = arith.addi %rem3A_62, %select_n3A_61 : i32
      %select_n3A_72 = arith.select %and3A_70, %add3A_71, %rem3A_62 : i32
      %eq3A_73 = arith.constant 1 : i32
      %eq3A_74 = arith.cmpi eq, %select_n3A_72, %eq3A_73 : i32
      %convert_element_type3A_75 = arith.extui %eq3A_74 : i1 to i32
      %cond3A_76 = arith.constant 0 : i32
      %cond3A_77 = arith.cmpi ne, %convert_element_type3A_75, %cond3A_76 : i32
      scf.if %cond3A_77 {
        %ge3A = arith.constant 2 : i32
        %ge3A_78 = arith.cmpi sge, %scan3A_40, %ge3A : i32
        %convert_element_type3A_79 = arith.extui %ge3A_78 : i1 to i32
        %cond3A_80 = arith.constant 0 : i32
        %cond3A_81 = arith.cmpi ne, %convert_element_type3A_79, %cond3A_80 : i32
        scf.if %cond3A_81 {
          %dma_wait3A_87 = arith.constant 0 : i32
          %dma_wait3A_88 = arith.constant 0 : i32
          %dma_wait3A_89 = tpu.memref_slice %arg6[%dma_wait3A_87, %dma_wait3A_88] : memref<125x80xi32, #tpu.memory_space<vmem>> -> memref<1x80xi32, #tpu.memory_space<vmem>>
          %dma_wait3A_90 = tpu.memref_squeeze %dma_wait3A_89 : memref<1x80xi32, #tpu.memory_space<vmem>> -> memref<80xi32, #tpu.memory_space<vmem>>
          %dma_wait3A_91 = arith.constant 0 : i32
          %dma_wait3A_92 = arith.constant 0 : i32
          %dma_wait3A_93 = tpu.memref_slice %arg8[%dma_wait3A_91, %dma_wait3A_92] : memref<10000x128xf32, #tpu.memory_space<vmem_shared>> -> memref<10000x128xf32, #tpu.memory_space<vmem_shared>>
          tpu.wait_indirect_dma semaphore(%arg10 : memref<!tpu.dma_semaphore, #tpu.memory_space<semaphore_mem>>) src(%arg7 : memref<80x128xf32, #tpu.memory_space<vmem>>) dst(%dma_wait3A_93 : memref<10000x128xf32, #tpu.memory_space<vmem_shared>>)
        } else {
        }
        %dma_start3A = arith.constant 0 : i32
        %dma_start3A_82 = tpu.memref_slice %arg6[%scan3A_40, %dma_start3A] : memref<125x80xi32, #tpu.memory_space<vmem>> -> memref<1x80xi32, #tpu.memory_space<vmem>>
        %dma_start3A_83 = tpu.memref_squeeze %dma_start3A_82 : memref<1x80xi32, #tpu.memory_space<vmem>> -> memref<80xi32, #tpu.memory_space<vmem>>
        %dma_start3A_84 = arith.constant 0 : i32
        %dma_start3A_85 = arith.constant 0 : i32
        %dma_start3A_86 = tpu.memref_slice %arg8[%dma_start3A_84, %dma_start3A_85] : memref<10000x128xf32, #tpu.memory_space<vmem_shared>> -> memref<10000x128xf32, #tpu.memory_space<vmem_shared>>
        tpu.enqueue_indirect_dma source(%arg7 : memref<80x128xf32, #tpu.memory_space<vmem>>) target(%dma_start3A_86 : memref<10000x128xf32, #tpu.memory_space<vmem_shared>>) offsets(%dma_start3A_83 : memref<80xi32, #tpu.memory_space<vmem>>) semaphore(%arg10 : memref<!tpu.dma_semaphore, #tpu.memory_space<semaphore_mem>>) {add = true}
      } else {
      }
    }
    %scan3A_13 = arith.constant 125 : i32
    %dma_wait3A = arith.constant 0 : i32
    %dma_wait3A_14 = arith.constant 0 : i32
    %dma_wait3A_15 = tpu.memref_slice %arg6[%dma_wait3A, %dma_wait3A_14] : memref<125x80xi32, #tpu.memory_space<vmem>> -> memref<1x80xi32, #tpu.memory_space<vmem>>
    %dma_wait3A_16 = tpu.memref_squeeze %dma_wait3A_15 : memref<1x80xi32, #tpu.memory_space<vmem>> -> memref<80xi32, #tpu.memory_space<vmem>>
    %dma_wait3A_17 = arith.constant 0 : i32
    %dma_wait3A_18 = arith.constant 0 : i32
    %dma_wait3A_19 = tpu.memref_slice %arg8[%dma_wait3A_17, %dma_wait3A_18] : memref<10000x128xf32, #tpu.memory_space<vmem_shared>> -> memref<10000x128xf32, #tpu.memory_space<vmem_shared>>
    tpu.wait_indirect_dma semaphore(%arg9 : memref<!tpu.dma_semaphore, #tpu.memory_space<semaphore_mem>>) src(%arg7 : memref<80x128xf32, #tpu.memory_space<vmem>>) dst(%dma_wait3A_19 : memref<10000x128xf32, #tpu.memory_space<vmem_shared>>)
    %dma_wait3A_20 = arith.constant 0 : i32
    %dma_wait3A_21 = arith.constant 0 : i32
    %dma_wait3A_22 = tpu.memref_slice %arg6[%dma_wait3A_20, %dma_wait3A_21] : memref<125x80xi32, #tpu.memory_space<vmem>> -> memref<1x80xi32, #tpu.memory_space<vmem>>
    %dma_wait3A_23 = tpu.memref_squeeze %dma_wait3A_22 : memref<1x80xi32, #tpu.memory_space<vmem>> -> memref<80xi32, #tpu.memory_space<vmem>>
    %dma_wait3A_24 = arith.constant 0 : i32
    %dma_wait3A_25 = arith.constant 0 : i32
    %dma_wait3A_26 = tpu.memref_slice %arg8[%dma_wait3A_24, %dma_wait3A_25] : memref<10000x128xf32, #tpu.memory_space<vmem_shared>> -> memref<10000x128xf32, #tpu.memory_space<vmem_shared>>
    tpu.wait_indirect_dma semaphore(%arg10 : memref<!tpu.dma_semaphore, #tpu.memory_space<semaphore_mem>>) src(%arg7 : memref<80x128xf32, #tpu.memory_space<vmem>>) dst(%dma_wait3A_26 : memref<10000x128xf32, #tpu.memory_space<vmem_shared>>)
    %barrier3A_27 = arith.constant 0 : index
    tpu.barrier barrier_id(%barrier3A_27)
    %mul3A_28 = arith.constant 624 : i32
    %mul3A_29 = arith.muli %arg1, %mul3A_28 : i32
    %lt3A_30 = arith.constant 15 : i32
    %lt3A_31 = arith.cmpi slt, %arg1, %lt3A_30 : i32
    %convert_element_type3A_32 = arith.extui %lt3A_31 : i1 to i32
    %cond3A_33 = arith.constant 0 : i32
    %cond3A_34 = arith.cmpi ne, %convert_element_type3A_32, %cond3A_33 : i32
    scf.if %cond3A_34 {
      "tpu.region"() ({
        %run_scoped3A = tpu.sem_alloc : memref<!tpu.dma_semaphore, #tpu.memory_space<semaphore_mem>>
        %dma_start3A = arith.constant 0 : i32
        %dma_start3A_40 = tpu.memref_slice %arg5[%arg0, %mul3A_29, %dma_start3A] : memref<2x10000x128xf32, #tpu.memory_space<hbm>> -> memref<1x624x128xf32, #tpu.memory_space<hbm>>
        %dma_start3A_41 = tpu.memref_squeeze %dma_start3A_40 : memref<1x624x128xf32, #tpu.memory_space<hbm>> -> memref<624x128xf32, #tpu.memory_space<hbm>>
        %dma_start3A_42 = arith.constant 0 : i32
        %dma_start3A_43 = tpu.memref_slice %arg8[%mul3A_29, %dma_start3A_42] : memref<10000x128xf32, #tpu.memory_space<vmem_shared>> -> memref<624x128xf32, #tpu.memory_space<vmem_shared>>
        tpu.enqueue_dma source(%dma_start3A_43 : memref<624x128xf32, #tpu.memory_space<vmem_shared>>) target(%dma_start3A_41 : memref<624x128xf32, #tpu.memory_space<hbm>>) target_semaphore(%run_scoped3A : memref<!tpu.dma_semaphore, #tpu.memory_space<semaphore_mem>>)
        %dma_wait3A_44 = arith.constant 0 : i32
        %dma_wait3A_45 = tpu.memref_slice %arg5[%arg0, %mul3A_29, %dma_wait3A_44] : memref<2x10000x128xf32, #tpu.memory_space<hbm>> -> memref<1x624x128xf32, #tpu.memory_space<hbm>>
        %dma_wait3A_46 = tpu.memref_squeeze %dma_wait3A_45 : memref<1x624x128xf32, #tpu.memory_space<hbm>> -> memref<624x128xf32, #tpu.memory_space<hbm>>
        %dma_wait3A_47 = arith.constant 0 : i32
        %dma_wait3A_48 = tpu.memref_slice %arg8[%mul3A_29, %dma_wait3A_47] : memref<10000x128xf32, #tpu.memory_space<vmem_shared>> -> memref<624x128xf32, #tpu.memory_space<vmem_shared>>
        tpu.wait_dma2 semaphore(%run_scoped3A : memref<!tpu.dma_semaphore, #tpu.memory_space<semaphore_mem>>) src(%dma_wait3A_48 : memref<624x128xf32, #tpu.memory_space<vmem_shared>>) dst(%dma_wait3A_46 : memref<624x128xf32, #tpu.memory_space<hbm>>)
        tpu.yield
      }) : () -> ()
    } else {
    }
    %eq3A_35 = arith.constant 15 : i32
    %eq3A_36 = arith.cmpi eq, %arg1, %eq3A_35 : i32
    %convert_element_type3A_37 = arith.extui %eq3A_36 : i1 to i32
    %cond3A_38 = arith.constant 0 : i32
    %cond3A_39 = arith.cmpi ne, %convert_element_type3A_37, %cond3A_38 : i32
    scf.if %cond3A_39 {
      "tpu.region"() ({
        %run_scoped3A = tpu.sem_alloc : memref<!tpu.dma_semaphore, #tpu.memory_space<semaphore_mem>>
        %dma_start3A = arith.constant 0 : i32
        %dma_start3A_40 = tpu.memref_slice %arg5[%arg0, %mul3A_29, %dma_start3A] : memref<2x10000x128xf32, #tpu.memory_space<hbm>> -> memref<1x640x128xf32, #tpu.memory_space<hbm>>
        %dma_start3A_41 = tpu.memref_squeeze %dma_start3A_40 : memref<1x640x128xf32, #tpu.memory_space<hbm>> -> memref<640x128xf32, #tpu.memory_space<hbm>>
        %dma_start3A_42 = arith.constant 0 : i32
        %dma_start3A_43 = tpu.memref_slice %arg8[%mul3A_29, %dma_start3A_42] : memref<10000x128xf32, #tpu.memory_space<vmem_shared>> -> memref<640x128xf32, #tpu.memory_space<vmem_shared>>
        tpu.enqueue_dma source(%dma_start3A_43 : memref<640x128xf32, #tpu.memory_space<vmem_shared>>) target(%dma_start3A_41 : memref<640x128xf32, #tpu.memory_space<hbm>>) target_semaphore(%run_scoped3A : memref<!tpu.dma_semaphore, #tpu.memory_space<semaphore_mem>>)
        %dma_wait3A_44 = arith.constant 0 : i32
        %dma_wait3A_45 = tpu.memref_slice %arg5[%arg0, %mul3A_29, %dma_wait3A_44] : memref<2x10000x128xf32, #tpu.memory_space<hbm>> -> memref<1x640x128xf32, #tpu.memory_space<hbm>>
        %dma_wait3A_46 = tpu.memref_squeeze %dma_wait3A_45 : memref<1x640x128xf32, #tpu.memory_space<hbm>> -> memref<640x128xf32, #tpu.memory_space<hbm>>
        %dma_wait3A_47 = arith.constant 0 : i32
        %dma_wait3A_48 = tpu.memref_slice %arg8[%mul3A_29, %dma_wait3A_47] : memref<10000x128xf32, #tpu.memory_space<vmem_shared>> -> memref<640x128xf32, #tpu.memory_space<vmem_shared>>
        tpu.wait_dma2 semaphore(%run_scoped3A : memref<!tpu.dma_semaphore, #tpu.memory_space<semaphore_mem>>) src(%dma_wait3A_48 : memref<640x128xf32, #tpu.memory_space<vmem_shared>>) dst(%dma_wait3A_46 : memref<640x128xf32, #tpu.memory_space<hbm>>)
        tpu.yield
      }) : () -> ()
    } else {
    }
    return
  }
}

#map = affine_map<(d0, d1) -> (0, 0)>
#map1 = affine_map<(d0, d1) -> (0, 0, 0, 0)>
#map2 = affine_map<(d0, d1) -> (0, 0, 0)>
module attributes {stable_mosaic.version = 14 : i64} {
  func.func @_agg_body(%arg0: i32, %arg1: i32, %arg2: memref<10000x128xf32, #tpu.memory_space<hbm>>, %arg3: memref<32x125x2x80xi32, #tpu.memory_space<hbm>>, %arg4: memref<10000x128xf32, #tpu.memory_space<hbm>>, %arg5: memref<2x10000x128xf32, #tpu.memory_space<hbm>>, %arg6: memref<4x2x80xi32, #tpu.memory_space<vmem>>, %arg7: memref<4x80x128xf32, #tpu.memory_space<vmem>>, %arg8: memref<10000x128xf32, #tpu.memory_space<vmem_shared>>, %arg9: memref<!tpu.dma_semaphore, #tpu.memory_space<semaphore_mem>>, %arg10: memref<!tpu.dma_semaphore, #tpu.memory_space<semaphore_mem>>, %arg11: memref<!tpu.dma_semaphore, #tpu.memory_space<semaphore_mem>>, %arg12: memref<!tpu.dma_semaphore, #tpu.memory_space<semaphore_mem>>, %arg13: memref<!tpu.dma_semaphore, #tpu.memory_space<semaphore_mem>>, %arg14: memref<!tpu.dma_semaphore, #tpu.memory_space<semaphore_mem>>, %arg15: memref<!tpu.dma_semaphore, #tpu.memory_space<semaphore_mem>>, %arg16: memref<!tpu.dma_semaphore, #tpu.memory_space<semaphore_mem>>, %arg17: memref<!tpu.dma_semaphore, #tpu.memory_space<semaphore_mem>>, %arg18: memref<!tpu.dma_semaphore, #tpu.memory_space<semaphore_mem>>, %arg19: memref<!tpu.dma_semaphore, #tpu.memory_space<semaphore_mem>>, %arg20: memref<!tpu.dma_semaphore, #tpu.memory_space<semaphore_mem>>) attributes {dimension_semantics = [#tpu.dimension_semantics<core_parallel>, #tpu.dimension_semantics<subcore_parallel>], iteration_bounds = array<i64: 2, 16>, scalar_prefetch = 0 : i64, scratch_operands = 15 : i64, tpu.core_type = #tpu.core_type<sc_vector_subcore>, window_params = [{transform_indices = #map}, {transform_indices = #map1}, {transform_indices = #map}, {transform_indices = #map2}]} {
    %mul3A = arith.constant 2 : i32
    %mul3A_0 = arith.muli %arg1, %mul3A : i32
    %add3A = arith.addi %mul3A_0, %arg0 : i32
    %dma_start3A = arith.constant 0 : i32
    %dma_start3A_1 = arith.constant 0 : i32
    %dma_start3A_2 = arith.constant 0 : i32
    %dma_start3A_3 = arith.constant 0 : i32
    %dma_start3A_4 = tpu.memref_slice %arg6[%dma_start3A_1, %dma_start3A_2, %dma_start3A_3] : memref<4x2x80xi32, #tpu.memory_space<vmem>> -> memref<1x2x80xi32, #tpu.memory_space<vmem>>
    %dma_start3A_5 = tpu.memref_squeeze %dma_start3A_4 : memref<1x2x80xi32, #tpu.memory_space<vmem>> -> memref<2x80xi32, #tpu.memory_space<vmem>>
    %dma_start3A_6 = arith.constant 0 : i32
    %dma_start3A_7 = arith.constant 0 : i32
    %dma_start3A_8 = tpu.memref_slice %arg3[%add3A, %dma_start3A, %dma_start3A_6, %dma_start3A_7] : memref<32x125x2x80xi32, #tpu.memory_space<hbm>> -> memref<1x1x2x80xi32, #tpu.memory_space<hbm>>
    %dma_start3A_9 = tpu.memref_squeeze %dma_start3A_8 : memref<1x1x2x80xi32, #tpu.memory_space<hbm>> -> memref<2x80xi32, #tpu.memory_space<hbm>>
    %dma_start3A_10 = arith.constant 0 : i32
    %dma_start3A_11 = arith.constant 0 : i32
    %dma_start3A_12 = tpu.memref_slice %arg6[%dma_start3A_1, %dma_start3A_10, %dma_start3A_11] : memref<4x2x80xi32, #tpu.memory_space<vmem>> -> memref<1x2x80xi32, #tpu.memory_space<vmem>>
    %dma_start3A_13 = tpu.memref_squeeze %dma_start3A_12 : memref<1x2x80xi32, #tpu.memory_space<vmem>> -> memref<2x80xi32, #tpu.memory_space<vmem>>
    %dma_start3A_14 = arith.constant 0 : i32
    %dma_start3A_15 = arith.constant 0 : i32
    %dma_start3A_16 = tpu.memref_slice %arg3[%add3A, %dma_start3A, %dma_start3A_14, %dma_start3A_15] : memref<32x125x2x80xi32, #tpu.memory_space<hbm>> -> memref<1x1x2x80xi32, #tpu.memory_space<hbm>>
    %dma_start3A_17 = tpu.memref_squeeze %dma_start3A_16 : memref<1x1x2x80xi32, #tpu.memory_space<hbm>> -> memref<2x80xi32, #tpu.memory_space<hbm>>
    tpu.enqueue_dma source(%dma_start3A_17 : memref<2x80xi32, #tpu.memory_space<hbm>>) target(%dma_start3A_13 : memref<2x80xi32, #tpu.memory_space<vmem>>) target_semaphore(%arg9 : memref<!tpu.dma_semaphore, #tpu.memory_space<semaphore_mem>>)
    %dma_start3A_18 = arith.constant 1 : i32
    %dma_start3A_19 = arith.constant 1 : i32
    %dma_start3A_20 = arith.constant 0 : i32
    %dma_start3A_21 = arith.constant 0 : i32
    %dma_start3A_22 = tpu.memref_slice %arg6[%dma_start3A_19, %dma_start3A_20, %dma_start3A_21] : memref<4x2x80xi32, #tpu.memory_space<vmem>> -> memref<1x2x80xi32, #tpu.memory_space<vmem>>
    %dma_start3A_23 = tpu.memref_squeeze %dma_start3A_22 : memref<1x2x80xi32, #tpu.memory_space<vmem>> -> memref<2x80xi32, #tpu.memory_space<vmem>>
    %dma_start3A_24 = arith.constant 0 : i32
    %dma_start3A_25 = arith.constant 0 : i32
    %dma_start3A_26 = tpu.memref_slice %arg3[%add3A, %dma_start3A_18, %dma_start3A_24, %dma_start3A_25] : memref<32x125x2x80xi32, #tpu.memory_space<hbm>> -> memref<1x1x2x80xi32, #tpu.memory_space<hbm>>
    %dma_start3A_27 = tpu.memref_squeeze %dma_start3A_26 : memref<1x1x2x80xi32, #tpu.memory_space<hbm>> -> memref<2x80xi32, #tpu.memory_space<hbm>>
    %dma_start3A_28 = arith.constant 0 : i32
    %dma_start3A_29 = arith.constant 0 : i32
    %dma_start3A_30 = tpu.memref_slice %arg6[%dma_start3A_19, %dma_start3A_28, %dma_start3A_29] : memref<4x2x80xi32, #tpu.memory_space<vmem>> -> memref<1x2x80xi32, #tpu.memory_space<vmem>>
    %dma_start3A_31 = tpu.memref_squeeze %dma_start3A_30 : memref<1x2x80xi32, #tpu.memory_space<vmem>> -> memref<2x80xi32, #tpu.memory_space<vmem>>
    %dma_start3A_32 = arith.constant 0 : i32
    %dma_start3A_33 = arith.constant 0 : i32
    %dma_start3A_34 = tpu.memref_slice %arg3[%add3A, %dma_start3A_18, %dma_start3A_32, %dma_start3A_33] : memref<32x125x2x80xi32, #tpu.memory_space<hbm>> -> memref<1x1x2x80xi32, #tpu.memory_space<hbm>>
    %dma_start3A_35 = tpu.memref_squeeze %dma_start3A_34 : memref<1x1x2x80xi32, #tpu.memory_space<hbm>> -> memref<2x80xi32, #tpu.memory_space<hbm>>
    tpu.enqueue_dma source(%dma_start3A_35 : memref<2x80xi32, #tpu.memory_space<hbm>>) target(%dma_start3A_31 : memref<2x80xi32, #tpu.memory_space<vmem>>) target_semaphore(%arg10 : memref<!tpu.dma_semaphore, #tpu.memory_space<semaphore_mem>>)
    %dma_start3A_36 = arith.constant 2 : i32
    %dma_start3A_37 = arith.constant 2 : i32
    %dma_start3A_38 = arith.constant 0 : i32
    %dma_start3A_39 = arith.constant 0 : i32
    %dma_start3A_40 = tpu.memref_slice %arg6[%dma_start3A_37, %dma_start3A_38, %dma_start3A_39] : memref<4x2x80xi32, #tpu.memory_space<vmem>> -> memref<1x2x80xi32, #tpu.memory_space<vmem>>
    %dma_start3A_41 = tpu.memref_squeeze %dma_start3A_40 : memref<1x2x80xi32, #tpu.memory_space<vmem>> -> memref<2x80xi32, #tpu.memory_space<vmem>>
    %dma_start3A_42 = arith.constant 0 : i32
    %dma_start3A_43 = arith.constant 0 : i32
    %dma_start3A_44 = tpu.memref_slice %arg3[%add3A, %dma_start3A_36, %dma_start3A_42, %dma_start3A_43] : memref<32x125x2x80xi32, #tpu.memory_space<hbm>> -> memref<1x1x2x80xi32, #tpu.memory_space<hbm>>
    %dma_start3A_45 = tpu.memref_squeeze %dma_start3A_44 : memref<1x1x2x80xi32, #tpu.memory_space<hbm>> -> memref<2x80xi32, #tpu.memory_space<hbm>>
    %dma_start3A_46 = arith.constant 0 : i32
    %dma_start3A_47 = arith.constant 0 : i32
    %dma_start3A_48 = tpu.memref_slice %arg6[%dma_start3A_37, %dma_start3A_46, %dma_start3A_47] : memref<4x2x80xi32, #tpu.memory_space<vmem>> -> memref<1x2x80xi32, #tpu.memory_space<vmem>>
    %dma_start3A_49 = tpu.memref_squeeze %dma_start3A_48 : memref<1x2x80xi32, #tpu.memory_space<vmem>> -> memref<2x80xi32, #tpu.memory_space<vmem>>
    %dma_start3A_50 = arith.constant 0 : i32
    %dma_start3A_51 = arith.constant 0 : i32
    %dma_start3A_52 = tpu.memref_slice %arg3[%add3A, %dma_start3A_36, %dma_start3A_50, %dma_start3A_51] : memref<32x125x2x80xi32, #tpu.memory_space<hbm>> -> memref<1x1x2x80xi32, #tpu.memory_space<hbm>>
    %dma_start3A_53 = tpu.memref_squeeze %dma_start3A_52 : memref<1x1x2x80xi32, #tpu.memory_space<hbm>> -> memref<2x80xi32, #tpu.memory_space<hbm>>
    tpu.enqueue_dma source(%dma_start3A_53 : memref<2x80xi32, #tpu.memory_space<hbm>>) target(%dma_start3A_49 : memref<2x80xi32, #tpu.memory_space<vmem>>) target_semaphore(%arg11 : memref<!tpu.dma_semaphore, #tpu.memory_space<semaphore_mem>>)
    %mul3A_54 = arith.constant 624 : i32
    %mul3A_55 = arith.muli %arg1, %mul3A_54 : i32
    %lt3A = arith.constant 15 : i32
    %lt3A_56 = arith.cmpi slt, %arg1, %lt3A : i32
    %convert_element_type3A = arith.extui %lt3A_56 : i1 to i32
    %cond3A = arith.constant 0 : i32
    %cond3A_57 = arith.cmpi ne, %convert_element_type3A, %cond3A : i32
    scf.if %cond3A_57 {
      %eq3A_193 = arith.constant 0 : i32
      %eq3A_194 = arith.cmpi eq, %arg0, %eq3A_193 : i32
      %convert_element_type3A_195 = arith.extui %eq3A_194 : i1 to i32
      %cond3A_196 = arith.constant 0 : i32
      %cond3A_197 = arith.cmpi ne, %convert_element_type3A_195, %cond3A_196 : i32
      scf.if %cond3A_197 {
        "tpu.region"() ({
          %run_scoped3A = tpu.sem_alloc : memref<!tpu.dma_semaphore, #tpu.memory_space<semaphore_mem>>
          %dma_start3A_202 = arith.constant 0 : i32
          %dma_start3A_203 = tpu.memref_slice %arg8[%mul3A_55, %dma_start3A_202] : memref<10000x128xf32, #tpu.memory_space<vmem_shared>> -> memref<624x128xf32, #tpu.memory_space<vmem_shared>>
          %dma_start3A_204 = arith.constant 0 : i32
          %dma_start3A_205 = tpu.memref_slice %arg2[%mul3A_55, %dma_start3A_204] : memref<10000x128xf32, #tpu.memory_space<hbm>> -> memref<624x128xf32, #tpu.memory_space<hbm>>
          tpu.enqueue_dma source(%dma_start3A_205 : memref<624x128xf32, #tpu.memory_space<hbm>>) target(%dma_start3A_203 : memref<624x128xf32, #tpu.memory_space<vmem_shared>>) target_semaphore(%run_scoped3A : memref<!tpu.dma_semaphore, #tpu.memory_space<semaphore_mem>>)
          %dma_wait3A_206 = arith.constant 0 : i32
          %dma_wait3A_207 = tpu.memref_slice %arg8[%mul3A_55, %dma_wait3A_206] : memref<10000x128xf32, #tpu.memory_space<vmem_shared>> -> memref<624x128xf32, #tpu.memory_space<vmem_shared>>
          %dma_wait3A_208 = arith.constant 0 : i32
          %dma_wait3A_209 = tpu.memref_slice %arg2[%mul3A_55, %dma_wait3A_208] : memref<10000x128xf32, #tpu.memory_space<hbm>> -> memref<624x128xf32, #tpu.memory_space<hbm>>
          tpu.wait_dma2 semaphore(%run_scoped3A : memref<!tpu.dma_semaphore, #tpu.memory_space<semaphore_mem>>) src(%dma_wait3A_209 : memref<624x128xf32, #tpu.memory_space<hbm>>) dst(%dma_wait3A_207 : memref<624x128xf32, #tpu.memory_space<vmem_shared>>)
          tpu.yield
        }) : () -> ()
      } else {
      }
      %ne3A = arith.constant 0 : i32
      %ne3A_198 = arith.cmpi ne, %arg0, %ne3A : i32
      %convert_element_type3A_199 = arith.extui %ne3A_198 : i1 to i32
      %cond3A_200 = arith.constant 0 : i32
      %cond3A_201 = arith.cmpi ne, %convert_element_type3A_199, %cond3A_200 : i32
      scf.if %cond3A_201 {
        "tpu.region"() ({
          %run_scoped3A = tpu.sem_alloc : memref<!tpu.dma_semaphore, #tpu.memory_space<semaphore_mem>>
          %dma_start3A_202 = arith.constant 0 : i32
          %dma_start3A_203 = tpu.memref_slice %arg8[%mul3A_55, %dma_start3A_202] : memref<10000x128xf32, #tpu.memory_space<vmem_shared>> -> memref<624x128xf32, #tpu.memory_space<vmem_shared>>
          %dma_start3A_204 = arith.constant 0 : i32
          %dma_start3A_205 = tpu.memref_slice %arg4[%mul3A_55, %dma_start3A_204] : memref<10000x128xf32, #tpu.memory_space<hbm>> -> memref<624x128xf32, #tpu.memory_space<hbm>>
          tpu.enqueue_dma source(%dma_start3A_205 : memref<624x128xf32, #tpu.memory_space<hbm>>) target(%dma_start3A_203 : memref<624x128xf32, #tpu.memory_space<vmem_shared>>) target_semaphore(%run_scoped3A : memref<!tpu.dma_semaphore, #tpu.memory_space<semaphore_mem>>)
          %dma_wait3A_206 = arith.constant 0 : i32
          %dma_wait3A_207 = tpu.memref_slice %arg8[%mul3A_55, %dma_wait3A_206] : memref<10000x128xf32, #tpu.memory_space<vmem_shared>> -> memref<624x128xf32, #tpu.memory_space<vmem_shared>>
          %dma_wait3A_208 = arith.constant 0 : i32
          %dma_wait3A_209 = tpu.memref_slice %arg4[%mul3A_55, %dma_wait3A_208] : memref<10000x128xf32, #tpu.memory_space<hbm>> -> memref<624x128xf32, #tpu.memory_space<hbm>>
          tpu.wait_dma2 semaphore(%run_scoped3A : memref<!tpu.dma_semaphore, #tpu.memory_space<semaphore_mem>>) src(%dma_wait3A_209 : memref<624x128xf32, #tpu.memory_space<hbm>>) dst(%dma_wait3A_207 : memref<624x128xf32, #tpu.memory_space<vmem_shared>>)
          tpu.yield
        }) : () -> ()
      } else {
      }
    } else {
    }
    %eq3A = arith.constant 15 : i32
    %eq3A_58 = arith.cmpi eq, %arg1, %eq3A : i32
    %convert_element_type3A_59 = arith.extui %eq3A_58 : i1 to i32
    %cond3A_60 = arith.constant 0 : i32
    %cond3A_61 = arith.cmpi ne, %convert_element_type3A_59, %cond3A_60 : i32
    scf.if %cond3A_61 {
      %eq3A_193 = arith.constant 0 : i32
      %eq3A_194 = arith.cmpi eq, %arg0, %eq3A_193 : i32
      %convert_element_type3A_195 = arith.extui %eq3A_194 : i1 to i32
      %cond3A_196 = arith.constant 0 : i32
      %cond3A_197 = arith.cmpi ne, %convert_element_type3A_195, %cond3A_196 : i32
      scf.if %cond3A_197 {
        "tpu.region"() ({
          %run_scoped3A = tpu.sem_alloc : memref<!tpu.dma_semaphore, #tpu.memory_space<semaphore_mem>>
          %dma_start3A_202 = arith.constant 0 : i32
          %dma_start3A_203 = tpu.memref_slice %arg8[%mul3A_55, %dma_start3A_202] : memref<10000x128xf32, #tpu.memory_space<vmem_shared>> -> memref<640x128xf32, #tpu.memory_space<vmem_shared>>
          %dma_start3A_204 = arith.constant 0 : i32
          %dma_start3A_205 = tpu.memref_slice %arg2[%mul3A_55, %dma_start3A_204] : memref<10000x128xf32, #tpu.memory_space<hbm>> -> memref<640x128xf32, #tpu.memory_space<hbm>>
          tpu.enqueue_dma source(%dma_start3A_205 : memref<640x128xf32, #tpu.memory_space<hbm>>) target(%dma_start3A_203 : memref<640x128xf32, #tpu.memory_space<vmem_shared>>) target_semaphore(%run_scoped3A : memref<!tpu.dma_semaphore, #tpu.memory_space<semaphore_mem>>)
          %dma_wait3A_206 = arith.constant 0 : i32
          %dma_wait3A_207 = tpu.memref_slice %arg8[%mul3A_55, %dma_wait3A_206] : memref<10000x128xf32, #tpu.memory_space<vmem_shared>> -> memref<640x128xf32, #tpu.memory_space<vmem_shared>>
          %dma_wait3A_208 = arith.constant 0 : i32
          %dma_wait3A_209 = tpu.memref_slice %arg2[%mul3A_55, %dma_wait3A_208] : memref<10000x128xf32, #tpu.memory_space<hbm>> -> memref<640x128xf32, #tpu.memory_space<hbm>>
          tpu.wait_dma2 semaphore(%run_scoped3A : memref<!tpu.dma_semaphore, #tpu.memory_space<semaphore_mem>>) src(%dma_wait3A_209 : memref<640x128xf32, #tpu.memory_space<hbm>>) dst(%dma_wait3A_207 : memref<640x128xf32, #tpu.memory_space<vmem_shared>>)
          tpu.yield
        }) : () -> ()
      } else {
      }
      %ne3A = arith.constant 0 : i32
      %ne3A_198 = arith.cmpi ne, %arg0, %ne3A : i32
      %convert_element_type3A_199 = arith.extui %ne3A_198 : i1 to i32
      %cond3A_200 = arith.constant 0 : i32
      %cond3A_201 = arith.cmpi ne, %convert_element_type3A_199, %cond3A_200 : i32
      scf.if %cond3A_201 {
        "tpu.region"() ({
          %run_scoped3A = tpu.sem_alloc : memref<!tpu.dma_semaphore, #tpu.memory_space<semaphore_mem>>
          %dma_start3A_202 = arith.constant 0 : i32
          %dma_start3A_203 = tpu.memref_slice %arg8[%mul3A_55, %dma_start3A_202] : memref<10000x128xf32, #tpu.memory_space<vmem_shared>> -> memref<640x128xf32, #tpu.memory_space<vmem_shared>>
          %dma_start3A_204 = arith.constant 0 : i32
          %dma_start3A_205 = tpu.memref_slice %arg4[%mul3A_55, %dma_start3A_204] : memref<10000x128xf32, #tpu.memory_space<hbm>> -> memref<640x128xf32, #tpu.memory_space<hbm>>
          tpu.enqueue_dma source(%dma_start3A_205 : memref<640x128xf32, #tpu.memory_space<hbm>>) target(%dma_start3A_203 : memref<640x128xf32, #tpu.memory_space<vmem_shared>>) target_semaphore(%run_scoped3A : memref<!tpu.dma_semaphore, #tpu.memory_space<semaphore_mem>>)
          %dma_wait3A_206 = arith.constant 0 : i32
          %dma_wait3A_207 = tpu.memref_slice %arg8[%mul3A_55, %dma_wait3A_206] : memref<10000x128xf32, #tpu.memory_space<vmem_shared>> -> memref<640x128xf32, #tpu.memory_space<vmem_shared>>
          %dma_wait3A_208 = arith.constant 0 : i32
          %dma_wait3A_209 = tpu.memref_slice %arg4[%mul3A_55, %dma_wait3A_208] : memref<10000x128xf32, #tpu.memory_space<hbm>> -> memref<640x128xf32, #tpu.memory_space<hbm>>
          tpu.wait_dma2 semaphore(%run_scoped3A : memref<!tpu.dma_semaphore, #tpu.memory_space<semaphore_mem>>) src(%dma_wait3A_209 : memref<640x128xf32, #tpu.memory_space<hbm>>) dst(%dma_wait3A_207 : memref<640x128xf32, #tpu.memory_space<vmem_shared>>)
          tpu.yield
        }) : () -> ()
      } else {
      }
    } else {
    }
    %dma_wait3A = arith.constant 0 : i32
    %dma_wait3A_62 = arith.constant 0 : i32
    %dma_wait3A_63 = arith.constant 0 : i32
    %dma_wait3A_64 = arith.constant 0 : i32
    %dma_wait3A_65 = tpu.memref_slice %arg6[%dma_wait3A_62, %dma_wait3A_63, %dma_wait3A_64] : memref<4x2x80xi32, #tpu.memory_space<vmem>> -> memref<1x2x80xi32, #tpu.memory_space<vmem>>
    %dma_wait3A_66 = tpu.memref_squeeze %dma_wait3A_65 : memref<1x2x80xi32, #tpu.memory_space<vmem>> -> memref<2x80xi32, #tpu.memory_space<vmem>>
    %dma_wait3A_67 = arith.constant 0 : i32
    %dma_wait3A_68 = arith.constant 0 : i32
    %dma_wait3A_69 = tpu.memref_slice %arg3[%add3A, %dma_wait3A, %dma_wait3A_67, %dma_wait3A_68] : memref<32x125x2x80xi32, #tpu.memory_space<hbm>> -> memref<1x1x2x80xi32, #tpu.memory_space<hbm>>
    %dma_wait3A_70 = tpu.memref_squeeze %dma_wait3A_69 : memref<1x1x2x80xi32, #tpu.memory_space<hbm>> -> memref<2x80xi32, #tpu.memory_space<hbm>>
    %dma_wait3A_71 = arith.constant 0 : i32
    %dma_wait3A_72 = arith.constant 0 : i32
    %dma_wait3A_73 = tpu.memref_slice %arg6[%dma_wait3A_62, %dma_wait3A_71, %dma_wait3A_72] : memref<4x2x80xi32, #tpu.memory_space<vmem>> -> memref<1x2x80xi32, #tpu.memory_space<vmem>>
    %dma_wait3A_74 = tpu.memref_squeeze %dma_wait3A_73 : memref<1x2x80xi32, #tpu.memory_space<vmem>> -> memref<2x80xi32, #tpu.memory_space<vmem>>
    %dma_wait3A_75 = arith.constant 0 : i32
    %dma_wait3A_76 = arith.constant 0 : i32
    %dma_wait3A_77 = tpu.memref_slice %arg3[%add3A, %dma_wait3A, %dma_wait3A_75, %dma_wait3A_76] : memref<32x125x2x80xi32, #tpu.memory_space<hbm>> -> memref<1x1x2x80xi32, #tpu.memory_space<hbm>>
    %dma_wait3A_78 = tpu.memref_squeeze %dma_wait3A_77 : memref<1x1x2x80xi32, #tpu.memory_space<hbm>> -> memref<2x80xi32, #tpu.memory_space<hbm>>
    tpu.wait_dma2 semaphore(%arg9 : memref<!tpu.dma_semaphore, #tpu.memory_space<semaphore_mem>>) src(%dma_wait3A_78 : memref<2x80xi32, #tpu.memory_space<hbm>>) dst(%dma_wait3A_74 : memref<2x80xi32, #tpu.memory_space<vmem>>)
    %dma_start3A_79 = arith.constant 0 : i32
    %dma_start3A_80 = arith.constant 0 : i32
    %dma_start3A_81 = arith.constant 0 : i32
    %dma_start3A_82 = arith.constant 0 : i32
    %dma_start3A_83 = arith.constant 0 : i32
    %dma_start3A_84 = tpu.memref_slice %arg7[%dma_start3A_81, %dma_start3A_82, %dma_start3A_83] : memref<4x80x128xf32, #tpu.memory_space<vmem>> -> memref<1x80x128xf32, #tpu.memory_space<vmem>>
    %dma_start3A_85 = tpu.memref_squeeze %dma_start3A_84 : memref<1x80x128xf32, #tpu.memory_space<vmem>> -> memref<80x128xf32, #tpu.memory_space<vmem>>
    %dma_start3A_86 = arith.constant 0 : i32
    %dma_start3A_87 = tpu.memref_slice %arg6[%dma_start3A_79, %dma_start3A_80, %dma_start3A_86] : memref<4x2x80xi32, #tpu.memory_space<vmem>> -> memref<1x1x80xi32, #tpu.memory_space<vmem>>
    %dma_start3A_88 = tpu.memref_squeeze %dma_start3A_87 : memref<1x1x80xi32, #tpu.memory_space<vmem>> -> memref<80xi32, #tpu.memory_space<vmem>>
    %dma_start3A_89 = arith.constant 0 : i32
    %dma_start3A_90 = arith.constant 0 : i32
    %dma_start3A_91 = tpu.memref_slice %arg2[%dma_start3A_89, %dma_start3A_90] : memref<10000x128xf32, #tpu.memory_space<hbm>> -> memref<10000x128xf32, #tpu.memory_space<hbm>>
    tpu.enqueue_indirect_dma source(%dma_start3A_91 : memref<10000x128xf32, #tpu.memory_space<hbm>>) target(%dma_start3A_85 : memref<80x128xf32, #tpu.memory_space<vmem>>) offsets(%dma_start3A_88 : memref<80xi32, #tpu.memory_space<vmem>>) semaphore(%arg13 : memref<!tpu.dma_semaphore, #tpu.memory_space<semaphore_mem>>)
    %dma_wait3A_92 = arith.constant 0 : i32
    %dma_wait3A_93 = arith.constant 1 : i32
    %dma_wait3A_94 = arith.constant 0 : i32
    %dma_wait3A_95 = arith.constant 0 : i32
    %dma_wait3A_96 = tpu.memref_slice %arg6[%dma_wait3A_93, %dma_wait3A_94, %dma_wait3A_95] : memref<4x2x80xi32, #tpu.memory_space<vmem>> -> memref<1x2x80xi32, #tpu.memory_space<vmem>>
    %dma_wait3A_97 = tpu.memref_squeeze %dma_wait3A_96 : memref<1x2x80xi32, #tpu.memory_space<vmem>> -> memref<2x80xi32, #tpu.memory_space<vmem>>
    %dma_wait3A_98 = arith.constant 0 : i32
    %dma_wait3A_99 = arith.constant 0 : i32
    %dma_wait3A_100 = tpu.memref_slice %arg3[%add3A, %dma_wait3A_92, %dma_wait3A_98, %dma_wait3A_99] : memref<32x125x2x80xi32, #tpu.memory_space<hbm>> -> memref<1x1x2x80xi32, #tpu.memory_space<hbm>>
    %dma_wait3A_101 = tpu.memref_squeeze %dma_wait3A_100 : memref<1x1x2x80xi32, #tpu.memory_space<hbm>> -> memref<2x80xi32, #tpu.memory_space<hbm>>
    %dma_wait3A_102 = arith.constant 0 : i32
    %dma_wait3A_103 = arith.constant 0 : i32
    %dma_wait3A_104 = tpu.memref_slice %arg6[%dma_wait3A_93, %dma_wait3A_102, %dma_wait3A_103] : memref<4x2x80xi32, #tpu.memory_space<vmem>> -> memref<1x2x80xi32, #tpu.memory_space<vmem>>
    %dma_wait3A_105 = tpu.memref_squeeze %dma_wait3A_104 : memref<1x2x80xi32, #tpu.memory_space<vmem>> -> memref<2x80xi32, #tpu.memory_space<vmem>>
    %dma_wait3A_106 = arith.constant 0 : i32
    %dma_wait3A_107 = arith.constant 0 : i32
    %dma_wait3A_108 = tpu.memref_slice %arg3[%add3A, %dma_wait3A_92, %dma_wait3A_106, %dma_wait3A_107] : memref<32x125x2x80xi32, #tpu.memory_space<hbm>> -> memref<1x1x2x80xi32, #tpu.memory_space<hbm>>
    %dma_wait3A_109 = tpu.memref_squeeze %dma_wait3A_108 : memref<1x1x2x80xi32, #tpu.memory_space<hbm>> -> memref<2x80xi32, #tpu.memory_space<hbm>>
    tpu.wait_dma2 semaphore(%arg10 : memref<!tpu.dma_semaphore, #tpu.memory_space<semaphore_mem>>) src(%dma_wait3A_109 : memref<2x80xi32, #tpu.memory_space<hbm>>) dst(%dma_wait3A_105 : memref<2x80xi32, #tpu.memory_space<vmem>>)
    %dma_start3A_110 = arith.constant 1 : i32
    %dma_start3A_111 = arith.constant 0 : i32
    %dma_start3A_112 = arith.constant 1 : i32
    %dma_start3A_113 = arith.constant 0 : i32
    %dma_start3A_114 = arith.constant 0 : i32
    %dma_start3A_115 = tpu.memref_slice %arg7[%dma_start3A_112, %dma_start3A_113, %dma_start3A_114] : memref<4x80x128xf32, #tpu.memory_space<vmem>> -> memref<1x80x128xf32, #tpu.memory_space<vmem>>
    %dma_start3A_116 = tpu.memref_squeeze %dma_start3A_115 : memref<1x80x128xf32, #tpu.memory_space<vmem>> -> memref<80x128xf32, #tpu.memory_space<vmem>>
    %dma_start3A_117 = arith.constant 0 : i32
    %dma_start3A_118 = tpu.memref_slice %arg6[%dma_start3A_110, %dma_start3A_111, %dma_start3A_117] : memref<4x2x80xi32, #tpu.memory_space<vmem>> -> memref<1x1x80xi32, #tpu.memory_space<vmem>>
    %dma_start3A_119 = tpu.memref_squeeze %dma_start3A_118 : memref<1x1x80xi32, #tpu.memory_space<vmem>> -> memref<80xi32, #tpu.memory_space<vmem>>
    %dma_start3A_120 = arith.constant 0 : i32
    %dma_start3A_121 = arith.constant 0 : i32
    %dma_start3A_122 = tpu.memref_slice %arg2[%dma_start3A_120, %dma_start3A_121] : memref<10000x128xf32, #tpu.memory_space<hbm>> -> memref<10000x128xf32, #tpu.memory_space<hbm>>
    tpu.enqueue_indirect_dma source(%dma_start3A_122 : memref<10000x128xf32, #tpu.memory_space<hbm>>) target(%dma_start3A_116 : memref<80x128xf32, #tpu.memory_space<vmem>>) offsets(%dma_start3A_119 : memref<80xi32, #tpu.memory_space<vmem>>) semaphore(%arg14 : memref<!tpu.dma_semaphore, #tpu.memory_space<semaphore_mem>>)
    %barrier3A = arith.constant 0 : index
    tpu.barrier barrier_id(%barrier3A)
    %scan3A = arith.constant 0 : i32
    %scan3A_123 = arith.constant 0 : i32
    %scan3A_124 = arith.constant 125 : i32
    %scan3A_125 = arith.addi %scan3A_123, %scan3A_124 : i32
    %scan3A_126 = arith.constant 1 : i32
    scf.for %scan3A_193 = %scan3A_123 to %scan3A_125 step %scan3A_126  : i32 {
      %jit3A = arith.constant 4 : i32
      %eq3A_194 = arith.constant 0 : i32
      %eq3A_195 = arith.cmpi eq, %jit3A, %eq3A_194 : i32
      %jit3A_196 = arith.constant 1 : i32
      %select_n3A = arith.select %eq3A_195, %jit3A_196, %jit3A : i32
      %rem3A = arith.remsi %scan3A_193, %select_n3A : i32
      %ne3A = arith.constant 0 : i32
      %ne3A_197 = arith.cmpi ne, %rem3A, %ne3A : i32
      %lt3A_198 = arith.constant 0 : i32
      %lt3A_199 = arith.cmpi slt, %rem3A, %lt3A_198 : i32
      %lt3A_200 = arith.constant 0 : i32
      %lt3A_201 = arith.cmpi slt, %select_n3A, %lt3A_200 : i32
      %ne3A_202 = arith.xori %lt3A_199, %lt3A_201 : i1
      %and3A = arith.andi %ne3A_202, %ne3A_197 : i1
      %add3A_203 = arith.addi %rem3A, %select_n3A : i32
      %select_n3A_204 = arith.select %and3A, %add3A_203, %rem3A : i32
      %eq3A_205 = arith.constant 0 : i32
      %eq3A_206 = arith.cmpi eq, %select_n3A_204, %eq3A_205 : i32
      %convert_element_type3A_207 = arith.extui %eq3A_206 : i1 to i32
      %cond3A_208 = arith.constant 0 : i32
      %cond3A_209 = arith.cmpi ne, %convert_element_type3A_207, %cond3A_208 : i32
      scf.if %cond3A_209 {
        %add3A_273 = arith.constant 3 : i32
        %add3A_274 = arith.addi %scan3A_193, %add3A_273 : i32
        %lt3A_275 = arith.constant 125 : i32
        %lt3A_276 = arith.cmpi slt, %add3A_274, %lt3A_275 : i32
        %convert_element_type3A_277 = arith.extui %lt3A_276 : i1 to i32
        %cond3A_278 = arith.constant 0 : i32
        %cond3A_279 = arith.cmpi ne, %convert_element_type3A_277, %cond3A_278 : i32
        scf.if %cond3A_279 {
          %ge3A = arith.constant 1 : i32
          %ge3A_313 = arith.cmpi sge, %scan3A_193, %ge3A : i32
          %convert_element_type3A_314 = arith.extui %ge3A_313 : i1 to i32
          %cond3A_315 = arith.constant 0 : i32
          %cond3A_316 = arith.cmpi ne, %convert_element_type3A_314, %cond3A_315 : i32
          scf.if %cond3A_316 {
            %dma_wait3A_336 = arith.constant 3 : i32
            %dma_wait3A_337 = arith.constant 3 : i32
            %dma_wait3A_338 = arith.constant 1 : i32
            %dma_wait3A_339 = arith.constant 0 : i32
            %dma_wait3A_340 = arith.constant 0 : i32
            %dma_wait3A_341 = tpu.memref_slice %arg7[%dma_wait3A_336, %dma_wait3A_339, %dma_wait3A_340] : memref<4x80x128xf32, #tpu.memory_space<vmem>> -> memref<1x80x128xf32, #tpu.memory_space<vmem>>
            %dma_wait3A_342 = tpu.memref_squeeze %dma_wait3A_341 : memref<1x80x128xf32, #tpu.memory_space<vmem>> -> memref<80x128xf32, #tpu.memory_space<vmem>>
            %dma_wait3A_343 = arith.constant 0 : i32
            %dma_wait3A_344 = tpu.memref_slice %arg6[%dma_wait3A_337, %dma_wait3A_338, %dma_wait3A_343] : memref<4x2x80xi32, #tpu.memory_space<vmem>> -> memref<1x1x80xi32, #tpu.memory_space<vmem>>
            %dma_wait3A_345 = tpu.memref_squeeze %dma_wait3A_344 : memref<1x1x80xi32, #tpu.memory_space<vmem>> -> memref<80xi32, #tpu.memory_space<vmem>>
            %dma_wait3A_346 = arith.constant 0 : i32
            %dma_wait3A_347 = arith.constant 0 : i32
            %dma_wait3A_348 = tpu.memref_slice %arg8[%dma_wait3A_346, %dma_wait3A_347] : memref<10000x128xf32, #tpu.memory_space<vmem_shared>> -> memref<10000x128xf32, #tpu.memory_space<vmem_shared>>
            tpu.wait_indirect_dma semaphore(%arg20 : memref<!tpu.dma_semaphore, #tpu.memory_space<semaphore_mem>>) src(%dma_wait3A_342 : memref<80x128xf32, #tpu.memory_space<vmem>>) dst(%dma_wait3A_348 : memref<10000x128xf32, #tpu.memory_space<vmem_shared>>)
          } else {
          }
          %add3A_317 = arith.constant 3 : i32
          %add3A_318 = arith.addi %scan3A_193, %add3A_317 : i32
          %dma_start3A_319 = arith.constant 3 : i32
          %dma_start3A_320 = arith.constant 0 : i32
          %dma_start3A_321 = arith.constant 0 : i32
          %dma_start3A_322 = tpu.memref_slice %arg6[%dma_start3A_319, %dma_start3A_320, %dma_start3A_321] : memref<4x2x80xi32, #tpu.memory_space<vmem>> -> memref<1x2x80xi32, #tpu.memory_space<vmem>>
          %dma_start3A_323 = tpu.memref_squeeze %dma_start3A_322 : memref<1x2x80xi32, #tpu.memory_space<vmem>> -> memref<2x80xi32, #tpu.memory_space<vmem>>
          %dma_start3A_324 = arith.constant 0 : i32
          %dma_start3A_325 = arith.constant 0 : i32
          %dma_start3A_326 = tpu.memref_slice %arg3[%add3A, %add3A_318, %dma_start3A_324, %dma_start3A_325] : memref<32x125x2x80xi32, #tpu.memory_space<hbm>> -> memref<1x1x2x80xi32, #tpu.memory_space<hbm>>
          %dma_start3A_327 = tpu.memref_squeeze %dma_start3A_326 : memref<1x1x2x80xi32, #tpu.memory_space<hbm>> -> memref<2x80xi32, #tpu.memory_space<hbm>>
          %dma_start3A_328 = arith.constant 0 : i32
          %dma_start3A_329 = arith.constant 0 : i32
          %dma_start3A_330 = tpu.memref_slice %arg6[%dma_start3A_319, %dma_start3A_328, %dma_start3A_329] : memref<4x2x80xi32, #tpu.memory_space<vmem>> -> memref<1x2x80xi32, #tpu.memory_space<vmem>>
          %dma_start3A_331 = tpu.memref_squeeze %dma_start3A_330 : memref<1x2x80xi32, #tpu.memory_space<vmem>> -> memref<2x80xi32, #tpu.memory_space<vmem>>
          %dma_start3A_332 = arith.constant 0 : i32
          %dma_start3A_333 = arith.constant 0 : i32
          %dma_start3A_334 = tpu.memref_slice %arg3[%add3A, %add3A_318, %dma_start3A_332, %dma_start3A_333] : memref<32x125x2x80xi32, #tpu.memory_space<hbm>> -> memref<1x1x2x80xi32, #tpu.memory_space<hbm>>
          %dma_start3A_335 = tpu.memref_squeeze %dma_start3A_334 : memref<1x1x2x80xi32, #tpu.memory_space<hbm>> -> memref<2x80xi32, #tpu.memory_space<hbm>>
          tpu.enqueue_dma source(%dma_start3A_335 : memref<2x80xi32, #tpu.memory_space<hbm>>) target(%dma_start3A_331 : memref<2x80xi32, #tpu.memory_space<vmem>>) target_semaphore(%arg12 : memref<!tpu.dma_semaphore, #tpu.memory_space<semaphore_mem>>)
        } else {
        }
        %add3A_280 = arith.constant 2 : i32
        %add3A_281 = arith.addi %scan3A_193, %add3A_280 : i32
        %lt3A_282 = arith.constant 125 : i32
        %lt3A_283 = arith.cmpi slt, %add3A_281, %lt3A_282 : i32
        %convert_element_type3A_284 = arith.extui %lt3A_283 : i1 to i32
        %cond3A_285 = arith.constant 0 : i32
        %cond3A_286 = arith.cmpi ne, %convert_element_type3A_284, %cond3A_285 : i32
        scf.if %cond3A_286 {
          %dma_wait3A_313 = arith.constant 0 : i32
          %dma_wait3A_314 = arith.constant 2 : i32
          %dma_wait3A_315 = arith.constant 0 : i32
          %dma_wait3A_316 = arith.constant 0 : i32
          %dma_wait3A_317 = tpu.memref_slice %arg6[%dma_wait3A_314, %dma_wait3A_315, %dma_wait3A_316] : memref<4x2x80xi32, #tpu.memory_space<vmem>> -> memref<1x2x80xi32, #tpu.memory_space<vmem>>
          %dma_wait3A_318 = tpu.memref_squeeze %dma_wait3A_317 : memref<1x2x80xi32, #tpu.memory_space<vmem>> -> memref<2x80xi32, #tpu.memory_space<vmem>>
          %dma_wait3A_319 = arith.constant 0 : i32
          %dma_wait3A_320 = arith.constant 0 : i32
          %dma_wait3A_321 = tpu.memref_slice %arg3[%add3A, %dma_wait3A_313, %dma_wait3A_319, %dma_wait3A_320] : memref<32x125x2x80xi32, #tpu.memory_space<hbm>> -> memref<1x1x2x80xi32, #tpu.memory_space<hbm>>
          %dma_wait3A_322 = tpu.memref_squeeze %dma_wait3A_321 : memref<1x1x2x80xi32, #tpu.memory_space<hbm>> -> memref<2x80xi32, #tpu.memory_space<hbm>>
          %dma_wait3A_323 = arith.constant 0 : i32
          %dma_wait3A_324 = arith.constant 0 : i32
          %dma_wait3A_325 = tpu.memref_slice %arg6[%dma_wait3A_314, %dma_wait3A_323, %dma_wait3A_324] : memref<4x2x80xi32, #tpu.memory_space<vmem>> -> memref<1x2x80xi32, #tpu.memory_space<vmem>>
          %dma_wait3A_326 = tpu.memref_squeeze %dma_wait3A_325 : memref<1x2x80xi32, #tpu.memory_space<vmem>> -> memref<2x80xi32, #tpu.memory_space<vmem>>
          %dma_wait3A_327 = arith.constant 0 : i32
          %dma_wait3A_328 = arith.constant 0 : i32
          %dma_wait3A_329 = tpu.memref_slice %arg3[%add3A, %dma_wait3A_313, %dma_wait3A_327, %dma_wait3A_328] : memref<32x125x2x80xi32, #tpu.memory_space<hbm>> -> memref<1x1x2x80xi32, #tpu.memory_space<hbm>>
          %dma_wait3A_330 = tpu.memref_squeeze %dma_wait3A_329 : memref<1x1x2x80xi32, #tpu.memory_space<hbm>> -> memref<2x80xi32, #tpu.memory_space<hbm>>
          tpu.wait_dma2 semaphore(%arg11 : memref<!tpu.dma_semaphore, #tpu.memory_space<semaphore_mem>>) src(%dma_wait3A_330 : memref<2x80xi32, #tpu.memory_space<hbm>>) dst(%dma_wait3A_326 : memref<2x80xi32, #tpu.memory_space<vmem>>)
          %add3A_331 = arith.constant 2 : i32
          %add3A_332 = arith.addi %scan3A_193, %add3A_331 : i32
          %dma_start3A_333 = arith.constant 2 : i32
          %dma_start3A_334 = arith.constant 0 : i32
          %dma_start3A_335 = arith.constant 2 : i32
          %dma_start3A_336 = arith.constant 0 : i32
          %dma_start3A_337 = arith.constant 0 : i32
          %dma_start3A_338 = tpu.memref_slice %arg7[%dma_start3A_335, %dma_start3A_336, %dma_start3A_337] : memref<4x80x128xf32, #tpu.memory_space<vmem>> -> memref<1x80x128xf32, #tpu.memory_space<vmem>>
          %dma_start3A_339 = tpu.memref_squeeze %dma_start3A_338 : memref<1x80x128xf32, #tpu.memory_space<vmem>> -> memref<80x128xf32, #tpu.memory_space<vmem>>
          %dma_start3A_340 = arith.constant 0 : i32
          %dma_start3A_341 = tpu.memref_slice %arg6[%dma_start3A_333, %dma_start3A_334, %dma_start3A_340] : memref<4x2x80xi32, #tpu.memory_space<vmem>> -> memref<1x1x80xi32, #tpu.memory_space<vmem>>
          %dma_start3A_342 = tpu.memref_squeeze %dma_start3A_341 : memref<1x1x80xi32, #tpu.memory_space<vmem>> -> memref<80xi32, #tpu.memory_space<vmem>>
          %dma_start3A_343 = arith.constant 0 : i32
          %dma_start3A_344 = arith.constant 0 : i32
          %dma_start3A_345 = tpu.memref_slice %arg2[%dma_start3A_343, %dma_start3A_344] : memref<10000x128xf32, #tpu.memory_space<hbm>> -> memref<10000x128xf32, #tpu.memory_space<hbm>>
          tpu.enqueue_indirect_dma source(%dma_start3A_345 : memref<10000x128xf32, #tpu.memory_space<hbm>>) target(%dma_start3A_339 : memref<80x128xf32, #tpu.memory_space<vmem>>) offsets(%dma_start3A_342 : memref<80xi32, #tpu.memory_space<vmem>>) semaphore(%arg15 : memref<!tpu.dma_semaphore, #tpu.memory_space<semaphore_mem>>)
        } else {
        }
        %dma_wait3A_287 = arith.constant 0 : i32
        %dma_wait3A_288 = arith.constant 0 : i32
        %dma_wait3A_289 = arith.constant 0 : i32
        %dma_wait3A_290 = arith.constant 0 : i32
        %dma_wait3A_291 = arith.constant 0 : i32
        %dma_wait3A_292 = tpu.memref_slice %arg7[%dma_wait3A_289, %dma_wait3A_290, %dma_wait3A_291] : memref<4x80x128xf32, #tpu.memory_space<vmem>> -> memref<1x80x128xf32, #tpu.memory_space<vmem>>
        %dma_wait3A_293 = tpu.memref_squeeze %dma_wait3A_292 : memref<1x80x128xf32, #tpu.memory_space<vmem>> -> memref<80x128xf32, #tpu.memory_space<vmem>>
        %dma_wait3A_294 = arith.constant 0 : i32
        %dma_wait3A_295 = tpu.memref_slice %arg6[%dma_wait3A_287, %dma_wait3A_288, %dma_wait3A_294] : memref<4x2x80xi32, #tpu.memory_space<vmem>> -> memref<1x1x80xi32, #tpu.memory_space<vmem>>
        %dma_wait3A_296 = tpu.memref_squeeze %dma_wait3A_295 : memref<1x1x80xi32, #tpu.memory_space<vmem>> -> memref<80xi32, #tpu.memory_space<vmem>>
        %dma_wait3A_297 = arith.constant 0 : i32
        %dma_wait3A_298 = arith.constant 0 : i32
        %dma_wait3A_299 = tpu.memref_slice %arg2[%dma_wait3A_297, %dma_wait3A_298] : memref<10000x128xf32, #tpu.memory_space<hbm>> -> memref<10000x128xf32, #tpu.memory_space<hbm>>
        tpu.wait_indirect_dma semaphore(%arg13 : memref<!tpu.dma_semaphore, #tpu.memory_space<semaphore_mem>>) src(%dma_wait3A_299 : memref<10000x128xf32, #tpu.memory_space<hbm>>) dst(%dma_wait3A_293 : memref<80x128xf32, #tpu.memory_space<vmem>>)
        %dma_start3A_300 = arith.constant 0 : i32
        %dma_start3A_301 = arith.constant 0 : i32
        %dma_start3A_302 = arith.constant 1 : i32
        %dma_start3A_303 = arith.constant 0 : i32
        %dma_start3A_304 = arith.constant 0 : i32
        %dma_start3A_305 = tpu.memref_slice %arg7[%dma_start3A_300, %dma_start3A_303, %dma_start3A_304] : memref<4x80x128xf32, #tpu.memory_space<vmem>> -> memref<1x80x128xf32, #tpu.memory_space<vmem>>
        %dma_start3A_306 = tpu.memref_squeeze %dma_start3A_305 : memref<1x80x128xf32, #tpu.memory_space<vmem>> -> memref<80x128xf32, #tpu.memory_space<vmem>>
        %dma_start3A_307 = arith.constant 0 : i32
        %dma_start3A_308 = tpu.memref_slice %arg6[%dma_start3A_301, %dma_start3A_302, %dma_start3A_307] : memref<4x2x80xi32, #tpu.memory_space<vmem>> -> memref<1x1x80xi32, #tpu.memory_space<vmem>>
        %dma_start3A_309 = tpu.memref_squeeze %dma_start3A_308 : memref<1x1x80xi32, #tpu.memory_space<vmem>> -> memref<80xi32, #tpu.memory_space<vmem>>
        %dma_start3A_310 = arith.constant 0 : i32
        %dma_start3A_311 = arith.constant 0 : i32
        %dma_start3A_312 = tpu.memref_slice %arg8[%dma_start3A_310, %dma_start3A_311] : memref<10000x128xf32, #tpu.memory_space<vmem_shared>> -> memref<10000x128xf32, #tpu.memory_space<vmem_shared>>
        tpu.enqueue_indirect_dma source(%dma_start3A_306 : memref<80x128xf32, #tpu.memory_space<vmem>>) target(%dma_start3A_312 : memref<10000x128xf32, #tpu.memory_space<vmem_shared>>) offsets(%dma_start3A_309 : memref<80xi32, #tpu.memory_space<vmem>>) semaphore(%arg17 : memref<!tpu.dma_semaphore, #tpu.memory_space<semaphore_mem>>) {add = true}
      } else {
      }
      %jit3A_210 = arith.constant 4 : i32
      %eq3A_211 = arith.constant 0 : i32
      %eq3A_212 = arith.cmpi eq, %jit3A_210, %eq3A_211 : i32
      %jit3A_213 = arith.constant 1 : i32
      %select_n3A_214 = arith.select %eq3A_212, %jit3A_213, %jit3A_210 : i32
      %rem3A_215 = arith.remsi %scan3A_193, %select_n3A_214 : i32
      %ne3A_216 = arith.constant 0 : i32
      %ne3A_217 = arith.cmpi ne, %rem3A_215, %ne3A_216 : i32
      %lt3A_218 = arith.constant 0 : i32
      %lt3A_219 = arith.cmpi slt, %rem3A_215, %lt3A_218 : i32
      %lt3A_220 = arith.constant 0 : i32
      %lt3A_221 = arith.cmpi slt, %select_n3A_214, %lt3A_220 : i32
      %ne3A_222 = arith.xori %lt3A_219, %lt3A_221 : i1
      %and3A_223 = arith.andi %ne3A_222, %ne3A_217 : i1
      %add3A_224 = arith.addi %rem3A_215, %select_n3A_214 : i32
      %select_n3A_225 = arith.select %and3A_223, %add3A_224, %rem3A_215 : i32
      %eq3A_226 = arith.constant 1 : i32
      %eq3A_227 = arith.cmpi eq, %select_n3A_225, %eq3A_226 : i32
      %convert_element_type3A_228 = arith.extui %eq3A_227 : i1 to i32
      %cond3A_229 = arith.constant 0 : i32
      %cond3A_230 = arith.cmpi ne, %convert_element_type3A_228, %cond3A_229 : i32
      scf.if %cond3A_230 {
        %add3A_273 = arith.constant 3 : i32
        %add3A_274 = arith.addi %scan3A_193, %add3A_273 : i32
        %lt3A_275 = arith.constant 125 : i32
        %lt3A_276 = arith.cmpi slt, %add3A_274, %lt3A_275 : i32
        %convert_element_type3A_277 = arith.extui %lt3A_276 : i1 to i32
        %cond3A_278 = arith.constant 0 : i32
        %cond3A_279 = arith.cmpi ne, %convert_element_type3A_277, %cond3A_278 : i32
        scf.if %cond3A_279 {
          %ge3A = arith.constant 1 : i32
          %ge3A_313 = arith.cmpi sge, %scan3A_193, %ge3A : i32
          %convert_element_type3A_314 = arith.extui %ge3A_313 : i1 to i32
          %cond3A_315 = arith.constant 0 : i32
          %cond3A_316 = arith.cmpi ne, %convert_element_type3A_314, %cond3A_315 : i32
          scf.if %cond3A_316 {
            %dma_wait3A_336 = arith.constant 0 : i32
            %dma_wait3A_337 = arith.constant 0 : i32
            %dma_wait3A_338 = arith.constant 1 : i32
            %dma_wait3A_339 = arith.constant 0 : i32
            %dma_wait3A_340 = arith.constant 0 : i32
            %dma_wait3A_341 = tpu.memref_slice %arg7[%dma_wait3A_336, %dma_wait3A_339, %dma_wait3A_340] : memref<4x80x128xf32, #tpu.memory_space<vmem>> -> memref<1x80x128xf32, #tpu.memory_space<vmem>>
            %dma_wait3A_342 = tpu.memref_squeeze %dma_wait3A_341 : memref<1x80x128xf32, #tpu.memory_space<vmem>> -> memref<80x128xf32, #tpu.memory_space<vmem>>
            %dma_wait3A_343 = arith.constant 0 : i32
            %dma_wait3A_344 = tpu.memref_slice %arg6[%dma_wait3A_337, %dma_wait3A_338, %dma_wait3A_343] : memref<4x2x80xi32, #tpu.memory_space<vmem>> -> memref<1x1x80xi32, #tpu.memory_space<vmem>>
            %dma_wait3A_345 = tpu.memref_squeeze %dma_wait3A_344 : memref<1x1x80xi32, #tpu.memory_space<vmem>> -> memref<80xi32, #tpu.memory_space<vmem>>
            %dma_wait3A_346 = arith.constant 0 : i32
            %dma_wait3A_347 = arith.constant 0 : i32
            %dma_wait3A_348 = tpu.memref_slice %arg8[%dma_wait3A_346, %dma_wait3A_347] : memref<10000x128xf32, #tpu.memory_space<vmem_shared>> -> memref<10000x128xf32, #tpu.memory_space<vmem_shared>>
            tpu.wait_indirect_dma semaphore(%arg17 : memref<!tpu.dma_semaphore, #tpu.memory_space<semaphore_mem>>) src(%dma_wait3A_342 : memref<80x128xf32, #tpu.memory_space<vmem>>) dst(%dma_wait3A_348 : memref<10000x128xf32, #tpu.memory_space<vmem_shared>>)
          } else {
          }
          %add3A_317 = arith.constant 3 : i32
          %add3A_318 = arith.addi %scan3A_193, %add3A_317 : i32
          %dma_start3A_319 = arith.constant 0 : i32
          %dma_start3A_320 = arith.constant 0 : i32
          %dma_start3A_321 = arith.constant 0 : i32
          %dma_start3A_322 = tpu.memref_slice %arg6[%dma_start3A_319, %dma_start3A_320, %dma_start3A_321] : memref<4x2x80xi32, #tpu.memory_space<vmem>> -> memref<1x2x80xi32, #tpu.memory_space<vmem>>
          %dma_start3A_323 = tpu.memref_squeeze %dma_start3A_322 : memref<1x2x80xi32, #tpu.memory_space<vmem>> -> memref<2x80xi32, #tpu.memory_space<vmem>>
          %dma_start3A_324 = arith.constant 0 : i32
          %dma_start3A_325 = arith.constant 0 : i32
          %dma_start3A_326 = tpu.memref_slice %arg3[%add3A, %add3A_318, %dma_start3A_324, %dma_start3A_325] : memref<32x125x2x80xi32, #tpu.memory_space<hbm>> -> memref<1x1x2x80xi32, #tpu.memory_space<hbm>>
          %dma_start3A_327 = tpu.memref_squeeze %dma_start3A_326 : memref<1x1x2x80xi32, #tpu.memory_space<hbm>> -> memref<2x80xi32, #tpu.memory_space<hbm>>
          %dma_start3A_328 = arith.constant 0 : i32
          %dma_start3A_329 = arith.constant 0 : i32
          %dma_start3A_330 = tpu.memref_slice %arg6[%dma_start3A_319, %dma_start3A_328, %dma_start3A_329] : memref<4x2x80xi32, #tpu.memory_space<vmem>> -> memref<1x2x80xi32, #tpu.memory_space<vmem>>
          %dma_start3A_331 = tpu.memref_squeeze %dma_start3A_330 : memref<1x2x80xi32, #tpu.memory_space<vmem>> -> memref<2x80xi32, #tpu.memory_space<vmem>>
          %dma_start3A_332 = arith.constant 0 : i32
          %dma_start3A_333 = arith.constant 0 : i32
          %dma_start3A_334 = tpu.memref_slice %arg3[%add3A, %add3A_318, %dma_start3A_332, %dma_start3A_333] : memref<32x125x2x80xi32, #tpu.memory_space<hbm>> -> memref<1x1x2x80xi32, #tpu.memory_space<hbm>>
          %dma_start3A_335 = tpu.memref_squeeze %dma_start3A_334 : memref<1x1x2x80xi32, #tpu.memory_space<hbm>> -> memref<2x80xi32, #tpu.memory_space<hbm>>
          tpu.enqueue_dma source(%dma_start3A_335 : memref<2x80xi32, #tpu.memory_space<hbm>>) target(%dma_start3A_331 : memref<2x80xi32, #tpu.memory_space<vmem>>) target_semaphore(%arg9 : memref<!tpu.dma_semaphore, #tpu.memory_space<semaphore_mem>>)
        } else {
        }
        %add3A_280 = arith.constant 2 : i32
        %add3A_281 = arith.addi %scan3A_193, %add3A_280 : i32
        %lt3A_282 = arith.constant 125 : i32
        %lt3A_283 = arith.cmpi slt, %add3A_281, %lt3A_282 : i32
        %convert_element_type3A_284 = arith.extui %lt3A_283 : i1 to i32
        %cond3A_285 = arith.constant 0 : i32
        %cond3A_286 = arith.cmpi ne, %convert_element_type3A_284, %cond3A_285 : i32
        scf.if %cond3A_286 {
          %dma_wait3A_313 = arith.constant 0 : i32
          %dma_wait3A_314 = arith.constant 3 : i32
          %dma_wait3A_315 = arith.constant 0 : i32
          %dma_wait3A_316 = arith.constant 0 : i32
          %dma_wait3A_317 = tpu.memref_slice %arg6[%dma_wait3A_314, %dma_wait3A_315, %dma_wait3A_316] : memref<4x2x80xi32, #tpu.memory_space<vmem>> -> memref<1x2x80xi32, #tpu.memory_space<vmem>>
          %dma_wait3A_318 = tpu.memref_squeeze %dma_wait3A_317 : memref<1x2x80xi32, #tpu.memory_space<vmem>> -> memref<2x80xi32, #tpu.memory_space<vmem>>
          %dma_wait3A_319 = arith.constant 0 : i32
          %dma_wait3A_320 = arith.constant 0 : i32
          %dma_wait3A_321 = tpu.memref_slice %arg3[%add3A, %dma_wait3A_313, %dma_wait3A_319, %dma_wait3A_320] : memref<32x125x2x80xi32, #tpu.memory_space<hbm>> -> memref<1x1x2x80xi32, #tpu.memory_space<hbm>>
          %dma_wait3A_322 = tpu.memref_squeeze %dma_wait3A_321 : memref<1x1x2x80xi32, #tpu.memory_space<hbm>> -> memref<2x80xi32, #tpu.memory_space<hbm>>
          %dma_wait3A_323 = arith.constant 0 : i32
          %dma_wait3A_324 = arith.constant 0 : i32
          %dma_wait3A_325 = tpu.memref_slice %arg6[%dma_wait3A_314, %dma_wait3A_323, %dma_wait3A_324] : memref<4x2x80xi32, #tpu.memory_space<vmem>> -> memref<1x2x80xi32, #tpu.memory_space<vmem>>
          %dma_wait3A_326 = tpu.memref_squeeze %dma_wait3A_325 : memref<1x2x80xi32, #tpu.memory_space<vmem>> -> memref<2x80xi32, #tpu.memory_space<vmem>>
          %dma_wait3A_327 = arith.constant 0 : i32
          %dma_wait3A_328 = arith.constant 0 : i32
          %dma_wait3A_329 = tpu.memref_slice %arg3[%add3A, %dma_wait3A_313, %dma_wait3A_327, %dma_wait3A_328] : memref<32x125x2x80xi32, #tpu.memory_space<hbm>> -> memref<1x1x2x80xi32, #tpu.memory_space<hbm>>
          %dma_wait3A_330 = tpu.memref_squeeze %dma_wait3A_329 : memref<1x1x2x80xi32, #tpu.memory_space<hbm>> -> memref<2x80xi32, #tpu.memory_space<hbm>>
          tpu.wait_dma2 semaphore(%arg12 : memref<!tpu.dma_semaphore, #tpu.memory_space<semaphore_mem>>) src(%dma_wait3A_330 : memref<2x80xi32, #tpu.memory_space<hbm>>) dst(%dma_wait3A_326 : memref<2x80xi32, #tpu.memory_space<vmem>>)
          %add3A_331 = arith.constant 2 : i32
          %add3A_332 = arith.addi %scan3A_193, %add3A_331 : i32
          %dma_start3A_333 = arith.constant 3 : i32
          %dma_start3A_334 = arith.constant 0 : i32
          %dma_start3A_335 = arith.constant 3 : i32
          %dma_start3A_336 = arith.constant 0 : i32
          %dma_start3A_337 = arith.constant 0 : i32
          %dma_start3A_338 = tpu.memref_slice %arg7[%dma_start3A_335, %dma_start3A_336, %dma_start3A_337] : memref<4x80x128xf32, #tpu.memory_space<vmem>> -> memref<1x80x128xf32, #tpu.memory_space<vmem>>
          %dma_start3A_339 = tpu.memref_squeeze %dma_start3A_338 : memref<1x80x128xf32, #tpu.memory_space<vmem>> -> memref<80x128xf32, #tpu.memory_space<vmem>>
          %dma_start3A_340 = arith.constant 0 : i32
          %dma_start3A_341 = tpu.memref_slice %arg6[%dma_start3A_333, %dma_start3A_334, %dma_start3A_340] : memref<4x2x80xi32, #tpu.memory_space<vmem>> -> memref<1x1x80xi32, #tpu.memory_space<vmem>>
          %dma_start3A_342 = tpu.memref_squeeze %dma_start3A_341 : memref<1x1x80xi32, #tpu.memory_space<vmem>> -> memref<80xi32, #tpu.memory_space<vmem>>
          %dma_start3A_343 = arith.constant 0 : i32
          %dma_start3A_344 = arith.constant 0 : i32
          %dma_start3A_345 = tpu.memref_slice %arg2[%dma_start3A_343, %dma_start3A_344] : memref<10000x128xf32, #tpu.memory_space<hbm>> -> memref<10000x128xf32, #tpu.memory_space<hbm>>
          tpu.enqueue_indirect_dma source(%dma_start3A_345 : memref<10000x128xf32, #tpu.memory_space<hbm>>) target(%dma_start3A_339 : memref<80x128xf32, #tpu.memory_space<vmem>>) offsets(%dma_start3A_342 : memref<80xi32, #tpu.memory_space<vmem>>) semaphore(%arg16 : memref<!tpu.dma_semaphore, #tpu.memory_space<semaphore_mem>>)
        } else {
        }
        %dma_wait3A_287 = arith.constant 1 : i32
        %dma_wait3A_288 = arith.constant 0 : i32
        %dma_wait3A_289 = arith.constant 1 : i32
        %dma_wait3A_290 = arith.constant 0 : i32
        %dma_wait3A_291 = arith.constant 0 : i32
        %dma_wait3A_292 = tpu.memref_slice %arg7[%dma_wait3A_289, %dma_wait3A_290, %dma_wait3A_291] : memref<4x80x128xf32, #tpu.memory_space<vmem>> -> memref<1x80x128xf32, #tpu.memory_space<vmem>>
        %dma_wait3A_293 = tpu.memref_squeeze %dma_wait3A_292 : memref<1x80x128xf32, #tpu.memory_space<vmem>> -> memref<80x128xf32, #tpu.memory_space<vmem>>
        %dma_wait3A_294 = arith.constant 0 : i32
        %dma_wait3A_295 = tpu.memref_slice %arg6[%dma_wait3A_287, %dma_wait3A_288, %dma_wait3A_294] : memref<4x2x80xi32, #tpu.memory_space<vmem>> -> memref<1x1x80xi32, #tpu.memory_space<vmem>>
        %dma_wait3A_296 = tpu.memref_squeeze %dma_wait3A_295 : memref<1x1x80xi32, #tpu.memory_space<vmem>> -> memref<80xi32, #tpu.memory_space<vmem>>
        %dma_wait3A_297 = arith.constant 0 : i32
        %dma_wait3A_298 = arith.constant 0 : i32
        %dma_wait3A_299 = tpu.memref_slice %arg2[%dma_wait3A_297, %dma_wait3A_298] : memref<10000x128xf32, #tpu.memory_space<hbm>> -> memref<10000x128xf32, #tpu.memory_space<hbm>>
        tpu.wait_indirect_dma semaphore(%arg14 : memref<!tpu.dma_semaphore, #tpu.memory_space<semaphore_mem>>) src(%dma_wait3A_299 : memref<10000x128xf32, #tpu.memory_space<hbm>>) dst(%dma_wait3A_293 : memref<80x128xf32, #tpu.memory_space<vmem>>)
        %dma_start3A_300 = arith.constant 1 : i32
        %dma_start3A_301 = arith.constant 1 : i32
        %dma_start3A_302 = arith.constant 1 : i32
        %dma_start3A_303 = arith.constant 0 : i32
        %dma_start3A_304 = arith.constant 0 : i32
        %dma_start3A_305 = tpu.memref_slice %arg7[%dma_start3A_300, %dma_start3A_303, %dma_start3A_304] : memref<4x80x128xf32, #tpu.memory_space<vmem>> -> memref<1x80x128xf32, #tpu.memory_space<vmem>>
        %dma_start3A_306 = tpu.memref_squeeze %dma_start3A_305 : memref<1x80x128xf32, #tpu.memory_space<vmem>> -> memref<80x128xf32, #tpu.memory_space<vmem>>
        %dma_start3A_307 = arith.constant 0 : i32
        %dma_start3A_308 = tpu.memref_slice %arg6[%dma_start3A_301, %dma_start3A_302, %dma_start3A_307] : memref<4x2x80xi32, #tpu.memory_space<vmem>> -> memref<1x1x80xi32, #tpu.memory_space<vmem>>
        %dma_start3A_309 = tpu.memref_squeeze %dma_start3A_308 : memref<1x1x80xi32, #tpu.memory_space<vmem>> -> memref<80xi32, #tpu.memory_space<vmem>>
        %dma_start3A_310 = arith.constant 0 : i32
        %dma_start3A_311 = arith.constant 0 : i32
        %dma_start3A_312 = tpu.memref_slice %arg8[%dma_start3A_310, %dma_start3A_311] : memref<10000x128xf32, #tpu.memory_space<vmem_shared>> -> memref<10000x128xf32, #tpu.memory_space<vmem_shared>>
        tpu.enqueue_indirect_dma source(%dma_start3A_306 : memref<80x128xf32, #tpu.memory_space<vmem>>) target(%dma_start3A_312 : memref<10000x128xf32, #tpu.memory_space<vmem_shared>>) offsets(%dma_start3A_309 : memref<80xi32, #tpu.memory_space<vmem>>) semaphore(%arg18 : memref<!tpu.dma_semaphore, #tpu.memory_space<semaphore_mem>>) {add = true}
      } else {
      }
      %jit3A_231 = arith.constant 4 : i32
      %eq3A_232 = arith.constant 0 : i32
      %eq3A_233 = arith.cmpi eq, %jit3A_231, %eq3A_232 : i32
      %jit3A_234 = arith.constant 1 : i32
      %select_n3A_235 = arith.select %eq3A_233, %jit3A_234, %jit3A_231 : i32
      %rem3A_236 = arith.remsi %scan3A_193, %select_n3A_235 : i32
      %ne3A_237 = arith.constant 0 : i32
      %ne3A_238 = arith.cmpi ne, %rem3A_236, %ne3A_237 : i32
      %lt3A_239 = arith.constant 0 : i32
      %lt3A_240 = arith.cmpi slt, %rem3A_236, %lt3A_239 : i32
      %lt3A_241 = arith.constant 0 : i32
      %lt3A_242 = arith.cmpi slt, %select_n3A_235, %lt3A_241 : i32
      %ne3A_243 = arith.xori %lt3A_240, %lt3A_242 : i1
      %and3A_244 = arith.andi %ne3A_243, %ne3A_238 : i1
      %add3A_245 = arith.addi %rem3A_236, %select_n3A_235 : i32
      %select_n3A_246 = arith.select %and3A_244, %add3A_245, %rem3A_236 : i32
      %eq3A_247 = arith.constant 2 : i32
      %eq3A_248 = arith.cmpi eq, %select_n3A_246, %eq3A_247 : i32
      %convert_element_type3A_249 = arith.extui %eq3A_248 : i1 to i32
      %cond3A_250 = arith.constant 0 : i32
      %cond3A_251 = arith.cmpi ne, %convert_element_type3A_249, %cond3A_250 : i32
      scf.if %cond3A_251 {
        %add3A_273 = arith.constant 3 : i32
        %add3A_274 = arith.addi %scan3A_193, %add3A_273 : i32
        %lt3A_275 = arith.constant 125 : i32
        %lt3A_276 = arith.cmpi slt, %add3A_274, %lt3A_275 : i32
        %convert_element_type3A_277 = arith.extui %lt3A_276 : i1 to i32
        %cond3A_278 = arith.constant 0 : i32
        %cond3A_279 = arith.cmpi ne, %convert_element_type3A_277, %cond3A_278 : i32
        scf.if %cond3A_279 {
          %ge3A = arith.constant 1 : i32
          %ge3A_313 = arith.cmpi sge, %scan3A_193, %ge3A : i32
          %convert_element_type3A_314 = arith.extui %ge3A_313 : i1 to i32
          %cond3A_315 = arith.constant 0 : i32
          %cond3A_316 = arith.cmpi ne, %convert_element_type3A_314, %cond3A_315 : i32
          scf.if %cond3A_316 {
            %dma_wait3A_336 = arith.constant 1 : i32
            %dma_wait3A_337 = arith.constant 1 : i32
            %dma_wait3A_338 = arith.constant 1 : i32
            %dma_wait3A_339 = arith.constant 0 : i32
            %dma_wait3A_340 = arith.constant 0 : i32
            %dma_wait3A_341 = tpu.memref_slice %arg7[%dma_wait3A_336, %dma_wait3A_339, %dma_wait3A_340] : memref<4x80x128xf32, #tpu.memory_space<vmem>> -> memref<1x80x128xf32, #tpu.memory_space<vmem>>
            %dma_wait3A_342 = tpu.memref_squeeze %dma_wait3A_341 : memref<1x80x128xf32, #tpu.memory_space<vmem>> -> memref<80x128xf32, #tpu.memory_space<vmem>>
            %dma_wait3A_343 = arith.constant 0 : i32
            %dma_wait3A_344 = tpu.memref_slice %arg6[%dma_wait3A_337, %dma_wait3A_338, %dma_wait3A_343] : memref<4x2x80xi32, #tpu.memory_space<vmem>> -> memref<1x1x80xi32, #tpu.memory_space<vmem>>
            %dma_wait3A_345 = tpu.memref_squeeze %dma_wait3A_344 : memref<1x1x80xi32, #tpu.memory_space<vmem>> -> memref<80xi32, #tpu.memory_space<vmem>>
            %dma_wait3A_346 = arith.constant 0 : i32
            %dma_wait3A_347 = arith.constant 0 : i32
            %dma_wait3A_348 = tpu.memref_slice %arg8[%dma_wait3A_346, %dma_wait3A_347] : memref<10000x128xf32, #tpu.memory_space<vmem_shared>> -> memref<10000x128xf32, #tpu.memory_space<vmem_shared>>
            tpu.wait_indirect_dma semaphore(%arg18 : memref<!tpu.dma_semaphore, #tpu.memory_space<semaphore_mem>>) src(%dma_wait3A_342 : memref<80x128xf32, #tpu.memory_space<vmem>>) dst(%dma_wait3A_348 : memref<10000x128xf32, #tpu.memory_space<vmem_shared>>)
          } else {
          }
          %add3A_317 = arith.constant 3 : i32
          %add3A_318 = arith.addi %scan3A_193, %add3A_317 : i32
          %dma_start3A_319 = arith.constant 1 : i32
          %dma_start3A_320 = arith.constant 0 : i32
          %dma_start3A_321 = arith.constant 0 : i32
          %dma_start3A_322 = tpu.memref_slice %arg6[%dma_start3A_319, %dma_start3A_320, %dma_start3A_321] : memref<4x2x80xi32, #tpu.memory_space<vmem>> -> memref<1x2x80xi32, #tpu.memory_space<vmem>>
          %dma_start3A_323 = tpu.memref_squeeze %dma_start3A_322 : memref<1x2x80xi32, #tpu.memory_space<vmem>> -> memref<2x80xi32, #tpu.memory_space<vmem>>
          %dma_start3A_324 = arith.constant 0 : i32
          %dma_start3A_325 = arith.constant 0 : i32
          %dma_start3A_326 = tpu.memref_slice %arg3[%add3A, %add3A_318, %dma_start3A_324, %dma_start3A_325] : memref<32x125x2x80xi32, #tpu.memory_space<hbm>> -> memref<1x1x2x80xi32, #tpu.memory_space<hbm>>
          %dma_start3A_327 = tpu.memref_squeeze %dma_start3A_326 : memref<1x1x2x80xi32, #tpu.memory_space<hbm>> -> memref<2x80xi32, #tpu.memory_space<hbm>>
          %dma_start3A_328 = arith.constant 0 : i32
          %dma_start3A_329 = arith.constant 0 : i32
          %dma_start3A_330 = tpu.memref_slice %arg6[%dma_start3A_319, %dma_start3A_328, %dma_start3A_329] : memref<4x2x80xi32, #tpu.memory_space<vmem>> -> memref<1x2x80xi32, #tpu.memory_space<vmem>>
          %dma_start3A_331 = tpu.memref_squeeze %dma_start3A_330 : memref<1x2x80xi32, #tpu.memory_space<vmem>> -> memref<2x80xi32, #tpu.memory_space<vmem>>
          %dma_start3A_332 = arith.constant 0 : i32
          %dma_start3A_333 = arith.constant 0 : i32
          %dma_start3A_334 = tpu.memref_slice %arg3[%add3A, %add3A_318, %dma_start3A_332, %dma_start3A_333] : memref<32x125x2x80xi32, #tpu.memory_space<hbm>> -> memref<1x1x2x80xi32, #tpu.memory_space<hbm>>
          %dma_start3A_335 = tpu.memref_squeeze %dma_start3A_334 : memref<1x1x2x80xi32, #tpu.memory_space<hbm>> -> memref<2x80xi32, #tpu.memory_space<hbm>>
          tpu.enqueue_dma source(%dma_start3A_335 : memref<2x80xi32, #tpu.memory_space<hbm>>) target(%dma_start3A_331 : memref<2x80xi32, #tpu.memory_space<vmem>>) target_semaphore(%arg10 : memref<!tpu.dma_semaphore, #tpu.memory_space<semaphore_mem>>)
        } else {
        }
        %add3A_280 = arith.constant 2 : i32
        %add3A_281 = arith.addi %scan3A_193, %add3A_280 : i32
        %lt3A_282 = arith.constant 125 : i32
        %lt3A_283 = arith.cmpi slt, %add3A_281, %lt3A_282 : i32
        %convert_element_type3A_284 = arith.extui %lt3A_283 : i1 to i32
        %cond3A_285 = arith.constant 0 : i32
        %cond3A_286 = arith.cmpi ne, %convert_element_type3A_284, %cond3A_285 : i32
        scf.if %cond3A_286 {
          %dma_wait3A_313 = arith.constant 0 : i32
          %dma_wait3A_314 = arith.constant 0 : i32
          %dma_wait3A_315 = arith.constant 0 : i32
          %dma_wait3A_316 = arith.constant 0 : i32
          %dma_wait3A_317 = tpu.memref_slice %arg6[%dma_wait3A_314, %dma_wait3A_315, %dma_wait3A_316] : memref<4x2x80xi32, #tpu.memory_space<vmem>> -> memref<1x2x80xi32, #tpu.memory_space<vmem>>
          %dma_wait3A_318 = tpu.memref_squeeze %dma_wait3A_317 : memref<1x2x80xi32, #tpu.memory_space<vmem>> -> memref<2x80xi32, #tpu.memory_space<vmem>>
          %dma_wait3A_319 = arith.constant 0 : i32
          %dma_wait3A_320 = arith.constant 0 : i32
          %dma_wait3A_321 = tpu.memref_slice %arg3[%add3A, %dma_wait3A_313, %dma_wait3A_319, %dma_wait3A_320] : memref<32x125x2x80xi32, #tpu.memory_space<hbm>> -> memref<1x1x2x80xi32, #tpu.memory_space<hbm>>
          %dma_wait3A_322 = tpu.memref_squeeze %dma_wait3A_321 : memref<1x1x2x80xi32, #tpu.memory_space<hbm>> -> memref<2x80xi32, #tpu.memory_space<hbm>>
          %dma_wait3A_323 = arith.constant 0 : i32
          %dma_wait3A_324 = arith.constant 0 : i32
          %dma_wait3A_325 = tpu.memref_slice %arg6[%dma_wait3A_314, %dma_wait3A_323, %dma_wait3A_324] : memref<4x2x80xi32, #tpu.memory_space<vmem>> -> memref<1x2x80xi32, #tpu.memory_space<vmem>>
          %dma_wait3A_326 = tpu.memref_squeeze %dma_wait3A_325 : memref<1x2x80xi32, #tpu.memory_space<vmem>> -> memref<2x80xi32, #tpu.memory_space<vmem>>
          %dma_wait3A_327 = arith.constant 0 : i32
          %dma_wait3A_328 = arith.constant 0 : i32
          %dma_wait3A_329 = tpu.memref_slice %arg3[%add3A, %dma_wait3A_313, %dma_wait3A_327, %dma_wait3A_328] : memref<32x125x2x80xi32, #tpu.memory_space<hbm>> -> memref<1x1x2x80xi32, #tpu.memory_space<hbm>>
          %dma_wait3A_330 = tpu.memref_squeeze %dma_wait3A_329 : memref<1x1x2x80xi32, #tpu.memory_space<hbm>> -> memref<2x80xi32, #tpu.memory_space<hbm>>
          tpu.wait_dma2 semaphore(%arg9 : memref<!tpu.dma_semaphore, #tpu.memory_space<semaphore_mem>>) src(%dma_wait3A_330 : memref<2x80xi32, #tpu.memory_space<hbm>>) dst(%dma_wait3A_326 : memref<2x80xi32, #tpu.memory_space<vmem>>)
          %add3A_331 = arith.constant 2 : i32
          %add3A_332 = arith.addi %scan3A_193, %add3A_331 : i32
          %dma_start3A_333 = arith.constant 0 : i32
          %dma_start3A_334 = arith.constant 0 : i32
          %dma_start3A_335 = arith.constant 0 : i32
          %dma_start3A_336 = arith.constant 0 : i32
          %dma_start3A_337 = arith.constant 0 : i32
          %dma_start3A_338 = tpu.memref_slice %arg7[%dma_start3A_335, %dma_start3A_336, %dma_start3A_337] : memref<4x80x128xf32, #tpu.memory_space<vmem>> -> memref<1x80x128xf32, #tpu.memory_space<vmem>>
          %dma_start3A_339 = tpu.memref_squeeze %dma_start3A_338 : memref<1x80x128xf32, #tpu.memory_space<vmem>> -> memref<80x128xf32, #tpu.memory_space<vmem>>
          %dma_start3A_340 = arith.constant 0 : i32
          %dma_start3A_341 = tpu.memref_slice %arg6[%dma_start3A_333, %dma_start3A_334, %dma_start3A_340] : memref<4x2x80xi32, #tpu.memory_space<vmem>> -> memref<1x1x80xi32, #tpu.memory_space<vmem>>
          %dma_start3A_342 = tpu.memref_squeeze %dma_start3A_341 : memref<1x1x80xi32, #tpu.memory_space<vmem>> -> memref<80xi32, #tpu.memory_space<vmem>>
          %dma_start3A_343 = arith.constant 0 : i32
          %dma_start3A_344 = arith.constant 0 : i32
          %dma_start3A_345 = tpu.memref_slice %arg2[%dma_start3A_343, %dma_start3A_344] : memref<10000x128xf32, #tpu.memory_space<hbm>> -> memref<10000x128xf32, #tpu.memory_space<hbm>>
          tpu.enqueue_indirect_dma source(%dma_start3A_345 : memref<10000x128xf32, #tpu.memory_space<hbm>>) target(%dma_start3A_339 : memref<80x128xf32, #tpu.memory_space<vmem>>) offsets(%dma_start3A_342 : memref<80xi32, #tpu.memory_space<vmem>>) semaphore(%arg13 : memref<!tpu.dma_semaphore, #tpu.memory_space<semaphore_mem>>)
        } else {
        }
        %dma_wait3A_287 = arith.constant 2 : i32
        %dma_wait3A_288 = arith.constant 0 : i32
        %dma_wait3A_289 = arith.constant 2 : i32
        %dma_wait3A_290 = arith.constant 0 : i32
        %dma_wait3A_291 = arith.constant 0 : i32
        %dma_wait3A_292 = tpu.memref_slice %arg7[%dma_wait3A_289, %dma_wait3A_290, %dma_wait3A_291] : memref<4x80x128xf32, #tpu.memory_space<vmem>> -> memref<1x80x128xf32, #tpu.memory_space<vmem>>
        %dma_wait3A_293 = tpu.memref_squeeze %dma_wait3A_292 : memref<1x80x128xf32, #tpu.memory_space<vmem>> -> memref<80x128xf32, #tpu.memory_space<vmem>>
        %dma_wait3A_294 = arith.constant 0 : i32
        %dma_wait3A_295 = tpu.memref_slice %arg6[%dma_wait3A_287, %dma_wait3A_288, %dma_wait3A_294] : memref<4x2x80xi32, #tpu.memory_space<vmem>> -> memref<1x1x80xi32, #tpu.memory_space<vmem>>
        %dma_wait3A_296 = tpu.memref_squeeze %dma_wait3A_295 : memref<1x1x80xi32, #tpu.memory_space<vmem>> -> memref<80xi32, #tpu.memory_space<vmem>>
        %dma_wait3A_297 = arith.constant 0 : i32
        %dma_wait3A_298 = arith.constant 0 : i32
        %dma_wait3A_299 = tpu.memref_slice %arg2[%dma_wait3A_297, %dma_wait3A_298] : memref<10000x128xf32, #tpu.memory_space<hbm>> -> memref<10000x128xf32, #tpu.memory_space<hbm>>
        tpu.wait_indirect_dma semaphore(%arg15 : memref<!tpu.dma_semaphore, #tpu.memory_space<semaphore_mem>>) src(%dma_wait3A_299 : memref<10000x128xf32, #tpu.memory_space<hbm>>) dst(%dma_wait3A_293 : memref<80x128xf32, #tpu.memory_space<vmem>>)
        %dma_start3A_300 = arith.constant 2 : i32
        %dma_start3A_301 = arith.constant 2 : i32
        %dma_start3A_302 = arith.constant 1 : i32
        %dma_start3A_303 = arith.constant 0 : i32
        %dma_start3A_304 = arith.constant 0 : i32
        %dma_start3A_305 = tpu.memref_slice %arg7[%dma_start3A_300, %dma_start3A_303, %dma_start3A_304] : memref<4x80x128xf32, #tpu.memory_space<vmem>> -> memref<1x80x128xf32, #tpu.memory_space<vmem>>
        %dma_start3A_306 = tpu.memref_squeeze %dma_start3A_305 : memref<1x80x128xf32, #tpu.memory_space<vmem>> -> memref<80x128xf32, #tpu.memory_space<vmem>>
        %dma_start3A_307 = arith.constant 0 : i32
        %dma_start3A_308 = tpu.memref_slice %arg6[%dma_start3A_301, %dma_start3A_302, %dma_start3A_307] : memref<4x2x80xi32, #tpu.memory_space<vmem>> -> memref<1x1x80xi32, #tpu.memory_space<vmem>>
        %dma_start3A_309 = tpu.memref_squeeze %dma_start3A_308 : memref<1x1x80xi32, #tpu.memory_space<vmem>> -> memref<80xi32, #tpu.memory_space<vmem>>
        %dma_start3A_310 = arith.constant 0 : i32
        %dma_start3A_311 = arith.constant 0 : i32
        %dma_start3A_312 = tpu.memref_slice %arg8[%dma_start3A_310, %dma_start3A_311] : memref<10000x128xf32, #tpu.memory_space<vmem_shared>> -> memref<10000x128xf32, #tpu.memory_space<vmem_shared>>
        tpu.enqueue_indirect_dma source(%dma_start3A_306 : memref<80x128xf32, #tpu.memory_space<vmem>>) target(%dma_start3A_312 : memref<10000x128xf32, #tpu.memory_space<vmem_shared>>) offsets(%dma_start3A_309 : memref<80xi32, #tpu.memory_space<vmem>>) semaphore(%arg19 : memref<!tpu.dma_semaphore, #tpu.memory_space<semaphore_mem>>) {add = true}
      } else {
      }
      %jit3A_252 = arith.constant 4 : i32
      %eq3A_253 = arith.constant 0 : i32
      %eq3A_254 = arith.cmpi eq, %jit3A_252, %eq3A_253 : i32
      %jit3A_255 = arith.constant 1 : i32
      %select_n3A_256 = arith.select %eq3A_254, %jit3A_255, %jit3A_252 : i32
      %rem3A_257 = arith.remsi %scan3A_193, %select_n3A_256 : i32
      %ne3A_258 = arith.constant 0 : i32
      %ne3A_259 = arith.cmpi ne, %rem3A_257, %ne3A_258 : i32
      %lt3A_260 = arith.constant 0 : i32
      %lt3A_261 = arith.cmpi slt, %rem3A_257, %lt3A_260 : i32
      %lt3A_262 = arith.constant 0 : i32
      %lt3A_263 = arith.cmpi slt, %select_n3A_256, %lt3A_262 : i32
      %ne3A_264 = arith.xori %lt3A_261, %lt3A_263 : i1
      %and3A_265 = arith.andi %ne3A_264, %ne3A_259 : i1
      %add3A_266 = arith.addi %rem3A_257, %select_n3A_256 : i32
      %select_n3A_267 = arith.select %and3A_265, %add3A_266, %rem3A_257 : i32
      %eq3A_268 = arith.constant 3 : i32
      %eq3A_269 = arith.cmpi eq, %select_n3A_267, %eq3A_268 : i32
      %convert_element_type3A_270 = arith.extui %eq3A_269 : i1 to i32
      %cond3A_271 = arith.constant 0 : i32
      %cond3A_272 = arith.cmpi ne, %convert_element_type3A_270, %cond3A_271 : i32
      scf.if %cond3A_272 {
        %add3A_273 = arith.constant 3 : i32
        %add3A_274 = arith.addi %scan3A_193, %add3A_273 : i32
        %lt3A_275 = arith.constant 125 : i32
        %lt3A_276 = arith.cmpi slt, %add3A_274, %lt3A_275 : i32
        %convert_element_type3A_277 = arith.extui %lt3A_276 : i1 to i32
        %cond3A_278 = arith.constant 0 : i32
        %cond3A_279 = arith.cmpi ne, %convert_element_type3A_277, %cond3A_278 : i32
        scf.if %cond3A_279 {
          %ge3A = arith.constant 1 : i32
          %ge3A_313 = arith.cmpi sge, %scan3A_193, %ge3A : i32
          %convert_element_type3A_314 = arith.extui %ge3A_313 : i1 to i32
          %cond3A_315 = arith.constant 0 : i32
          %cond3A_316 = arith.cmpi ne, %convert_element_type3A_314, %cond3A_315 : i32
          scf.if %cond3A_316 {
            %dma_wait3A_336 = arith.constant 2 : i32
            %dma_wait3A_337 = arith.constant 2 : i32
            %dma_wait3A_338 = arith.constant 1 : i32
            %dma_wait3A_339 = arith.constant 0 : i32
            %dma_wait3A_340 = arith.constant 0 : i32
            %dma_wait3A_341 = tpu.memref_slice %arg7[%dma_wait3A_336, %dma_wait3A_339, %dma_wait3A_340] : memref<4x80x128xf32, #tpu.memory_space<vmem>> -> memref<1x80x128xf32, #tpu.memory_space<vmem>>
            %dma_wait3A_342 = tpu.memref_squeeze %dma_wait3A_341 : memref<1x80x128xf32, #tpu.memory_space<vmem>> -> memref<80x128xf32, #tpu.memory_space<vmem>>
            %dma_wait3A_343 = arith.constant 0 : i32
            %dma_wait3A_344 = tpu.memref_slice %arg6[%dma_wait3A_337, %dma_wait3A_338, %dma_wait3A_343] : memref<4x2x80xi32, #tpu.memory_space<vmem>> -> memref<1x1x80xi32, #tpu.memory_space<vmem>>
            %dma_wait3A_345 = tpu.memref_squeeze %dma_wait3A_344 : memref<1x1x80xi32, #tpu.memory_space<vmem>> -> memref<80xi32, #tpu.memory_space<vmem>>
            %dma_wait3A_346 = arith.constant 0 : i32
            %dma_wait3A_347 = arith.constant 0 : i32
            %dma_wait3A_348 = tpu.memref_slice %arg8[%dma_wait3A_346, %dma_wait3A_347] : memref<10000x128xf32, #tpu.memory_space<vmem_shared>> -> memref<10000x128xf32, #tpu.memory_space<vmem_shared>>
            tpu.wait_indirect_dma semaphore(%arg19 : memref<!tpu.dma_semaphore, #tpu.memory_space<semaphore_mem>>) src(%dma_wait3A_342 : memref<80x128xf32, #tpu.memory_space<vmem>>) dst(%dma_wait3A_348 : memref<10000x128xf32, #tpu.memory_space<vmem_shared>>)
          } else {
          }
          %add3A_317 = arith.constant 3 : i32
          %add3A_318 = arith.addi %scan3A_193, %add3A_317 : i32
          %dma_start3A_319 = arith.constant 2 : i32
          %dma_start3A_320 = arith.constant 0 : i32
          %dma_start3A_321 = arith.constant 0 : i32
          %dma_start3A_322 = tpu.memref_slice %arg6[%dma_start3A_319, %dma_start3A_320, %dma_start3A_321] : memref<4x2x80xi32, #tpu.memory_space<vmem>> -> memref<1x2x80xi32, #tpu.memory_space<vmem>>
          %dma_start3A_323 = tpu.memref_squeeze %dma_start3A_322 : memref<1x2x80xi32, #tpu.memory_space<vmem>> -> memref<2x80xi32, #tpu.memory_space<vmem>>
          %dma_start3A_324 = arith.constant 0 : i32
          %dma_start3A_325 = arith.constant 0 : i32
          %dma_start3A_326 = tpu.memref_slice %arg3[%add3A, %add3A_318, %dma_start3A_324, %dma_start3A_325] : memref<32x125x2x80xi32, #tpu.memory_space<hbm>> -> memref<1x1x2x80xi32, #tpu.memory_space<hbm>>
          %dma_start3A_327 = tpu.memref_squeeze %dma_start3A_326 : memref<1x1x2x80xi32, #tpu.memory_space<hbm>> -> memref<2x80xi32, #tpu.memory_space<hbm>>
          %dma_start3A_328 = arith.constant 0 : i32
          %dma_start3A_329 = arith.constant 0 : i32
          %dma_start3A_330 = tpu.memref_slice %arg6[%dma_start3A_319, %dma_start3A_328, %dma_start3A_329] : memref<4x2x80xi32, #tpu.memory_space<vmem>> -> memref<1x2x80xi32, #tpu.memory_space<vmem>>
          %dma_start3A_331 = tpu.memref_squeeze %dma_start3A_330 : memref<1x2x80xi32, #tpu.memory_space<vmem>> -> memref<2x80xi32, #tpu.memory_space<vmem>>
          %dma_start3A_332 = arith.constant 0 : i32
          %dma_start3A_333 = arith.constant 0 : i32
          %dma_start3A_334 = tpu.memref_slice %arg3[%add3A, %add3A_318, %dma_start3A_332, %dma_start3A_333] : memref<32x125x2x80xi32, #tpu.memory_space<hbm>> -> memref<1x1x2x80xi32, #tpu.memory_space<hbm>>
          %dma_start3A_335 = tpu.memref_squeeze %dma_start3A_334 : memref<1x1x2x80xi32, #tpu.memory_space<hbm>> -> memref<2x80xi32, #tpu.memory_space<hbm>>
          tpu.enqueue_dma source(%dma_start3A_335 : memref<2x80xi32, #tpu.memory_space<hbm>>) target(%dma_start3A_331 : memref<2x80xi32, #tpu.memory_space<vmem>>) target_semaphore(%arg11 : memref<!tpu.dma_semaphore, #tpu.memory_space<semaphore_mem>>)
        } else {
        }
        %add3A_280 = arith.constant 2 : i32
        %add3A_281 = arith.addi %scan3A_193, %add3A_280 : i32
        %lt3A_282 = arith.constant 125 : i32
        %lt3A_283 = arith.cmpi slt, %add3A_281, %lt3A_282 : i32
        %convert_element_type3A_284 = arith.extui %lt3A_283 : i1 to i32
        %cond3A_285 = arith.constant 0 : i32
        %cond3A_286 = arith.cmpi ne, %convert_element_type3A_284, %cond3A_285 : i32
        scf.if %cond3A_286 {
          %dma_wait3A_313 = arith.constant 0 : i32
          %dma_wait3A_314 = arith.constant 1 : i32
          %dma_wait3A_315 = arith.constant 0 : i32
          %dma_wait3A_316 = arith.constant 0 : i32
          %dma_wait3A_317 = tpu.memref_slice %arg6[%dma_wait3A_314, %dma_wait3A_315, %dma_wait3A_316] : memref<4x2x80xi32, #tpu.memory_space<vmem>> -> memref<1x2x80xi32, #tpu.memory_space<vmem>>
          %dma_wait3A_318 = tpu.memref_squeeze %dma_wait3A_317 : memref<1x2x80xi32, #tpu.memory_space<vmem>> -> memref<2x80xi32, #tpu.memory_space<vmem>>
          %dma_wait3A_319 = arith.constant 0 : i32
          %dma_wait3A_320 = arith.constant 0 : i32
          %dma_wait3A_321 = tpu.memref_slice %arg3[%add3A, %dma_wait3A_313, %dma_wait3A_319, %dma_wait3A_320] : memref<32x125x2x80xi32, #tpu.memory_space<hbm>> -> memref<1x1x2x80xi32, #tpu.memory_space<hbm>>
          %dma_wait3A_322 = tpu.memref_squeeze %dma_wait3A_321 : memref<1x1x2x80xi32, #tpu.memory_space<hbm>> -> memref<2x80xi32, #tpu.memory_space<hbm>>
          %dma_wait3A_323 = arith.constant 0 : i32
          %dma_wait3A_324 = arith.constant 0 : i32
          %dma_wait3A_325 = tpu.memref_slice %arg6[%dma_wait3A_314, %dma_wait3A_323, %dma_wait3A_324] : memref<4x2x80xi32, #tpu.memory_space<vmem>> -> memref<1x2x80xi32, #tpu.memory_space<vmem>>
          %dma_wait3A_326 = tpu.memref_squeeze %dma_wait3A_325 : memref<1x2x80xi32, #tpu.memory_space<vmem>> -> memref<2x80xi32, #tpu.memory_space<vmem>>
          %dma_wait3A_327 = arith.constant 0 : i32
          %dma_wait3A_328 = arith.constant 0 : i32
          %dma_wait3A_329 = tpu.memref_slice %arg3[%add3A, %dma_wait3A_313, %dma_wait3A_327, %dma_wait3A_328] : memref<32x125x2x80xi32, #tpu.memory_space<hbm>> -> memref<1x1x2x80xi32, #tpu.memory_space<hbm>>
          %dma_wait3A_330 = tpu.memref_squeeze %dma_wait3A_329 : memref<1x1x2x80xi32, #tpu.memory_space<hbm>> -> memref<2x80xi32, #tpu.memory_space<hbm>>
          tpu.wait_dma2 semaphore(%arg10 : memref<!tpu.dma_semaphore, #tpu.memory_space<semaphore_mem>>) src(%dma_wait3A_330 : memref<2x80xi32, #tpu.memory_space<hbm>>) dst(%dma_wait3A_326 : memref<2x80xi32, #tpu.memory_space<vmem>>)
          %add3A_331 = arith.constant 2 : i32
          %add3A_332 = arith.addi %scan3A_193, %add3A_331 : i32
          %dma_start3A_333 = arith.constant 1 : i32
          %dma_start3A_334 = arith.constant 0 : i32
          %dma_start3A_335 = arith.constant 1 : i32
          %dma_start3A_336 = arith.constant 0 : i32
          %dma_start3A_337 = arith.constant 0 : i32
          %dma_start3A_338 = tpu.memref_slice %arg7[%dma_start3A_335, %dma_start3A_336, %dma_start3A_337] : memref<4x80x128xf32, #tpu.memory_space<vmem>> -> memref<1x80x128xf32, #tpu.memory_space<vmem>>
          %dma_start3A_339 = tpu.memref_squeeze %dma_start3A_338 : memref<1x80x128xf32, #tpu.memory_space<vmem>> -> memref<80x128xf32, #tpu.memory_space<vmem>>
          %dma_start3A_340 = arith.constant 0 : i32
          %dma_start3A_341 = tpu.memref_slice %arg6[%dma_start3A_333, %dma_start3A_334, %dma_start3A_340] : memref<4x2x80xi32, #tpu.memory_space<vmem>> -> memref<1x1x80xi32, #tpu.memory_space<vmem>>
          %dma_start3A_342 = tpu.memref_squeeze %dma_start3A_341 : memref<1x1x80xi32, #tpu.memory_space<vmem>> -> memref<80xi32, #tpu.memory_space<vmem>>
          %dma_start3A_343 = arith.constant 0 : i32
          %dma_start3A_344 = arith.constant 0 : i32
          %dma_start3A_345 = tpu.memref_slice %arg2[%dma_start3A_343, %dma_start3A_344] : memref<10000x128xf32, #tpu.memory_space<hbm>> -> memref<10000x128xf32, #tpu.memory_space<hbm>>
          tpu.enqueue_indirect_dma source(%dma_start3A_345 : memref<10000x128xf32, #tpu.memory_space<hbm>>) target(%dma_start3A_339 : memref<80x128xf32, #tpu.memory_space<vmem>>) offsets(%dma_start3A_342 : memref<80xi32, #tpu.memory_space<vmem>>) semaphore(%arg14 : memref<!tpu.dma_semaphore, #tpu.memory_space<semaphore_mem>>)
        } else {
        }
        %dma_wait3A_287 = arith.constant 3 : i32
        %dma_wait3A_288 = arith.constant 0 : i32
        %dma_wait3A_289 = arith.constant 3 : i32
        %dma_wait3A_290 = arith.constant 0 : i32
        %dma_wait3A_291 = arith.constant 0 : i32
        %dma_wait3A_292 = tpu.memref_slice %arg7[%dma_wait3A_289, %dma_wait3A_290, %dma_wait3A_291] : memref<4x80x128xf32, #tpu.memory_space<vmem>> -> memref<1x80x128xf32, #tpu.memory_space<vmem>>
        %dma_wait3A_293 = tpu.memref_squeeze %dma_wait3A_292 : memref<1x80x128xf32, #tpu.memory_space<vmem>> -> memref<80x128xf32, #tpu.memory_space<vmem>>
        %dma_wait3A_294 = arith.constant 0 : i32
        %dma_wait3A_295 = tpu.memref_slice %arg6[%dma_wait3A_287, %dma_wait3A_288, %dma_wait3A_294] : memref<4x2x80xi32, #tpu.memory_space<vmem>> -> memref<1x1x80xi32, #tpu.memory_space<vmem>>
        %dma_wait3A_296 = tpu.memref_squeeze %dma_wait3A_295 : memref<1x1x80xi32, #tpu.memory_space<vmem>> -> memref<80xi32, #tpu.memory_space<vmem>>
        %dma_wait3A_297 = arith.constant 0 : i32
        %dma_wait3A_298 = arith.constant 0 : i32
        %dma_wait3A_299 = tpu.memref_slice %arg2[%dma_wait3A_297, %dma_wait3A_298] : memref<10000x128xf32, #tpu.memory_space<hbm>> -> memref<10000x128xf32, #tpu.memory_space<hbm>>
        tpu.wait_indirect_dma semaphore(%arg16 : memref<!tpu.dma_semaphore, #tpu.memory_space<semaphore_mem>>) src(%dma_wait3A_299 : memref<10000x128xf32, #tpu.memory_space<hbm>>) dst(%dma_wait3A_293 : memref<80x128xf32, #tpu.memory_space<vmem>>)
        %dma_start3A_300 = arith.constant 3 : i32
        %dma_start3A_301 = arith.constant 3 : i32
        %dma_start3A_302 = arith.constant 1 : i32
        %dma_start3A_303 = arith.constant 0 : i32
        %dma_start3A_304 = arith.constant 0 : i32
        %dma_start3A_305 = tpu.memref_slice %arg7[%dma_start3A_300, %dma_start3A_303, %dma_start3A_304] : memref<4x80x128xf32, #tpu.memory_space<vmem>> -> memref<1x80x128xf32, #tpu.memory_space<vmem>>
        %dma_start3A_306 = tpu.memref_squeeze %dma_start3A_305 : memref<1x80x128xf32, #tpu.memory_space<vmem>> -> memref<80x128xf32, #tpu.memory_space<vmem>>
        %dma_start3A_307 = arith.constant 0 : i32
        %dma_start3A_308 = tpu.memref_slice %arg6[%dma_start3A_301, %dma_start3A_302, %dma_start3A_307] : memref<4x2x80xi32, #tpu.memory_space<vmem>> -> memref<1x1x80xi32, #tpu.memory_space<vmem>>
        %dma_start3A_309 = tpu.memref_squeeze %dma_start3A_308 : memref<1x1x80xi32, #tpu.memory_space<vmem>> -> memref<80xi32, #tpu.memory_space<vmem>>
        %dma_start3A_310 = arith.constant 0 : i32
        %dma_start3A_311 = arith.constant 0 : i32
        %dma_start3A_312 = tpu.memref_slice %arg8[%dma_start3A_310, %dma_start3A_311] : memref<10000x128xf32, #tpu.memory_space<vmem_shared>> -> memref<10000x128xf32, #tpu.memory_space<vmem_shared>>
        tpu.enqueue_indirect_dma source(%dma_start3A_306 : memref<80x128xf32, #tpu.memory_space<vmem>>) target(%dma_start3A_312 : memref<10000x128xf32, #tpu.memory_space<vmem_shared>>) offsets(%dma_start3A_309 : memref<80xi32, #tpu.memory_space<vmem>>) semaphore(%arg20 : memref<!tpu.dma_semaphore, #tpu.memory_space<semaphore_mem>>) {add = true}
      } else {
      }
    }
    %scan3A_127 = arith.constant 125 : i32
    %dma_wait3A_128 = arith.constant 0 : i32
    %dma_wait3A_129 = arith.constant 0 : i32
    %dma_wait3A_130 = arith.constant 1 : i32
    %dma_wait3A_131 = arith.constant 0 : i32
    %dma_wait3A_132 = arith.constant 0 : i32
    %dma_wait3A_133 = tpu.memref_slice %arg7[%dma_wait3A_128, %dma_wait3A_131, %dma_wait3A_132] : memref<4x80x128xf32, #tpu.memory_space<vmem>> -> memref<1x80x128xf32, #tpu.memory_space<vmem>>
    %dma_wait3A_134 = tpu.memref_squeeze %dma_wait3A_133 : memref<1x80x128xf32, #tpu.memory_space<vmem>> -> memref<80x128xf32, #tpu.memory_space<vmem>>
    %dma_wait3A_135 = arith.constant 0 : i32
    %dma_wait3A_136 = tpu.memref_slice %arg6[%dma_wait3A_129, %dma_wait3A_130, %dma_wait3A_135] : memref<4x2x80xi32, #tpu.memory_space<vmem>> -> memref<1x1x80xi32, #tpu.memory_space<vmem>>
    %dma_wait3A_137 = tpu.memref_squeeze %dma_wait3A_136 : memref<1x1x80xi32, #tpu.memory_space<vmem>> -> memref<80xi32, #tpu.memory_space<vmem>>
    %dma_wait3A_138 = arith.constant 0 : i32
    %dma_wait3A_139 = arith.constant 0 : i32
    %dma_wait3A_140 = tpu.memref_slice %arg8[%dma_wait3A_138, %dma_wait3A_139] : memref<10000x128xf32, #tpu.memory_space<vmem_shared>> -> memref<10000x128xf32, #tpu.memory_space<vmem_shared>>
    tpu.wait_indirect_dma semaphore(%arg17 : memref<!tpu.dma_semaphore, #tpu.memory_space<semaphore_mem>>) src(%dma_wait3A_134 : memref<80x128xf32, #tpu.memory_space<vmem>>) dst(%dma_wait3A_140 : memref<10000x128xf32, #tpu.memory_space<vmem_shared>>)
    %dma_wait3A_141 = arith.constant 1 : i32
    %dma_wait3A_142 = arith.constant 1 : i32
    %dma_wait3A_143 = arith.constant 1 : i32
    %dma_wait3A_144 = arith.constant 0 : i32
    %dma_wait3A_145 = arith.constant 0 : i32
    %dma_wait3A_146 = tpu.memref_slice %arg7[%dma_wait3A_141, %dma_wait3A_144, %dma_wait3A_145] : memref<4x80x128xf32, #tpu.memory_space<vmem>> -> memref<1x80x128xf32, #tpu.memory_space<vmem>>
    %dma_wait3A_147 = tpu.memref_squeeze %dma_wait3A_146 : memref<1x80x128xf32, #tpu.memory_space<vmem>> -> memref<80x128xf32, #tpu.memory_space<vmem>>
    %dma_wait3A_148 = arith.constant 0 : i32
    %dma_wait3A_149 = tpu.memref_slice %arg6[%dma_wait3A_142, %dma_wait3A_143, %dma_wait3A_148] : memref<4x2x80xi32, #tpu.memory_space<vmem>> -> memref<1x1x80xi32, #tpu.memory_space<vmem>>
    %dma_wait3A_150 = tpu.memref_squeeze %dma_wait3A_149 : memref<1x1x80xi32, #tpu.memory_space<vmem>> -> memref<80xi32, #tpu.memory_space<vmem>>
    %dma_wait3A_151 = arith.constant 0 : i32
    %dma_wait3A_152 = arith.constant 0 : i32
    %dma_wait3A_153 = tpu.memref_slice %arg8[%dma_wait3A_151, %dma_wait3A_152] : memref<10000x128xf32, #tpu.memory_space<vmem_shared>> -> memref<10000x128xf32, #tpu.memory_space<vmem_shared>>
    tpu.wait_indirect_dma semaphore(%arg18 : memref<!tpu.dma_semaphore, #tpu.memory_space<semaphore_mem>>) src(%dma_wait3A_147 : memref<80x128xf32, #tpu.memory_space<vmem>>) dst(%dma_wait3A_153 : memref<10000x128xf32, #tpu.memory_space<vmem_shared>>)
    %dma_wait3A_154 = arith.constant 2 : i32
    %dma_wait3A_155 = arith.constant 2 : i32
    %dma_wait3A_156 = arith.constant 1 : i32
    %dma_wait3A_157 = arith.constant 0 : i32
    %dma_wait3A_158 = arith.constant 0 : i32
    %dma_wait3A_159 = tpu.memref_slice %arg7[%dma_wait3A_154, %dma_wait3A_157, %dma_wait3A_158] : memref<4x80x128xf32, #tpu.memory_space<vmem>> -> memref<1x80x128xf32, #tpu.memory_space<vmem>>
    %dma_wait3A_160 = tpu.memref_squeeze %dma_wait3A_159 : memref<1x80x128xf32, #tpu.memory_space<vmem>> -> memref<80x128xf32, #tpu.memory_space<vmem>>
    %dma_wait3A_161 = arith.constant 0 : i32
    %dma_wait3A_162 = tpu.memref_slice %arg6[%dma_wait3A_155, %dma_wait3A_156, %dma_wait3A_161] : memref<4x2x80xi32, #tpu.memory_space<vmem>> -> memref<1x1x80xi32, #tpu.memory_space<vmem>>
    %dma_wait3A_163 = tpu.memref_squeeze %dma_wait3A_162 : memref<1x1x80xi32, #tpu.memory_space<vmem>> -> memref<80xi32, #tpu.memory_space<vmem>>
    %dma_wait3A_164 = arith.constant 0 : i32
    %dma_wait3A_165 = arith.constant 0 : i32
    %dma_wait3A_166 = tpu.memref_slice %arg8[%dma_wait3A_164, %dma_wait3A_165] : memref<10000x128xf32, #tpu.memory_space<vmem_shared>> -> memref<10000x128xf32, #tpu.memory_space<vmem_shared>>
    tpu.wait_indirect_dma semaphore(%arg19 : memref<!tpu.dma_semaphore, #tpu.memory_space<semaphore_mem>>) src(%dma_wait3A_160 : memref<80x128xf32, #tpu.memory_space<vmem>>) dst(%dma_wait3A_166 : memref<10000x128xf32, #tpu.memory_space<vmem_shared>>)
    %dma_wait3A_167 = arith.constant 3 : i32
    %dma_wait3A_168 = arith.constant 3 : i32
    %dma_wait3A_169 = arith.constant 1 : i32
    %dma_wait3A_170 = arith.constant 0 : i32
    %dma_wait3A_171 = arith.constant 0 : i32
    %dma_wait3A_172 = tpu.memref_slice %arg7[%dma_wait3A_167, %dma_wait3A_170, %dma_wait3A_171] : memref<4x80x128xf32, #tpu.memory_space<vmem>> -> memref<1x80x128xf32, #tpu.memory_space<vmem>>
    %dma_wait3A_173 = tpu.memref_squeeze %dma_wait3A_172 : memref<1x80x128xf32, #tpu.memory_space<vmem>> -> memref<80x128xf32, #tpu.memory_space<vmem>>
    %dma_wait3A_174 = arith.constant 0 : i32
    %dma_wait3A_175 = tpu.memref_slice %arg6[%dma_wait3A_168, %dma_wait3A_169, %dma_wait3A_174] : memref<4x2x80xi32, #tpu.memory_space<vmem>> -> memref<1x1x80xi32, #tpu.memory_space<vmem>>
    %dma_wait3A_176 = tpu.memref_squeeze %dma_wait3A_175 : memref<1x1x80xi32, #tpu.memory_space<vmem>> -> memref<80xi32, #tpu.memory_space<vmem>>
    %dma_wait3A_177 = arith.constant 0 : i32
    %dma_wait3A_178 = arith.constant 0 : i32
    %dma_wait3A_179 = tpu.memref_slice %arg8[%dma_wait3A_177, %dma_wait3A_178] : memref<10000x128xf32, #tpu.memory_space<vmem_shared>> -> memref<10000x128xf32, #tpu.memory_space<vmem_shared>>
    tpu.wait_indirect_dma semaphore(%arg20 : memref<!tpu.dma_semaphore, #tpu.memory_space<semaphore_mem>>) src(%dma_wait3A_173 : memref<80x128xf32, #tpu.memory_space<vmem>>) dst(%dma_wait3A_179 : memref<10000x128xf32, #tpu.memory_space<vmem_shared>>)
    %barrier3A_180 = arith.constant 0 : index
    tpu.barrier barrier_id(%barrier3A_180)
    %mul3A_181 = arith.constant 624 : i32
    %mul3A_182 = arith.muli %arg1, %mul3A_181 : i32
    %lt3A_183 = arith.constant 15 : i32
    %lt3A_184 = arith.cmpi slt, %arg1, %lt3A_183 : i32
    %convert_element_type3A_185 = arith.extui %lt3A_184 : i1 to i32
    %cond3A_186 = arith.constant 0 : i32
    %cond3A_187 = arith.cmpi ne, %convert_element_type3A_185, %cond3A_186 : i32
    scf.if %cond3A_187 {
      "tpu.region"() ({
        %run_scoped3A = tpu.sem_alloc : memref<!tpu.dma_semaphore, #tpu.memory_space<semaphore_mem>>
        %dma_start3A_193 = arith.constant 0 : i32
        %dma_start3A_194 = tpu.memref_slice %arg5[%arg0, %mul3A_182, %dma_start3A_193] : memref<2x10000x128xf32, #tpu.memory_space<hbm>> -> memref<1x624x128xf32, #tpu.memory_space<hbm>>
        %dma_start3A_195 = tpu.memref_squeeze %dma_start3A_194 : memref<1x624x128xf32, #tpu.memory_space<hbm>> -> memref<624x128xf32, #tpu.memory_space<hbm>>
        %dma_start3A_196 = arith.constant 0 : i32
        %dma_start3A_197 = tpu.memref_slice %arg8[%mul3A_182, %dma_start3A_196] : memref<10000x128xf32, #tpu.memory_space<vmem_shared>> -> memref<624x128xf32, #tpu.memory_space<vmem_shared>>
        tpu.enqueue_dma source(%dma_start3A_197 : memref<624x128xf32, #tpu.memory_space<vmem_shared>>) target(%dma_start3A_195 : memref<624x128xf32, #tpu.memory_space<hbm>>) target_semaphore(%run_scoped3A : memref<!tpu.dma_semaphore, #tpu.memory_space<semaphore_mem>>)
        %dma_wait3A_198 = arith.constant 0 : i32
        %dma_wait3A_199 = tpu.memref_slice %arg5[%arg0, %mul3A_182, %dma_wait3A_198] : memref<2x10000x128xf32, #tpu.memory_space<hbm>> -> memref<1x624x128xf32, #tpu.memory_space<hbm>>
        %dma_wait3A_200 = tpu.memref_squeeze %dma_wait3A_199 : memref<1x624x128xf32, #tpu.memory_space<hbm>> -> memref<624x128xf32, #tpu.memory_space<hbm>>
        %dma_wait3A_201 = arith.constant 0 : i32
        %dma_wait3A_202 = tpu.memref_slice %arg8[%mul3A_182, %dma_wait3A_201] : memref<10000x128xf32, #tpu.memory_space<vmem_shared>> -> memref<624x128xf32, #tpu.memory_space<vmem_shared>>
        tpu.wait_dma2 semaphore(%run_scoped3A : memref<!tpu.dma_semaphore, #tpu.memory_space<semaphore_mem>>) src(%dma_wait3A_202 : memref<624x128xf32, #tpu.memory_space<vmem_shared>>) dst(%dma_wait3A_200 : memref<624x128xf32, #tpu.memory_space<hbm>>)
        tpu.yield
      }) : () -> ()
    } else {
    }
    %eq3A_188 = arith.constant 15 : i32
    %eq3A_189 = arith.cmpi eq, %arg1, %eq3A_188 : i32
    %convert_element_type3A_190 = arith.extui %eq3A_189 : i1 to i32
    %cond3A_191 = arith.constant 0 : i32
    %cond3A_192 = arith.cmpi ne, %convert_element_type3A_190, %cond3A_191 : i32
    scf.if %cond3A_192 {
      "tpu.region"() ({
        %run_scoped3A = tpu.sem_alloc : memref<!tpu.dma_semaphore, #tpu.memory_space<semaphore_mem>>
        %dma_start3A_193 = arith.constant 0 : i32
        %dma_start3A_194 = tpu.memref_slice %arg5[%arg0, %mul3A_182, %dma_start3A_193] : memref<2x10000x128xf32, #tpu.memory_space<hbm>> -> memref<1x640x128xf32, #tpu.memory_space<hbm>>
        %dma_start3A_195 = tpu.memref_squeeze %dma_start3A_194 : memref<1x640x128xf32, #tpu.memory_space<hbm>> -> memref<640x128xf32, #tpu.memory_space<hbm>>
        %dma_start3A_196 = arith.constant 0 : i32
        %dma_start3A_197 = tpu.memref_slice %arg8[%mul3A_182, %dma_start3A_196] : memref<10000x128xf32, #tpu.memory_space<vmem_shared>> -> memref<640x128xf32, #tpu.memory_space<vmem_shared>>
        tpu.enqueue_dma source(%dma_start3A_197 : memref<640x128xf32, #tpu.memory_space<vmem_shared>>) target(%dma_start3A_195 : memref<640x128xf32, #tpu.memory_space<hbm>>) target_semaphore(%run_scoped3A : memref<!tpu.dma_semaphore, #tpu.memory_space<semaphore_mem>>)
        %dma_wait3A_198 = arith.constant 0 : i32
        %dma_wait3A_199 = tpu.memref_slice %arg5[%arg0, %mul3A_182, %dma_wait3A_198] : memref<2x10000x128xf32, #tpu.memory_space<hbm>> -> memref<1x640x128xf32, #tpu.memory_space<hbm>>
        %dma_wait3A_200 = tpu.memref_squeeze %dma_wait3A_199 : memref<1x640x128xf32, #tpu.memory_space<hbm>> -> memref<640x128xf32, #tpu.memory_space<hbm>>
        %dma_wait3A_201 = arith.constant 0 : i32
        %dma_wait3A_202 = tpu.memref_slice %arg8[%mul3A_182, %dma_wait3A_201] : memref<10000x128xf32, #tpu.memory_space<vmem_shared>> -> memref<640x128xf32, #tpu.memory_space<vmem_shared>>
        tpu.wait_dma2 semaphore(%run_scoped3A : memref<!tpu.dma_semaphore, #tpu.memory_space<semaphore_mem>>) src(%dma_wait3A_202 : memref<640x128xf32, #tpu.memory_space<vmem_shared>>) dst(%dma_wait3A_200 : memref<640x128xf32, #tpu.memory_space<hbm>>)
        tpu.yield
      }) : () -> ()
    } else {
    }
    return
  }
}

#map = affine_map<(d0, d1) -> (0, 0)>
#map1 = affine_map<(d0, d1) -> (0, 0, 0, 0)>
#map2 = affine_map<(d0, d1) -> (0, 0, 0)>
module attributes {stable_mosaic.version = 14 : i64} {
  func.func @_agg_body(%arg0: i32, %arg1: i32, %arg2: memref<10000x128xf32, #tpu.memory_space<hbm>>, %arg3: memref<32x125x2x80xi32, #tpu.memory_space<hbm>>, %arg4: memref<10000x128xf32, #tpu.memory_space<hbm>>, %arg5: memref<2x10000x128xf32, #tpu.memory_space<hbm>>, %arg6: memref<4x2x80xi32, #tpu.memory_space<vmem>>, %arg7: memref<4x80x128xf32, #tpu.memory_space<vmem>>, %arg8: memref<10000x128xf32, #tpu.memory_space<vmem_shared>>, %arg9: memref<!tpu.dma_semaphore, #tpu.memory_space<semaphore_mem>>, %arg10: memref<!tpu.dma_semaphore, #tpu.memory_space<semaphore_mem>>, %arg11: memref<!tpu.dma_semaphore, #tpu.memory_space<semaphore_mem>>, %arg12: memref<!tpu.dma_semaphore, #tpu.memory_space<semaphore_mem>>, %arg13: memref<!tpu.dma_semaphore, #tpu.memory_space<semaphore_mem>>, %arg14: memref<!tpu.dma_semaphore, #tpu.memory_space<semaphore_mem>>, %arg15: memref<!tpu.dma_semaphore, #tpu.memory_space<semaphore_mem>>, %arg16: memref<!tpu.dma_semaphore, #tpu.memory_space<semaphore_mem>>, %arg17: memref<!tpu.dma_semaphore, #tpu.memory_space<semaphore_mem>>, %arg18: memref<!tpu.dma_semaphore, #tpu.memory_space<semaphore_mem>>, %arg19: memref<!tpu.dma_semaphore, #tpu.memory_space<semaphore_mem>>, %arg20: memref<!tpu.dma_semaphore, #tpu.memory_space<semaphore_mem>>) attributes {dimension_semantics = [#tpu.dimension_semantics<core_parallel>, #tpu.dimension_semantics<subcore_parallel>], iteration_bounds = array<i64: 2, 16>, scalar_prefetch = 0 : i64, scratch_operands = 15 : i64, tpu.core_type = #tpu.core_type<sc_vector_subcore>, window_params = [{transform_indices = #map}, {transform_indices = #map1}, {transform_indices = #map}, {transform_indices = #map2}]} {
    %mul3A = arith.constant 2 : i32
    %mul3A_0 = arith.muli %arg1, %mul3A : i32
    %add3A = arith.addi %mul3A_0, %arg0 : i32
    %dma_start3A = arith.constant 0 : i32
    %dma_start3A_1 = arith.constant 0 : i32
    %dma_start3A_2 = arith.constant 0 : i32
    %dma_start3A_3 = arith.constant 0 : i32
    %dma_start3A_4 = tpu.memref_slice %arg6[%dma_start3A_1, %dma_start3A_2, %dma_start3A_3] : memref<4x2x80xi32, #tpu.memory_space<vmem>> -> memref<1x2x80xi32, #tpu.memory_space<vmem>>
    %dma_start3A_5 = tpu.memref_squeeze %dma_start3A_4 : memref<1x2x80xi32, #tpu.memory_space<vmem>> -> memref<2x80xi32, #tpu.memory_space<vmem>>
    %dma_start3A_6 = arith.constant 0 : i32
    %dma_start3A_7 = arith.constant 0 : i32
    %dma_start3A_8 = tpu.memref_slice %arg3[%add3A, %dma_start3A, %dma_start3A_6, %dma_start3A_7] : memref<32x125x2x80xi32, #tpu.memory_space<hbm>> -> memref<1x1x2x80xi32, #tpu.memory_space<hbm>>
    %dma_start3A_9 = tpu.memref_squeeze %dma_start3A_8 : memref<1x1x2x80xi32, #tpu.memory_space<hbm>> -> memref<2x80xi32, #tpu.memory_space<hbm>>
    %dma_start3A_10 = arith.constant 0 : i32
    %dma_start3A_11 = arith.constant 0 : i32
    %dma_start3A_12 = tpu.memref_slice %arg6[%dma_start3A_1, %dma_start3A_10, %dma_start3A_11] : memref<4x2x80xi32, #tpu.memory_space<vmem>> -> memref<1x2x80xi32, #tpu.memory_space<vmem>>
    %dma_start3A_13 = tpu.memref_squeeze %dma_start3A_12 : memref<1x2x80xi32, #tpu.memory_space<vmem>> -> memref<2x80xi32, #tpu.memory_space<vmem>>
    %dma_start3A_14 = arith.constant 0 : i32
    %dma_start3A_15 = arith.constant 0 : i32
    %dma_start3A_16 = tpu.memref_slice %arg3[%add3A, %dma_start3A, %dma_start3A_14, %dma_start3A_15] : memref<32x125x2x80xi32, #tpu.memory_space<hbm>> -> memref<1x1x2x80xi32, #tpu.memory_space<hbm>>
    %dma_start3A_17 = tpu.memref_squeeze %dma_start3A_16 : memref<1x1x2x80xi32, #tpu.memory_space<hbm>> -> memref<2x80xi32, #tpu.memory_space<hbm>>
    tpu.enqueue_dma source(%dma_start3A_17 : memref<2x80xi32, #tpu.memory_space<hbm>>) target(%dma_start3A_13 : memref<2x80xi32, #tpu.memory_space<vmem>>) target_semaphore(%arg9 : memref<!tpu.dma_semaphore, #tpu.memory_space<semaphore_mem>>)
    %dma_start3A_18 = arith.constant 1 : i32
    %dma_start3A_19 = arith.constant 1 : i32
    %dma_start3A_20 = arith.constant 0 : i32
    %dma_start3A_21 = arith.constant 0 : i32
    %dma_start3A_22 = tpu.memref_slice %arg6[%dma_start3A_19, %dma_start3A_20, %dma_start3A_21] : memref<4x2x80xi32, #tpu.memory_space<vmem>> -> memref<1x2x80xi32, #tpu.memory_space<vmem>>
    %dma_start3A_23 = tpu.memref_squeeze %dma_start3A_22 : memref<1x2x80xi32, #tpu.memory_space<vmem>> -> memref<2x80xi32, #tpu.memory_space<vmem>>
    %dma_start3A_24 = arith.constant 0 : i32
    %dma_start3A_25 = arith.constant 0 : i32
    %dma_start3A_26 = tpu.memref_slice %arg3[%add3A, %dma_start3A_18, %dma_start3A_24, %dma_start3A_25] : memref<32x125x2x80xi32, #tpu.memory_space<hbm>> -> memref<1x1x2x80xi32, #tpu.memory_space<hbm>>
    %dma_start3A_27 = tpu.memref_squeeze %dma_start3A_26 : memref<1x1x2x80xi32, #tpu.memory_space<hbm>> -> memref<2x80xi32, #tpu.memory_space<hbm>>
    %dma_start3A_28 = arith.constant 0 : i32
    %dma_start3A_29 = arith.constant 0 : i32
    %dma_start3A_30 = tpu.memref_slice %arg6[%dma_start3A_19, %dma_start3A_28, %dma_start3A_29] : memref<4x2x80xi32, #tpu.memory_space<vmem>> -> memref<1x2x80xi32, #tpu.memory_space<vmem>>
    %dma_start3A_31 = tpu.memref_squeeze %dma_start3A_30 : memref<1x2x80xi32, #tpu.memory_space<vmem>> -> memref<2x80xi32, #tpu.memory_space<vmem>>
    %dma_start3A_32 = arith.constant 0 : i32
    %dma_start3A_33 = arith.constant 0 : i32
    %dma_start3A_34 = tpu.memref_slice %arg3[%add3A, %dma_start3A_18, %dma_start3A_32, %dma_start3A_33] : memref<32x125x2x80xi32, #tpu.memory_space<hbm>> -> memref<1x1x2x80xi32, #tpu.memory_space<hbm>>
    %dma_start3A_35 = tpu.memref_squeeze %dma_start3A_34 : memref<1x1x2x80xi32, #tpu.memory_space<hbm>> -> memref<2x80xi32, #tpu.memory_space<hbm>>
    tpu.enqueue_dma source(%dma_start3A_35 : memref<2x80xi32, #tpu.memory_space<hbm>>) target(%dma_start3A_31 : memref<2x80xi32, #tpu.memory_space<vmem>>) target_semaphore(%arg10 : memref<!tpu.dma_semaphore, #tpu.memory_space<semaphore_mem>>)
    %dma_start3A_36 = arith.constant 2 : i32
    %dma_start3A_37 = arith.constant 2 : i32
    %dma_start3A_38 = arith.constant 0 : i32
    %dma_start3A_39 = arith.constant 0 : i32
    %dma_start3A_40 = tpu.memref_slice %arg6[%dma_start3A_37, %dma_start3A_38, %dma_start3A_39] : memref<4x2x80xi32, #tpu.memory_space<vmem>> -> memref<1x2x80xi32, #tpu.memory_space<vmem>>
    %dma_start3A_41 = tpu.memref_squeeze %dma_start3A_40 : memref<1x2x80xi32, #tpu.memory_space<vmem>> -> memref<2x80xi32, #tpu.memory_space<vmem>>
    %dma_start3A_42 = arith.constant 0 : i32
    %dma_start3A_43 = arith.constant 0 : i32
    %dma_start3A_44 = tpu.memref_slice %arg3[%add3A, %dma_start3A_36, %dma_start3A_42, %dma_start3A_43] : memref<32x125x2x80xi32, #tpu.memory_space<hbm>> -> memref<1x1x2x80xi32, #tpu.memory_space<hbm>>
    %dma_start3A_45 = tpu.memref_squeeze %dma_start3A_44 : memref<1x1x2x80xi32, #tpu.memory_space<hbm>> -> memref<2x80xi32, #tpu.memory_space<hbm>>
    %dma_start3A_46 = arith.constant 0 : i32
    %dma_start3A_47 = arith.constant 0 : i32
    %dma_start3A_48 = tpu.memref_slice %arg6[%dma_start3A_37, %dma_start3A_46, %dma_start3A_47] : memref<4x2x80xi32, #tpu.memory_space<vmem>> -> memref<1x2x80xi32, #tpu.memory_space<vmem>>
    %dma_start3A_49 = tpu.memref_squeeze %dma_start3A_48 : memref<1x2x80xi32, #tpu.memory_space<vmem>> -> memref<2x80xi32, #tpu.memory_space<vmem>>
    %dma_start3A_50 = arith.constant 0 : i32
    %dma_start3A_51 = arith.constant 0 : i32
    %dma_start3A_52 = tpu.memref_slice %arg3[%add3A, %dma_start3A_36, %dma_start3A_50, %dma_start3A_51] : memref<32x125x2x80xi32, #tpu.memory_space<hbm>> -> memref<1x1x2x80xi32, #tpu.memory_space<hbm>>
    %dma_start3A_53 = tpu.memref_squeeze %dma_start3A_52 : memref<1x1x2x80xi32, #tpu.memory_space<hbm>> -> memref<2x80xi32, #tpu.memory_space<hbm>>
    tpu.enqueue_dma source(%dma_start3A_53 : memref<2x80xi32, #tpu.memory_space<hbm>>) target(%dma_start3A_49 : memref<2x80xi32, #tpu.memory_space<vmem>>) target_semaphore(%arg11 : memref<!tpu.dma_semaphore, #tpu.memory_space<semaphore_mem>>)
    %mul3A_54 = arith.constant 624 : i32
    %mul3A_55 = arith.muli %arg1, %mul3A_54 : i32
    %lt3A = arith.constant 15 : i32
    %lt3A_56 = arith.cmpi slt, %arg1, %lt3A : i32
    %convert_element_type3A = arith.extui %lt3A_56 : i1 to i32
    %cond3A = arith.constant 0 : i32
    %cond3A_57 = arith.cmpi ne, %convert_element_type3A, %cond3A : i32
    scf.if %cond3A_57 {
      %eq3A_193 = arith.constant 0 : i32
      %eq3A_194 = arith.cmpi eq, %arg0, %eq3A_193 : i32
      %convert_element_type3A_195 = arith.extui %eq3A_194 : i1 to i32
      %cond3A_196 = arith.constant 0 : i32
      %cond3A_197 = arith.cmpi ne, %convert_element_type3A_195, %cond3A_196 : i32
      scf.if %cond3A_197 {
        "tpu.region"() ({
          %run_scoped3A = tpu.sem_alloc : memref<!tpu.dma_semaphore, #tpu.memory_space<semaphore_mem>>
          %dma_start3A_202 = arith.constant 0 : i32
          %dma_start3A_203 = tpu.memref_slice %arg8[%mul3A_55, %dma_start3A_202] : memref<10000x128xf32, #tpu.memory_space<vmem_shared>> -> memref<624x128xf32, #tpu.memory_space<vmem_shared>>
          %dma_start3A_204 = arith.constant 0 : i32
          %dma_start3A_205 = tpu.memref_slice %arg2[%mul3A_55, %dma_start3A_204] : memref<10000x128xf32, #tpu.memory_space<hbm>> -> memref<624x128xf32, #tpu.memory_space<hbm>>
          tpu.enqueue_dma source(%dma_start3A_205 : memref<624x128xf32, #tpu.memory_space<hbm>>) target(%dma_start3A_203 : memref<624x128xf32, #tpu.memory_space<vmem_shared>>) target_semaphore(%run_scoped3A : memref<!tpu.dma_semaphore, #tpu.memory_space<semaphore_mem>>)
          %dma_wait3A_206 = arith.constant 0 : i32
          %dma_wait3A_207 = tpu.memref_slice %arg8[%mul3A_55, %dma_wait3A_206] : memref<10000x128xf32, #tpu.memory_space<vmem_shared>> -> memref<624x128xf32, #tpu.memory_space<vmem_shared>>
          %dma_wait3A_208 = arith.constant 0 : i32
          %dma_wait3A_209 = tpu.memref_slice %arg2[%mul3A_55, %dma_wait3A_208] : memref<10000x128xf32, #tpu.memory_space<hbm>> -> memref<624x128xf32, #tpu.memory_space<hbm>>
          tpu.wait_dma2 semaphore(%run_scoped3A : memref<!tpu.dma_semaphore, #tpu.memory_space<semaphore_mem>>) src(%dma_wait3A_209 : memref<624x128xf32, #tpu.memory_space<hbm>>) dst(%dma_wait3A_207 : memref<624x128xf32, #tpu.memory_space<vmem_shared>>)
          tpu.yield
        }) : () -> ()
      } else {
      }
      %ne3A = arith.constant 0 : i32
      %ne3A_198 = arith.cmpi ne, %arg0, %ne3A : i32
      %convert_element_type3A_199 = arith.extui %ne3A_198 : i1 to i32
      %cond3A_200 = arith.constant 0 : i32
      %cond3A_201 = arith.cmpi ne, %convert_element_type3A_199, %cond3A_200 : i32
      scf.if %cond3A_201 {
        "tpu.region"() ({
          %run_scoped3A = tpu.sem_alloc : memref<!tpu.dma_semaphore, #tpu.memory_space<semaphore_mem>>
          %dma_start3A_202 = arith.constant 0 : i32
          %dma_start3A_203 = tpu.memref_slice %arg8[%mul3A_55, %dma_start3A_202] : memref<10000x128xf32, #tpu.memory_space<vmem_shared>> -> memref<624x128xf32, #tpu.memory_space<vmem_shared>>
          %dma_start3A_204 = arith.constant 0 : i32
          %dma_start3A_205 = tpu.memref_slice %arg4[%mul3A_55, %dma_start3A_204] : memref<10000x128xf32, #tpu.memory_space<hbm>> -> memref<624x128xf32, #tpu.memory_space<hbm>>
          tpu.enqueue_dma source(%dma_start3A_205 : memref<624x128xf32, #tpu.memory_space<hbm>>) target(%dma_start3A_203 : memref<624x128xf32, #tpu.memory_space<vmem_shared>>) target_semaphore(%run_scoped3A : memref<!tpu.dma_semaphore, #tpu.memory_space<semaphore_mem>>)
          %dma_wait3A_206 = arith.constant 0 : i32
          %dma_wait3A_207 = tpu.memref_slice %arg8[%mul3A_55, %dma_wait3A_206] : memref<10000x128xf32, #tpu.memory_space<vmem_shared>> -> memref<624x128xf32, #tpu.memory_space<vmem_shared>>
          %dma_wait3A_208 = arith.constant 0 : i32
          %dma_wait3A_209 = tpu.memref_slice %arg4[%mul3A_55, %dma_wait3A_208] : memref<10000x128xf32, #tpu.memory_space<hbm>> -> memref<624x128xf32, #tpu.memory_space<hbm>>
          tpu.wait_dma2 semaphore(%run_scoped3A : memref<!tpu.dma_semaphore, #tpu.memory_space<semaphore_mem>>) src(%dma_wait3A_209 : memref<624x128xf32, #tpu.memory_space<hbm>>) dst(%dma_wait3A_207 : memref<624x128xf32, #tpu.memory_space<vmem_shared>>)
          tpu.yield
        }) : () -> ()
      } else {
      }
    } else {
    }
    %eq3A = arith.constant 15 : i32
    %eq3A_58 = arith.cmpi eq, %arg1, %eq3A : i32
    %convert_element_type3A_59 = arith.extui %eq3A_58 : i1 to i32
    %cond3A_60 = arith.constant 0 : i32
    %cond3A_61 = arith.cmpi ne, %convert_element_type3A_59, %cond3A_60 : i32
    scf.if %cond3A_61 {
      %eq3A_193 = arith.constant 0 : i32
      %eq3A_194 = arith.cmpi eq, %arg0, %eq3A_193 : i32
      %convert_element_type3A_195 = arith.extui %eq3A_194 : i1 to i32
      %cond3A_196 = arith.constant 0 : i32
      %cond3A_197 = arith.cmpi ne, %convert_element_type3A_195, %cond3A_196 : i32
      scf.if %cond3A_197 {
        "tpu.region"() ({
          %run_scoped3A = tpu.sem_alloc : memref<!tpu.dma_semaphore, #tpu.memory_space<semaphore_mem>>
          %dma_start3A_202 = arith.constant 0 : i32
          %dma_start3A_203 = tpu.memref_slice %arg8[%mul3A_55, %dma_start3A_202] : memref<10000x128xf32, #tpu.memory_space<vmem_shared>> -> memref<640x128xf32, #tpu.memory_space<vmem_shared>>
          %dma_start3A_204 = arith.constant 0 : i32
          %dma_start3A_205 = tpu.memref_slice %arg2[%mul3A_55, %dma_start3A_204] : memref<10000x128xf32, #tpu.memory_space<hbm>> -> memref<640x128xf32, #tpu.memory_space<hbm>>
          tpu.enqueue_dma source(%dma_start3A_205 : memref<640x128xf32, #tpu.memory_space<hbm>>) target(%dma_start3A_203 : memref<640x128xf32, #tpu.memory_space<vmem_shared>>) target_semaphore(%run_scoped3A : memref<!tpu.dma_semaphore, #tpu.memory_space<semaphore_mem>>)
          %dma_wait3A_206 = arith.constant 0 : i32
          %dma_wait3A_207 = tpu.memref_slice %arg8[%mul3A_55, %dma_wait3A_206] : memref<10000x128xf32, #tpu.memory_space<vmem_shared>> -> memref<640x128xf32, #tpu.memory_space<vmem_shared>>
          %dma_wait3A_208 = arith.constant 0 : i32
          %dma_wait3A_209 = tpu.memref_slice %arg2[%mul3A_55, %dma_wait3A_208] : memref<10000x128xf32, #tpu.memory_space<hbm>> -> memref<640x128xf32, #tpu.memory_space<hbm>>
          tpu.wait_dma2 semaphore(%run_scoped3A : memref<!tpu.dma_semaphore, #tpu.memory_space<semaphore_mem>>) src(%dma_wait3A_209 : memref<640x128xf32, #tpu.memory_space<hbm>>) dst(%dma_wait3A_207 : memref<640x128xf32, #tpu.memory_space<vmem_shared>>)
          tpu.yield
        }) : () -> ()
      } else {
      }
      %ne3A = arith.constant 0 : i32
      %ne3A_198 = arith.cmpi ne, %arg0, %ne3A : i32
      %convert_element_type3A_199 = arith.extui %ne3A_198 : i1 to i32
      %cond3A_200 = arith.constant 0 : i32
      %cond3A_201 = arith.cmpi ne, %convert_element_type3A_199, %cond3A_200 : i32
      scf.if %cond3A_201 {
        "tpu.region"() ({
          %run_scoped3A = tpu.sem_alloc : memref<!tpu.dma_semaphore, #tpu.memory_space<semaphore_mem>>
          %dma_start3A_202 = arith.constant 0 : i32
          %dma_start3A_203 = tpu.memref_slice %arg8[%mul3A_55, %dma_start3A_202] : memref<10000x128xf32, #tpu.memory_space<vmem_shared>> -> memref<640x128xf32, #tpu.memory_space<vmem_shared>>
          %dma_start3A_204 = arith.constant 0 : i32
          %dma_start3A_205 = tpu.memref_slice %arg4[%mul3A_55, %dma_start3A_204] : memref<10000x128xf32, #tpu.memory_space<hbm>> -> memref<640x128xf32, #tpu.memory_space<hbm>>
          tpu.enqueue_dma source(%dma_start3A_205 : memref<640x128xf32, #tpu.memory_space<hbm>>) target(%dma_start3A_203 : memref<640x128xf32, #tpu.memory_space<vmem_shared>>) target_semaphore(%run_scoped3A : memref<!tpu.dma_semaphore, #tpu.memory_space<semaphore_mem>>)
          %dma_wait3A_206 = arith.constant 0 : i32
          %dma_wait3A_207 = tpu.memref_slice %arg8[%mul3A_55, %dma_wait3A_206] : memref<10000x128xf32, #tpu.memory_space<vmem_shared>> -> memref<640x128xf32, #tpu.memory_space<vmem_shared>>
          %dma_wait3A_208 = arith.constant 0 : i32
          %dma_wait3A_209 = tpu.memref_slice %arg4[%mul3A_55, %dma_wait3A_208] : memref<10000x128xf32, #tpu.memory_space<hbm>> -> memref<640x128xf32, #tpu.memory_space<hbm>>
          tpu.wait_dma2 semaphore(%run_scoped3A : memref<!tpu.dma_semaphore, #tpu.memory_space<semaphore_mem>>) src(%dma_wait3A_209 : memref<640x128xf32, #tpu.memory_space<hbm>>) dst(%dma_wait3A_207 : memref<640x128xf32, #tpu.memory_space<vmem_shared>>)
          tpu.yield
        }) : () -> ()
      } else {
      }
    } else {
    }
    %dma_wait3A = arith.constant 0 : i32
    %dma_wait3A_62 = arith.constant 0 : i32
    %dma_wait3A_63 = arith.constant 0 : i32
    %dma_wait3A_64 = arith.constant 0 : i32
    %dma_wait3A_65 = tpu.memref_slice %arg6[%dma_wait3A_62, %dma_wait3A_63, %dma_wait3A_64] : memref<4x2x80xi32, #tpu.memory_space<vmem>> -> memref<1x2x80xi32, #tpu.memory_space<vmem>>
    %dma_wait3A_66 = tpu.memref_squeeze %dma_wait3A_65 : memref<1x2x80xi32, #tpu.memory_space<vmem>> -> memref<2x80xi32, #tpu.memory_space<vmem>>
    %dma_wait3A_67 = arith.constant 0 : i32
    %dma_wait3A_68 = arith.constant 0 : i32
    %dma_wait3A_69 = tpu.memref_slice %arg3[%add3A, %dma_wait3A, %dma_wait3A_67, %dma_wait3A_68] : memref<32x125x2x80xi32, #tpu.memory_space<hbm>> -> memref<1x1x2x80xi32, #tpu.memory_space<hbm>>
    %dma_wait3A_70 = tpu.memref_squeeze %dma_wait3A_69 : memref<1x1x2x80xi32, #tpu.memory_space<hbm>> -> memref<2x80xi32, #tpu.memory_space<hbm>>
    %dma_wait3A_71 = arith.constant 0 : i32
    %dma_wait3A_72 = arith.constant 0 : i32
    %dma_wait3A_73 = tpu.memref_slice %arg6[%dma_wait3A_62, %dma_wait3A_71, %dma_wait3A_72] : memref<4x2x80xi32, #tpu.memory_space<vmem>> -> memref<1x2x80xi32, #tpu.memory_space<vmem>>
    %dma_wait3A_74 = tpu.memref_squeeze %dma_wait3A_73 : memref<1x2x80xi32, #tpu.memory_space<vmem>> -> memref<2x80xi32, #tpu.memory_space<vmem>>
    %dma_wait3A_75 = arith.constant 0 : i32
    %dma_wait3A_76 = arith.constant 0 : i32
    %dma_wait3A_77 = tpu.memref_slice %arg3[%add3A, %dma_wait3A, %dma_wait3A_75, %dma_wait3A_76] : memref<32x125x2x80xi32, #tpu.memory_space<hbm>> -> memref<1x1x2x80xi32, #tpu.memory_space<hbm>>
    %dma_wait3A_78 = tpu.memref_squeeze %dma_wait3A_77 : memref<1x1x2x80xi32, #tpu.memory_space<hbm>> -> memref<2x80xi32, #tpu.memory_space<hbm>>
    tpu.wait_dma2 semaphore(%arg9 : memref<!tpu.dma_semaphore, #tpu.memory_space<semaphore_mem>>) src(%dma_wait3A_78 : memref<2x80xi32, #tpu.memory_space<hbm>>) dst(%dma_wait3A_74 : memref<2x80xi32, #tpu.memory_space<vmem>>)
    %dma_start3A_79 = arith.constant 0 : i32
    %dma_start3A_80 = arith.constant 0 : i32
    %dma_start3A_81 = arith.constant 0 : i32
    %dma_start3A_82 = arith.constant 0 : i32
    %dma_start3A_83 = arith.constant 0 : i32
    %dma_start3A_84 = tpu.memref_slice %arg7[%dma_start3A_81, %dma_start3A_82, %dma_start3A_83] : memref<4x80x128xf32, #tpu.memory_space<vmem>> -> memref<1x80x128xf32, #tpu.memory_space<vmem>>
    %dma_start3A_85 = tpu.memref_squeeze %dma_start3A_84 : memref<1x80x128xf32, #tpu.memory_space<vmem>> -> memref<80x128xf32, #tpu.memory_space<vmem>>
    %dma_start3A_86 = arith.constant 0 : i32
    %dma_start3A_87 = tpu.memref_slice %arg6[%dma_start3A_79, %dma_start3A_80, %dma_start3A_86] : memref<4x2x80xi32, #tpu.memory_space<vmem>> -> memref<1x1x80xi32, #tpu.memory_space<vmem>>
    %dma_start3A_88 = tpu.memref_squeeze %dma_start3A_87 : memref<1x1x80xi32, #tpu.memory_space<vmem>> -> memref<80xi32, #tpu.memory_space<vmem>>
    %dma_start3A_89 = arith.constant 0 : i32
    %dma_start3A_90 = arith.constant 0 : i32
    %dma_start3A_91 = tpu.memref_slice %arg2[%dma_start3A_89, %dma_start3A_90] : memref<10000x128xf32, #tpu.memory_space<hbm>> -> memref<10000x128xf32, #tpu.memory_space<hbm>>
    tpu.enqueue_indirect_dma source(%dma_start3A_91 : memref<10000x128xf32, #tpu.memory_space<hbm>>) target(%dma_start3A_85 : memref<80x128xf32, #tpu.memory_space<vmem>>) offsets(%dma_start3A_88 : memref<80xi32, #tpu.memory_space<vmem>>) semaphore(%arg13 : memref<!tpu.dma_semaphore, #tpu.memory_space<semaphore_mem>>)
    %dma_wait3A_92 = arith.constant 0 : i32
    %dma_wait3A_93 = arith.constant 1 : i32
    %dma_wait3A_94 = arith.constant 0 : i32
    %dma_wait3A_95 = arith.constant 0 : i32
    %dma_wait3A_96 = tpu.memref_slice %arg6[%dma_wait3A_93, %dma_wait3A_94, %dma_wait3A_95] : memref<4x2x80xi32, #tpu.memory_space<vmem>> -> memref<1x2x80xi32, #tpu.memory_space<vmem>>
    %dma_wait3A_97 = tpu.memref_squeeze %dma_wait3A_96 : memref<1x2x80xi32, #tpu.memory_space<vmem>> -> memref<2x80xi32, #tpu.memory_space<vmem>>
    %dma_wait3A_98 = arith.constant 0 : i32
    %dma_wait3A_99 = arith.constant 0 : i32
    %dma_wait3A_100 = tpu.memref_slice %arg3[%add3A, %dma_wait3A_92, %dma_wait3A_98, %dma_wait3A_99] : memref<32x125x2x80xi32, #tpu.memory_space<hbm>> -> memref<1x1x2x80xi32, #tpu.memory_space<hbm>>
    %dma_wait3A_101 = tpu.memref_squeeze %dma_wait3A_100 : memref<1x1x2x80xi32, #tpu.memory_space<hbm>> -> memref<2x80xi32, #tpu.memory_space<hbm>>
    %dma_wait3A_102 = arith.constant 0 : i32
    %dma_wait3A_103 = arith.constant 0 : i32
    %dma_wait3A_104 = tpu.memref_slice %arg6[%dma_wait3A_93, %dma_wait3A_102, %dma_wait3A_103] : memref<4x2x80xi32, #tpu.memory_space<vmem>> -> memref<1x2x80xi32, #tpu.memory_space<vmem>>
    %dma_wait3A_105 = tpu.memref_squeeze %dma_wait3A_104 : memref<1x2x80xi32, #tpu.memory_space<vmem>> -> memref<2x80xi32, #tpu.memory_space<vmem>>
    %dma_wait3A_106 = arith.constant 0 : i32
    %dma_wait3A_107 = arith.constant 0 : i32
    %dma_wait3A_108 = tpu.memref_slice %arg3[%add3A, %dma_wait3A_92, %dma_wait3A_106, %dma_wait3A_107] : memref<32x125x2x80xi32, #tpu.memory_space<hbm>> -> memref<1x1x2x80xi32, #tpu.memory_space<hbm>>
    %dma_wait3A_109 = tpu.memref_squeeze %dma_wait3A_108 : memref<1x1x2x80xi32, #tpu.memory_space<hbm>> -> memref<2x80xi32, #tpu.memory_space<hbm>>
    tpu.wait_dma2 semaphore(%arg10 : memref<!tpu.dma_semaphore, #tpu.memory_space<semaphore_mem>>) src(%dma_wait3A_109 : memref<2x80xi32, #tpu.memory_space<hbm>>) dst(%dma_wait3A_105 : memref<2x80xi32, #tpu.memory_space<vmem>>)
    %dma_start3A_110 = arith.constant 1 : i32
    %dma_start3A_111 = arith.constant 0 : i32
    %dma_start3A_112 = arith.constant 1 : i32
    %dma_start3A_113 = arith.constant 0 : i32
    %dma_start3A_114 = arith.constant 0 : i32
    %dma_start3A_115 = tpu.memref_slice %arg7[%dma_start3A_112, %dma_start3A_113, %dma_start3A_114] : memref<4x80x128xf32, #tpu.memory_space<vmem>> -> memref<1x80x128xf32, #tpu.memory_space<vmem>>
    %dma_start3A_116 = tpu.memref_squeeze %dma_start3A_115 : memref<1x80x128xf32, #tpu.memory_space<vmem>> -> memref<80x128xf32, #tpu.memory_space<vmem>>
    %dma_start3A_117 = arith.constant 0 : i32
    %dma_start3A_118 = tpu.memref_slice %arg6[%dma_start3A_110, %dma_start3A_111, %dma_start3A_117] : memref<4x2x80xi32, #tpu.memory_space<vmem>> -> memref<1x1x80xi32, #tpu.memory_space<vmem>>
    %dma_start3A_119 = tpu.memref_squeeze %dma_start3A_118 : memref<1x1x80xi32, #tpu.memory_space<vmem>> -> memref<80xi32, #tpu.memory_space<vmem>>
    %dma_start3A_120 = arith.constant 0 : i32
    %dma_start3A_121 = arith.constant 0 : i32
    %dma_start3A_122 = tpu.memref_slice %arg2[%dma_start3A_120, %dma_start3A_121] : memref<10000x128xf32, #tpu.memory_space<hbm>> -> memref<10000x128xf32, #tpu.memory_space<hbm>>
    tpu.enqueue_indirect_dma source(%dma_start3A_122 : memref<10000x128xf32, #tpu.memory_space<hbm>>) target(%dma_start3A_116 : memref<80x128xf32, #tpu.memory_space<vmem>>) offsets(%dma_start3A_119 : memref<80xi32, #tpu.memory_space<vmem>>) semaphore(%arg14 : memref<!tpu.dma_semaphore, #tpu.memory_space<semaphore_mem>>)
    %barrier3A = arith.constant 0 : index
    tpu.barrier barrier_id(%barrier3A)
    %scan3A = arith.constant 0 : i32
    %scan3A_123 = arith.constant 0 : i32
    %scan3A_124 = arith.constant 125 : i32
    %scan3A_125 = arith.addi %scan3A_123, %scan3A_124 : i32
    %scan3A_126 = arith.constant 1 : i32
    scf.for %scan3A_193 = %scan3A_123 to %scan3A_125 step %scan3A_126  : i32 {
      %jit3A = arith.constant 4 : i32
      %eq3A_194 = arith.constant 0 : i32
      %eq3A_195 = arith.cmpi eq, %jit3A, %eq3A_194 : i32
      %jit3A_196 = arith.constant 1 : i32
      %select_n3A = arith.select %eq3A_195, %jit3A_196, %jit3A : i32
      %rem3A = arith.remsi %scan3A_193, %select_n3A : i32
      %ne3A = arith.constant 0 : i32
      %ne3A_197 = arith.cmpi ne, %rem3A, %ne3A : i32
      %lt3A_198 = arith.constant 0 : i32
      %lt3A_199 = arith.cmpi slt, %rem3A, %lt3A_198 : i32
      %lt3A_200 = arith.constant 0 : i32
      %lt3A_201 = arith.cmpi slt, %select_n3A, %lt3A_200 : i32
      %ne3A_202 = arith.xori %lt3A_199, %lt3A_201 : i1
      %and3A = arith.andi %ne3A_202, %ne3A_197 : i1
      %add3A_203 = arith.addi %rem3A, %select_n3A : i32
      %select_n3A_204 = arith.select %and3A, %add3A_203, %rem3A : i32
      %eq3A_205 = arith.constant 0 : i32
      %eq3A_206 = arith.cmpi eq, %select_n3A_204, %eq3A_205 : i32
      %convert_element_type3A_207 = arith.extui %eq3A_206 : i1 to i32
      %cond3A_208 = arith.constant 0 : i32
      %cond3A_209 = arith.cmpi ne, %convert_element_type3A_207, %cond3A_208 : i32
      scf.if %cond3A_209 {
        %add3A_273 = arith.constant 3 : i32
        %add3A_274 = arith.addi %scan3A_193, %add3A_273 : i32
        %lt3A_275 = arith.constant 125 : i32
        %lt3A_276 = arith.cmpi slt, %add3A_274, %lt3A_275 : i32
        %convert_element_type3A_277 = arith.extui %lt3A_276 : i1 to i32
        %cond3A_278 = arith.constant 0 : i32
        %cond3A_279 = arith.cmpi ne, %convert_element_type3A_277, %cond3A_278 : i32
        scf.if %cond3A_279 {
          %ge3A = arith.constant 1 : i32
          %ge3A_313 = arith.cmpi sge, %scan3A_193, %ge3A : i32
          %convert_element_type3A_314 = arith.extui %ge3A_313 : i1 to i32
          %cond3A_315 = arith.constant 0 : i32
          %cond3A_316 = arith.cmpi ne, %convert_element_type3A_314, %cond3A_315 : i32
          scf.if %cond3A_316 {
            %dma_wait3A_336 = arith.constant 3 : i32
            %dma_wait3A_337 = arith.constant 3 : i32
            %dma_wait3A_338 = arith.constant 1 : i32
            %dma_wait3A_339 = arith.constant 0 : i32
            %dma_wait3A_340 = arith.constant 0 : i32
            %dma_wait3A_341 = tpu.memref_slice %arg7[%dma_wait3A_336, %dma_wait3A_339, %dma_wait3A_340] : memref<4x80x128xf32, #tpu.memory_space<vmem>> -> memref<1x80x128xf32, #tpu.memory_space<vmem>>
            %dma_wait3A_342 = tpu.memref_squeeze %dma_wait3A_341 : memref<1x80x128xf32, #tpu.memory_space<vmem>> -> memref<80x128xf32, #tpu.memory_space<vmem>>
            %dma_wait3A_343 = arith.constant 0 : i32
            %dma_wait3A_344 = tpu.memref_slice %arg6[%dma_wait3A_337, %dma_wait3A_338, %dma_wait3A_343] : memref<4x2x80xi32, #tpu.memory_space<vmem>> -> memref<1x1x80xi32, #tpu.memory_space<vmem>>
            %dma_wait3A_345 = tpu.memref_squeeze %dma_wait3A_344 : memref<1x1x80xi32, #tpu.memory_space<vmem>> -> memref<80xi32, #tpu.memory_space<vmem>>
            %dma_wait3A_346 = arith.constant 0 : i32
            %dma_wait3A_347 = arith.constant 0 : i32
            %dma_wait3A_348 = tpu.memref_slice %arg8[%dma_wait3A_346, %dma_wait3A_347] : memref<10000x128xf32, #tpu.memory_space<vmem_shared>> -> memref<10000x128xf32, #tpu.memory_space<vmem_shared>>
            tpu.wait_indirect_dma semaphore(%arg20 : memref<!tpu.dma_semaphore, #tpu.memory_space<semaphore_mem>>) src(%dma_wait3A_342 : memref<80x128xf32, #tpu.memory_space<vmem>>) dst(%dma_wait3A_348 : memref<10000x128xf32, #tpu.memory_space<vmem_shared>>)
          } else {
          }
          %add3A_317 = arith.constant 3 : i32
          %add3A_318 = arith.addi %scan3A_193, %add3A_317 : i32
          %dma_start3A_319 = arith.constant 3 : i32
          %dma_start3A_320 = arith.constant 0 : i32
          %dma_start3A_321 = arith.constant 0 : i32
          %dma_start3A_322 = tpu.memref_slice %arg6[%dma_start3A_319, %dma_start3A_320, %dma_start3A_321] : memref<4x2x80xi32, #tpu.memory_space<vmem>> -> memref<1x2x80xi32, #tpu.memory_space<vmem>>
          %dma_start3A_323 = tpu.memref_squeeze %dma_start3A_322 : memref<1x2x80xi32, #tpu.memory_space<vmem>> -> memref<2x80xi32, #tpu.memory_space<vmem>>
          %dma_start3A_324 = arith.constant 0 : i32
          %dma_start3A_325 = arith.constant 0 : i32
          %dma_start3A_326 = tpu.memref_slice %arg3[%add3A, %add3A_318, %dma_start3A_324, %dma_start3A_325] : memref<32x125x2x80xi32, #tpu.memory_space<hbm>> -> memref<1x1x2x80xi32, #tpu.memory_space<hbm>>
          %dma_start3A_327 = tpu.memref_squeeze %dma_start3A_326 : memref<1x1x2x80xi32, #tpu.memory_space<hbm>> -> memref<2x80xi32, #tpu.memory_space<hbm>>
          %dma_start3A_328 = arith.constant 0 : i32
          %dma_start3A_329 = arith.constant 0 : i32
          %dma_start3A_330 = tpu.memref_slice %arg6[%dma_start3A_319, %dma_start3A_328, %dma_start3A_329] : memref<4x2x80xi32, #tpu.memory_space<vmem>> -> memref<1x2x80xi32, #tpu.memory_space<vmem>>
          %dma_start3A_331 = tpu.memref_squeeze %dma_start3A_330 : memref<1x2x80xi32, #tpu.memory_space<vmem>> -> memref<2x80xi32, #tpu.memory_space<vmem>>
          %dma_start3A_332 = arith.constant 0 : i32
          %dma_start3A_333 = arith.constant 0 : i32
          %dma_start3A_334 = tpu.memref_slice %arg3[%add3A, %add3A_318, %dma_start3A_332, %dma_start3A_333] : memref<32x125x2x80xi32, #tpu.memory_space<hbm>> -> memref<1x1x2x80xi32, #tpu.memory_space<hbm>>
          %dma_start3A_335 = tpu.memref_squeeze %dma_start3A_334 : memref<1x1x2x80xi32, #tpu.memory_space<hbm>> -> memref<2x80xi32, #tpu.memory_space<hbm>>
          tpu.enqueue_dma source(%dma_start3A_335 : memref<2x80xi32, #tpu.memory_space<hbm>>) target(%dma_start3A_331 : memref<2x80xi32, #tpu.memory_space<vmem>>) target_semaphore(%arg12 : memref<!tpu.dma_semaphore, #tpu.memory_space<semaphore_mem>>)
        } else {
        }
        %add3A_280 = arith.constant 2 : i32
        %add3A_281 = arith.addi %scan3A_193, %add3A_280 : i32
        %lt3A_282 = arith.constant 125 : i32
        %lt3A_283 = arith.cmpi slt, %add3A_281, %lt3A_282 : i32
        %convert_element_type3A_284 = arith.extui %lt3A_283 : i1 to i32
        %cond3A_285 = arith.constant 0 : i32
        %cond3A_286 = arith.cmpi ne, %convert_element_type3A_284, %cond3A_285 : i32
        scf.if %cond3A_286 {
          %dma_wait3A_313 = arith.constant 0 : i32
          %dma_wait3A_314 = arith.constant 2 : i32
          %dma_wait3A_315 = arith.constant 0 : i32
          %dma_wait3A_316 = arith.constant 0 : i32
          %dma_wait3A_317 = tpu.memref_slice %arg6[%dma_wait3A_314, %dma_wait3A_315, %dma_wait3A_316] : memref<4x2x80xi32, #tpu.memory_space<vmem>> -> memref<1x2x80xi32, #tpu.memory_space<vmem>>
          %dma_wait3A_318 = tpu.memref_squeeze %dma_wait3A_317 : memref<1x2x80xi32, #tpu.memory_space<vmem>> -> memref<2x80xi32, #tpu.memory_space<vmem>>
          %dma_wait3A_319 = arith.constant 0 : i32
          %dma_wait3A_320 = arith.constant 0 : i32
          %dma_wait3A_321 = tpu.memref_slice %arg3[%add3A, %dma_wait3A_313, %dma_wait3A_319, %dma_wait3A_320] : memref<32x125x2x80xi32, #tpu.memory_space<hbm>> -> memref<1x1x2x80xi32, #tpu.memory_space<hbm>>
          %dma_wait3A_322 = tpu.memref_squeeze %dma_wait3A_321 : memref<1x1x2x80xi32, #tpu.memory_space<hbm>> -> memref<2x80xi32, #tpu.memory_space<hbm>>
          %dma_wait3A_323 = arith.constant 0 : i32
          %dma_wait3A_324 = arith.constant 0 : i32
          %dma_wait3A_325 = tpu.memref_slice %arg6[%dma_wait3A_314, %dma_wait3A_323, %dma_wait3A_324] : memref<4x2x80xi32, #tpu.memory_space<vmem>> -> memref<1x2x80xi32, #tpu.memory_space<vmem>>
          %dma_wait3A_326 = tpu.memref_squeeze %dma_wait3A_325 : memref<1x2x80xi32, #tpu.memory_space<vmem>> -> memref<2x80xi32, #tpu.memory_space<vmem>>
          %dma_wait3A_327 = arith.constant 0 : i32
          %dma_wait3A_328 = arith.constant 0 : i32
          %dma_wait3A_329 = tpu.memref_slice %arg3[%add3A, %dma_wait3A_313, %dma_wait3A_327, %dma_wait3A_328] : memref<32x125x2x80xi32, #tpu.memory_space<hbm>> -> memref<1x1x2x80xi32, #tpu.memory_space<hbm>>
          %dma_wait3A_330 = tpu.memref_squeeze %dma_wait3A_329 : memref<1x1x2x80xi32, #tpu.memory_space<hbm>> -> memref<2x80xi32, #tpu.memory_space<hbm>>
          tpu.wait_dma2 semaphore(%arg11 : memref<!tpu.dma_semaphore, #tpu.memory_space<semaphore_mem>>) src(%dma_wait3A_330 : memref<2x80xi32, #tpu.memory_space<hbm>>) dst(%dma_wait3A_326 : memref<2x80xi32, #tpu.memory_space<vmem>>)
          %add3A_331 = arith.constant 2 : i32
          %add3A_332 = arith.addi %scan3A_193, %add3A_331 : i32
          %dma_start3A_333 = arith.constant 2 : i32
          %dma_start3A_334 = arith.constant 0 : i32
          %dma_start3A_335 = arith.constant 2 : i32
          %dma_start3A_336 = arith.constant 0 : i32
          %dma_start3A_337 = arith.constant 0 : i32
          %dma_start3A_338 = tpu.memref_slice %arg7[%dma_start3A_335, %dma_start3A_336, %dma_start3A_337] : memref<4x80x128xf32, #tpu.memory_space<vmem>> -> memref<1x80x128xf32, #tpu.memory_space<vmem>>
          %dma_start3A_339 = tpu.memref_squeeze %dma_start3A_338 : memref<1x80x128xf32, #tpu.memory_space<vmem>> -> memref<80x128xf32, #tpu.memory_space<vmem>>
          %dma_start3A_340 = arith.constant 0 : i32
          %dma_start3A_341 = tpu.memref_slice %arg6[%dma_start3A_333, %dma_start3A_334, %dma_start3A_340] : memref<4x2x80xi32, #tpu.memory_space<vmem>> -> memref<1x1x80xi32, #tpu.memory_space<vmem>>
          %dma_start3A_342 = tpu.memref_squeeze %dma_start3A_341 : memref<1x1x80xi32, #tpu.memory_space<vmem>> -> memref<80xi32, #tpu.memory_space<vmem>>
          %dma_start3A_343 = arith.constant 0 : i32
          %dma_start3A_344 = arith.constant 0 : i32
          %dma_start3A_345 = tpu.memref_slice %arg2[%dma_start3A_343, %dma_start3A_344] : memref<10000x128xf32, #tpu.memory_space<hbm>> -> memref<10000x128xf32, #tpu.memory_space<hbm>>
          tpu.enqueue_indirect_dma source(%dma_start3A_345 : memref<10000x128xf32, #tpu.memory_space<hbm>>) target(%dma_start3A_339 : memref<80x128xf32, #tpu.memory_space<vmem>>) offsets(%dma_start3A_342 : memref<80xi32, #tpu.memory_space<vmem>>) semaphore(%arg15 : memref<!tpu.dma_semaphore, #tpu.memory_space<semaphore_mem>>)
        } else {
        }
        %dma_wait3A_287 = arith.constant 0 : i32
        %dma_wait3A_288 = arith.constant 0 : i32
        %dma_wait3A_289 = arith.constant 0 : i32
        %dma_wait3A_290 = arith.constant 0 : i32
        %dma_wait3A_291 = arith.constant 0 : i32
        %dma_wait3A_292 = tpu.memref_slice %arg7[%dma_wait3A_289, %dma_wait3A_290, %dma_wait3A_291] : memref<4x80x128xf32, #tpu.memory_space<vmem>> -> memref<1x80x128xf32, #tpu.memory_space<vmem>>
        %dma_wait3A_293 = tpu.memref_squeeze %dma_wait3A_292 : memref<1x80x128xf32, #tpu.memory_space<vmem>> -> memref<80x128xf32, #tpu.memory_space<vmem>>
        %dma_wait3A_294 = arith.constant 0 : i32
        %dma_wait3A_295 = tpu.memref_slice %arg6[%dma_wait3A_287, %dma_wait3A_288, %dma_wait3A_294] : memref<4x2x80xi32, #tpu.memory_space<vmem>> -> memref<1x1x80xi32, #tpu.memory_space<vmem>>
        %dma_wait3A_296 = tpu.memref_squeeze %dma_wait3A_295 : memref<1x1x80xi32, #tpu.memory_space<vmem>> -> memref<80xi32, #tpu.memory_space<vmem>>
        %dma_wait3A_297 = arith.constant 0 : i32
        %dma_wait3A_298 = arith.constant 0 : i32
        %dma_wait3A_299 = tpu.memref_slice %arg2[%dma_wait3A_297, %dma_wait3A_298] : memref<10000x128xf32, #tpu.memory_space<hbm>> -> memref<10000x128xf32, #tpu.memory_space<hbm>>
        tpu.wait_indirect_dma semaphore(%arg13 : memref<!tpu.dma_semaphore, #tpu.memory_space<semaphore_mem>>) src(%dma_wait3A_299 : memref<10000x128xf32, #tpu.memory_space<hbm>>) dst(%dma_wait3A_293 : memref<80x128xf32, #tpu.memory_space<vmem>>)
        %dma_start3A_300 = arith.constant 0 : i32
        %dma_start3A_301 = arith.constant 0 : i32
        %dma_start3A_302 = arith.constant 1 : i32
        %dma_start3A_303 = arith.constant 0 : i32
        %dma_start3A_304 = arith.constant 0 : i32
        %dma_start3A_305 = tpu.memref_slice %arg7[%dma_start3A_300, %dma_start3A_303, %dma_start3A_304] : memref<4x80x128xf32, #tpu.memory_space<vmem>> -> memref<1x80x128xf32, #tpu.memory_space<vmem>>
        %dma_start3A_306 = tpu.memref_squeeze %dma_start3A_305 : memref<1x80x128xf32, #tpu.memory_space<vmem>> -> memref<80x128xf32, #tpu.memory_space<vmem>>
        %dma_start3A_307 = arith.constant 0 : i32
        %dma_start3A_308 = tpu.memref_slice %arg6[%dma_start3A_301, %dma_start3A_302, %dma_start3A_307] : memref<4x2x80xi32, #tpu.memory_space<vmem>> -> memref<1x1x80xi32, #tpu.memory_space<vmem>>
        %dma_start3A_309 = tpu.memref_squeeze %dma_start3A_308 : memref<1x1x80xi32, #tpu.memory_space<vmem>> -> memref<80xi32, #tpu.memory_space<vmem>>
        %dma_start3A_310 = arith.constant 0 : i32
        %dma_start3A_311 = arith.constant 0 : i32
        %dma_start3A_312 = tpu.memref_slice %arg8[%dma_start3A_310, %dma_start3A_311] : memref<10000x128xf32, #tpu.memory_space<vmem_shared>> -> memref<10000x128xf32, #tpu.memory_space<vmem_shared>>
        tpu.enqueue_indirect_dma source(%dma_start3A_306 : memref<80x128xf32, #tpu.memory_space<vmem>>) target(%dma_start3A_312 : memref<10000x128xf32, #tpu.memory_space<vmem_shared>>) offsets(%dma_start3A_309 : memref<80xi32, #tpu.memory_space<vmem>>) semaphore(%arg17 : memref<!tpu.dma_semaphore, #tpu.memory_space<semaphore_mem>>) {add = true}
      } else {
      }
      %jit3A_210 = arith.constant 4 : i32
      %eq3A_211 = arith.constant 0 : i32
      %eq3A_212 = arith.cmpi eq, %jit3A_210, %eq3A_211 : i32
      %jit3A_213 = arith.constant 1 : i32
      %select_n3A_214 = arith.select %eq3A_212, %jit3A_213, %jit3A_210 : i32
      %rem3A_215 = arith.remsi %scan3A_193, %select_n3A_214 : i32
      %ne3A_216 = arith.constant 0 : i32
      %ne3A_217 = arith.cmpi ne, %rem3A_215, %ne3A_216 : i32
      %lt3A_218 = arith.constant 0 : i32
      %lt3A_219 = arith.cmpi slt, %rem3A_215, %lt3A_218 : i32
      %lt3A_220 = arith.constant 0 : i32
      %lt3A_221 = arith.cmpi slt, %select_n3A_214, %lt3A_220 : i32
      %ne3A_222 = arith.xori %lt3A_219, %lt3A_221 : i1
      %and3A_223 = arith.andi %ne3A_222, %ne3A_217 : i1
      %add3A_224 = arith.addi %rem3A_215, %select_n3A_214 : i32
      %select_n3A_225 = arith.select %and3A_223, %add3A_224, %rem3A_215 : i32
      %eq3A_226 = arith.constant 1 : i32
      %eq3A_227 = arith.cmpi eq, %select_n3A_225, %eq3A_226 : i32
      %convert_element_type3A_228 = arith.extui %eq3A_227 : i1 to i32
      %cond3A_229 = arith.constant 0 : i32
      %cond3A_230 = arith.cmpi ne, %convert_element_type3A_228, %cond3A_229 : i32
      scf.if %cond3A_230 {
        %add3A_273 = arith.constant 3 : i32
        %add3A_274 = arith.addi %scan3A_193, %add3A_273 : i32
        %lt3A_275 = arith.constant 125 : i32
        %lt3A_276 = arith.cmpi slt, %add3A_274, %lt3A_275 : i32
        %convert_element_type3A_277 = arith.extui %lt3A_276 : i1 to i32
        %cond3A_278 = arith.constant 0 : i32
        %cond3A_279 = arith.cmpi ne, %convert_element_type3A_277, %cond3A_278 : i32
        scf.if %cond3A_279 {
          %ge3A = arith.constant 1 : i32
          %ge3A_313 = arith.cmpi sge, %scan3A_193, %ge3A : i32
          %convert_element_type3A_314 = arith.extui %ge3A_313 : i1 to i32
          %cond3A_315 = arith.constant 0 : i32
          %cond3A_316 = arith.cmpi ne, %convert_element_type3A_314, %cond3A_315 : i32
          scf.if %cond3A_316 {
            %dma_wait3A_336 = arith.constant 0 : i32
            %dma_wait3A_337 = arith.constant 0 : i32
            %dma_wait3A_338 = arith.constant 1 : i32
            %dma_wait3A_339 = arith.constant 0 : i32
            %dma_wait3A_340 = arith.constant 0 : i32
            %dma_wait3A_341 = tpu.memref_slice %arg7[%dma_wait3A_336, %dma_wait3A_339, %dma_wait3A_340] : memref<4x80x128xf32, #tpu.memory_space<vmem>> -> memref<1x80x128xf32, #tpu.memory_space<vmem>>
            %dma_wait3A_342 = tpu.memref_squeeze %dma_wait3A_341 : memref<1x80x128xf32, #tpu.memory_space<vmem>> -> memref<80x128xf32, #tpu.memory_space<vmem>>
            %dma_wait3A_343 = arith.constant 0 : i32
            %dma_wait3A_344 = tpu.memref_slice %arg6[%dma_wait3A_337, %dma_wait3A_338, %dma_wait3A_343] : memref<4x2x80xi32, #tpu.memory_space<vmem>> -> memref<1x1x80xi32, #tpu.memory_space<vmem>>
            %dma_wait3A_345 = tpu.memref_squeeze %dma_wait3A_344 : memref<1x1x80xi32, #tpu.memory_space<vmem>> -> memref<80xi32, #tpu.memory_space<vmem>>
            %dma_wait3A_346 = arith.constant 0 : i32
            %dma_wait3A_347 = arith.constant 0 : i32
            %dma_wait3A_348 = tpu.memref_slice %arg8[%dma_wait3A_346, %dma_wait3A_347] : memref<10000x128xf32, #tpu.memory_space<vmem_shared>> -> memref<10000x128xf32, #tpu.memory_space<vmem_shared>>
            tpu.wait_indirect_dma semaphore(%arg17 : memref<!tpu.dma_semaphore, #tpu.memory_space<semaphore_mem>>) src(%dma_wait3A_342 : memref<80x128xf32, #tpu.memory_space<vmem>>) dst(%dma_wait3A_348 : memref<10000x128xf32, #tpu.memory_space<vmem_shared>>)
          } else {
          }
          %add3A_317 = arith.constant 3 : i32
          %add3A_318 = arith.addi %scan3A_193, %add3A_317 : i32
          %dma_start3A_319 = arith.constant 0 : i32
          %dma_start3A_320 = arith.constant 0 : i32
          %dma_start3A_321 = arith.constant 0 : i32
          %dma_start3A_322 = tpu.memref_slice %arg6[%dma_start3A_319, %dma_start3A_320, %dma_start3A_321] : memref<4x2x80xi32, #tpu.memory_space<vmem>> -> memref<1x2x80xi32, #tpu.memory_space<vmem>>
          %dma_start3A_323 = tpu.memref_squeeze %dma_start3A_322 : memref<1x2x80xi32, #tpu.memory_space<vmem>> -> memref<2x80xi32, #tpu.memory_space<vmem>>
          %dma_start3A_324 = arith.constant 0 : i32
          %dma_start3A_325 = arith.constant 0 : i32
          %dma_start3A_326 = tpu.memref_slice %arg3[%add3A, %add3A_318, %dma_start3A_324, %dma_start3A_325] : memref<32x125x2x80xi32, #tpu.memory_space<hbm>> -> memref<1x1x2x80xi32, #tpu.memory_space<hbm>>
          %dma_start3A_327 = tpu.memref_squeeze %dma_start3A_326 : memref<1x1x2x80xi32, #tpu.memory_space<hbm>> -> memref<2x80xi32, #tpu.memory_space<hbm>>
          %dma_start3A_328 = arith.constant 0 : i32
          %dma_start3A_329 = arith.constant 0 : i32
          %dma_start3A_330 = tpu.memref_slice %arg6[%dma_start3A_319, %dma_start3A_328, %dma_start3A_329] : memref<4x2x80xi32, #tpu.memory_space<vmem>> -> memref<1x2x80xi32, #tpu.memory_space<vmem>>
          %dma_start3A_331 = tpu.memref_squeeze %dma_start3A_330 : memref<1x2x80xi32, #tpu.memory_space<vmem>> -> memref<2x80xi32, #tpu.memory_space<vmem>>
          %dma_start3A_332 = arith.constant 0 : i32
          %dma_start3A_333 = arith.constant 0 : i32
          %dma_start3A_334 = tpu.memref_slice %arg3[%add3A, %add3A_318, %dma_start3A_332, %dma_start3A_333] : memref<32x125x2x80xi32, #tpu.memory_space<hbm>> -> memref<1x1x2x80xi32, #tpu.memory_space<hbm>>
          %dma_start3A_335 = tpu.memref_squeeze %dma_start3A_334 : memref<1x1x2x80xi32, #tpu.memory_space<hbm>> -> memref<2x80xi32, #tpu.memory_space<hbm>>
          tpu.enqueue_dma source(%dma_start3A_335 : memref<2x80xi32, #tpu.memory_space<hbm>>) target(%dma_start3A_331 : memref<2x80xi32, #tpu.memory_space<vmem>>) target_semaphore(%arg9 : memref<!tpu.dma_semaphore, #tpu.memory_space<semaphore_mem>>)
        } else {
        }
        %add3A_280 = arith.constant 2 : i32
        %add3A_281 = arith.addi %scan3A_193, %add3A_280 : i32
        %lt3A_282 = arith.constant 125 : i32
        %lt3A_283 = arith.cmpi slt, %add3A_281, %lt3A_282 : i32
        %convert_element_type3A_284 = arith.extui %lt3A_283 : i1 to i32
        %cond3A_285 = arith.constant 0 : i32
        %cond3A_286 = arith.cmpi ne, %convert_element_type3A_284, %cond3A_285 : i32
        scf.if %cond3A_286 {
          %dma_wait3A_313 = arith.constant 0 : i32
          %dma_wait3A_314 = arith.constant 3 : i32
          %dma_wait3A_315 = arith.constant 0 : i32
          %dma_wait3A_316 = arith.constant 0 : i32
          %dma_wait3A_317 = tpu.memref_slice %arg6[%dma_wait3A_314, %dma_wait3A_315, %dma_wait3A_316] : memref<4x2x80xi32, #tpu.memory_space<vmem>> -> memref<1x2x80xi32, #tpu.memory_space<vmem>>
          %dma_wait3A_318 = tpu.memref_squeeze %dma_wait3A_317 : memref<1x2x80xi32, #tpu.memory_space<vmem>> -> memref<2x80xi32, #tpu.memory_space<vmem>>
          %dma_wait3A_319 = arith.constant 0 : i32
          %dma_wait3A_320 = arith.constant 0 : i32
          %dma_wait3A_321 = tpu.memref_slice %arg3[%add3A, %dma_wait3A_313, %dma_wait3A_319, %dma_wait3A_320] : memref<32x125x2x80xi32, #tpu.memory_space<hbm>> -> memref<1x1x2x80xi32, #tpu.memory_space<hbm>>
          %dma_wait3A_322 = tpu.memref_squeeze %dma_wait3A_321 : memref<1x1x2x80xi32, #tpu.memory_space<hbm>> -> memref<2x80xi32, #tpu.memory_space<hbm>>
          %dma_wait3A_323 = arith.constant 0 : i32
          %dma_wait3A_324 = arith.constant 0 : i32
          %dma_wait3A_325 = tpu.memref_slice %arg6[%dma_wait3A_314, %dma_wait3A_323, %dma_wait3A_324] : memref<4x2x80xi32, #tpu.memory_space<vmem>> -> memref<1x2x80xi32, #tpu.memory_space<vmem>>
          %dma_wait3A_326 = tpu.memref_squeeze %dma_wait3A_325 : memref<1x2x80xi32, #tpu.memory_space<vmem>> -> memref<2x80xi32, #tpu.memory_space<vmem>>
          %dma_wait3A_327 = arith.constant 0 : i32
          %dma_wait3A_328 = arith.constant 0 : i32
          %dma_wait3A_329 = tpu.memref_slice %arg3[%add3A, %dma_wait3A_313, %dma_wait3A_327, %dma_wait3A_328] : memref<32x125x2x80xi32, #tpu.memory_space<hbm>> -> memref<1x1x2x80xi32, #tpu.memory_space<hbm>>
          %dma_wait3A_330 = tpu.memref_squeeze %dma_wait3A_329 : memref<1x1x2x80xi32, #tpu.memory_space<hbm>> -> memref<2x80xi32, #tpu.memory_space<hbm>>
          tpu.wait_dma2 semaphore(%arg12 : memref<!tpu.dma_semaphore, #tpu.memory_space<semaphore_mem>>) src(%dma_wait3A_330 : memref<2x80xi32, #tpu.memory_space<hbm>>) dst(%dma_wait3A_326 : memref<2x80xi32, #tpu.memory_space<vmem>>)
          %add3A_331 = arith.constant 2 : i32
          %add3A_332 = arith.addi %scan3A_193, %add3A_331 : i32
          %dma_start3A_333 = arith.constant 3 : i32
          %dma_start3A_334 = arith.constant 0 : i32
          %dma_start3A_335 = arith.constant 3 : i32
          %dma_start3A_336 = arith.constant 0 : i32
          %dma_start3A_337 = arith.constant 0 : i32
          %dma_start3A_338 = tpu.memref_slice %arg7[%dma_start3A_335, %dma_start3A_336, %dma_start3A_337] : memref<4x80x128xf32, #tpu.memory_space<vmem>> -> memref<1x80x128xf32, #tpu.memory_space<vmem>>
          %dma_start3A_339 = tpu.memref_squeeze %dma_start3A_338 : memref<1x80x128xf32, #tpu.memory_space<vmem>> -> memref<80x128xf32, #tpu.memory_space<vmem>>
          %dma_start3A_340 = arith.constant 0 : i32
          %dma_start3A_341 = tpu.memref_slice %arg6[%dma_start3A_333, %dma_start3A_334, %dma_start3A_340] : memref<4x2x80xi32, #tpu.memory_space<vmem>> -> memref<1x1x80xi32, #tpu.memory_space<vmem>>
          %dma_start3A_342 = tpu.memref_squeeze %dma_start3A_341 : memref<1x1x80xi32, #tpu.memory_space<vmem>> -> memref<80xi32, #tpu.memory_space<vmem>>
          %dma_start3A_343 = arith.constant 0 : i32
          %dma_start3A_344 = arith.constant 0 : i32
          %dma_start3A_345 = tpu.memref_slice %arg2[%dma_start3A_343, %dma_start3A_344] : memref<10000x128xf32, #tpu.memory_space<hbm>> -> memref<10000x128xf32, #tpu.memory_space<hbm>>
          tpu.enqueue_indirect_dma source(%dma_start3A_345 : memref<10000x128xf32, #tpu.memory_space<hbm>>) target(%dma_start3A_339 : memref<80x128xf32, #tpu.memory_space<vmem>>) offsets(%dma_start3A_342 : memref<80xi32, #tpu.memory_space<vmem>>) semaphore(%arg16 : memref<!tpu.dma_semaphore, #tpu.memory_space<semaphore_mem>>)
        } else {
        }
        %dma_wait3A_287 = arith.constant 1 : i32
        %dma_wait3A_288 = arith.constant 0 : i32
        %dma_wait3A_289 = arith.constant 1 : i32
        %dma_wait3A_290 = arith.constant 0 : i32
        %dma_wait3A_291 = arith.constant 0 : i32
        %dma_wait3A_292 = tpu.memref_slice %arg7[%dma_wait3A_289, %dma_wait3A_290, %dma_wait3A_291] : memref<4x80x128xf32, #tpu.memory_space<vmem>> -> memref<1x80x128xf32, #tpu.memory_space<vmem>>
        %dma_wait3A_293 = tpu.memref_squeeze %dma_wait3A_292 : memref<1x80x128xf32, #tpu.memory_space<vmem>> -> memref<80x128xf32, #tpu.memory_space<vmem>>
        %dma_wait3A_294 = arith.constant 0 : i32
        %dma_wait3A_295 = tpu.memref_slice %arg6[%dma_wait3A_287, %dma_wait3A_288, %dma_wait3A_294] : memref<4x2x80xi32, #tpu.memory_space<vmem>> -> memref<1x1x80xi32, #tpu.memory_space<vmem>>
        %dma_wait3A_296 = tpu.memref_squeeze %dma_wait3A_295 : memref<1x1x80xi32, #tpu.memory_space<vmem>> -> memref<80xi32, #tpu.memory_space<vmem>>
        %dma_wait3A_297 = arith.constant 0 : i32
        %dma_wait3A_298 = arith.constant 0 : i32
        %dma_wait3A_299 = tpu.memref_slice %arg2[%dma_wait3A_297, %dma_wait3A_298] : memref<10000x128xf32, #tpu.memory_space<hbm>> -> memref<10000x128xf32, #tpu.memory_space<hbm>>
        tpu.wait_indirect_dma semaphore(%arg14 : memref<!tpu.dma_semaphore, #tpu.memory_space<semaphore_mem>>) src(%dma_wait3A_299 : memref<10000x128xf32, #tpu.memory_space<hbm>>) dst(%dma_wait3A_293 : memref<80x128xf32, #tpu.memory_space<vmem>>)
        %dma_start3A_300 = arith.constant 1 : i32
        %dma_start3A_301 = arith.constant 1 : i32
        %dma_start3A_302 = arith.constant 1 : i32
        %dma_start3A_303 = arith.constant 0 : i32
        %dma_start3A_304 = arith.constant 0 : i32
        %dma_start3A_305 = tpu.memref_slice %arg7[%dma_start3A_300, %dma_start3A_303, %dma_start3A_304] : memref<4x80x128xf32, #tpu.memory_space<vmem>> -> memref<1x80x128xf32, #tpu.memory_space<vmem>>
        %dma_start3A_306 = tpu.memref_squeeze %dma_start3A_305 : memref<1x80x128xf32, #tpu.memory_space<vmem>> -> memref<80x128xf32, #tpu.memory_space<vmem>>
        %dma_start3A_307 = arith.constant 0 : i32
        %dma_start3A_308 = tpu.memref_slice %arg6[%dma_start3A_301, %dma_start3A_302, %dma_start3A_307] : memref<4x2x80xi32, #tpu.memory_space<vmem>> -> memref<1x1x80xi32, #tpu.memory_space<vmem>>
        %dma_start3A_309 = tpu.memref_squeeze %dma_start3A_308 : memref<1x1x80xi32, #tpu.memory_space<vmem>> -> memref<80xi32, #tpu.memory_space<vmem>>
        %dma_start3A_310 = arith.constant 0 : i32
        %dma_start3A_311 = arith.constant 0 : i32
        %dma_start3A_312 = tpu.memref_slice %arg8[%dma_start3A_310, %dma_start3A_311] : memref<10000x128xf32, #tpu.memory_space<vmem_shared>> -> memref<10000x128xf32, #tpu.memory_space<vmem_shared>>
        tpu.enqueue_indirect_dma source(%dma_start3A_306 : memref<80x128xf32, #tpu.memory_space<vmem>>) target(%dma_start3A_312 : memref<10000x128xf32, #tpu.memory_space<vmem_shared>>) offsets(%dma_start3A_309 : memref<80xi32, #tpu.memory_space<vmem>>) semaphore(%arg18 : memref<!tpu.dma_semaphore, #tpu.memory_space<semaphore_mem>>) {add = true}
      } else {
      }
      %jit3A_231 = arith.constant 4 : i32
      %eq3A_232 = arith.constant 0 : i32
      %eq3A_233 = arith.cmpi eq, %jit3A_231, %eq3A_232 : i32
      %jit3A_234 = arith.constant 1 : i32
      %select_n3A_235 = arith.select %eq3A_233, %jit3A_234, %jit3A_231 : i32
      %rem3A_236 = arith.remsi %scan3A_193, %select_n3A_235 : i32
      %ne3A_237 = arith.constant 0 : i32
      %ne3A_238 = arith.cmpi ne, %rem3A_236, %ne3A_237 : i32
      %lt3A_239 = arith.constant 0 : i32
      %lt3A_240 = arith.cmpi slt, %rem3A_236, %lt3A_239 : i32
      %lt3A_241 = arith.constant 0 : i32
      %lt3A_242 = arith.cmpi slt, %select_n3A_235, %lt3A_241 : i32
      %ne3A_243 = arith.xori %lt3A_240, %lt3A_242 : i1
      %and3A_244 = arith.andi %ne3A_243, %ne3A_238 : i1
      %add3A_245 = arith.addi %rem3A_236, %select_n3A_235 : i32
      %select_n3A_246 = arith.select %and3A_244, %add3A_245, %rem3A_236 : i32
      %eq3A_247 = arith.constant 2 : i32
      %eq3A_248 = arith.cmpi eq, %select_n3A_246, %eq3A_247 : i32
      %convert_element_type3A_249 = arith.extui %eq3A_248 : i1 to i32
      %cond3A_250 = arith.constant 0 : i32
      %cond3A_251 = arith.cmpi ne, %convert_element_type3A_249, %cond3A_250 : i32
      scf.if %cond3A_251 {
        %add3A_273 = arith.constant 3 : i32
        %add3A_274 = arith.addi %scan3A_193, %add3A_273 : i32
        %lt3A_275 = arith.constant 125 : i32
        %lt3A_276 = arith.cmpi slt, %add3A_274, %lt3A_275 : i32
        %convert_element_type3A_277 = arith.extui %lt3A_276 : i1 to i32
        %cond3A_278 = arith.constant 0 : i32
        %cond3A_279 = arith.cmpi ne, %convert_element_type3A_277, %cond3A_278 : i32
        scf.if %cond3A_279 {
          %ge3A = arith.constant 1 : i32
          %ge3A_313 = arith.cmpi sge, %scan3A_193, %ge3A : i32
          %convert_element_type3A_314 = arith.extui %ge3A_313 : i1 to i32
          %cond3A_315 = arith.constant 0 : i32
          %cond3A_316 = arith.cmpi ne, %convert_element_type3A_314, %cond3A_315 : i32
          scf.if %cond3A_316 {
            %dma_wait3A_336 = arith.constant 1 : i32
            %dma_wait3A_337 = arith.constant 1 : i32
            %dma_wait3A_338 = arith.constant 1 : i32
            %dma_wait3A_339 = arith.constant 0 : i32
            %dma_wait3A_340 = arith.constant 0 : i32
            %dma_wait3A_341 = tpu.memref_slice %arg7[%dma_wait3A_336, %dma_wait3A_339, %dma_wait3A_340] : memref<4x80x128xf32, #tpu.memory_space<vmem>> -> memref<1x80x128xf32, #tpu.memory_space<vmem>>
            %dma_wait3A_342 = tpu.memref_squeeze %dma_wait3A_341 : memref<1x80x128xf32, #tpu.memory_space<vmem>> -> memref<80x128xf32, #tpu.memory_space<vmem>>
            %dma_wait3A_343 = arith.constant 0 : i32
            %dma_wait3A_344 = tpu.memref_slice %arg6[%dma_wait3A_337, %dma_wait3A_338, %dma_wait3A_343] : memref<4x2x80xi32, #tpu.memory_space<vmem>> -> memref<1x1x80xi32, #tpu.memory_space<vmem>>
            %dma_wait3A_345 = tpu.memref_squeeze %dma_wait3A_344 : memref<1x1x80xi32, #tpu.memory_space<vmem>> -> memref<80xi32, #tpu.memory_space<vmem>>
            %dma_wait3A_346 = arith.constant 0 : i32
            %dma_wait3A_347 = arith.constant 0 : i32
            %dma_wait3A_348 = tpu.memref_slice %arg8[%dma_wait3A_346, %dma_wait3A_347] : memref<10000x128xf32, #tpu.memory_space<vmem_shared>> -> memref<10000x128xf32, #tpu.memory_space<vmem_shared>>
            tpu.wait_indirect_dma semaphore(%arg18 : memref<!tpu.dma_semaphore, #tpu.memory_space<semaphore_mem>>) src(%dma_wait3A_342 : memref<80x128xf32, #tpu.memory_space<vmem>>) dst(%dma_wait3A_348 : memref<10000x128xf32, #tpu.memory_space<vmem_shared>>)
          } else {
          }
          %add3A_317 = arith.constant 3 : i32
          %add3A_318 = arith.addi %scan3A_193, %add3A_317 : i32
          %dma_start3A_319 = arith.constant 1 : i32
          %dma_start3A_320 = arith.constant 0 : i32
          %dma_start3A_321 = arith.constant 0 : i32
          %dma_start3A_322 = tpu.memref_slice %arg6[%dma_start3A_319, %dma_start3A_320, %dma_start3A_321] : memref<4x2x80xi32, #tpu.memory_space<vmem>> -> memref<1x2x80xi32, #tpu.memory_space<vmem>>
          %dma_start3A_323 = tpu.memref_squeeze %dma_start3A_322 : memref<1x2x80xi32, #tpu.memory_space<vmem>> -> memref<2x80xi32, #tpu.memory_space<vmem>>
          %dma_start3A_324 = arith.constant 0 : i32
          %dma_start3A_325 = arith.constant 0 : i32
          %dma_start3A_326 = tpu.memref_slice %arg3[%add3A, %add3A_318, %dma_start3A_324, %dma_start3A_325] : memref<32x125x2x80xi32, #tpu.memory_space<hbm>> -> memref<1x1x2x80xi32, #tpu.memory_space<hbm>>
          %dma_start3A_327 = tpu.memref_squeeze %dma_start3A_326 : memref<1x1x2x80xi32, #tpu.memory_space<hbm>> -> memref<2x80xi32, #tpu.memory_space<hbm>>
          %dma_start3A_328 = arith.constant 0 : i32
          %dma_start3A_329 = arith.constant 0 : i32
          %dma_start3A_330 = tpu.memref_slice %arg6[%dma_start3A_319, %dma_start3A_328, %dma_start3A_329] : memref<4x2x80xi32, #tpu.memory_space<vmem>> -> memref<1x2x80xi32, #tpu.memory_space<vmem>>
          %dma_start3A_331 = tpu.memref_squeeze %dma_start3A_330 : memref<1x2x80xi32, #tpu.memory_space<vmem>> -> memref<2x80xi32, #tpu.memory_space<vmem>>
          %dma_start3A_332 = arith.constant 0 : i32
          %dma_start3A_333 = arith.constant 0 : i32
          %dma_start3A_334 = tpu.memref_slice %arg3[%add3A, %add3A_318, %dma_start3A_332, %dma_start3A_333] : memref<32x125x2x80xi32, #tpu.memory_space<hbm>> -> memref<1x1x2x80xi32, #tpu.memory_space<hbm>>
          %dma_start3A_335 = tpu.memref_squeeze %dma_start3A_334 : memref<1x1x2x80xi32, #tpu.memory_space<hbm>> -> memref<2x80xi32, #tpu.memory_space<hbm>>
          tpu.enqueue_dma source(%dma_start3A_335 : memref<2x80xi32, #tpu.memory_space<hbm>>) target(%dma_start3A_331 : memref<2x80xi32, #tpu.memory_space<vmem>>) target_semaphore(%arg10 : memref<!tpu.dma_semaphore, #tpu.memory_space<semaphore_mem>>)
        } else {
        }
        %add3A_280 = arith.constant 2 : i32
        %add3A_281 = arith.addi %scan3A_193, %add3A_280 : i32
        %lt3A_282 = arith.constant 125 : i32
        %lt3A_283 = arith.cmpi slt, %add3A_281, %lt3A_282 : i32
        %convert_element_type3A_284 = arith.extui %lt3A_283 : i1 to i32
        %cond3A_285 = arith.constant 0 : i32
        %cond3A_286 = arith.cmpi ne, %convert_element_type3A_284, %cond3A_285 : i32
        scf.if %cond3A_286 {
          %dma_wait3A_313 = arith.constant 0 : i32
          %dma_wait3A_314 = arith.constant 0 : i32
          %dma_wait3A_315 = arith.constant 0 : i32
          %dma_wait3A_316 = arith.constant 0 : i32
          %dma_wait3A_317 = tpu.memref_slice %arg6[%dma_wait3A_314, %dma_wait3A_315, %dma_wait3A_316] : memref<4x2x80xi32, #tpu.memory_space<vmem>> -> memref<1x2x80xi32, #tpu.memory_space<vmem>>
          %dma_wait3A_318 = tpu.memref_squeeze %dma_wait3A_317 : memref<1x2x80xi32, #tpu.memory_space<vmem>> -> memref<2x80xi32, #tpu.memory_space<vmem>>
          %dma_wait3A_319 = arith.constant 0 : i32
          %dma_wait3A_320 = arith.constant 0 : i32
          %dma_wait3A_321 = tpu.memref_slice %arg3[%add3A, %dma_wait3A_313, %dma_wait3A_319, %dma_wait3A_320] : memref<32x125x2x80xi32, #tpu.memory_space<hbm>> -> memref<1x1x2x80xi32, #tpu.memory_space<hbm>>
          %dma_wait3A_322 = tpu.memref_squeeze %dma_wait3A_321 : memref<1x1x2x80xi32, #tpu.memory_space<hbm>> -> memref<2x80xi32, #tpu.memory_space<hbm>>
          %dma_wait3A_323 = arith.constant 0 : i32
          %dma_wait3A_324 = arith.constant 0 : i32
          %dma_wait3A_325 = tpu.memref_slice %arg6[%dma_wait3A_314, %dma_wait3A_323, %dma_wait3A_324] : memref<4x2x80xi32, #tpu.memory_space<vmem>> -> memref<1x2x80xi32, #tpu.memory_space<vmem>>
          %dma_wait3A_326 = tpu.memref_squeeze %dma_wait3A_325 : memref<1x2x80xi32, #tpu.memory_space<vmem>> -> memref<2x80xi32, #tpu.memory_space<vmem>>
          %dma_wait3A_327 = arith.constant 0 : i32
          %dma_wait3A_328 = arith.constant 0 : i32
          %dma_wait3A_329 = tpu.memref_slice %arg3[%add3A, %dma_wait3A_313, %dma_wait3A_327, %dma_wait3A_328] : memref<32x125x2x80xi32, #tpu.memory_space<hbm>> -> memref<1x1x2x80xi32, #tpu.memory_space<hbm>>
          %dma_wait3A_330 = tpu.memref_squeeze %dma_wait3A_329 : memref<1x1x2x80xi32, #tpu.memory_space<hbm>> -> memref<2x80xi32, #tpu.memory_space<hbm>>
          tpu.wait_dma2 semaphore(%arg9 : memref<!tpu.dma_semaphore, #tpu.memory_space<semaphore_mem>>) src(%dma_wait3A_330 : memref<2x80xi32, #tpu.memory_space<hbm>>) dst(%dma_wait3A_326 : memref<2x80xi32, #tpu.memory_space<vmem>>)
          %add3A_331 = arith.constant 2 : i32
          %add3A_332 = arith.addi %scan3A_193, %add3A_331 : i32
          %dma_start3A_333 = arith.constant 0 : i32
          %dma_start3A_334 = arith.constant 0 : i32
          %dma_start3A_335 = arith.constant 0 : i32
          %dma_start3A_336 = arith.constant 0 : i32
          %dma_start3A_337 = arith.constant 0 : i32
          %dma_start3A_338 = tpu.memref_slice %arg7[%dma_start3A_335, %dma_start3A_336, %dma_start3A_337] : memref<4x80x128xf32, #tpu.memory_space<vmem>> -> memref<1x80x128xf32, #tpu.memory_space<vmem>>
          %dma_start3A_339 = tpu.memref_squeeze %dma_start3A_338 : memref<1x80x128xf32, #tpu.memory_space<vmem>> -> memref<80x128xf32, #tpu.memory_space<vmem>>
          %dma_start3A_340 = arith.constant 0 : i32
          %dma_start3A_341 = tpu.memref_slice %arg6[%dma_start3A_333, %dma_start3A_334, %dma_start3A_340] : memref<4x2x80xi32, #tpu.memory_space<vmem>> -> memref<1x1x80xi32, #tpu.memory_space<vmem>>
          %dma_start3A_342 = tpu.memref_squeeze %dma_start3A_341 : memref<1x1x80xi32, #tpu.memory_space<vmem>> -> memref<80xi32, #tpu.memory_space<vmem>>
          %dma_start3A_343 = arith.constant 0 : i32
          %dma_start3A_344 = arith.constant 0 : i32
          %dma_start3A_345 = tpu.memref_slice %arg2[%dma_start3A_343, %dma_start3A_344] : memref<10000x128xf32, #tpu.memory_space<hbm>> -> memref<10000x128xf32, #tpu.memory_space<hbm>>
          tpu.enqueue_indirect_dma source(%dma_start3A_345 : memref<10000x128xf32, #tpu.memory_space<hbm>>) target(%dma_start3A_339 : memref<80x128xf32, #tpu.memory_space<vmem>>) offsets(%dma_start3A_342 : memref<80xi32, #tpu.memory_space<vmem>>) semaphore(%arg13 : memref<!tpu.dma_semaphore, #tpu.memory_space<semaphore_mem>>)
        } else {
        }
        %dma_wait3A_287 = arith.constant 2 : i32
        %dma_wait3A_288 = arith.constant 0 : i32
        %dma_wait3A_289 = arith.constant 2 : i32
        %dma_wait3A_290 = arith.constant 0 : i32
        %dma_wait3A_291 = arith.constant 0 : i32
        %dma_wait3A_292 = tpu.memref_slice %arg7[%dma_wait3A_289, %dma_wait3A_290, %dma_wait3A_291] : memref<4x80x128xf32, #tpu.memory_space<vmem>> -> memref<1x80x128xf32, #tpu.memory_space<vmem>>
        %dma_wait3A_293 = tpu.memref_squeeze %dma_wait3A_292 : memref<1x80x128xf32, #tpu.memory_space<vmem>> -> memref<80x128xf32, #tpu.memory_space<vmem>>
        %dma_wait3A_294 = arith.constant 0 : i32
        %dma_wait3A_295 = tpu.memref_slice %arg6[%dma_wait3A_287, %dma_wait3A_288, %dma_wait3A_294] : memref<4x2x80xi32, #tpu.memory_space<vmem>> -> memref<1x1x80xi32, #tpu.memory_space<vmem>>
        %dma_wait3A_296 = tpu.memref_squeeze %dma_wait3A_295 : memref<1x1x80xi32, #tpu.memory_space<vmem>> -> memref<80xi32, #tpu.memory_space<vmem>>
        %dma_wait3A_297 = arith.constant 0 : i32
        %dma_wait3A_298 = arith.constant 0 : i32
        %dma_wait3A_299 = tpu.memref_slice %arg2[%dma_wait3A_297, %dma_wait3A_298] : memref<10000x128xf32, #tpu.memory_space<hbm>> -> memref<10000x128xf32, #tpu.memory_space<hbm>>
        tpu.wait_indirect_dma semaphore(%arg15 : memref<!tpu.dma_semaphore, #tpu.memory_space<semaphore_mem>>) src(%dma_wait3A_299 : memref<10000x128xf32, #tpu.memory_space<hbm>>) dst(%dma_wait3A_293 : memref<80x128xf32, #tpu.memory_space<vmem>>)
        %dma_start3A_300 = arith.constant 2 : i32
        %dma_start3A_301 = arith.constant 2 : i32
        %dma_start3A_302 = arith.constant 1 : i32
        %dma_start3A_303 = arith.constant 0 : i32
        %dma_start3A_304 = arith.constant 0 : i32
        %dma_start3A_305 = tpu.memref_slice %arg7[%dma_start3A_300, %dma_start3A_303, %dma_start3A_304] : memref<4x80x128xf32, #tpu.memory_space<vmem>> -> memref<1x80x128xf32, #tpu.memory_space<vmem>>
        %dma_start3A_306 = tpu.memref_squeeze %dma_start3A_305 : memref<1x80x128xf32, #tpu.memory_space<vmem>> -> memref<80x128xf32, #tpu.memory_space<vmem>>
        %dma_start3A_307 = arith.constant 0 : i32
        %dma_start3A_308 = tpu.memref_slice %arg6[%dma_start3A_301, %dma_start3A_302, %dma_start3A_307] : memref<4x2x80xi32, #tpu.memory_space<vmem>> -> memref<1x1x80xi32, #tpu.memory_space<vmem>>
        %dma_start3A_309 = tpu.memref_squeeze %dma_start3A_308 : memref<1x1x80xi32, #tpu.memory_space<vmem>> -> memref<80xi32, #tpu.memory_space<vmem>>
        %dma_start3A_310 = arith.constant 0 : i32
        %dma_start3A_311 = arith.constant 0 : i32
        %dma_start3A_312 = tpu.memref_slice %arg8[%dma_start3A_310, %dma_start3A_311] : memref<10000x128xf32, #tpu.memory_space<vmem_shared>> -> memref<10000x128xf32, #tpu.memory_space<vmem_shared>>
        tpu.enqueue_indirect_dma source(%dma_start3A_306 : memref<80x128xf32, #tpu.memory_space<vmem>>) target(%dma_start3A_312 : memref<10000x128xf32, #tpu.memory_space<vmem_shared>>) offsets(%dma_start3A_309 : memref<80xi32, #tpu.memory_space<vmem>>) semaphore(%arg19 : memref<!tpu.dma_semaphore, #tpu.memory_space<semaphore_mem>>) {add = true}
      } else {
      }
      %jit3A_252 = arith.constant 4 : i32
      %eq3A_253 = arith.constant 0 : i32
      %eq3A_254 = arith.cmpi eq, %jit3A_252, %eq3A_253 : i32
      %jit3A_255 = arith.constant 1 : i32
      %select_n3A_256 = arith.select %eq3A_254, %jit3A_255, %jit3A_252 : i32
      %rem3A_257 = arith.remsi %scan3A_193, %select_n3A_256 : i32
      %ne3A_258 = arith.constant 0 : i32
      %ne3A_259 = arith.cmpi ne, %rem3A_257, %ne3A_258 : i32
      %lt3A_260 = arith.constant 0 : i32
      %lt3A_261 = arith.cmpi slt, %rem3A_257, %lt3A_260 : i32
      %lt3A_262 = arith.constant 0 : i32
      %lt3A_263 = arith.cmpi slt, %select_n3A_256, %lt3A_262 : i32
      %ne3A_264 = arith.xori %lt3A_261, %lt3A_263 : i1
      %and3A_265 = arith.andi %ne3A_264, %ne3A_259 : i1
      %add3A_266 = arith.addi %rem3A_257, %select_n3A_256 : i32
      %select_n3A_267 = arith.select %and3A_265, %add3A_266, %rem3A_257 : i32
      %eq3A_268 = arith.constant 3 : i32
      %eq3A_269 = arith.cmpi eq, %select_n3A_267, %eq3A_268 : i32
      %convert_element_type3A_270 = arith.extui %eq3A_269 : i1 to i32
      %cond3A_271 = arith.constant 0 : i32
      %cond3A_272 = arith.cmpi ne, %convert_element_type3A_270, %cond3A_271 : i32
      scf.if %cond3A_272 {
        %add3A_273 = arith.constant 3 : i32
        %add3A_274 = arith.addi %scan3A_193, %add3A_273 : i32
        %lt3A_275 = arith.constant 125 : i32
        %lt3A_276 = arith.cmpi slt, %add3A_274, %lt3A_275 : i32
        %convert_element_type3A_277 = arith.extui %lt3A_276 : i1 to i32
        %cond3A_278 = arith.constant 0 : i32
        %cond3A_279 = arith.cmpi ne, %convert_element_type3A_277, %cond3A_278 : i32
        scf.if %cond3A_279 {
          %ge3A = arith.constant 1 : i32
          %ge3A_313 = arith.cmpi sge, %scan3A_193, %ge3A : i32
          %convert_element_type3A_314 = arith.extui %ge3A_313 : i1 to i32
          %cond3A_315 = arith.constant 0 : i32
          %cond3A_316 = arith.cmpi ne, %convert_element_type3A_314, %cond3A_315 : i32
          scf.if %cond3A_316 {
            %dma_wait3A_336 = arith.constant 2 : i32
            %dma_wait3A_337 = arith.constant 2 : i32
            %dma_wait3A_338 = arith.constant 1 : i32
            %dma_wait3A_339 = arith.constant 0 : i32
            %dma_wait3A_340 = arith.constant 0 : i32
            %dma_wait3A_341 = tpu.memref_slice %arg7[%dma_wait3A_336, %dma_wait3A_339, %dma_wait3A_340] : memref<4x80x128xf32, #tpu.memory_space<vmem>> -> memref<1x80x128xf32, #tpu.memory_space<vmem>>
            %dma_wait3A_342 = tpu.memref_squeeze %dma_wait3A_341 : memref<1x80x128xf32, #tpu.memory_space<vmem>> -> memref<80x128xf32, #tpu.memory_space<vmem>>
            %dma_wait3A_343 = arith.constant 0 : i32
            %dma_wait3A_344 = tpu.memref_slice %arg6[%dma_wait3A_337, %dma_wait3A_338, %dma_wait3A_343] : memref<4x2x80xi32, #tpu.memory_space<vmem>> -> memref<1x1x80xi32, #tpu.memory_space<vmem>>
            %dma_wait3A_345 = tpu.memref_squeeze %dma_wait3A_344 : memref<1x1x80xi32, #tpu.memory_space<vmem>> -> memref<80xi32, #tpu.memory_space<vmem>>
            %dma_wait3A_346 = arith.constant 0 : i32
            %dma_wait3A_347 = arith.constant 0 : i32
            %dma_wait3A_348 = tpu.memref_slice %arg8[%dma_wait3A_346, %dma_wait3A_347] : memref<10000x128xf32, #tpu.memory_space<vmem_shared>> -> memref<10000x128xf32, #tpu.memory_space<vmem_shared>>
            tpu.wait_indirect_dma semaphore(%arg19 : memref<!tpu.dma_semaphore, #tpu.memory_space<semaphore_mem>>) src(%dma_wait3A_342 : memref<80x128xf32, #tpu.memory_space<vmem>>) dst(%dma_wait3A_348 : memref<10000x128xf32, #tpu.memory_space<vmem_shared>>)
          } else {
          }
          %add3A_317 = arith.constant 3 : i32
          %add3A_318 = arith.addi %scan3A_193, %add3A_317 : i32
          %dma_start3A_319 = arith.constant 2 : i32
          %dma_start3A_320 = arith.constant 0 : i32
          %dma_start3A_321 = arith.constant 0 : i32
          %dma_start3A_322 = tpu.memref_slice %arg6[%dma_start3A_319, %dma_start3A_320, %dma_start3A_321] : memref<4x2x80xi32, #tpu.memory_space<vmem>> -> memref<1x2x80xi32, #tpu.memory_space<vmem>>
          %dma_start3A_323 = tpu.memref_squeeze %dma_start3A_322 : memref<1x2x80xi32, #tpu.memory_space<vmem>> -> memref<2x80xi32, #tpu.memory_space<vmem>>
          %dma_start3A_324 = arith.constant 0 : i32
          %dma_start3A_325 = arith.constant 0 : i32
          %dma_start3A_326 = tpu.memref_slice %arg3[%add3A, %add3A_318, %dma_start3A_324, %dma_start3A_325] : memref<32x125x2x80xi32, #tpu.memory_space<hbm>> -> memref<1x1x2x80xi32, #tpu.memory_space<hbm>>
          %dma_start3A_327 = tpu.memref_squeeze %dma_start3A_326 : memref<1x1x2x80xi32, #tpu.memory_space<hbm>> -> memref<2x80xi32, #tpu.memory_space<hbm>>
          %dma_start3A_328 = arith.constant 0 : i32
          %dma_start3A_329 = arith.constant 0 : i32
          %dma_start3A_330 = tpu.memref_slice %arg6[%dma_start3A_319, %dma_start3A_328, %dma_start3A_329] : memref<4x2x80xi32, #tpu.memory_space<vmem>> -> memref<1x2x80xi32, #tpu.memory_space<vmem>>
          %dma_start3A_331 = tpu.memref_squeeze %dma_start3A_330 : memref<1x2x80xi32, #tpu.memory_space<vmem>> -> memref<2x80xi32, #tpu.memory_space<vmem>>
          %dma_start3A_332 = arith.constant 0 : i32
          %dma_start3A_333 = arith.constant 0 : i32
          %dma_start3A_334 = tpu.memref_slice %arg3[%add3A, %add3A_318, %dma_start3A_332, %dma_start3A_333] : memref<32x125x2x80xi32, #tpu.memory_space<hbm>> -> memref<1x1x2x80xi32, #tpu.memory_space<hbm>>
          %dma_start3A_335 = tpu.memref_squeeze %dma_start3A_334 : memref<1x1x2x80xi32, #tpu.memory_space<hbm>> -> memref<2x80xi32, #tpu.memory_space<hbm>>
          tpu.enqueue_dma source(%dma_start3A_335 : memref<2x80xi32, #tpu.memory_space<hbm>>) target(%dma_start3A_331 : memref<2x80xi32, #tpu.memory_space<vmem>>) target_semaphore(%arg11 : memref<!tpu.dma_semaphore, #tpu.memory_space<semaphore_mem>>)
        } else {
        }
        %add3A_280 = arith.constant 2 : i32
        %add3A_281 = arith.addi %scan3A_193, %add3A_280 : i32
        %lt3A_282 = arith.constant 125 : i32
        %lt3A_283 = arith.cmpi slt, %add3A_281, %lt3A_282 : i32
        %convert_element_type3A_284 = arith.extui %lt3A_283 : i1 to i32
        %cond3A_285 = arith.constant 0 : i32
        %cond3A_286 = arith.cmpi ne, %convert_element_type3A_284, %cond3A_285 : i32
        scf.if %cond3A_286 {
          %dma_wait3A_313 = arith.constant 0 : i32
          %dma_wait3A_314 = arith.constant 1 : i32
          %dma_wait3A_315 = arith.constant 0 : i32
          %dma_wait3A_316 = arith.constant 0 : i32
          %dma_wait3A_317 = tpu.memref_slice %arg6[%dma_wait3A_314, %dma_wait3A_315, %dma_wait3A_316] : memref<4x2x80xi32, #tpu.memory_space<vmem>> -> memref<1x2x80xi32, #tpu.memory_space<vmem>>
          %dma_wait3A_318 = tpu.memref_squeeze %dma_wait3A_317 : memref<1x2x80xi32, #tpu.memory_space<vmem>> -> memref<2x80xi32, #tpu.memory_space<vmem>>
          %dma_wait3A_319 = arith.constant 0 : i32
          %dma_wait3A_320 = arith.constant 0 : i32
          %dma_wait3A_321 = tpu.memref_slice %arg3[%add3A, %dma_wait3A_313, %dma_wait3A_319, %dma_wait3A_320] : memref<32x125x2x80xi32, #tpu.memory_space<hbm>> -> memref<1x1x2x80xi32, #tpu.memory_space<hbm>>
          %dma_wait3A_322 = tpu.memref_squeeze %dma_wait3A_321 : memref<1x1x2x80xi32, #tpu.memory_space<hbm>> -> memref<2x80xi32, #tpu.memory_space<hbm>>
          %dma_wait3A_323 = arith.constant 0 : i32
          %dma_wait3A_324 = arith.constant 0 : i32
          %dma_wait3A_325 = tpu.memref_slice %arg6[%dma_wait3A_314, %dma_wait3A_323, %dma_wait3A_324] : memref<4x2x80xi32, #tpu.memory_space<vmem>> -> memref<1x2x80xi32, #tpu.memory_space<vmem>>
          %dma_wait3A_326 = tpu.memref_squeeze %dma_wait3A_325 : memref<1x2x80xi32, #tpu.memory_space<vmem>> -> memref<2x80xi32, #tpu.memory_space<vmem>>
          %dma_wait3A_327 = arith.constant 0 : i32
          %dma_wait3A_328 = arith.constant 0 : i32
          %dma_wait3A_329 = tpu.memref_slice %arg3[%add3A, %dma_wait3A_313, %dma_wait3A_327, %dma_wait3A_328] : memref<32x125x2x80xi32, #tpu.memory_space<hbm>> -> memref<1x1x2x80xi32, #tpu.memory_space<hbm>>
          %dma_wait3A_330 = tpu.memref_squeeze %dma_wait3A_329 : memref<1x1x2x80xi32, #tpu.memory_space<hbm>> -> memref<2x80xi32, #tpu.memory_space<hbm>>
          tpu.wait_dma2 semaphore(%arg10 : memref<!tpu.dma_semaphore, #tpu.memory_space<semaphore_mem>>) src(%dma_wait3A_330 : memref<2x80xi32, #tpu.memory_space<hbm>>) dst(%dma_wait3A_326 : memref<2x80xi32, #tpu.memory_space<vmem>>)
          %add3A_331 = arith.constant 2 : i32
          %add3A_332 = arith.addi %scan3A_193, %add3A_331 : i32
          %dma_start3A_333 = arith.constant 1 : i32
          %dma_start3A_334 = arith.constant 0 : i32
          %dma_start3A_335 = arith.constant 1 : i32
          %dma_start3A_336 = arith.constant 0 : i32
          %dma_start3A_337 = arith.constant 0 : i32
          %dma_start3A_338 = tpu.memref_slice %arg7[%dma_start3A_335, %dma_start3A_336, %dma_start3A_337] : memref<4x80x128xf32, #tpu.memory_space<vmem>> -> memref<1x80x128xf32, #tpu.memory_space<vmem>>
          %dma_start3A_339 = tpu.memref_squeeze %dma_start3A_338 : memref<1x80x128xf32, #tpu.memory_space<vmem>> -> memref<80x128xf32, #tpu.memory_space<vmem>>
          %dma_start3A_340 = arith.constant 0 : i32
          %dma_start3A_341 = tpu.memref_slice %arg6[%dma_start3A_333, %dma_start3A_334, %dma_start3A_340] : memref<4x2x80xi32, #tpu.memory_space<vmem>> -> memref<1x1x80xi32, #tpu.memory_space<vmem>>
          %dma_start3A_342 = tpu.memref_squeeze %dma_start3A_341 : memref<1x1x80xi32, #tpu.memory_space<vmem>> -> memref<80xi32, #tpu.memory_space<vmem>>
          %dma_start3A_343 = arith.constant 0 : i32
          %dma_start3A_344 = arith.constant 0 : i32
          %dma_start3A_345 = tpu.memref_slice %arg2[%dma_start3A_343, %dma_start3A_344] : memref<10000x128xf32, #tpu.memory_space<hbm>> -> memref<10000x128xf32, #tpu.memory_space<hbm>>
          tpu.enqueue_indirect_dma source(%dma_start3A_345 : memref<10000x128xf32, #tpu.memory_space<hbm>>) target(%dma_start3A_339 : memref<80x128xf32, #tpu.memory_space<vmem>>) offsets(%dma_start3A_342 : memref<80xi32, #tpu.memory_space<vmem>>) semaphore(%arg14 : memref<!tpu.dma_semaphore, #tpu.memory_space<semaphore_mem>>)
        } else {
        }
        %dma_wait3A_287 = arith.constant 3 : i32
        %dma_wait3A_288 = arith.constant 0 : i32
        %dma_wait3A_289 = arith.constant 3 : i32
        %dma_wait3A_290 = arith.constant 0 : i32
        %dma_wait3A_291 = arith.constant 0 : i32
        %dma_wait3A_292 = tpu.memref_slice %arg7[%dma_wait3A_289, %dma_wait3A_290, %dma_wait3A_291] : memref<4x80x128xf32, #tpu.memory_space<vmem>> -> memref<1x80x128xf32, #tpu.memory_space<vmem>>
        %dma_wait3A_293 = tpu.memref_squeeze %dma_wait3A_292 : memref<1x80x128xf32, #tpu.memory_space<vmem>> -> memref<80x128xf32, #tpu.memory_space<vmem>>
        %dma_wait3A_294 = arith.constant 0 : i32
        %dma_wait3A_295 = tpu.memref_slice %arg6[%dma_wait3A_287, %dma_wait3A_288, %dma_wait3A_294] : memref<4x2x80xi32, #tpu.memory_space<vmem>> -> memref<1x1x80xi32, #tpu.memory_space<vmem>>
        %dma_wait3A_296 = tpu.memref_squeeze %dma_wait3A_295 : memref<1x1x80xi32, #tpu.memory_space<vmem>> -> memref<80xi32, #tpu.memory_space<vmem>>
        %dma_wait3A_297 = arith.constant 0 : i32
        %dma_wait3A_298 = arith.constant 0 : i32
        %dma_wait3A_299 = tpu.memref_slice %arg2[%dma_wait3A_297, %dma_wait3A_298] : memref<10000x128xf32, #tpu.memory_space<hbm>> -> memref<10000x128xf32, #tpu.memory_space<hbm>>
        tpu.wait_indirect_dma semaphore(%arg16 : memref<!tpu.dma_semaphore, #tpu.memory_space<semaphore_mem>>) src(%dma_wait3A_299 : memref<10000x128xf32, #tpu.memory_space<hbm>>) dst(%dma_wait3A_293 : memref<80x128xf32, #tpu.memory_space<vmem>>)
        %dma_start3A_300 = arith.constant 3 : i32
        %dma_start3A_301 = arith.constant 3 : i32
        %dma_start3A_302 = arith.constant 1 : i32
        %dma_start3A_303 = arith.constant 0 : i32
        %dma_start3A_304 = arith.constant 0 : i32
        %dma_start3A_305 = tpu.memref_slice %arg7[%dma_start3A_300, %dma_start3A_303, %dma_start3A_304] : memref<4x80x128xf32, #tpu.memory_space<vmem>> -> memref<1x80x128xf32, #tpu.memory_space<vmem>>
        %dma_start3A_306 = tpu.memref_squeeze %dma_start3A_305 : memref<1x80x128xf32, #tpu.memory_space<vmem>> -> memref<80x128xf32, #tpu.memory_space<vmem>>
        %dma_start3A_307 = arith.constant 0 : i32
        %dma_start3A_308 = tpu.memref_slice %arg6[%dma_start3A_301, %dma_start3A_302, %dma_start3A_307] : memref<4x2x80xi32, #tpu.memory_space<vmem>> -> memref<1x1x80xi32, #tpu.memory_space<vmem>>
        %dma_start3A_309 = tpu.memref_squeeze %dma_start3A_308 : memref<1x1x80xi32, #tpu.memory_space<vmem>> -> memref<80xi32, #tpu.memory_space<vmem>>
        %dma_start3A_310 = arith.constant 0 : i32
        %dma_start3A_311 = arith.constant 0 : i32
        %dma_start3A_312 = tpu.memref_slice %arg8[%dma_start3A_310, %dma_start3A_311] : memref<10000x128xf32, #tpu.memory_space<vmem_shared>> -> memref<10000x128xf32, #tpu.memory_space<vmem_shared>>
        tpu.enqueue_indirect_dma source(%dma_start3A_306 : memref<80x128xf32, #tpu.memory_space<vmem>>) target(%dma_start3A_312 : memref<10000x128xf32, #tpu.memory_space<vmem_shared>>) offsets(%dma_start3A_309 : memref<80xi32, #tpu.memory_space<vmem>>) semaphore(%arg20 : memref<!tpu.dma_semaphore, #tpu.memory_space<semaphore_mem>>) {add = true}
      } else {
      }
    }
    %scan3A_127 = arith.constant 125 : i32
    %dma_wait3A_128 = arith.constant 0 : i32
    %dma_wait3A_129 = arith.constant 0 : i32
    %dma_wait3A_130 = arith.constant 1 : i32
    %dma_wait3A_131 = arith.constant 0 : i32
    %dma_wait3A_132 = arith.constant 0 : i32
    %dma_wait3A_133 = tpu.memref_slice %arg7[%dma_wait3A_128, %dma_wait3A_131, %dma_wait3A_132] : memref<4x80x128xf32, #tpu.memory_space<vmem>> -> memref<1x80x128xf32, #tpu.memory_space<vmem>>
    %dma_wait3A_134 = tpu.memref_squeeze %dma_wait3A_133 : memref<1x80x128xf32, #tpu.memory_space<vmem>> -> memref<80x128xf32, #tpu.memory_space<vmem>>
    %dma_wait3A_135 = arith.constant 0 : i32
    %dma_wait3A_136 = tpu.memref_slice %arg6[%dma_wait3A_129, %dma_wait3A_130, %dma_wait3A_135] : memref<4x2x80xi32, #tpu.memory_space<vmem>> -> memref<1x1x80xi32, #tpu.memory_space<vmem>>
    %dma_wait3A_137 = tpu.memref_squeeze %dma_wait3A_136 : memref<1x1x80xi32, #tpu.memory_space<vmem>> -> memref<80xi32, #tpu.memory_space<vmem>>
    %dma_wait3A_138 = arith.constant 0 : i32
    %dma_wait3A_139 = arith.constant 0 : i32
    %dma_wait3A_140 = tpu.memref_slice %arg8[%dma_wait3A_138, %dma_wait3A_139] : memref<10000x128xf32, #tpu.memory_space<vmem_shared>> -> memref<10000x128xf32, #tpu.memory_space<vmem_shared>>
    tpu.wait_indirect_dma semaphore(%arg17 : memref<!tpu.dma_semaphore, #tpu.memory_space<semaphore_mem>>) src(%dma_wait3A_134 : memref<80x128xf32, #tpu.memory_space<vmem>>) dst(%dma_wait3A_140 : memref<10000x128xf32, #tpu.memory_space<vmem_shared>>)
    %dma_wait3A_141 = arith.constant 1 : i32
    %dma_wait3A_142 = arith.constant 1 : i32
    %dma_wait3A_143 = arith.constant 1 : i32
    %dma_wait3A_144 = arith.constant 0 : i32
    %dma_wait3A_145 = arith.constant 0 : i32
    %dma_wait3A_146 = tpu.memref_slice %arg7[%dma_wait3A_141, %dma_wait3A_144, %dma_wait3A_145] : memref<4x80x128xf32, #tpu.memory_space<vmem>> -> memref<1x80x128xf32, #tpu.memory_space<vmem>>
    %dma_wait3A_147 = tpu.memref_squeeze %dma_wait3A_146 : memref<1x80x128xf32, #tpu.memory_space<vmem>> -> memref<80x128xf32, #tpu.memory_space<vmem>>
    %dma_wait3A_148 = arith.constant 0 : i32
    %dma_wait3A_149 = tpu.memref_slice %arg6[%dma_wait3A_142, %dma_wait3A_143, %dma_wait3A_148] : memref<4x2x80xi32, #tpu.memory_space<vmem>> -> memref<1x1x80xi32, #tpu.memory_space<vmem>>
    %dma_wait3A_150 = tpu.memref_squeeze %dma_wait3A_149 : memref<1x1x80xi32, #tpu.memory_space<vmem>> -> memref<80xi32, #tpu.memory_space<vmem>>
    %dma_wait3A_151 = arith.constant 0 : i32
    %dma_wait3A_152 = arith.constant 0 : i32
    %dma_wait3A_153 = tpu.memref_slice %arg8[%dma_wait3A_151, %dma_wait3A_152] : memref<10000x128xf32, #tpu.memory_space<vmem_shared>> -> memref<10000x128xf32, #tpu.memory_space<vmem_shared>>
    tpu.wait_indirect_dma semaphore(%arg18 : memref<!tpu.dma_semaphore, #tpu.memory_space<semaphore_mem>>) src(%dma_wait3A_147 : memref<80x128xf32, #tpu.memory_space<vmem>>) dst(%dma_wait3A_153 : memref<10000x128xf32, #tpu.memory_space<vmem_shared>>)
    %dma_wait3A_154 = arith.constant 2 : i32
    %dma_wait3A_155 = arith.constant 2 : i32
    %dma_wait3A_156 = arith.constant 1 : i32
    %dma_wait3A_157 = arith.constant 0 : i32
    %dma_wait3A_158 = arith.constant 0 : i32
    %dma_wait3A_159 = tpu.memref_slice %arg7[%dma_wait3A_154, %dma_wait3A_157, %dma_wait3A_158] : memref<4x80x128xf32, #tpu.memory_space<vmem>> -> memref<1x80x128xf32, #tpu.memory_space<vmem>>
    %dma_wait3A_160 = tpu.memref_squeeze %dma_wait3A_159 : memref<1x80x128xf32, #tpu.memory_space<vmem>> -> memref<80x128xf32, #tpu.memory_space<vmem>>
    %dma_wait3A_161 = arith.constant 0 : i32
    %dma_wait3A_162 = tpu.memref_slice %arg6[%dma_wait3A_155, %dma_wait3A_156, %dma_wait3A_161] : memref<4x2x80xi32, #tpu.memory_space<vmem>> -> memref<1x1x80xi32, #tpu.memory_space<vmem>>
    %dma_wait3A_163 = tpu.memref_squeeze %dma_wait3A_162 : memref<1x1x80xi32, #tpu.memory_space<vmem>> -> memref<80xi32, #tpu.memory_space<vmem>>
    %dma_wait3A_164 = arith.constant 0 : i32
    %dma_wait3A_165 = arith.constant 0 : i32
    %dma_wait3A_166 = tpu.memref_slice %arg8[%dma_wait3A_164, %dma_wait3A_165] : memref<10000x128xf32, #tpu.memory_space<vmem_shared>> -> memref<10000x128xf32, #tpu.memory_space<vmem_shared>>
    tpu.wait_indirect_dma semaphore(%arg19 : memref<!tpu.dma_semaphore, #tpu.memory_space<semaphore_mem>>) src(%dma_wait3A_160 : memref<80x128xf32, #tpu.memory_space<vmem>>) dst(%dma_wait3A_166 : memref<10000x128xf32, #tpu.memory_space<vmem_shared>>)
    %dma_wait3A_167 = arith.constant 3 : i32
    %dma_wait3A_168 = arith.constant 3 : i32
    %dma_wait3A_169 = arith.constant 1 : i32
    %dma_wait3A_170 = arith.constant 0 : i32
    %dma_wait3A_171 = arith.constant 0 : i32
    %dma_wait3A_172 = tpu.memref_slice %arg7[%dma_wait3A_167, %dma_wait3A_170, %dma_wait3A_171] : memref<4x80x128xf32, #tpu.memory_space<vmem>> -> memref<1x80x128xf32, #tpu.memory_space<vmem>>
    %dma_wait3A_173 = tpu.memref_squeeze %dma_wait3A_172 : memref<1x80x128xf32, #tpu.memory_space<vmem>> -> memref<80x128xf32, #tpu.memory_space<vmem>>
    %dma_wait3A_174 = arith.constant 0 : i32
    %dma_wait3A_175 = tpu.memref_slice %arg6[%dma_wait3A_168, %dma_wait3A_169, %dma_wait3A_174] : memref<4x2x80xi32, #tpu.memory_space<vmem>> -> memref<1x1x80xi32, #tpu.memory_space<vmem>>
    %dma_wait3A_176 = tpu.memref_squeeze %dma_wait3A_175 : memref<1x1x80xi32, #tpu.memory_space<vmem>> -> memref<80xi32, #tpu.memory_space<vmem>>
    %dma_wait3A_177 = arith.constant 0 : i32
    %dma_wait3A_178 = arith.constant 0 : i32
    %dma_wait3A_179 = tpu.memref_slice %arg8[%dma_wait3A_177, %dma_wait3A_178] : memref<10000x128xf32, #tpu.memory_space<vmem_shared>> -> memref<10000x128xf32, #tpu.memory_space<vmem_shared>>
    tpu.wait_indirect_dma semaphore(%arg20 : memref<!tpu.dma_semaphore, #tpu.memory_space<semaphore_mem>>) src(%dma_wait3A_173 : memref<80x128xf32, #tpu.memory_space<vmem>>) dst(%dma_wait3A_179 : memref<10000x128xf32, #tpu.memory_space<vmem_shared>>)
    %barrier3A_180 = arith.constant 0 : index
    tpu.barrier barrier_id(%barrier3A_180)
    %mul3A_181 = arith.constant 624 : i32
    %mul3A_182 = arith.muli %arg1, %mul3A_181 : i32
    %lt3A_183 = arith.constant 15 : i32
    %lt3A_184 = arith.cmpi slt, %arg1, %lt3A_183 : i32
    %convert_element_type3A_185 = arith.extui %lt3A_184 : i1 to i32
    %cond3A_186 = arith.constant 0 : i32
    %cond3A_187 = arith.cmpi ne, %convert_element_type3A_185, %cond3A_186 : i32
    scf.if %cond3A_187 {
      "tpu.region"() ({
        %run_scoped3A = tpu.sem_alloc : memref<!tpu.dma_semaphore, #tpu.memory_space<semaphore_mem>>
        %dma_start3A_193 = arith.constant 0 : i32
        %dma_start3A_194 = tpu.memref_slice %arg5[%arg0, %mul3A_182, %dma_start3A_193] : memref<2x10000x128xf32, #tpu.memory_space<hbm>> -> memref<1x624x128xf32, #tpu.memory_space<hbm>>
        %dma_start3A_195 = tpu.memref_squeeze %dma_start3A_194 : memref<1x624x128xf32, #tpu.memory_space<hbm>> -> memref<624x128xf32, #tpu.memory_space<hbm>>
        %dma_start3A_196 = arith.constant 0 : i32
        %dma_start3A_197 = tpu.memref_slice %arg8[%mul3A_182, %dma_start3A_196] : memref<10000x128xf32, #tpu.memory_space<vmem_shared>> -> memref<624x128xf32, #tpu.memory_space<vmem_shared>>
        tpu.enqueue_dma source(%dma_start3A_197 : memref<624x128xf32, #tpu.memory_space<vmem_shared>>) target(%dma_start3A_195 : memref<624x128xf32, #tpu.memory_space<hbm>>) target_semaphore(%run_scoped3A : memref<!tpu.dma_semaphore, #tpu.memory_space<semaphore_mem>>)
        %dma_wait3A_198 = arith.constant 0 : i32
        %dma_wait3A_199 = tpu.memref_slice %arg5[%arg0, %mul3A_182, %dma_wait3A_198] : memref<2x10000x128xf32, #tpu.memory_space<hbm>> -> memref<1x624x128xf32, #tpu.memory_space<hbm>>
        %dma_wait3A_200 = tpu.memref_squeeze %dma_wait3A_199 : memref<1x624x128xf32, #tpu.memory_space<hbm>> -> memref<624x128xf32, #tpu.memory_space<hbm>>
        %dma_wait3A_201 = arith.constant 0 : i32
        %dma_wait3A_202 = tpu.memref_slice %arg8[%mul3A_182, %dma_wait3A_201] : memref<10000x128xf32, #tpu.memory_space<vmem_shared>> -> memref<624x128xf32, #tpu.memory_space<vmem_shared>>
        tpu.wait_dma2 semaphore(%run_scoped3A : memref<!tpu.dma_semaphore, #tpu.memory_space<semaphore_mem>>) src(%dma_wait3A_202 : memref<624x128xf32, #tpu.memory_space<vmem_shared>>) dst(%dma_wait3A_200 : memref<624x128xf32, #tpu.memory_space<hbm>>)
        tpu.yield
      }) : () -> ()
    } else {
    }
    %eq3A_188 = arith.constant 15 : i32
    %eq3A_189 = arith.cmpi eq, %arg1, %eq3A_188 : i32
    %convert_element_type3A_190 = arith.extui %eq3A_189 : i1 to i32
    %cond3A_191 = arith.constant 0 : i32
    %cond3A_192 = arith.cmpi ne, %convert_element_type3A_190, %cond3A_191 : i32
    scf.if %cond3A_192 {
      "tpu.region"() ({
        %run_scoped3A = tpu.sem_alloc : memref<!tpu.dma_semaphore, #tpu.memory_space<semaphore_mem>>
        %dma_start3A_193 = arith.constant 0 : i32
        %dma_start3A_194 = tpu.memref_slice %arg5[%arg0, %mul3A_182, %dma_start3A_193] : memref<2x10000x128xf32, #tpu.memory_space<hbm>> -> memref<1x640x128xf32, #tpu.memory_space<hbm>>
        %dma_start3A_195 = tpu.memref_squeeze %dma_start3A_194 : memref<1x640x128xf32, #tpu.memory_space<hbm>> -> memref<640x128xf32, #tpu.memory_space<hbm>>
        %dma_start3A_196 = arith.constant 0 : i32
        %dma_start3A_197 = tpu.memref_slice %arg8[%mul3A_182, %dma_start3A_196] : memref<10000x128xf32, #tpu.memory_space<vmem_shared>> -> memref<640x128xf32, #tpu.memory_space<vmem_shared>>
        tpu.enqueue_dma source(%dma_start3A_197 : memref<640x128xf32, #tpu.memory_space<vmem_shared>>) target(%dma_start3A_195 : memref<640x128xf32, #tpu.memory_space<hbm>>) target_semaphore(%run_scoped3A : memref<!tpu.dma_semaphore, #tpu.memory_space<semaphore_mem>>)
        %dma_wait3A_198 = arith.constant 0 : i32
        %dma_wait3A_199 = tpu.memref_slice %arg5[%arg0, %mul3A_182, %dma_wait3A_198] : memref<2x10000x128xf32, #tpu.memory_space<hbm>> -> memref<1x640x128xf32, #tpu.memory_space<hbm>>
        %dma_wait3A_200 = tpu.memref_squeeze %dma_wait3A_199 : memref<1x640x128xf32, #tpu.memory_space<hbm>> -> memref<640x128xf32, #tpu.memory_space<hbm>>
        %dma_wait3A_201 = arith.constant 0 : i32
        %dma_wait3A_202 = tpu.memref_slice %arg8[%mul3A_182, %dma_wait3A_201] : memref<10000x128xf32, #tpu.memory_space<vmem_shared>> -> memref<640x128xf32, #tpu.memory_space<vmem_shared>>
        tpu.wait_dma2 semaphore(%run_scoped3A : memref<!tpu.dma_semaphore, #tpu.memory_space<semaphore_mem>>) src(%dma_wait3A_202 : memref<640x128xf32, #tpu.memory_space<vmem_shared>>) dst(%dma_wait3A_200 : memref<640x128xf32, #tpu.memory_space<hbm>>)
        tpu.yield
      }) : () -> ()
    } else {
    }
    return
  }
}

module attributes {stable_mosaic.version = 14 : i64} {
  func.func @_tc_first_body(%arg0: i32, %arg1: memref<2000x128xf32, #tpu.memory_space<vmem>>, %arg2: memref<128x128xf32, #tpu.memory_space<vmem>>, %arg3: memref<2x2000x128xf32, #tpu.memory_space<vmem>>, %arg4: memref<2000x128xf32, #tpu.memory_space<vmem>>) attributes {dimension_semantics = [#tpu.dimension_semantics<arbitrary>], iteration_bounds = array<i64: 5>, scalar_prefetch = 0 : i64, scratch_operands = 0 : i64, tpu.core_type = #tpu.core_type<tc>, window_params = [{transform_indices = @transform_0, window_bounds = array<i64: 2000, 128>}, {pipeline_mode = #tpu.pipeline_mode<synchronous>, transform_indices = @transform_1, window_bounds = array<i64: 128, 128>}, {transform_indices = @transform_2, window_bounds = array<i64: 2, 2000, 128>}, {transform_indices = @transform_3, window_bounds = array<i64: 2000, 128>}]} {
    %get3A = arith.constant 0 : index
    %get3A_0 = arith.constant 0 : index
    %get3A_1 = arith.constant 0 : index
    %get3A_2 = vector.load %arg3[%get3A, %get3A_0, %get3A_1] : memref<2x2000x128xf32, #tpu.memory_space<vmem>>, vector<1x2000x1xf32>
    %get3A_3 = vector.shape_cast %get3A_2 : vector<1x2000x1xf32> to vector<2000xf32>
    %get3A_4 = arith.constant 1 : index
    %get3A_5 = arith.constant 0 : index
    %get3A_6 = arith.constant 0 : index
    %get3A_7 = vector.load %arg3[%get3A_4, %get3A_5, %get3A_6] : memref<2x2000x128xf32, #tpu.memory_space<vmem>>, vector<1x2000x1xf32>
    %get3A_8 = vector.shape_cast %get3A_7 : vector<1x2000x1xf32> to vector<2000xf32>
    %add3A = arith.addf %get3A_3, %get3A_8 : vector<2000xf32>
    %add3A_9 = arith.constant 1.000000e+00 : f32
    %add3A_10 = vector.broadcast %add3A_9 : f32 to vector<2000xf32>
    %add3A_11 = arith.addf %add3A, %add3A_10 : vector<2000xf32>
    %rsqrt3A = math.rsqrt %add3A_11 : vector<2000xf32>
    %broadcast_in_dim3A = vector.shape_cast %rsqrt3A : vector<2000xf32> to vector<2000x1xf32>
    %get3A_12 = arith.constant 0 : index
    %get3A_13 = arith.constant 0 : index
    %get3A_14 = vector.load %arg1[%get3A_12, %get3A_13] : memref<2000x128xf32, #tpu.memory_space<vmem>>, vector<2000x128xf32>
    %get3A_15 = arith.constant 0 : index
    %get3A_16 = arith.constant 0 : index
    %get3A_17 = vector.load %arg2[%get3A_15, %get3A_16] : memref<128x128xf32, #tpu.memory_space<vmem>>, vector<128x128xf32>
    %dot_general3A = arith.constant dense<0.000000e+00> : vector<2000x128xf32>
    %dot_general3A_18 = tpu.matmul %get3A_14, %get3A_17, %dot_general3A {dimension_numbers = #tpu.dot_dimension_numbers<[1], [0], [0], [1], [0, 0, 1, 1], [], []>, transpose_lhs_hint = false} : vector<2000x128xf32>, vector<128x128xf32>, vector<2000x128xf32> -> vector<2000x128xf32>
    %mul3A = vector.broadcast %broadcast_in_dim3A : vector<2000x1xf32> to vector<2000x128xf32>
    %mul3A_19 = arith.mulf %mul3A, %dot_general3A_18 : vector<2000x128xf32>
    %swap3A = arith.constant 0 : index
    %swap3A_20 = arith.constant 0 : index
    %swap3A_21 = vector.load %arg4[%swap3A, %swap3A_20] : memref<2000x128xf32, #tpu.memory_space<vmem>>, vector<2000x128xf32>
    tpu.vector_store %arg4[%swap3A, %swap3A_20], %mul3A_19 {strides = array<i32>} : memref<2000x128xf32, #tpu.memory_space<vmem>>, vector<2000x128xf32>,
    return
  }
  func.func @transform_0(%arg0: i32) -> (i32, i32) {
    %c0_i32 = arith.constant 0 : i32
    %c0_i32_0 = arith.constant 0 : i32
    return %arg0, %c0_i32 : i32, i32
  }
  func.func @transform_1(%arg0: i32) -> (i32, i32) {
    %c0_i32 = arith.constant 0 : i32
    %c0_i32_0 = arith.constant 0 : i32
    %c0_i32_1 = arith.constant 0 : i32
    return %c0_i32, %c0_i32_0 : i32, i32
  }
  func.func @transform_2(%arg0: i32) -> (i32, i32, i32) {
    %c0_i32 = arith.constant 0 : i32
    %c0_i32_0 = arith.constant 0 : i32
    %c0_i32_1 = arith.constant 0 : i32
    return %c0_i32, %arg0, %c0_i32_0 : i32, i32, i32
  }
  func.func @transform_3(%arg0: i32) -> (i32, i32) {
    %c0_i32 = arith.constant 0 : i32
    %c0_i32_0 = arith.constant 0 : i32
    return %arg0, %c0_i32 : i32, i32
  }
}

module attributes {stable_mosaic.version = 14 : i64} {
  func.func @_tc_mid_body(%arg0: i32, %arg1: memref<2x2000x128xf32, #tpu.memory_space<vmem>>, %arg2: memref<2x2000x128xf32, #tpu.memory_space<vmem>>, %arg3: memref<1x128xf32, #tpu.memory_space<vmem>>, %arg4: memref<128x128xf32, #tpu.memory_space<vmem>>, %arg5: memref<2000x128xf32, #tpu.memory_space<vmem>>) attributes {dimension_semantics = [#tpu.dimension_semantics<arbitrary>], iteration_bounds = array<i64: 5>, scalar_prefetch = 0 : i64, scratch_operands = 0 : i64, tpu.core_type = #tpu.core_type<tc>, window_params = [{transform_indices = @transform_0, window_bounds = array<i64: 2, 2000, 128>}, {transform_indices = @transform_1, window_bounds = array<i64: 2, 2000, 128>}, {pipeline_mode = #tpu.pipeline_mode<synchronous>, transform_indices = @transform_2, window_bounds = array<i64: 1, 128>}, {pipeline_mode = #tpu.pipeline_mode<synchronous>, transform_indices = @transform_3, window_bounds = array<i64: 128, 128>}, {transform_indices = @transform_4, window_bounds = array<i64: 2000, 128>}]} {
    %get3A = arith.constant 0 : index
    %get3A_0 = arith.constant 0 : index
    %get3A_1 = arith.constant 0 : index
    %get3A_2 = vector.load %arg2[%get3A, %get3A_0, %get3A_1] : memref<2x2000x128xf32, #tpu.memory_space<vmem>>, vector<1x2000x1xf32>
    %get3A_3 = vector.shape_cast %get3A_2 : vector<1x2000x1xf32> to vector<2000xf32>
    %get3A_4 = arith.constant 1 : index
    %get3A_5 = arith.constant 0 : index
    %get3A_6 = arith.constant 0 : index
    %get3A_7 = vector.load %arg2[%get3A_4, %get3A_5, %get3A_6] : memref<2x2000x128xf32, #tpu.memory_space<vmem>>, vector<1x2000x1xf32>
    %get3A_8 = vector.shape_cast %get3A_7 : vector<1x2000x1xf32> to vector<2000xf32>
    %add3A = arith.addf %get3A_3, %get3A_8 : vector<2000xf32>
    %add3A_9 = arith.constant 1.000000e+00 : f32
    %add3A_10 = vector.broadcast %add3A_9 : f32 to vector<2000xf32>
    %add3A_11 = arith.addf %add3A, %add3A_10 : vector<2000xf32>
    %rsqrt3A = math.rsqrt %add3A_11 : vector<2000xf32>
    %broadcast_in_dim3A = vector.shape_cast %rsqrt3A : vector<2000xf32> to vector<2000x1xf32>
    %get3A_12 = arith.constant 0 : index
    %get3A_13 = arith.constant 0 : index
    %get3A_14 = arith.constant 0 : index
    %get3A_15 = vector.load %arg1[%get3A_12, %get3A_13, %get3A_14] : memref<2x2000x128xf32, #tpu.memory_space<vmem>>, vector<1x2000x128xf32>
    %get3A_16 = vector.shape_cast %get3A_15 : vector<1x2000x128xf32> to vector<2000x128xf32>
    %get3A_17 = arith.constant 1 : index
    %get3A_18 = arith.constant 0 : index
    %get3A_19 = arith.constant 0 : index
    %get3A_20 = vector.load %arg1[%get3A_17, %get3A_18, %get3A_19] : memref<2x2000x128xf32, #tpu.memory_space<vmem>>, vector<1x2000x128xf32>
    %get3A_21 = vector.shape_cast %get3A_20 : vector<1x2000x128xf32> to vector<2000x128xf32>
    %add3A_22 = arith.addf %get3A_16, %get3A_21 : vector<2000x128xf32>
    %mul3A = vector.broadcast %broadcast_in_dim3A : vector<2000x1xf32> to vector<2000x128xf32>
    %mul3A_23 = arith.mulf %mul3A, %add3A_22 : vector<2000x128xf32>
    %get3A_24 = arith.constant 0 : index
    %get3A_25 = arith.constant 0 : index
    %get3A_26 = vector.load %arg3[%get3A_24, %get3A_25] : memref<1x128xf32, #tpu.memory_space<vmem>>, vector<1x128xf32>
    %add3A_27 = vector.broadcast %get3A_26 : vector<1x128xf32> to vector<2000x128xf32>
    %add3A_28 = arith.addf %mul3A_23, %add3A_27 : vector<2000x128xf32>
    %max3A = arith.constant 0.000000e+00 : f32
    %max3A_29 = vector.broadcast %max3A : f32 to vector<2000x128xf32>
    %max3A_30 = arith.maximumf %add3A_28, %max3A_29 : vector<2000x128xf32>
    %get3A_31 = arith.constant 0 : index
    %get3A_32 = arith.constant 0 : index
    %get3A_33 = vector.load %arg4[%get3A_31, %get3A_32] : memref<128x128xf32, #tpu.memory_space<vmem>>, vector<128x128xf32>
    %dot_general3A = arith.constant dense<0.000000e+00> : vector<2000x128xf32>
    %dot_general3A_34 = tpu.matmul %max3A_30, %get3A_33, %dot_general3A {dimension_numbers = #tpu.dot_dimension_numbers<[1], [0], [0], [1], [0, 0, 1, 1], [], []>, transpose_lhs_hint = false} : vector<2000x128xf32>, vector<128x128xf32>, vector<2000x128xf32> -> vector<2000x128xf32>
    %mul3A_35 = vector.broadcast %broadcast_in_dim3A : vector<2000x1xf32> to vector<2000x128xf32>
    %mul3A_36 = arith.mulf %mul3A_35, %dot_general3A_34 : vector<2000x128xf32>
    %swap3A = arith.constant 0 : index
    %swap3A_37 = arith.constant 0 : index
    %swap3A_38 = vector.load %arg5[%swap3A, %swap3A_37] : memref<2000x128xf32, #tpu.memory_space<vmem>>, vector<2000x128xf32>
    tpu.vector_store %arg5[%swap3A, %swap3A_37], %mul3A_36 {strides = array<i32>} : memref<2000x128xf32, #tpu.memory_space<vmem>>, vector<2000x128xf32>,
    return
  }
  func.func @transform_0(%arg0: i32) -> (i32, i32, i32) {
    %c0_i32 = arith.constant 0 : i32
    %c0_i32_0 = arith.constant 0 : i32
    %c0_i32_1 = arith.constant 0 : i32
    return %c0_i32, %arg0, %c0_i32_0 : i32, i32, i32
  }
  func.func @transform_1(%arg0: i32) -> (i32, i32, i32) {
    %c0_i32 = arith.constant 0 : i32
    %c0_i32_0 = arith.constant 0 : i32
    %c0_i32_1 = arith.constant 0 : i32
    return %c0_i32, %arg0, %c0_i32_0 : i32, i32, i32
  }
  func.func @transform_2(%arg0: i32) -> (i32, i32) {
    %c0_i32 = arith.constant 0 : i32
    %c0_i32_0 = arith.constant 0 : i32
    %c0_i32_1 = arith.constant 0 : i32
    return %c0_i32, %c0_i32_0 : i32, i32
  }
  func.func @transform_3(%arg0: i32) -> (i32, i32) {
    %c0_i32 = arith.constant 0 : i32
    %c0_i32_0 = arith.constant 0 : i32
    %c0_i32_1 = arith.constant 0 : i32
    return %c0_i32, %c0_i32_0 : i32, i32
  }
  func.func @transform_4(%arg0: i32) -> (i32, i32) {
    %c0_i32 = arith.constant 0 : i32
    %c0_i32_0 = arith.constant 0 : i32
    return %arg0, %c0_i32 : i32, i32
  }
}

module attributes {stable_mosaic.version = 14 : i64} {
  func.func @_tc_final_body(%arg0: i32, %arg1: memref<2x2000x128xf32, #tpu.memory_space<vmem>>, %arg2: memref<2x2000x128xf32, #tpu.memory_space<vmem>>, %arg3: memref<1x128xf32, #tpu.memory_space<vmem>>, %arg4: memref<128x128xf32, #tpu.memory_space<vmem>>, %arg5: memref<1x128xf32, #tpu.memory_space<vmem>>, %arg6: memref<128x10xf32, #tpu.memory_space<vmem>>, %arg7: memref<1x10xf32, #tpu.memory_space<vmem>>, %arg8: memref<2000x10xf32, #tpu.memory_space<vmem>>) attributes {dimension_semantics = [#tpu.dimension_semantics<arbitrary>], iteration_bounds = array<i64: 5>, scalar_prefetch = 0 : i64, scratch_operands = 0 : i64, tpu.core_type = #tpu.core_type<tc>, window_params = [{transform_indices = @transform_0, window_bounds = array<i64: 2, 2000, 128>}, {transform_indices = @transform_1, window_bounds = array<i64: 2, 2000, 128>}, {pipeline_mode = #tpu.pipeline_mode<synchronous>, transform_indices = @transform_2, window_bounds = array<i64: 1, 128>}, {pipeline_mode = #tpu.pipeline_mode<synchronous>, transform_indices = @transform_3, window_bounds = array<i64: 128, 128>}, {pipeline_mode = #tpu.pipeline_mode<synchronous>, transform_indices = @transform_4, window_bounds = array<i64: 1, 128>}, {pipeline_mode = #tpu.pipeline_mode<synchronous>, transform_indices = @transform_5, window_bounds = array<i64: 128, 10>}, {pipeline_mode = #tpu.pipeline_mode<synchronous>, transform_indices = @transform_6, window_bounds = array<i64: 1, 10>}, {transform_indices = @transform_7, window_bounds = array<i64: 2000, 10>}]} {
    %get3A = arith.constant 0 : index
    %get3A_0 = arith.constant 0 : index
    %get3A_1 = arith.constant 0 : index
    %get3A_2 = vector.load %arg2[%get3A, %get3A_0, %get3A_1] : memref<2x2000x128xf32, #tpu.memory_space<vmem>>, vector<1x2000x1xf32>
    %get3A_3 = vector.shape_cast %get3A_2 : vector<1x2000x1xf32> to vector<2000xf32>
    %get3A_4 = arith.constant 1 : index
    %get3A_5 = arith.constant 0 : index
    %get3A_6 = arith.constant 0 : index
    %get3A_7 = vector.load %arg2[%get3A_4, %get3A_5, %get3A_6] : memref<2x2000x128xf32, #tpu.memory_space<vmem>>, vector<1x2000x1xf32>
    %get3A_8 = vector.shape_cast %get3A_7 : vector<1x2000x1xf32> to vector<2000xf32>
    %add3A = arith.addf %get3A_3, %get3A_8 : vector<2000xf32>
    %add3A_9 = arith.constant 1.000000e+00 : f32
    %add3A_10 = vector.broadcast %add3A_9 : f32 to vector<2000xf32>
    %add3A_11 = arith.addf %add3A, %add3A_10 : vector<2000xf32>
    %rsqrt3A = math.rsqrt %add3A_11 : vector<2000xf32>
    %broadcast_in_dim3A = vector.shape_cast %rsqrt3A : vector<2000xf32> to vector<2000x1xf32>
    %get3A_12 = arith.constant 0 : index
    %get3A_13 = arith.constant 0 : index
    %get3A_14 = arith.constant 0 : index
    %get3A_15 = vector.load %arg1[%get3A_12, %get3A_13, %get3A_14] : memref<2x2000x128xf32, #tpu.memory_space<vmem>>, vector<1x2000x128xf32>
    %get3A_16 = vector.shape_cast %get3A_15 : vector<1x2000x128xf32> to vector<2000x128xf32>
    %get3A_17 = arith.constant 1 : index
    %get3A_18 = arith.constant 0 : index
    %get3A_19 = arith.constant 0 : index
    %get3A_20 = vector.load %arg1[%get3A_17, %get3A_18, %get3A_19] : memref<2x2000x128xf32, #tpu.memory_space<vmem>>, vector<1x2000x128xf32>
    %get3A_21 = vector.shape_cast %get3A_20 : vector<1x2000x128xf32> to vector<2000x128xf32>
    %add3A_22 = arith.addf %get3A_16, %get3A_21 : vector<2000x128xf32>
    %mul3A = vector.broadcast %broadcast_in_dim3A : vector<2000x1xf32> to vector<2000x128xf32>
    %mul3A_23 = arith.mulf %mul3A, %add3A_22 : vector<2000x128xf32>
    %get3A_24 = arith.constant 0 : index
    %get3A_25 = arith.constant 0 : index
    %get3A_26 = vector.load %arg3[%get3A_24, %get3A_25] : memref<1x128xf32, #tpu.memory_space<vmem>>, vector<1x128xf32>
    %add3A_27 = vector.broadcast %get3A_26 : vector<1x128xf32> to vector<2000x128xf32>
    %add3A_28 = arith.addf %mul3A_23, %add3A_27 : vector<2000x128xf32>
    %max3A = arith.constant 0.000000e+00 : f32
    %max3A_29 = vector.broadcast %max3A : f32 to vector<2000x128xf32>
    %max3A_30 = arith.maximumf %add3A_28, %max3A_29 : vector<2000x128xf32>
    %get3A_31 = arith.constant 0 : index
    %get3A_32 = arith.constant 0 : index
    %get3A_33 = vector.load %arg4[%get3A_31, %get3A_32] : memref<128x128xf32, #tpu.memory_space<vmem>>, vector<128x128xf32>
    %dot_general3A = arith.constant dense<0.000000e+00> : vector<2000x128xf32>
    %dot_general3A_34 = tpu.matmul %max3A_30, %get3A_33, %dot_general3A {dimension_numbers = #tpu.dot_dimension_numbers<[1], [0], [0], [1], [0, 0, 1, 1], [], []>, transpose_lhs_hint = false} : vector<2000x128xf32>, vector<128x128xf32>, vector<2000x128xf32> -> vector<2000x128xf32>
    %get3A_35 = arith.constant 0 : index
    %get3A_36 = arith.constant 0 : index
    %get3A_37 = vector.load %arg5[%get3A_35, %get3A_36] : memref<1x128xf32, #tpu.memory_space<vmem>>, vector<1x128xf32>
    %add3A_38 = vector.broadcast %get3A_37 : vector<1x128xf32> to vector<2000x128xf32>
    %add3A_39 = arith.addf %dot_general3A_34, %add3A_38 : vector<2000x128xf32>
    %max3A_40 = arith.constant 0.000000e+00 : f32
    %max3A_41 = vector.broadcast %max3A_40 : f32 to vector<2000x128xf32>
    %max3A_42 = arith.maximumf %add3A_39, %max3A_41 : vector<2000x128xf32>
    %get3A_43 = arith.constant 0 : index
    %get3A_44 = arith.constant 0 : index
    %get3A_45 = vector.load %arg6[%get3A_43, %get3A_44] : memref<128x10xf32, #tpu.memory_space<vmem>>, vector<128x10xf32>
    %dot_general3A_46 = arith.constant dense<0.000000e+00> : vector<2000x10xf32>
    %dot_general3A_47 = tpu.matmul %max3A_42, %get3A_45, %dot_general3A_46 {dimension_numbers = #tpu.dot_dimension_numbers<[1], [0], [0], [1], [0, 0, 1, 1], [], []>, transpose_lhs_hint = false} : vector<2000x128xf32>, vector<128x10xf32>, vector<2000x10xf32> -> vector<2000x10xf32>
    %get3A_48 = arith.constant 0 : index
    %get3A_49 = arith.constant 0 : index
    %get3A_50 = vector.load %arg7[%get3A_48, %get3A_49] : memref<1x10xf32, #tpu.memory_space<vmem>>, vector<1x10xf32>
    %add3A_51 = vector.broadcast %get3A_50 : vector<1x10xf32> to vector<2000x10xf32>
    %add3A_52 = arith.addf %dot_general3A_47, %add3A_51 : vector<2000x10xf32>
    %swap3A = arith.constant 0 : index
    %swap3A_53 = arith.constant 0 : index
    %swap3A_54 = vector.load %arg8[%swap3A, %swap3A_53] : memref<2000x10xf32, #tpu.memory_space<vmem>>, vector<2000x10xf32>
    tpu.vector_store %arg8[%swap3A, %swap3A_53], %add3A_52 {strides = array<i32>} : memref<2000x10xf32, #tpu.memory_space<vmem>>, vector<2000x10xf32>,
    return
  }
  func.func @transform_0(%arg0: i32) -> (i32, i32, i32) {
    %c0_i32 = arith.constant 0 : i32
    %c0_i32_0 = arith.constant 0 : i32
    %c0_i32_1 = arith.constant 0 : i32
    return %c0_i32, %arg0, %c0_i32_0 : i32, i32, i32
  }
  func.func @transform_1(%arg0: i32) -> (i32, i32, i32) {
    %c0_i32 = arith.constant 0 : i32
    %c0_i32_0 = arith.constant 0 : i32
    %c0_i32_1 = arith.constant 0 : i32
    return %c0_i32, %arg0, %c0_i32_0 : i32, i32, i32
  }
  func.func @transform_2(%arg0: i32) -> (i32, i32) {
    %c0_i32 = arith.constant 0 : i32
    %c0_i32_0 = arith.constant 0 : i32
    %c0_i32_1 = arith.constant 0 : i32
    return %c0_i32, %c0_i32_0 : i32, i32
  }
  func.func @transform_3(%arg0: i32) -> (i32, i32) {
    %c0_i32 = arith.constant 0 : i32
    %c0_i32_0 = arith.constant 0 : i32
    %c0_i32_1 = arith.constant 0 : i32
    return %c0_i32, %c0_i32_0 : i32, i32
  }
  func.func @transform_4(%arg0: i32) -> (i32, i32) {
    %c0_i32 = arith.constant 0 : i32
    %c0_i32_0 = arith.constant 0 : i32
    %c0_i32_1 = arith.constant 0 : i32
    return %c0_i32, %c0_i32_0 : i32, i32
  }
  func.func @transform_5(%arg0: i32) -> (i32, i32) {
    %c0_i32 = arith.constant 0 : i32
    %c0_i32_0 = arith.constant 0 : i32
    %c0_i32_1 = arith.constant 0 : i32
    return %c0_i32, %c0_i32_0 : i32, i32
  }
  func.func @transform_6(%arg0: i32) -> (i32, i32) {
    %c0_i32 = arith.constant 0 : i32
    %c0_i32_0 = arith.constant 0 : i32
    %c0_i32_1 = arith.constant 0 : i32
    return %c0_i32, %c0_i32_0 : i32, i32
  }
  func.func @transform_7(%arg0: i32) -> (i32, i32) {
    %c0_i32 = arith.constant 0 : i32
    %c0_i32_0 = arith.constant 0 : i32
    return %arg0, %c0_i32 : i32, i32
  }
}

</mosaic_0001>

<sc_bundles>
// kernel: kernel.10.cloned.1.call-start
scs
__scs_entry_jumppad:
0x0: {  	(pc) =	sbr.rel $0x88, $3  }
0x1: {  	(tag) =	ssettag $0x0;
	lr =	simm.s32 $0x1  }
0x2: {  	[smem:$0x3F95] =	sst lr;
	_ =	strace $0xD0000000  }
0x3: {  	_ = 	snop  }
0x4: {  	_ = 	snop  }
0x5: {  	_ = 	snop  }
0x6: {  	_ = 	snop  }
0x7: {  	_ = 	snop  }
__scs_overlays_trampoline_lowered:
0x8: {  	[smem:$0x3FA4] =	sst s0  }
0x9: {  	[smem:$0x3FA5] =	sst s1  }
0xa: {  	[smem:$0x3FA6] =	sst s2  }
0xb: {  	[smem:$0x3FA7] =	sst s3  }
0xc: {  	[smem:$0x3FA8] =	sst s4  }
0xd: {  	[smem:$0x3FA9] =	sst s5  }
0xe: {  	[smem:$0x3FAA] =	sst s6  }
0xf: {  	[smem:$0x3FAB] =	sst s7  }
0x10: {  	[smem:$0x3FAC] =	sst s8  }
0x11: {  	[smem:$0x3FAD] =	sst s9;
	s0 =	simm.s32 @!p0 $0x0  }
0x12: {  	s1 =	sld [smem:$0x3F93];
	s0 =	simm.s32 @p0 $0x1  }
0x13: {  	[smem:$0x3FAE] =	sst s0;
	s0 =	simm.s32 @!p1 $0x0  }
0x14: {  	s2 =	sld [smem:$0x3F92];
	s0 =	simm.s32 @p1 $0x1  }
0x15: {  	[smem:$0x3FAF] =	sst s0;
	s0 =	simm.s32 @!p2 $0x0  }
0x16: {  	s3 =	sld [smem:$0x3FDB];
	s0 =	simm.s32 @p2 $0x1  }
0x17: {  	s4 =	simm.s32 $0x1BF5;
	[smem:$0x3FB1] =	sst s0  }
0x18: {  	s0 =	sld [smem:$0x3F94];
	_ =	swait.ge [sflag:s4], $0x0  }
0x19: {  	s7 =	sld [smem:$0x3F95]  }
0x1a: {  	s8 =	sadd.s32 $0xFFFFE003, lr  }
0x1b: {  	s9 =	sadd.s32 $0xFFFFFEF7, lr;
	s5 =	simm.s32 $0xFFFFFFFF;
	p2 =	slt.u32 s8, $0xFFFFF086  }
0x1c: {  	p1 =	slt.u32 s9, $0xF7A;
	s5 =	simm.s32 @!p2 $0x0  }
0x1d: {  	s5 =	simm.s32 @p1 $0x1;
	p0 =	seq.s32 s7, s2  }
0x1e: {  	s7 =	smul.u32 @!p0 $0xF7A, s2;
	p2 =	seq.s32 @!p0 s5, $0x0  }
0x1f: {  	s9 =	smul.u32 $0xF7A, s1;
	s8 =	simm.s32 @!p0 $0x1BF5;
	p2 =	por !p2, p0  }
0x20: {  	[sflag:s8] =	ssyncset.s32 @!p0 $0xFFFFF086;
	s6 =	sadd.s32 @!p0 s3, s7;
	s7 =	simm.s32 @!p0 $0x108  }
0x21: {  	s3 =	sadd.s32 s3, s9;
	s6 =	sadd.s32 @!p0 $0x88, s6;
	s7 =	simm.s32 @p2 $0x1082  }
0x22: {  	[simem:s7], [sflag:s8] =	dma.local @!p0 [hbm:s6], $0xF7A  }
0x23: {  	s9 =	sor.u32 $0xD0000000, s2;
	s6 =	simm.s32 $0x108;
	_ =	swait.ge @!p0 [sflag:s8], $0x0  }
0x24: {  	s3 =	sadd.s32 $0x88, s3;
	s6 =	simm.s32 @!p1 $0x1082;
	[sflag:s4] =	ssyncset.s32 $0xFFFFF086  }
0x25: {  	[simem:s6], [sflag:s4] =	dma.local [hbm:s3], $0xF7A  }
0x26: {  	[smem:$0x3F95] =	sst s1;
	(tag) =	ssettag s2;
	_ =	strace s9  }
0x27: {  	s1 =	sld [smem:$0x3FA5]  }
0x28: {  	s2 =	sld [smem:$0x3FA6]  }
0x29: {  	s4 =	sld [smem:$0x3FA8]  }
0x2a: {  	p0 =	seq.s32 s5, $0x0;
	s5 =	sld [smem:$0x3FA9]  }
0x2b: {  	s6 =	sld [smem:$0x3FAA]  }
0x2c: {  	s7 =	sld [smem:$0x3FAB]  }
0x2d: {  	s3 =	simm.s32 $0x108;
	s8 =	sld [smem:$0x3FAC]  }
0x2e: {  	s3 =	simm.s32 @!p0 $0x1082;
	s9 =	sld [smem:$0x3FAD]  }
0x2f: {  	lr =	sadd.s32 s0, s3;
	s0 =	sld [smem:$0x3FA4]  }
0x30: {  	s3 =	sld [smem:$0x3FA7]  }
0x31: {  	[smem:$0x3FB0] =	sst s10  }
0x32: {  	s10 =	sld [smem:$0x3FAE];
	_ =	sdelay $0x3  }
0x33: {  	p0 =	seq.s32 s10, $0x1;
	s10 =	sld [smem:$0x3FB0];
	_ =	sdelay $0x3  }
0x34: {  	[smem:$0x3FB0] =	sst s10  }
0x35: {  	s10 =	sld [smem:$0x3FAF];
	_ =	sdelay $0x3  }
0x36: {  	p1 =	seq.s32 s10, $0x1;
	s10 =	sld [smem:$0x3FB0];
	_ =	sdelay $0x3  }
0x37: {  	[smem:$0x3FB0] =	sst s10  }
0x38: {  	s10 =	sld [smem:$0x3FB1]  }
0x39: {  	_ = 	snop;
	(pc) =	sbr.ind lr, $3  }
0x3a: {  	_ = 	snop  }
0x3b: {  	_ = 	snop  }
0x3c: {  	p2 =	seq.s32 s10, $0x1;
	s10 =	sld [smem:$0x3FB0]  }
0x3d: {  	_ =	shalt  }
0x3e: {  	_ =	shalt  }
0x3f: {  	_ =	shalt  }
0x40: {  	_ =	shalt  }
0x41: {  	_ =	shalt  }
0x42: {  	_ =	shalt  }
0x43: {  	_ =	shalt  }
0x44: {  	_ =	shalt  }
0x45: {  	_ =	shalt  }
0x46: {  	_ =	shalt  }
0x47: {  	_ =	shalt  }
0x48: {  	_ =	shalt  }
0x49: {  	_ =	shalt  }
0x4a: {  	_ =	shalt  }
0x4b: {  	_ =	shalt  }
0x4c: {  	_ =	shalt  }
0x4d: {  	_ =	shalt  }
0x4e: {  	_ =	shalt  }
0x4f: {  	_ =	shalt  }
0x50: {  	_ =	shalt  }
0x51: {  	_ =	shalt  }
0x52: {  	_ =	shalt  }
0x53: {  	_ =	shalt  }
0x54: {  	_ =	shalt  }
0x55: {  	_ =	shalt  }
0x56: {  	_ =	shalt  }
0x57: {  	_ =	shalt  }
0x58: {  	_ =	shalt  }
0x59: {  	_ =	shalt  }
0x5a: {  	_ =	shalt  }
0x5b: {  	_ =	shalt  }
0x5c: {  	_ =	shalt  }
0x5d: {  	_ =	shalt  }
0x5e: {  	_ =	shalt  }
0x5f: {  	_ =	shalt  }
0x60: {  	_ =	shalt  }
0x61: {  	_ =	shalt  }
0x62: {  	_ =	shalt  }
0x63: {  	_ =	shalt  }
0x64: {  	_ =	shalt  }
0x65: {  	_ =	shalt  }
0x66: {  	_ =	shalt  }
0x67: {  	_ =	shalt  }
0x68: {  	_ =	shalt  }
0x69: {  	_ =	shalt  }
0x6a: {  	_ =	shalt  }
0x6b: {  	_ =	shalt  }
0x6c: {  	_ =	shalt  }
0x6d: {  	_ =	shalt  }
0x6e: {  	_ =	shalt  }
0x6f: {  	_ =	shalt  }
0x70: {  	_ =	shalt  }
0x71: {  	_ =	shalt  }
0x72: {  	_ =	shalt  }
0x73: {  	_ =	shalt  }
0x74: {  	_ =	shalt  }
0x75: {  	_ =	shalt  }
0x76: {  	_ =	shalt  }
0x77: {  	_ =	shalt  }
0x78: {  	_ =	shalt  }
0x79: {  	_ =	shalt  }
0x7a: {  	_ =	shalt  }
0x7b: {  	_ =	shalt  }
0x7c: {  	_ =	shalt  }
0x7d: {  	_ =	shalt  }
0x7e: {  	_ =	shalt  }
0x7f: {  	_ =	shalt  }
0x80: {  	_ =	shalt  }
0x81: {  	_ =	shalt  }
0x82: {  	_ =	shalt  }
0x83: {  	_ =	shalt  }
0x84: {  	_ =	shalt  }
0x85: {  	_ =	shalt  }
0x86: {  	_ =	shalt  }
0x87: {  	_ =	shalt  }
.Lfunc_end0:
.L_simem_size_0:
called_computation_lowered:
.L_overlay_start_0:
0x88: {  	s2 =	sld [smem:$0x3FD9]  }
0x89: {  	s3 =	sld [smem:$0x3FFE];
	_ =	sdelay $0x1  }
0x8a: {  	s1 =	srdreg.scid  }
0x8b: {  	s0 =	sand.u32 $0x1, s1  }
0x8c: {  	s17 =	sshll.u32 s0, $0xA;
	s2 =	sadd.s32 s3, s2  }
0x8d: {  	s2 =	sadd.s32 s2, s17  }
0x8e: {  	[smem:$0x3FBC] =	sst s2  }
0x8f: {  	_ = 	snop  }
0x90: {  	s2 =	sld [smem:$0x3FD0];
	(tm) =	ssettm $0x1  }
0x91: {  	s18 =	sld [smem:$0x3FFB];
	_ =	sdelay $0x3  }
0x92: {  	_ =	strace s18  }
0x93: {  	s3 =	sld [smem:$0x3FFC];
	_ =	sdelay $0x3  }
0x94: {  	_ =	strace s3  }
0x95: {  	s3 =	sld [smem:$0x3FFD];
	_ =	sdelay $0x3  }
0x96: {  	_ =	strace s3  }
0x97: {  	_ =	strace $0x8FFFFFFF  }
0x98: {  	s19 =	sld [smem:$0x3FDB];
	_ =	sdelay $0x1  }
0x99: {  	s4 =	simm.s32 $_scs_section_size  }
0x9a: {  	s5 =	simm.s32 $_size__tile_overlayer_lowered;
	s6 =	simm.s32 $_tile_overlayer_lowered  }
0x9b: {  	s22 =	simm.s32 $0x1BFF;
	s21 =	sshll.u32 s6, $0x1;
	s3 =	sadd.s32 s4, s19  }
0x9c: {  	s7 =	simm.s32 $0x0;
	s20 =	sshll.u32 s5, $0x1;
	s5 =	sadd.s32 s21, s3  }
0x9d: {  	[timem:s7], [sflag:s22] =	dma.local [hbm:s5], s20  }
0x9e: {  	_ =	swait.ge [sflag:s22], s20  }
0x9f: {  	s4 =	ssub.s32 $0x0, s20;
	[sflag:s22] =	ssyncset.done $0x0  }
0xa0: {  	[sflag:s22] =	ssyncadd.s32 s4;
	_ =	sdelay $0x1  }
0xa1: {  	s23 =	simm.s32 $0x1B8B  }
0xa2: {  	_ =	swait.ge [sflag:s23], $0x1  }
0xa3: {  	[sflag:s23] =	ssyncset.done $0x0  }
0xa4: {  	s25 =	simm.s32 $0x1B8E;
	s24 =	sld [smem:$0x3FFE];
	[sflag:s23] =	ssyncadd.s32 $0xFFFFFFFF  }
0xa5: {  	s26 =	simm.s32 $execute0_lowered;
	[smem:$0x3FD2] =	sst s25  }
0xa6: {  	s5 =	sshll.u32 s26, $0x1;
	_ =	strace $0x80000046;
	[dreg:$0x1] =	wrdreg $0xFFFFFFFF  }
0xa7: {  	s28 =	simm.s32 $_size_execute0_lowered;
	s3 =	sadd.s32 s3, s5;
	[dreg:$0x0] =	wrdreg $0x0  }
0xa8: {  	s5 =	sshll.u32 s28, $0x1;
	[dreg:$0x2] =	wrdreg s3  }
0xa9: {  	[dreg:$0x3] =	wrdreg s5  }
0xaa: {  	[dreg:$0x4] =	wrdreg $0xC0  }
0xab: {  	_ =	task [dreg:s7], $0x5FFFF  }
0xac: {  	[dreg:$0x1] =	wrdreg $0xFFFFFFFF  }
0xad: {  	[dreg:$0x0] =	wrdreg $0x60  }
0xae: {  	[dreg:$0x2] =	wrdreg s24  }
0xaf: {  	[dreg:$0x3] =	wrdreg s2  }
0xb0: {  	[dreg:$0x4] =	wrdreg $0x68000  }
0xb1: {  	[dreg:$0x5] =	wrdreg $0x9  }
0xb2: {  	_ =	task.clear_ibuf [dreg:s7], $0x6FFFF;
	_ =	strace $0x90000046  }
0xb3: {  	s29 =	simm.s32 $0x9;
	_ =	strace $0x80000048  }
0xb4: {  	_ =	swait.ge [sflag:s29], $0x1  }
0xb5: {  	[sflag:s29] =	ssyncadd.s32 $0xFFFFFFFF  }
0xb6: {  	_ =	strace $0x90000048  }
0xb7: {  	_ =	sfence  }
0xb8: {  	s30 =	sld [smem:$0x0];
	_ =	sdelay $0x2  }
0xb9: {  	s31 =	sshll.u32 s1, $0xD;
	s1 =	sshrl.u32 s1, $0x2  }
0xba: {  	s3 =	sand.u32 $0x4000, s31;
	s1 =	sadd.s32 s1, s30  }
0xbb: {  	s0 =	sor.u32 s3, s0;
	s1 =	sshll.u32 s1, $0x11  }
0xbc: {  	s0 =	sor.u32 s1, s0  }
0xbd: {  	s0 =	sadd.s32 $0x8F2B, s0  }
0xbe: {  	[sflag:s0] =	ssyncadd.remote.s32 $0x1  }
0xbf: {  	_ =	sfence.sel $0xFFFF  }
0xc0: {  	[dreg:$0x0] =	wrdreg $0xFFFFFFFF;
	(pc) =	sbr.abs _section_cstart, $3  }
0xc1: {  	[dreg:$0x1] =	wrdreg $0xFFFFFFFF  }
0xc2: {  	_ =	task.clear_ibuf [dreg:s7], $0x2FFFF;
	_ =	strace $0x9FFFFFFF  }
0xc3: {  	(tm) =	ssettm $0x7FFFFFFF  }
tec
execute0_lowered:
.L_overlay_start_1:
0x0: {  	(tag) =	ssettag $0x1  }
0x1: {  	s7 =	rddreg [dreg:$0x0]  }
0x2: {  	s1 =	rddreg [dreg:$0x1]  }
0x3: {  	s3 =	rddreg [dreg:$0x2]  }
0x4: {  	s0 =	rddreg [dreg:$0x3];
	s4 =	simm.s32 $0x0;
	s5 =	srdreg.scid  }
0x5: {  	s2 =	stileid.u32;
	s17 =	simm.s32 $0x80;
	s18 =	simm.s32 $0x2  }
0x6: {  	s19 =	simm.s32 $0x1;
	s20 =	simm.s32 $0x0;
	[smem:$0x7FF] =	sst s4  }
0x7: {  	s5 =	sand.u32 $0x1, s5;
	s6 =	smul.u32 $0x2700, s2;
	s10 =	sadd.s32 $0x3A400, s7  }
0x8: {  	s12 =	smul.u32 $0x4E000, s2;
	s25 =	sshll.u32 s2, $0xC;
	s14 =	sadd.s32 $0x124800, s3  }
0x9: {  	s29 =	smul.u32 $0x13800, s2;
	p0 =	seq.s32 s2, $0xF;
	_ =	strace $0x80000047  }
0xa: {  	s8 =	sshll.u32 s5, $0xB;
	s9 =	ssub.s32 $0x2, s5;
	s13 =	smul.u32 $0x138800, s5  }
0xb: {  	s16 =	sshll.u32 @!p0 s2, $0x6;
	s8 =	sadd.s32 s8, s7;
	s6 =	sadd.s32 s6, s7  }
0xc: {  	s11 =	sshrl.u32 s9, $0x1;
	s28 =	sshrl.u32 s12, $0x2;
	s7 =	sadd.s32 $0x37B00, s7  }
0xd: {  	s12 =	simm.s32 $0x3;
	s11 =	ssub.s32 s9, s11;
	s26 =	sadd.s32 s25, s8  }
0xe: {  	s15 =	sadd.s32 s28, s3;
	s6 =	sadd.s32 $0x13200, s6;
	s30 =	sadd.s32 s29, s13  }
0xf: {  	s31 =	sshrl.u32 s13, $0x3;
	s13 =	sshrl.u32 @p0 s14, $0x3;
	s14 =	sor.u32 @!p0 $0x1C03, s16  }
0x10: {  	s16 =	simm.s32 $0x50;
	s5 =	sadd.s32 $0x3200, s26;
	s8 =	sshrl.u32 s30, $0x3  }
0x11: {  	s9 =	sadd.s32 s10, s31;
	s15 =	sshrl.u32 @!p0 s15, $0x3;
	s8 =	sadd.s32 s10, s8  }
0x12: {  	s9 =	sadd.s32 $0x24900, s9;
	s10 =	smax.u32 s11, $0x1;
	s11 =	simm.s32 $0x4000  }
.LBB2_1:
0x13: {  	[tilespmem:s11], [sflag:$0x3] =	stream.linear.gather [hbm4b:s1+s4], $0x2800, $0x38;
	[tilespmem:$0x1A080] =	vst v63  }
0x14: {  	_ =	swait.ge [sflag:s12], $0x2800  }
0x15: {  	[sflag:s12] =	ssyncset.done $0x0  }
0x16: {  	[sflag:s12] =	ssyncadd.s32 $0xFFFFD800  }
0x17: {  	[tilespmem:s4], [sflag:$0x3] =	stream.linear.gather [hbm4b:s5+s4], $0x3E80, $0x38;
	[tilespmem:$0x1A080] =	vst v63  }
0x18: {  	_ =	swait.ge [sflag:s12], $0x3E80  }
0x19: {  	[sflag:s12] =	ssyncset.done $0x0  }
0x1a: {  	s21 =	simm.s32 @p0 $0x1FC3;
	[sflag:s12] =	ssyncadd.s32 $0xFFFFC180  }
0x1b: {  	[spmem:s13], [sflag:s21] =	dma.local @p0 [hbm:s7], $0x2800  }
0x1c: {  	s21 =	simm.s32 @p0 $0x3  }
0x1d: {  	_ =	swait.ge @p0 [sflag:s21], $0x2800  }
0x1e: {  	[sflag:s21] =	ssyncset.done @p0 $0x0  }
0x1f: {  	[sflag:s21] =	ssyncadd.s32 @p0 $0xFFFFD800;
	s21 =	simm.s32 @!p0 $0x3  }
0x20: {  	[spmem:s15], [sflag:s14] =	dma.local @!p0 [hbm:s6], $0x2700  }
0x21: {  	_ =	swait.ge @!p0 [sflag:s21], $0x2700  }
0x22: {  	[sflag:s21] =	ssyncset.done @!p0 $0x0  }
0x23: {  	s31 =	sand.u32 $0x1, s18;
	[sflag:s21] =	ssyncadd.s32 @!p0 $0xFFFFD900  }
0x24: {  	s23 =	simm.s32 $0x2;
	p1 =	seq.s32 s31, $0x1;
	[bflag:$0x0] =	sbarrier.arrive $0xFFFF  }
0x25: {  	[spmem:s3] =	stream.indirect.scatter.add.f32 [tilespmem:s11], [sflag:$0x1], $0x80, s4, s16, $0xb8;
	[tilespmem:$0x1A080] =	vst v63  }
0x26: {  	s22 =	simm.s32 $0x3;
	s23 =	simm.s32 @!p1 $0x1  }
0x27: {  	[spmem:s3] =	stream.indirect.scatter.add.f32 [tilespmem:s11], [sflag:$0x2], $0x80, s17, s16, $0xb8;
	[tilespmem:$0x1A080] =	vst v63  }
0x28: {  	s22 =	sand.u32 $0x1, s22;
	_ =	swait.ge [sflag:s23], $0x2800  }
0x29: {  	p1 =	seq.s32 s22, $0x1;
	s22 =	simm.s32 $0x2;
	[sflag:s23] =	ssyncset.done $0x0  }
0x2a: {  	s22 =	simm.s32 @!p1 $0x1;
	s21 =	simm.s32 $0x100;
	[sflag:s23] =	ssyncadd.s32 $0xFFFFD800  }
0x2b: {  	[spmem:s3] =	stream.indirect.scatter.add.f32 [tilespmem:s11], [sflag:s23], $0x80, s21, s16, $0xb8;
	[tilespmem:$0x1A080] =	vst v63  }
0x2c: {  	s23 =	simm.s32 $0x4;
	_ =	swait.ge [sflag:s22], $0x2800  }
.LBB2_2:
0x2d: {  	s24 =	sand.u32 $0x1, s23  }
0x2e: {  	p1 =	seq.s32 s24, $0x1;
	s24 =	simm.s32 $0x2  }
0x2f: {  	s24 =	simm.s32 @!p1 $0x1;
	p1 =	sne.s32 s23, $0x7C  }
.Ltmp0:
0x30: {  	[sflag:s22] =	ssyncset.done $0x0;
	(pc) =	sbr.rel @p1 .LBB2_2-.Ltmp0, $4  }
0x31: {  	s21 =	sadd.s32 $0x80, s21;
	[sflag:s22] =	ssyncadd.s32 $0xFFFFD800  }
0x32: {  	[spmem:s3] =	stream.indirect.scatter.add.f32 [tilespmem:s11], [sflag:s22], $0x80, s21, s16, $0xb8;
	[tilespmem:$0x1A080] =	vst v63  }
0x33: {  	s22 =	smov.u32 s24;
	_ =	swait.ge [sflag:s24], $0x2800  }
0x34: {  	s23 =	sadd.s32 $0x1, s23  }
0x35: {  	[sflag:s22] =	ssyncset.done $0x0  }
0x36: {  	s21 =	sadd.s32 $0x80, s21;
	[sflag:s22] =	ssyncadd.s32 $0xFFFFD800  }
0x37: {  	[spmem:s3] =	stream.indirect.scatter.add.f32 [tilespmem:s11], [sflag:s22], $0x80, s21, s16, $0xb8;
	[tilespmem:$0x1A080] =	vst v63  }
0x38: {  	_ =	swait.ge [sflag:s19], $0x2800  }
0x39: {  	[sflag:s19] =	ssyncset.done $0x0  }
0x3a: {  	[sflag:s19] =	ssyncadd.s32 $0xFFFFD800  }
0x3b: {  	_ =	swait.ge [sflag:s18], $0x2800  }
0x3c: {  	[sflag:s18] =	ssyncset.done $0x0  }
0x3d: {  	[sflag:s18] =	ssyncadd.s32 $0xFFFFD800  }
0x3e: {  	s21 =	simm.s32 @p0 $0x1FC3;
	[bflag:$0x0] =	sbarrier.arrive $0xFFFF  }
0x3f: {  	[hbm:s9], [sflag:s21] =	dma.local @p0 [spmem:s13], $0x2800  }
0x40: {  	s21 =	simm.s32 @p0 $0x3  }
0x41: {  	s20 =	sadd.s32 $0x1, s20;
	_ =	swait.ge @p0 [sflag:s21], $0x2800  }
0x42: {  	p1 =	sne.s32 s20, s10;
	[sflag:s21] =	ssyncset.done @p0 $0x0  }
.Ltmp1:
0x43: {  	[sflag:s21] =	ssyncadd.s32 @p0 $0xFFFFD800;
	s21 =	simm.s32 @!p0 $0x3;
	(pc) =	sbr.rel @p1 .LBB2_1-.Ltmp1, $4  }
0x44: {  	[hbm:s8], [sflag:s14] =	dma.local @!p0 [spmem:s15], $0x2700  }
0x45: {  	_ =	swait.ge @!p0 [sflag:s21], $0x2700  }
0x46: {  	[sflag:s21] =	ssyncset.done @!p0 $0x0  }
0x47: {  	[sflag:s21] =	ssyncadd.s32 @!p0 $0xFFFFD900  }
0x48: {  	_ =	sfence.sel $0x180000  }
0x49: {  	[bflag:$0x0] =	sbarrier.arrive $0xFFFF  }
0x4a: {  	p0 =	sne.s32 s2, $0x0;
	_ =	strace $0x90000047  }
0x4b: {  	s0 =	sadd.s32 @!p0 $0x100000, s0;
	[bflag:$0x2] =	sbarrier.arrive $0xFFFF  }
0x4c: {  	[sflag:s0] =	ssyncadd.tile.s32 @!p0 $0x1;
	_ =	shalt  }
.Lfunc_end2:
_tile_overlayer_lowered:
.L_overlay_start_2:
0x4d: {  	(tag) =	ssettag $0x2  }
0x4e: {  	s0 =	rddreg [dreg:$0x0];
	s2 =	stileid.u32  }
0x4f: {  	s1 =	rddreg [dreg:$0x1];
	p0 =	sne.s32 s2, $0x0  }
0x50: {  	s3 =	rddreg [dreg:$0x2];
	[bflag:$0x3] =	sbarrier.arrive $0xFFFF;
	s2 =	simm.s32 @!p0 $0x1C03  }
0x51: {  	[timem:s3], [sflag:s2] =	dma.local @!p0 [hbm:s0], s1  }
0x52: {  	s0 =	simm.s32 @!p0 $0x3  }
0x53: {  	_ =	swait.ge @!p0 [sflag:s0], s1  }
0x54: {  	s1 =	ssub.s32 @!p0 $0x0, s1;
	[sflag:s0] =	ssyncset.done @!p0 $0x0  }
0x55: {  	[sflag:s0] =	ssyncadd.s32 @!p0 s1  }
0x56: {  	[bflag:$0x3] =	sbarrier.arrive $0xFFFF  }
0x57: {  	_ =	shalt  }

// kernel: kernel.13.cloned.1.call-start
scs
__scs_entry_jumppad:
0x0: {  	(pc) =	sbr.rel $0x88, $3  }
0x1: {  	(tag) =	ssettag $0x0;
	lr =	simm.s32 $0x1  }
0x2: {  	[smem:$0x3F95] =	sst lr;
	_ =	strace $0xD0000000  }
0x3: {  	_ = 	snop  }
0x4: {  	_ = 	snop  }
0x5: {  	_ = 	snop  }
0x6: {  	_ = 	snop  }
0x7: {  	_ = 	snop  }
__scs_overlays_trampoline_lowered:
0x8: {  	[smem:$0x3FA4] =	sst s0  }
0x9: {  	[smem:$0x3FA5] =	sst s1  }
0xa: {  	[smem:$0x3FA6] =	sst s2  }
0xb: {  	[smem:$0x3FA7] =	sst s3  }
0xc: {  	[smem:$0x3FA8] =	sst s4  }
0xd: {  	[smem:$0x3FA9] =	sst s5  }
0xe: {  	[smem:$0x3FAA] =	sst s6  }
0xf: {  	[smem:$0x3FAB] =	sst s7  }
0x10: {  	[smem:$0x3FAC] =	sst s8  }
0x11: {  	[smem:$0x3FAD] =	sst s9;
	s0 =	simm.s32 @!p0 $0x0  }
0x12: {  	s1 =	sld [smem:$0x3F93];
	s0 =	simm.s32 @p0 $0x1  }
0x13: {  	[smem:$0x3FAE] =	sst s0;
	s0 =	simm.s32 @!p1 $0x0  }
0x14: {  	s2 =	sld [smem:$0x3F92];
	s0 =	simm.s32 @p1 $0x1  }
0x15: {  	[smem:$0x3FAF] =	sst s0;
	s0 =	simm.s32 @!p2 $0x0  }
0x16: {  	s3 =	sld [smem:$0x3FDB];
	s0 =	simm.s32 @p2 $0x1  }
0x17: {  	s4 =	simm.s32 $0x1BF5;
	[smem:$0x3FB1] =	sst s0  }
0x18: {  	s0 =	sld [smem:$0x3F94];
	_ =	swait.ge [sflag:s4], $0x0  }
0x19: {  	s7 =	sld [smem:$0x3F95]  }
0x1a: {  	s8 =	sadd.s32 $0xFFFFE003, lr  }
0x1b: {  	s9 =	sadd.s32 $0xFFFFFEF7, lr;
	s5 =	simm.s32 $0xFFFFFFFF;
	p2 =	slt.u32 s8, $0xFFFFF086  }
0x1c: {  	p1 =	slt.u32 s9, $0xF7A;
	s5 =	simm.s32 @!p2 $0x0  }
0x1d: {  	s5 =	simm.s32 @p1 $0x1;
	p0 =	seq.s32 s7, s2  }
0x1e: {  	s7 =	smul.u32 @!p0 $0xF7A, s2;
	p2 =	seq.s32 @!p0 s5, $0x0  }
0x1f: {  	s9 =	smul.u32 $0xF7A, s1;
	s8 =	simm.s32 @!p0 $0x1BF5;
	p2 =	por !p2, p0  }
0x20: {  	[sflag:s8] =	ssyncset.s32 @!p0 $0xFFFFF086;
	s6 =	sadd.s32 @!p0 s3, s7;
	s7 =	simm.s32 @!p0 $0x108  }
0x21: {  	s3 =	sadd.s32 s3, s9;
	s6 =	sadd.s32 @!p0 $0x88, s6;
	s7 =	simm.s32 @p2 $0x1082  }
0x22: {  	[simem:s7], [sflag:s8] =	dma.local @!p0 [hbm:s6], $0xF7A  }
0x23: {  	s9 =	sor.u32 $0xD0000000, s2;
	s6 =	simm.s32 $0x108;
	_ =	swait.ge @!p0 [sflag:s8], $0x0  }
0x24: {  	s3 =	sadd.s32 $0x88, s3;
	s6 =	simm.s32 @!p1 $0x1082;
	[sflag:s4] =	ssyncset.s32 $0xFFFFF086  }
0x25: {  	[simem:s6], [sflag:s4] =	dma.local [hbm:s3], $0xF7A  }
0x26: {  	[smem:$0x3F95] =	sst s1;
	(tag) =	ssettag s2;
	_ =	strace s9  }
0x27: {  	s1 =	sld [smem:$0x3FA5]  }
0x28: {  	s2 =	sld [smem:$0x3FA6]  }
0x29: {  	s4 =	sld [smem:$0x3FA8]  }
0x2a: {  	p0 =	seq.s32 s5, $0x0;
	s5 =	sld [smem:$0x3FA9]  }
0x2b: {  	s6 =	sld [smem:$0x3FAA]  }
0x2c: {  	s7 =	sld [smem:$0x3FAB]  }
0x2d: {  	s3 =	simm.s32 $0x108;
	s8 =	sld [smem:$0x3FAC]  }
0x2e: {  	s3 =	simm.s32 @!p0 $0x1082;
	s9 =	sld [smem:$0x3FAD]  }
0x2f: {  	lr =	sadd.s32 s0, s3;
	s0 =	sld [smem:$0x3FA4]  }
0x30: {  	s3 =	sld [smem:$0x3FA7]  }
0x31: {  	[smem:$0x3FB0] =	sst s10  }
0x32: {  	s10 =	sld [smem:$0x3FAE];
	_ =	sdelay $0x3  }
0x33: {  	p0 =	seq.s32 s10, $0x1;
	s10 =	sld [smem:$0x3FB0];
	_ =	sdelay $0x3  }
0x34: {  	[smem:$0x3FB0] =	sst s10  }
0x35: {  	s10 =	sld [smem:$0x3FAF];
	_ =	sdelay $0x3  }
0x36: {  	p1 =	seq.s32 s10, $0x1;
	s10 =	sld [smem:$0x3FB0];
	_ =	sdelay $0x3  }
0x37: {  	[smem:$0x3FB0] =	sst s10  }
0x38: {  	s10 =	sld [smem:$0x3FB1]  }
0x39: {  	_ = 	snop;
	(pc) =	sbr.ind lr, $3  }
0x3a: {  	_ = 	snop  }
0x3b: {  	_ = 	snop  }
0x3c: {  	p2 =	seq.s32 s10, $0x1;
	s10 =	sld [smem:$0x3FB0]  }
0x3d: {  	_ =	shalt  }
0x3e: {  	_ =	shalt  }
0x3f: {  	_ =	shalt  }
0x40: {  	_ =	shalt  }
0x41: {  	_ =	shalt  }
0x42: {  	_ =	shalt  }
0x43: {  	_ =	shalt  }
0x44: {  	_ =	shalt  }
0x45: {  	_ =	shalt  }
0x46: {  	_ =	shalt  }
0x47: {  	_ =	shalt  }
0x48: {  	_ =	shalt  }
0x49: {  	_ =	shalt  }
0x4a: {  	_ =	shalt  }
0x4b: {  	_ =	shalt  }
0x4c: {  	_ =	shalt  }
0x4d: {  	_ =	shalt  }
0x4e: {  	_ =	shalt  }
0x4f: {  	_ =	shalt  }
0x50: {  	_ =	shalt  }
0x51: {  	_ =	shalt  }
0x52: {  	_ =	shalt  }
0x53: {  	_ =	shalt  }
0x54: {  	_ =	shalt  }
0x55: {  	_ =	shalt  }
0x56: {  	_ =	shalt  }
0x57: {  	_ =	shalt  }
0x58: {  	_ =	shalt  }
0x59: {  	_ =	shalt  }
0x5a: {  	_ =	shalt  }
0x5b: {  	_ =	shalt  }
0x5c: {  	_ =	shalt  }
0x5d: {  	_ =	shalt  }
0x5e: {  	_ =	shalt  }
0x5f: {  	_ =	shalt  }
0x60: {  	_ =	shalt  }
0x61: {  	_ =	shalt  }
0x62: {  	_ =	shalt  }
0x63: {  	_ =	shalt  }
0x64: {  	_ =	shalt  }
0x65: {  	_ =	shalt  }
0x66: {  	_ =	shalt  }
0x67: {  	_ =	shalt  }
0x68: {  	_ =	shalt  }
0x69: {  	_ =	shalt  }
0x6a: {  	_ =	shalt  }
0x6b: {  	_ =	shalt  }
0x6c: {  	_ =	shalt  }
0x6d: {  	_ =	shalt  }
0x6e: {  	_ =	shalt  }
0x6f: {  	_ =	shalt  }
0x70: {  	_ =	shalt  }
0x71: {  	_ =	shalt  }
0x72: {  	_ =	shalt  }
0x73: {  	_ =	shalt  }
0x74: {  	_ =	shalt  }
0x75: {  	_ =	shalt  }
0x76: {  	_ =	shalt  }
0x77: {  	_ =	shalt  }
0x78: {  	_ =	shalt  }
0x79: {  	_ =	shalt  }
0x7a: {  	_ =	shalt  }
0x7b: {  	_ =	shalt  }
0x7c: {  	_ =	shalt  }
0x7d: {  	_ =	shalt  }
0x7e: {  	_ =	shalt  }
0x7f: {  	_ =	shalt  }
0x80: {  	_ =	shalt  }
0x81: {  	_ =	shalt  }
0x82: {  	_ =	shalt  }
0x83: {  	_ =	shalt  }
0x84: {  	_ =	shalt  }
0x85: {  	_ =	shalt  }
0x86: {  	_ =	shalt  }
0x87: {  	_ =	shalt  }
.Lfunc_end0:
.L_simem_size_0:
called_computation.1_lowered:
.L_overlay_start_0:
0x88: {  	s2 =	sld [smem:$0x3FD9]  }
0x89: {  	s3 =	sld [smem:$0x3FFE];
	_ =	sdelay $0x1  }
0x8a: {  	s1 =	srdreg.scid  }
0x8b: {  	s0 =	sand.u32 $0x1, s1  }
0x8c: {  	s16 =	sshll.u32 s0, $0xA;
	s2 =	sadd.s32 s3, s2  }
0x8d: {  	s2 =	sadd.s32 s2, s16  }
0x8e: {  	[smem:$0x3FBC] =	sst s2  }
0x8f: {  	_ = 	snop  }
0x90: {  	(tm) =	ssettm $0x1  }
0x91: {  	s17 =	sld [smem:$0x3FFB];
	_ =	sdelay $0x3  }
0x92: {  	_ =	strace s17  }
0x93: {  	s2 =	sld [smem:$0x3FFC];
	_ =	sdelay $0x3  }
0x94: {  	_ =	strace s2  }
0x95: {  	s2 =	sld [smem:$0x3FFD];
	_ =	sdelay $0x3  }
0x96: {  	_ =	strace s2  }
0x97: {  	_ =	strace $0x8FFFFFFF  }
0x98: {  	s18 =	sld [smem:$0x3FDB];
	_ =	sdelay $0x1  }
0x99: {  	s19 =	simm.s32 $_scs_section_size  }
0x9a: {  	s4 =	simm.s32 $_size__tile_overlayer_lowered;
	s5 =	simm.s32 $_tile_overlayer_lowered  }
0x9b: {  	s22 =	simm.s32 $0x1BFF;
	s21 =	sshll.u32 s5, $0x1;
	s2 =	sadd.s32 s19, s18  }
0x9c: {  	s6 =	simm.s32 $0x0;
	s20 =	sshll.u32 s4, $0x1;
	s4 =	sadd.s32 s21, s2  }
0x9d: {  	[timem:s6], [sflag:s22] =	dma.local [hbm:s4], s20  }
0x9e: {  	_ =	swait.ge [sflag:s22], s20  }
0x9f: {  	s3 =	ssub.s32 $0x0, s20;
	[sflag:s22] =	ssyncset.done $0x0  }
0xa0: {  	[sflag:s22] =	ssyncadd.s32 s3;
	_ =	sdelay $0x1  }
0xa1: {  	s23 =	simm.s32 $0x1B8B  }
0xa2: {  	_ =	swait.ge [sflag:s23], $0x1  }
0xa3: {  	[sflag:s23] =	ssyncset.done $0x0  }
0xa4: {  	s25 =	simm.s32 $0x1B8E;
	s24 =	sld [smem:$0x3FFE];
	[sflag:s23] =	ssyncadd.s32 $0xFFFFFFFF  }
0xa5: {  	s26 =	simm.s32 $execute0_lowered;
	[smem:$0x3FD2] =	sst s25  }
0xa6: {  	s4 =	sshll.u32 s26, $0x1;
	_ =	strace $0x80000049;
	[dreg:$0x1] =	wrdreg $0xFFFFFFFF  }
0xa7: {  	s28 =	simm.s32 $_size_execute0_lowered;
	s2 =	sadd.s32 s2, s4;
	[dreg:$0x0] =	wrdreg $0x0  }
0xa8: {  	s4 =	sshll.u32 s28, $0x1;
	[dreg:$0x2] =	wrdreg s2  }
0xa9: {  	[dreg:$0x3] =	wrdreg s4  }
0xaa: {  	[dreg:$0x4] =	wrdreg $0xC0  }
0xab: {  	_ =	task [dreg:s6], $0x5FFFF  }
0xac: {  	[dreg:$0x1] =	wrdreg $0xFFFFFFFF  }
0xad: {  	[dreg:$0x0] =	wrdreg $0x60  }
0xae: {  	[dreg:$0x2] =	wrdreg s24  }
0xaf: {  	[dreg:$0x3] =	wrdreg $0xA4000  }
0xb0: {  	[dreg:$0x4] =	wrdreg $0x9  }
0xb1: {  	_ =	task.clear_ibuf [dreg:s6], $0x5FFFF;
	_ =	strace $0x90000049  }
0xb2: {  	s29 =	simm.s32 $0x9;
	_ =	strace $0x8000004B  }
0xb3: {  	_ =	swait.ge [sflag:s29], $0x1  }
0xb4: {  	[sflag:s29] =	ssyncadd.s32 $0xFFFFFFFF  }
0xb5: {  	_ =	strace $0x9000004B  }
0xb6: {  	_ =	sfence  }
0xb7: {  	s30 =	sld [smem:$0x0];
	_ =	sdelay $0x2  }
0xb8: {  	s31 =	sshll.u32 s1, $0xD;
	s1 =	sshrl.u32 s1, $0x2  }
0xb9: {  	s3 =	sand.u32 $0x4000, s31;
	s1 =	sadd.s32 s1, s30  }
0xba: {  	s0 =	sor.u32 s3, s0;
	s1 =	sshll.u32 s1, $0x11  }
0xbb: {  	s0 =	sor.u32 s1, s0  }
0xbc: {  	s0 =	sadd.s32 $0x8F2B, s0  }
0xbd: {  	[sflag:s0] =	ssyncadd.remote.s32 $0x1  }
0xbe: {  	_ =	sfence.sel $0xFFFF  }
0xbf: {  	[dreg:$0x0] =	wrdreg $0xFFFFFFFF;
	(pc) =	sbr.abs _section_cstart, $3  }
0xc0: {  	[dreg:$0x1] =	wrdreg $0xFFFFFFFF  }
0xc1: {  	_ =	task.clear_ibuf [dreg:s6], $0x2FFFF;
	_ =	strace $0x9FFFFFFF  }
0xc2: {  	(tm) =	ssettm $0x7FFFFFFF  }
0xc3: {  	_ =	shalt  }
tec
execute0_lowered:
.L_overlay_start_1:
0x0: {  	(tag) =	ssettag $0x1  }
0x1: {  	s0 =	rddreg [dreg:$0x0]  }
0x2: {  	s2 =	rddreg [dreg:$0x1]  }
0x3: {  	s3 =	simm.s32 $0x0;
	s23 =	stileid.u32;
	s1 =	srdreg.scid  }
0x4: {  	s28 =	simm.s32 $0x2;
	s29 =	simm.s32 $0x2C00;
	s30 =	simm.s32 $0x300  }
0x5: {  	s31 =	simm.s32 $0x3;
	s15 =	simm.s32 $0xC;
	s5 =	smul.u32 $0x2700, s23  }
0x6: {  	[smem:$0x7FF] =	sst s3;
	s1 =	sand.u32 $0x1, s1;
	s12 =	smul.u32 $0x4E000, s23  }
0x7: {  	s4 =	sshll.u32 s23, $0x1;
	s7 =	sadd.s32 $0x88600, s0;
	s19 =	smul.u32 $0x13800, s23  }
0x8: {  	s10 =	sadd.s32 $0xCEC00, s0;
	s20 =	smul.u32 $0xFA00, s23;
	s14 =	sadd.s32 $0x37B00, s0  }
0x9: {  	p0 =	seq.s32 s23, $0xF;
	_ =	strace $0x8000004A;
	s6 =	sor.u32 s1, s4  }
0xa: {  	s4 =	sadd.s32 $0xA7A00, s0;
	s8 =	ssub.s32 $0x2, s1;
	s16 =	smul.u32 $0x138800, s1  }
0xb: {  	s21 =	smul.u32 $0x7D00, s1;
	[dreg:$0x9] =	wrdreg s14;
	p3 =	sne.s32 @p0 s1, $0x0  }
0xc: {  	p4 =	sne.s32 @!p0 s1, $0x0;
	s14 =	simm.s32 $0xB;
	s6 =	smul.u32 $0x7D00, s6  }
0xd: {  	s9 =	sadd.s32 s5, s0;
	s11 =	sshrl.u32 s8, $0x1;
	s18 =	sshrl.u32 s12, $0x2  }
0xe: {  	s5 =	sadd.s32 s4, s5;
	s0 =	sadd.s32 $0xCC300, s0;
	p1 =	por !p3, !p0  }
0xf: {  	p2 =	por !p4, p0;
	p3 =	por p3, !p0;
	p4 =	por p4, p0  }
0x10: {  	s12 =	simm.s32 $0x180;
	s11 =	ssub.s32 s8, s11;
	[dreg:$0x7] =	wrdreg s5  }
0x11: {  	s8 =	sadd.s32 s18, s2;
	s9 =	sadd.s32 $0x13200, s9;
	[dreg:$0xa] =	wrdreg s0  }
0x12: {  	s22 =	sadd.s32 s19, s16;
	s5 =	sadd.s32 s21, s20;
	s18 =	simm.s32 $0x100  }
0x13: {  	s19 =	simm.s32 $0x200;
	s20 =	simm.s32 $0x380;
	s21 =	simm.s32 $0x0  }
0x14: {  	s6 =	sshrl.u32 s6, $0x3;
	[dreg:$0x6] =	wrdreg s9;
	s9 =	sadd.s32 $0x124800, s2  }
0x15: {  	s0 =	sshrl.u32 s22, $0x3;
	s5 =	sadd.s32 $0x300, s5;
	s26 =	smax.u32 s11, $0x1  }
0x16: {  	s11 =	simm.s32 $0x8;
	s13 =	sadd.s32 s7, s6;
	s6 =	sshrl.u32 s16, $0x3  }
0x17: {  	s0 =	sadd.s32 s10, s0;
	s25 =	sshrl.u32 s5, $0x3;
	[dreg:$0xd] =	wrdreg s26  }
0x18: {  	[dreg:$0x8] =	wrdreg s9;
	s1 =	sshrl.u32 @!p3 s9, $0x3;
	s26 =	simm.s32 $0x400  }
0x19: {  	s16 =	simm.s32 $0x7;
	s17 =	sadd.s32 $0x20, s13;
	[dreg:$0x3] =	wrdreg s13  }
0x1a: {  	s13 =	sadd.s32 $0x40, s13;
	s6 =	sadd.s32 s10, s6;
	[dreg:$0xb] =	wrdreg s0  }
0x1b: {  	s0 =	sadd.s32 s25, s7;
	[dreg:$0x10] =	wrdreg s1;
	s25 =	simm.s32 $0x50  }
0x1c: {  	s7 =	simm.s32 $0x80;
	s1 =	simm.s32 $0x4;
	[dreg:$0x4] =	wrdreg s17  }
0x1d: {  	s10 =	simm.s32 $0x6;
	[dreg:$0x5] =	wrdreg s13;
	s24 =	sadd.s32 $0x24900, s6  }
.Ltmp0:
0x1e: {  	[dreg:$0xe] =	wrdreg s0;
	s0 =	sshrl.u32 @!p1 s9, $0x3;
	(pc) =	sbr.rel .LBB2_1-.Ltmp0, $4  }
0x1f: {  	s6 =	simm.s32 $0x5;
	[dreg:$0xf] =	wrdreg s0;
	s0 =	sshll.u32 @!p2 s23, $0x6  }
0x20: {  	s9 =	simm.s32 $0x7C00;
	[dreg:$0xc] =	wrdreg s24;
	s0 =	sor.u32 @!p2 $0x1C0D, s0  }
0x21: {  	s17 =	simm.s32 $0x280;
	[dreg:$0x11] =	wrdreg s0;
	s0 =	sshrl.u32 @!p2 s8, $0x3  }
0x22: {  	s24 =	simm.s32 $0x1;
	[dreg:$0x12] =	wrdreg s0;
	s0 =	simm.s32 $0x5400  }
.LBB2_26:
0x23: {  	s5 =	simm.s32 $0x9  }
0x24: {  	_ =	swait.ge [sflag:s5], $0x2800  }
0x25: {  	[sflag:s5] =	ssyncset.done $0x0  }
0x26: {  	s13 =	simm.s32 $0xA;
	[sflag:s5] =	ssyncadd.s32 $0xFFFFD800  }
0x27: {  	_ =	swait.ge [sflag:s13], $0x2800  }
0x28: {  	[sflag:s13] =	ssyncset.done $0x0  }
0x29: {  	[sflag:s13] =	ssyncadd.s32 $0xFFFFD800  }
0x2a: {  	_ =	swait.ge [sflag:s14], $0x2800  }
0x2b: {  	[sflag:s14] =	ssyncset.done $0x0  }
0x2c: {  	[sflag:s14] =	ssyncadd.s32 $0xFFFFD800  }
0x2d: {  	_ =	swait.ge [sflag:s15], $0x2800  }
0x2e: {  	[sflag:s15] =	ssyncset.done $0x0  }
0x2f: {  	[sflag:s15] =	ssyncadd.s32 $0xFFFFD800  }
0x30: {  	[bflag:$0x0] =	sbarrier.arrive $0xFFFF  }
0x31: {  	s13 =	rddreg [dreg:$0x8]  }
0x32: {  	s22 =	simm.s32 @p0 $0x1FCD;
	s5 =	rddreg [dreg:$0xc];
	s13 =	sshrl.u32 @p0 s13, $0x3  }
0x33: {  	[hbm:s5], [sflag:s22] =	dma.local @p0 [spmem:s13], $0x2800  }
0x34: {  	s13 =	simm.s32 @p0 $0xD  }
0x35: {  	s23 =	stileid.u32;
	_ =	swait.ge @p0 [sflag:s13], $0x2800  }
0x36: {  	s22 =	sshll.u32 @!p0 s23, $0x6;
	[sflag:s13] =	ssyncset.done @p0 $0x0;
	s5 =	rddreg [dreg:$0xb]  }
0x37: {  	[sflag:s13] =	ssyncadd.s32 @p0 $0xFFFFD800;
	s13 =	sor.u32 @!p0 $0x1C0D, s22;
	s22 =	sshrl.u32 @!p0 s8, $0x3  }
0x38: {  	[hbm:s5], [sflag:s13] =	dma.local @!p0 [spmem:s22], $0x2700  }
0x39: {  	s13 =	simm.s32 @!p0 $0xD  }
0x3a: {  	_ =	swait.ge @!p0 [sflag:s13], $0x2700  }
0x3b: {  	s21 =	sadd.s32 $0x1, s21;
	s22 =	rddreg [dreg:$0xd]  }
0x3c: {  	p5 =	sne.s32 s21, s22  }
.Ltmp1:
0x3d: {  	_ = 	snop;
	(pc) =	sbr.rel @!p5 .LBB2_27-.Ltmp1, $3  }
0x3e: {  	_ =	sdelay $0x1  }
0x3f: {  	[sflag:s13] =	ssyncset.done @!p0 $0x0  }
0x40: {  	[sflag:s13] =	ssyncadd.s32 @!p0 $0xFFFFD900  }
.LBB2_1:
0x41: {  	s13 =	rddreg [dreg:$0x3]  }
0x42: {  	s5 =	rddreg [dreg:$0x4]  }
0x43: {  	[tilespmem:s3], [sflag:$0x1] =	stream.linear.gather [hbm4b:s13+s3], $0x100, $0x38;
	[tilespmem:$0x1DC80] =	vst v63  }
0x44: {  	s22 =	rddreg [dreg:$0x5]  }
0x45: {  	[tilespmem:s18], [sflag:$0x2] =	stream.linear.gather [hbm4b:s5+s3], $0x100, $0x38;
	[tilespmem:$0x1DC80] =	vst v63  }
0x46: {  	s5 =	rddreg [dreg:$0xf]  }
0x47: {  	[tilespmem:s19], [sflag:$0x3] =	stream.linear.gather [hbm4b:s22+s3], $0x100, $0x38;
	[tilespmem:$0x1DC80] =	vst v63  }
0x48: {  	s13 =	simm.s32 @!p1 $0x1FCD;
	s22 =	rddreg [dreg:$0x9]  }
0x49: {  	[spmem:s5], [sflag:s13] =	dma.local @!p1 [hbm:s22], $0x2800  }
0x4a: {  	s13 =	simm.s32 @!p1 $0xD  }
0x4b: {  	_ =	swait.ge @!p1 [sflag:s13], $0x2800  }
0x4c: {  	[sflag:s13] =	ssyncset.done @!p1 $0x0;
	s22 =	rddreg [dreg:$0xa]  }
0x4d: {  	s5 =	rddreg [dreg:$0x10];
	[sflag:s13] =	ssyncadd.s32 @!p1 $0xFFFFD800;
	s13 =	simm.s32 @!p3 $0x1FCD  }
0x4e: {  	[spmem:s5], [sflag:s13] =	dma.local @!p3 [hbm:s22], $0x2800  }
0x4f: {  	s13 =	simm.s32 @!p3 $0xD  }
0x50: {  	_ =	swait.ge @!p3 [sflag:s13], $0x2800  }
0x51: {  	s5 =	rddreg [dreg:$0x11]  }
0x52: {  	[sflag:s13] =	ssyncset.done @!p3 $0x0;
	s22 =	rddreg [dreg:$0x12]  }
0x53: {  	[sflag:s13] =	ssyncadd.s32 @!p3 $0xFFFFD800;
	s13 =	rddreg [dreg:$0x6]  }
0x54: {  	[spmem:s22], [sflag:s5] =	dma.local @!p2 [hbm:s13], $0x2700  }
0x55: {  	s13 =	simm.s32 @!p2 $0xD  }
0x56: {  	_ =	swait.ge @!p2 [sflag:s13], $0x2700  }
0x57: {  	s22 =	sshll.u32 @!p4 s23, $0x6;
	[sflag:s13] =	ssyncset.done @!p2 $0x0;
	s23 =	rddreg [dreg:$0x7]  }
0x58: {  	[sflag:s13] =	ssyncadd.s32 @!p2 $0xFFFFD900;
	s13 =	sor.u32 @!p4 $0x1C0D, s22;
	s22 =	sshrl.u32 @!p4 s8, $0x3  }
0x59: {  	[spmem:s22], [sflag:s13] =	dma.local @!p4 [hbm:s23], $0x2700  }
0x5a: {  	s13 =	simm.s32 @!p4 $0xD  }
0x5b: {  	_ =	swait.ge @!p4 [sflag:s13], $0x2700  }
0x5c: {  	[sflag:s13] =	ssyncset.done @!p4 $0x0  }
0x5d: {  	[sflag:s13] =	ssyncadd.s32 @!p4 $0xFFFFD900  }
0x5e: {  	_ =	swait.ge [sflag:s24], $0x100  }
0x5f: {  	[sflag:s24] =	ssyncset.done $0x0  }
0x60: {  	[sflag:s24] =	ssyncadd.s32 $0xFFFFFF00  }
0x61: {  	[tilespmem:s26], [sflag:$0x5] =	stream.indirect.gather [hbm4b:s4+s25], $0x80, s3, s25, $0xb8;
	[tilespmem:$0x1DC80] =	vst v63  }
0x62: {  	_ =	swait.ge [sflag:s28], $0x100  }
.Ltmp2:
0x63: {  	[sflag:s28] =	ssyncset.done $0x0;
	(pc) =	sbr.rel .LBB2_2-.Ltmp2, $4  }
0x64: {  	[sflag:s28] =	ssyncadd.s32 $0xFFFFFF00  }
0x65: {  	[tilespmem:s29], [sflag:$0x6] =	stream.indirect.gather [hbm4b:s4+s25], $0x80, s18, s25, $0xb8;
	[tilespmem:$0x1DC80] =	vst v63  }
0x66: {  	[bflag:$0x0] =	sbarrier.arrive $0xFFFF  }
0x67: {  	s23 =	simm.s32 $0x0;
	s22 =	rddreg [dreg:$0xe]  }
.LBB2_21:
0x68: {  	p5 =	seq.s32 s23, $0x0  }
0x69: {  	s13 =	simm.s32 @!p5 $0xB  }
0x6a: {  	_ =	swait.ge @!p5 [sflag:s13], $0x2800  }
0x6b: {  	[sflag:s13] =	ssyncset.done @!p5 $0x0  }
0x6c: {  	[sflag:s13] =	ssyncadd.s32 @!p5 $0xFFFFD800  }
0x6d: {  	[tilespmem:s19], [sflag:$0x3] =	stream.linear.gather [hbm4b:s22+s3], $0x100, $0x38;
	[tilespmem:$0x1DC80] =	vst v63  }
.LBB2_23:
0x6e: {  	_ =	swait.ge [sflag:s28], $0x100  }
0x6f: {  	[sflag:s28] =	ssyncset.done $0x0  }
0x70: {  	[sflag:s28] =	ssyncadd.s32 $0xFFFFFF00  }
0x71: {  	[tilespmem:s29], [sflag:$0x6] =	stream.indirect.gather [hbm4b:s4+s25], $0x80, s18, s25, $0xb8;
	[tilespmem:$0x1DC80] =	vst v63  }
.LBB2_24:
0x72: {  	_ =	swait.ge [sflag:s11], $0x2800  }
0x73: {  	[sflag:s11] =	ssyncset.done $0x0  }
0x74: {  	[sflag:s11] =	ssyncadd.s32 $0xFFFFD800  }
0x75: {  	[spmem:s2] =	stream.indirect.scatter.add.f32 [tilespmem:s9], [sflag:$0xC], $0x80, s20, s25, $0xb8;
	[tilespmem:$0x1DC80] =	vst v63  }
.LBB2_25:
0x76: {  	s23 =	sadd.s32 $0x1, s23  }
0x77: {  	p5 =	sne.s32 s23, $0x7D  }
.Ltmp3:
0x78: {  	_ = 	snop;
	(pc) =	sbr.rel @!p5 .LBB2_26-.Ltmp3, $2  }
0x79: {  	_ =	sdelay $0x2  }
0x7a: {  	s22 =	sadd.s32 $0x20, s22  }
.LBB2_2:
0x7b: {  	s13 =	sand.u32 $0x3, s23  }
0x7c: {  	p5 =	sgt.s32 s13, $0x1  }
.Ltmp4:
0x7d: {  	_ = 	snop;
	(pc) =	sbr.rel @p5 .LBB2_19-.Ltmp4, $1  }
0x7e: {  	_ =	sdelay $0x3  }
0x7f: {  	p5 =	seq.s32 s13, $0x0  }
.Ltmp5:
0x80: {  	_ = 	snop;
	(pc) =	sbr.rel @!p5 .LBB2_9-.Ltmp5, $1  }
0x81: {  	_ =	sdelay $0x3  }
0x82: {  	p5 =	sgt.u32 s23, $0x79  }
.Ltmp6:
0x83: {  	_ = 	snop;
	(pc) =	sbr.rel @p5 .LBB2_6-.Ltmp6, $1  }
0x84: {  	_ =	sdelay $0x3  }
0x85: {  	p5 =	seq.s32 s23, $0x0  }
.Ltmp7:
0x86: {  	s13 =	simm.s32 @!p5 $0xC;
	(pc) =	sbr.rel .LBB2_7-.Ltmp7, $4  }
0x87: {  	_ =	swait.ge @!p5 [sflag:s13], $0x2800  }
0x88: {  	[sflag:s13] =	ssyncset.done @!p5 $0x0  }
0x89: {  	[sflag:s13] =	ssyncadd.s32 @!p5 $0xFFFFD800  }
0x8a: {  	[tilespmem:s30], [sflag:$0x4] =	stream.linear.gather [hbm4b:s22+s3], $0x100, $0x38;
	[tilespmem:$0x1DC80] =	vst v63  }
.LBB2_19:
0x8b: {  	p6 =	seq.s32 s13, $0x2  }
.Ltmp8:
0x8c: {  	_ = 	snop;
	(pc) =	sbr.rel @!p6 .LBB2_20-.Ltmp8, $2  }
0x8d: {  	_ =	sdelay $0x2  }
0x8e: {  	p5 =	sgt.u32 s23, $0x79  }
.Ltmp9:
0x8f: {  	(pc) =	sbr.rel @p5 .LBB2_16-.Ltmp9, $1  }
0x90: {  	_ =	sdelay $0x3  }
0x91: {  	p5 =	seq.s32 s23, $0x0  }
.Ltmp10:
0x92: {  	s13 =	simm.s32 @!p5 $0xA;
	(pc) =	sbr.rel .LBB2_17-.Ltmp10, $4  }
0x93: {  	_ =	swait.ge @!p5 [sflag:s13], $0x2800  }
0x94: {  	[sflag:s13] =	ssyncset.done @!p5 $0x0  }
0x95: {  	[sflag:s13] =	ssyncadd.s32 @!p5 $0xFFFFD800  }
0x96: {  	[tilespmem:s18], [sflag:$0x2] =	stream.linear.gather [hbm4b:s22+s3], $0x100, $0x38;
	[tilespmem:$0x1DC80] =	vst v63  }
.LBB2_9:
0x97: {  	p5 =	sgt.u32 s23, $0x79  }
.Ltmp11:
0x98: {  	_ = 	snop;
	(pc) =	sbr.rel @p5 .LBB2_12-.Ltmp11, $1  }
0x99: {  	_ =	sdelay $0x3  }
0x9a: {  	p5 =	seq.s32 s23, $0x0  }
.Ltmp12:
0x9b: {  	s13 =	simm.s32 @!p5 $0x9;
	(pc) =	sbr.rel .LBB2_11-.Ltmp12, $4  }
0x9c: {  	_ =	swait.ge @!p5 [sflag:s13], $0x2800  }
0x9d: {  	[sflag:s13] =	ssyncset.done @!p5 $0x0  }
0x9e: {  	[sflag:s13] =	ssyncadd.s32 @!p5 $0xFFFFD800  }
0x9f: {  	[tilespmem:s3], [sflag:$0x1] =	stream.linear.gather [hbm4b:s22+s3], $0x100, $0x38;
	[tilespmem:$0x1DC80] =	vst v63  }
.LBB2_20:
.Ltmp13:
0xa0: {  	(pc) =	sbr.rel @!p5 .LBB2_21-.Ltmp13, $1  }
0xa1: {  	_ =	sdelay $0x3  }
0xa2: {  	p5 =	sne.s32 s23, $0x7A  }
.Ltmp14:
0xa3: {  	_ = 	snop;
	(pc) =	sbr.rel @p5 .LBB2_24-.Ltmp14, $4  }
.Ltmp15:
0xa4: {  	_ = 	snop;
	(pc) =	sbr.rel @!p5 .LBB2_23-.Ltmp15, $4  }
0xa5: {  	_ = 	snop  }
0xa6: {  	_ = 	snop  }
0xa7: {  	_ = 	snop  }
0xa8: {  	_ = 	snop  }
.LBB2_6:
0xa9: {  	p5 =	sne.s32 s23, $0x7A  }
.Ltmp16:
0xaa: {  	_ = 	snop;
	(pc) =	sbr.rel @p5 .LBB2_8-.Ltmp16, $1  }
0xab: {  	_ =	sdelay $0x3  }
.LBB2_7:
0xac: {  	_ =	swait.ge [sflag:s31], $0x100  }
0xad: {  	[sflag:s31] =	ssyncset.done $0x0  }
0xae: {  	[sflag:s31] =	ssyncadd.s32 $0xFFFFFF00  }
0xaf: {  	[tilespmem:s0], [sflag:$0x7] =	stream.indirect.gather [hbm4b:s4+s25], $0x80, s19, s25, $0xb8;
	[tilespmem:$0x1DC80] =	vst v63  }
.LBB2_8:
.Ltmp17:
0xb0: {  	(pc) =	sbr.rel .LBB2_25-.Ltmp17, $4  }
0xb1: {  	_ =	swait.ge [sflag:s6], $0x2800  }
0xb2: {  	[sflag:s6] =	ssyncset.done $0x0  }
0xb3: {  	[sflag:s6] =	ssyncadd.s32 $0xFFFFD800  }
0xb4: {  	[spmem:s2] =	stream.indirect.scatter.add.f32 [tilespmem:s26], [sflag:$0x9], $0x80, s7, s25, $0xb8;
	[tilespmem:$0x1DC80] =	vst v63  }
.LBB2_16:
0xb5: {  	p5 =	sne.s32 s23, $0x7A  }
.Ltmp18:
0xb6: {  	_ = 	snop;
	(pc) =	sbr.rel @p5 .LBB2_18-.Ltmp18, $1  }
0xb7: {  	_ =	sdelay $0x3  }
.LBB2_17:
0xb8: {  	_ =	swait.ge [sflag:s24], $0x100  }
0xb9: {  	[sflag:s24] =	ssyncset.done $0x0  }
0xba: {  	[sflag:s24] =	ssyncadd.s32 $0xFFFFFF00  }
0xbb: {  	[tilespmem:s26], [sflag:$0x5] =	stream.indirect.gather [hbm4b:s4+s25], $0x80, s3, s25, $0xb8;
	[tilespmem:$0x1DC80] =	vst v63  }
.LBB2_18:
.Ltmp19:
0xbc: {  	(pc) =	sbr.rel .LBB2_25-.Ltmp19, $4  }
0xbd: {  	_ =	swait.ge [sflag:s16], $0x2800  }
0xbe: {  	[sflag:s16] =	ssyncset.done $0x0  }
0xbf: {  	[sflag:s16] =	ssyncadd.s32 $0xFFFFD800  }
0xc0: {  	[spmem:s2] =	stream.indirect.scatter.add.f32 [tilespmem:s0], [sflag:$0xB], $0x80, s17, s25, $0xb8;
	[tilespmem:$0x1DC80] =	vst v63  }
.LBB2_12:
0xc1: {  	p5 =	seq.s32 s23, $0x7A  }
.Ltmp20:
0xc2: {  	_ = 	snop;
	(pc) =	sbr.rel @!p5 .LBB2_13-.Ltmp20, $1  }
0xc3: {  	_ =	sdelay $0x3  }
.LBB2_11:
0xc4: {  	_ =	swait.ge [sflag:s1], $0x100  }
0xc5: {  	[sflag:s1] =	ssyncset.done $0x0  }
0xc6: {  	[sflag:s1] =	ssyncadd.s32 $0xFFFFFF00  }
0xc7: {  	[tilespmem:s9], [sflag:$0x8] =	stream.indirect.gather [hbm4b:s4+s25], $0x80, s30, s25, $0xb8;
	[tilespmem:$0x1DC80] =	vst v63  }
.Ltmp21:
0xc8: {  	_ = 	snop;
	(pc) =	sbr.rel .LBB2_25-.Ltmp21, $4  }
0xc9: {  	_ =	swait.ge [sflag:s10], $0x2800  }
0xca: {  	[sflag:s10] =	ssyncset.done $0x0  }
0xcb: {  	[sflag:s10] =	ssyncadd.s32 $0xFFFFD800  }
0xcc: {  	[spmem:s2] =	stream.indirect.scatter.add.f32 [tilespmem:s29], [sflag:$0xA], $0x80, s12, s25, $0xb8;
	[tilespmem:$0x1DC80] =	vst v63  }
.LBB2_13:
.Ltmp22:
0xcd: {  	(pc) =	sbr.rel .LBB2_25-.Ltmp22, $4  }
0xce: {  	_ =	swait.ge [sflag:s10], $0x2800  }
0xcf: {  	[sflag:s10] =	ssyncset.done $0x0  }
0xd0: {  	[sflag:s10] =	ssyncadd.s32 $0xFFFFD800  }
0xd1: {  	[spmem:s2] =	stream.indirect.scatter.add.f32 [tilespmem:s29], [sflag:$0xA], $0x80, s12, s25, $0xb8;
	[tilespmem:$0x1DC80] =	vst v63  }
.LBB2_27:
0xd2: {  	_ =	sfence.sel $0x180000  }
0xd3: {  	[bflag:$0x0] =	sbarrier.arrive $0xFFFF  }
0xd4: {  	_ =	strace $0x9000004A  }
0xd5: {  	[bflag:$0x2] =	sbarrier.arrive $0xFFFF  }
0xd6: {  	p0 =	sne.s32 s23, $0x0;
	s0 =	rddreg [dreg:$0x2]  }
0xd7: {  	s0 =	sadd.s32 @!p0 $0x100000, s0  }
0xd8: {  	[sflag:s0] =	ssyncadd.tile.s32 @!p0 $0x1;
	_ =	shalt  }
.Lfunc_end2:
_tile_overlayer_lowered:
.L_overlay_start_2:
0xd9: {  	(tag) =	ssettag $0x2  }
0xda: {  	s0 =	rddreg [dreg:$0x0];
	s2 =	stileid.u32  }
0xdb: {  	s1 =	rddreg [dreg:$0x1];
	p0 =	sne.s32 s2, $0x0  }
0xdc: {  	s3 =	rddreg [dreg:$0x2];
	[bflag:$0x3] =	sbarrier.arrive $0xFFFF;
	s2 =	simm.s32 @!p0 $0x1C0D  }
0xdd: {  	[timem:s3], [sflag:s2] =	dma.local @!p0 [hbm:s0], s1  }
0xde: {  	s0 =	simm.s32 @!p0 $0xD  }
0xdf: {  	_ =	swait.ge @!p0 [sflag:s0], s1  }
0xe0: {  	s1 =	ssub.s32 @!p0 $0x0, s1;
	[sflag:s0] =	ssyncset.done @!p0 $0x0  }
0xe1: {  	[sflag:s0] =	ssyncadd.s32 @!p0 s1  }
0xe2: {  	[bflag:$0x3] =	sbarrier.arrive $0xFFFF  }
0xe3: {  	_ =	shalt  }

// kernel: kernel.16.cloned.1.call-start
scs
__scs_entry_jumppad:
0x0: {  	(pc) =	sbr.rel $0x88, $3  }
0x1: {  	(tag) =	ssettag $0x0;
	lr =	simm.s32 $0x1  }
0x2: {  	[smem:$0x3F95] =	sst lr;
	_ =	strace $0xD0000000  }
0x3: {  	_ = 	snop  }
0x4: {  	_ = 	snop  }
0x5: {  	_ = 	snop  }
0x6: {  	_ = 	snop  }
0x7: {  	_ = 	snop  }
__scs_overlays_trampoline_lowered:
0x8: {  	[smem:$0x3FA4] =	sst s0  }
0x9: {  	[smem:$0x3FA5] =	sst s1  }
0xa: {  	[smem:$0x3FA6] =	sst s2  }
0xb: {  	[smem:$0x3FA7] =	sst s3  }
0xc: {  	[smem:$0x3FA8] =	sst s4  }
0xd: {  	[smem:$0x3FA9] =	sst s5  }
0xe: {  	[smem:$0x3FAA] =	sst s6  }
0xf: {  	[smem:$0x3FAB] =	sst s7  }
0x10: {  	[smem:$0x3FAC] =	sst s8  }
0x11: {  	[smem:$0x3FAD] =	sst s9;
	s0 =	simm.s32 @!p0 $0x0  }
0x12: {  	s1 =	sld [smem:$0x3F93];
	s0 =	simm.s32 @p0 $0x1  }
0x13: {  	[smem:$0x3FAE] =	sst s0;
	s0 =	simm.s32 @!p1 $0x0  }
0x14: {  	s2 =	sld [smem:$0x3F92];
	s0 =	simm.s32 @p1 $0x1  }
0x15: {  	[smem:$0x3FAF] =	sst s0;
	s0 =	simm.s32 @!p2 $0x0  }
0x16: {  	s3 =	sld [smem:$0x3FDB];
	s0 =	simm.s32 @p2 $0x1  }
0x17: {  	s4 =	simm.s32 $0x1BF5;
	[smem:$0x3FB1] =	sst s0  }
0x18: {  	s0 =	sld [smem:$0x3F94];
	_ =	swait.ge [sflag:s4], $0x0  }
0x19: {  	s7 =	sld [smem:$0x3F95]  }
0x1a: {  	s8 =	sadd.s32 $0xFFFFE003, lr  }
0x1b: {  	s9 =	sadd.s32 $0xFFFFFEF7, lr;
	s5 =	simm.s32 $0xFFFFFFFF;
	p2 =	slt.u32 s8, $0xFFFFF086  }
0x1c: {  	p1 =	slt.u32 s9, $0xF7A;
	s5 =	simm.s32 @!p2 $0x0  }
0x1d: {  	s5 =	simm.s32 @p1 $0x1;
	p0 =	seq.s32 s7, s2  }
0x1e: {  	s7 =	smul.u32 @!p0 $0xF7A, s2;
	p2 =	seq.s32 @!p0 s5, $0x0  }
0x1f: {  	s9 =	smul.u32 $0xF7A, s1;
	s8 =	simm.s32 @!p0 $0x1BF5;
	p2 =	por !p2, p0  }
0x20: {  	[sflag:s8] =	ssyncset.s32 @!p0 $0xFFFFF086;
	s6 =	sadd.s32 @!p0 s3, s7;
	s7 =	simm.s32 @!p0 $0x108  }
0x21: {  	s3 =	sadd.s32 s3, s9;
	s6 =	sadd.s32 @!p0 $0x88, s6;
	s7 =	simm.s32 @p2 $0x1082  }
0x22: {  	[simem:s7], [sflag:s8] =	dma.local @!p0 [hbm:s6], $0xF7A  }
0x23: {  	s9 =	sor.u32 $0xD0000000, s2;
	s6 =	simm.s32 $0x108;
	_ =	swait.ge @!p0 [sflag:s8], $0x0  }
0x24: {  	s3 =	sadd.s32 $0x88, s3;
	s6 =	simm.s32 @!p1 $0x1082;
	[sflag:s4] =	ssyncset.s32 $0xFFFFF086  }
0x25: {  	[simem:s6], [sflag:s4] =	dma.local [hbm:s3], $0xF7A  }
0x26: {  	[smem:$0x3F95] =	sst s1;
	(tag) =	ssettag s2;
	_ =	strace s9  }
0x27: {  	s1 =	sld [smem:$0x3FA5]  }
0x28: {  	s2 =	sld [smem:$0x3FA6]  }
0x29: {  	s4 =	sld [smem:$0x3FA8]  }
0x2a: {  	p0 =	seq.s32 s5, $0x0;
	s5 =	sld [smem:$0x3FA9]  }
0x2b: {  	s6 =	sld [smem:$0x3FAA]  }
0x2c: {  	s7 =	sld [smem:$0x3FAB]  }
0x2d: {  	s3 =	simm.s32 $0x108;
	s8 =	sld [smem:$0x3FAC]  }
0x2e: {  	s3 =	simm.s32 @!p0 $0x1082;
	s9 =	sld [smem:$0x3FAD]  }
0x2f: {  	lr =	sadd.s32 s0, s3;
	s0 =	sld [smem:$0x3FA4]  }
0x30: {  	s3 =	sld [smem:$0x3FA7]  }
0x31: {  	[smem:$0x3FB0] =	sst s10  }
0x32: {  	s10 =	sld [smem:$0x3FAE];
	_ =	sdelay $0x3  }
0x33: {  	p0 =	seq.s32 s10, $0x1;
	s10 =	sld [smem:$0x3FB0];
	_ =	sdelay $0x3  }
0x34: {  	[smem:$0x3FB0] =	sst s10  }
0x35: {  	s10 =	sld [smem:$0x3FAF];
	_ =	sdelay $0x3  }
0x36: {  	p1 =	seq.s32 s10, $0x1;
	s10 =	sld [smem:$0x3FB0];
	_ =	sdelay $0x3  }
0x37: {  	[smem:$0x3FB0] =	sst s10  }
0x38: {  	s10 =	sld [smem:$0x3FB1]  }
0x39: {  	_ = 	snop;
	(pc) =	sbr.ind lr, $3  }
0x3a: {  	_ = 	snop  }
0x3b: {  	_ = 	snop  }
0x3c: {  	p2 =	seq.s32 s10, $0x1;
	s10 =	sld [smem:$0x3FB0]  }
0x3d: {  	_ =	shalt  }
0x3e: {  	_ =	shalt  }
0x3f: {  	_ =	shalt  }
0x40: {  	_ =	shalt  }
0x41: {  	_ =	shalt  }
0x42: {  	_ =	shalt  }
0x43: {  	_ =	shalt  }
0x44: {  	_ =	shalt  }
0x45: {  	_ =	shalt  }
0x46: {  	_ =	shalt  }
0x47: {  	_ =	shalt  }
0x48: {  	_ =	shalt  }
0x49: {  	_ =	shalt  }
0x4a: {  	_ =	shalt  }
0x4b: {  	_ =	shalt  }
0x4c: {  	_ =	shalt  }
0x4d: {  	_ =	shalt  }
0x4e: {  	_ =	shalt  }
0x4f: {  	_ =	shalt  }
0x50: {  	_ =	shalt  }
0x51: {  	_ =	shalt  }
0x52: {  	_ =	shalt  }
0x53: {  	_ =	shalt  }
0x54: {  	_ =	shalt  }
0x55: {  	_ =	shalt  }
0x56: {  	_ =	shalt  }
0x57: {  	_ =	shalt  }
0x58: {  	_ =	shalt  }
0x59: {  	_ =	shalt  }
0x5a: {  	_ =	shalt  }
0x5b: {  	_ =	shalt  }
0x5c: {  	_ =	shalt  }
0x5d: {  	_ =	shalt  }
0x5e: {  	_ =	shalt  }
0x5f: {  	_ =	shalt  }
0x60: {  	_ =	shalt  }
0x61: {  	_ =	shalt  }
0x62: {  	_ =	shalt  }
0x63: {  	_ =	shalt  }
0x64: {  	_ =	shalt  }
0x65: {  	_ =	shalt  }
0x66: {  	_ =	shalt  }
0x67: {  	_ =	shalt  }
0x68: {  	_ =	shalt  }
0x69: {  	_ =	shalt  }
0x6a: {  	_ =	shalt  }
0x6b: {  	_ =	shalt  }
0x6c: {  	_ =	shalt  }
0x6d: {  	_ =	shalt  }
0x6e: {  	_ =	shalt  }
0x6f: {  	_ =	shalt  }
0x70: {  	_ =	shalt  }
0x71: {  	_ =	shalt  }
0x72: {  	_ =	shalt  }
0x73: {  	_ =	shalt  }
0x74: {  	_ =	shalt  }
0x75: {  	_ =	shalt  }
0x76: {  	_ =	shalt  }
0x77: {  	_ =	shalt  }
0x78: {  	_ =	shalt  }
0x79: {  	_ =	shalt  }
0x7a: {  	_ =	shalt  }
0x7b: {  	_ =	shalt  }
0x7c: {  	_ =	shalt  }
0x7d: {  	_ =	shalt  }
0x7e: {  	_ =	shalt  }
0x7f: {  	_ =	shalt  }
0x80: {  	_ =	shalt  }
0x81: {  	_ =	shalt  }
0x82: {  	_ =	shalt  }
0x83: {  	_ =	shalt  }
0x84: {  	_ =	shalt  }
0x85: {  	_ =	shalt  }
0x86: {  	_ =	shalt  }
0x87: {  	_ =	shalt  }
.Lfunc_end0:
.L_simem_size_0:
called_computation.2_lowered:
.L_overlay_start_0:
0x88: {  	s2 =	sld [smem:$0x3FD9]  }
0x89: {  	s3 =	sld [smem:$0x3FFE];
	_ =	sdelay $0x1  }
0x8a: {  	s1 =	srdreg.scid  }
0x8b: {  	s0 =	sand.u32 $0x1, s1  }
0x8c: {  	s16 =	sshll.u32 s0, $0xA;
	s2 =	sadd.s32 s3, s2  }
0x8d: {  	s2 =	sadd.s32 s2, s16  }
0x8e: {  	[smem:$0x3FBC] =	sst s2  }
0x8f: {  	_ = 	snop  }
0x90: {  	(tm) =	ssettm $0x1  }
0x91: {  	s17 =	sld [smem:$0x3FFB];
	_ =	sdelay $0x3  }
0x92: {  	_ =	strace s17  }
0x93: {  	s2 =	sld [smem:$0x3FFC];
	_ =	sdelay $0x3  }
0x94: {  	_ =	strace s2  }
0x95: {  	s2 =	sld [smem:$0x3FFD];
	_ =	sdelay $0x3  }
0x96: {  	_ =	strace s2  }
0x97: {  	_ =	strace $0x8FFFFFFF  }
0x98: {  	s18 =	sld [smem:$0x3FDB];
	_ =	sdelay $0x1  }
0x99: {  	s19 =	simm.s32 $_scs_section_size  }
0x9a: {  	s4 =	simm.s32 $_size__tile_overlayer_lowered;
	s5 =	simm.s32 $_tile_overlayer_lowered  }
0x9b: {  	s22 =	simm.s32 $0x1BFF;
	s21 =	sshll.u32 s5, $0x1;
	s2 =	sadd.s32 s19, s18  }
0x9c: {  	s6 =	simm.s32 $0x0;
	s20 =	sshll.u32 s4, $0x1;
	s4 =	sadd.s32 s21, s2  }
0x9d: {  	[timem:s6], [sflag:s22] =	dma.local [hbm:s4], s20  }
0x9e: {  	_ =	swait.ge [sflag:s22], s20  }
0x9f: {  	s3 =	ssub.s32 $0x0, s20;
	[sflag:s22] =	ssyncset.done $0x0  }
0xa0: {  	[sflag:s22] =	ssyncadd.s32 s3;
	_ =	sdelay $0x1  }
0xa1: {  	s23 =	simm.s32 $0x1B8B  }
0xa2: {  	_ =	swait.ge [sflag:s23], $0x1  }
0xa3: {  	[sflag:s23] =	ssyncset.done $0x0  }
0xa4: {  	s25 =	simm.s32 $0x1B8E;
	s24 =	sld [smem:$0x3FFE];
	[sflag:s23] =	ssyncadd.s32 $0xFFFFFFFF  }
0xa5: {  	s26 =	simm.s32 $execute0_lowered;
	[smem:$0x3FD2] =	sst s25  }
0xa6: {  	s4 =	sshll.u32 s26, $0x1;
	_ =	strace $0x8000004C;
	[dreg:$0x1] =	wrdreg $0xFFFFFFFF  }
0xa7: {  	s28 =	simm.s32 $_size_execute0_lowered;
	s2 =	sadd.s32 s2, s4;
	[dreg:$0x0] =	wrdreg $0x0  }
0xa8: {  	s4 =	sshll.u32 s28, $0x1;
	[dreg:$0x2] =	wrdreg s2  }
0xa9: {  	[dreg:$0x3] =	wrdreg s4  }
0xaa: {  	[dreg:$0x4] =	wrdreg $0xC0  }
0xab: {  	_ =	task [dreg:s6], $0x5FFFF  }
0xac: {  	[dreg:$0x1] =	wrdreg $0xFFFFFFFF  }
0xad: {  	[dreg:$0x0] =	wrdreg $0x60  }
0xae: {  	[dreg:$0x2] =	wrdreg s24  }
0xaf: {  	[dreg:$0x3] =	wrdreg $0xA4000  }
0xb0: {  	[dreg:$0x4] =	wrdreg $0x9  }
0xb1: {  	_ =	task.clear_ibuf [dreg:s6], $0x5FFFF;
	_ =	strace $0x9000004C  }
0xb2: {  	s29 =	simm.s32 $0x9;
	_ =	strace $0x8000004E  }
0xb3: {  	_ =	swait.ge [sflag:s29], $0x1  }
0xb4: {  	[sflag:s29] =	ssyncadd.s32 $0xFFFFFFFF  }
0xb5: {  	_ =	strace $0x9000004E  }
0xb6: {  	_ =	sfence  }
0xb7: {  	s30 =	sld [smem:$0x0];
	_ =	sdelay $0x2  }
0xb8: {  	s31 =	sshll.u32 s1, $0xD;
	s1 =	sshrl.u32 s1, $0x2  }
0xb9: {  	s3 =	sand.u32 $0x4000, s31;
	s1 =	sadd.s32 s1, s30  }
0xba: {  	s0 =	sor.u32 s3, s0;
	s1 =	sshll.u32 s1, $0x11  }
0xbb: {  	s0 =	sor.u32 s1, s0  }
0xbc: {  	s0 =	sadd.s32 $0x8F2B, s0  }
0xbd: {  	[sflag:s0] =	ssyncadd.remote.s32 $0x1  }
0xbe: {  	_ =	sfence.sel $0xFFFF  }
0xbf: {  	[dreg:$0x0] =	wrdreg $0xFFFFFFFF;
	(pc) =	sbr.abs _section_cstart, $3  }
0xc0: {  	[dreg:$0x1] =	wrdreg $0xFFFFFFFF  }
0xc1: {  	_ =	task.clear_ibuf [dreg:s6], $0x2FFFF;
	_ =	strace $0x9FFFFFFF  }
0xc2: {  	(tm) =	ssettm $0x7FFFFFFF  }
0xc3: {  	_ =	shalt  }
tec
execute0_lowered:
.L_overlay_start_1:
0x0: {  	(tag) =	ssettag $0x1  }
0x1: {  	s0 =	rddreg [dreg:$0x0]  }
0x2: {  	s2 =	rddreg [dreg:$0x1]  }
0x3: {  	s3 =	simm.s32 $0x0;
	s23 =	stileid.u32;
	s1 =	srdreg.scid  }
0x4: {  	s28 =	simm.s32 $0x2;
	s29 =	simm.s32 $0x2C00;
	s30 =	simm.s32 $0x300  }
0x5: {  	s31 =	simm.s32 $0x3;
	s15 =	simm.s32 $0xC;
	s5 =	smul.u32 $0x2700, s23  }
0x6: {  	[smem:$0x7FF] =	sst s3;
	s1 =	sand.u32 $0x1, s1;
	s12 =	smul.u32 $0x4E000, s23  }
0x7: {  	s4 =	sshll.u32 s23, $0x1;
	s7 =	sadd.s32 $0x88600, s0;
	s19 =	smul.u32 $0x13800, s23  }
0x8: {  	s10 =	sadd.s32 $0xCEC00, s0;
	s20 =	smul.u32 $0xFA00, s23;
	s14 =	sadd.s32 $0x37B00, s0  }
0x9: {  	p0 =	seq.s32 s23, $0xF;
	_ =	strace $0x8000004D;
	s6 =	sor.u32 s1, s4  }
0xa: {  	s4 =	sadd.s32 $0xA7A00, s0;
	s8 =	ssub.s32 $0x2, s1;
	s16 =	smul.u32 $0x138800, s1  }
0xb: {  	s21 =	smul.u32 $0x7D00, s1;
	[dreg:$0x9] =	wrdreg s14;
	p3 =	sne.s32 @p0 s1, $0x0  }
0xc: {  	p4 =	sne.s32 @!p0 s1, $0x0;
	s14 =	simm.s32 $0xB;
	s6 =	smul.u32 $0x7D00, s6  }
0xd: {  	s9 =	sadd.s32 s5, s0;
	s11 =	sshrl.u32 s8, $0x1;
	s18 =	sshrl.u32 s12, $0x2  }
0xe: {  	s5 =	sadd.s32 s4, s5;
	s0 =	sadd.s32 $0xCC300, s0;
	p1 =	por !p3, !p0  }
0xf: {  	p2 =	por !p4, p0;
	p3 =	por p3, !p0;
	p4 =	por p4, p0  }
0x10: {  	s12 =	simm.s32 $0x180;
	s11 =	ssub.s32 s8, s11;
	[dreg:$0x7] =	wrdreg s5  }
0x11: {  	s8 =	sadd.s32 s18, s2;
	s9 =	sadd.s32 $0x13200, s9;
	[dreg:$0xa] =	wrdreg s0  }
0x12: {  	s22 =	sadd.s32 s19, s16;
	s5 =	sadd.s32 s21, s20;
	s18 =	simm.s32 $0x100  }
0x13: {  	s19 =	simm.s32 $0x200;
	s20 =	simm.s32 $0x380;
	s21 =	simm.s32 $0x0  }
0x14: {  	s6 =	sshrl.u32 s6, $0x3;
	[dreg:$0x6] =	wrdreg s9;
	s9 =	sadd.s32 $0x124800, s2  }
0x15: {  	s0 =	sshrl.u32 s22, $0x3;
	s5 =	sadd.s32 $0x300, s5;
	s26 =	smax.u32 s11, $0x1  }
0x16: {  	s11 =	simm.s32 $0x8;
	s13 =	sadd.s32 s7, s6;
	s6 =	sshrl.u32 s16, $0x3  }
0x17: {  	s0 =	sadd.s32 s10, s0;
	s25 =	sshrl.u32 s5, $0x3;
	[dreg:$0xd] =	wrdreg s26  }
0x18: {  	[dreg:$0x8] =	wrdreg s9;
	s1 =	sshrl.u32 @!p3 s9, $0x3;
	s26 =	simm.s32 $0x400  }
0x19: {  	s16 =	simm.s32 $0x7;
	s17 =	sadd.s32 $0x20, s13;
	[dreg:$0x3] =	wrdreg s13  }
0x1a: {  	s13 =	sadd.s32 $0x40, s13;
	s6 =	sadd.s32 s10, s6;
	[dreg:$0xb] =	wrdreg s0  }
0x1b: {  	s0 =	sadd.s32 s25, s7;
	[dreg:$0x10] =	wrdreg s1;
	s25 =	simm.s32 $0x50  }
0x1c: {  	s7 =	simm.s32 $0x80;
	s1 =	simm.s32 $0x4;
	[dreg:$0x4] =	wrdreg s17  }
0x1d: {  	s10 =	simm.s32 $0x6;
	[dreg:$0x5] =	wrdreg s13;
	s24 =	sadd.s32 $0x24900, s6  }
.Ltmp0:
0x1e: {  	[dreg:$0xe] =	wrdreg s0;
	s0 =	sshrl.u32 @!p1 s9, $0x3;
	(pc) =	sbr.rel .LBB2_1-.Ltmp0, $4  }
0x1f: {  	s6 =	simm.s32 $0x5;
	[dreg:$0xf] =	wrdreg s0;
	s0 =	sshll.u32 @!p2 s23, $0x6  }
0x20: {  	s9 =	simm.s32 $0x7C00;
	[dreg:$0xc] =	wrdreg s24;
	s0 =	sor.u32 @!p2 $0x1C0D, s0  }
0x21: {  	s17 =	simm.s32 $0x280;
	[dreg:$0x11] =	wrdreg s0;
	s0 =	sshrl.u32 @!p2 s8, $0x3  }
0x22: {  	s24 =	simm.s32 $0x1;
	[dreg:$0x12] =	wrdreg s0;
	s0 =	simm.s32 $0x5400  }
.LBB2_26:
0x23: {  	s5 =	simm.s32 $0x9  }
0x24: {  	_ =	swait.ge [sflag:s5], $0x2800  }
0x25: {  	[sflag:s5] =	ssyncset.done $0x0  }
0x26: {  	s13 =	simm.s32 $0xA;
	[sflag:s5] =	ssyncadd.s32 $0xFFFFD800  }
0x27: {  	_ =	swait.ge [sflag:s13], $0x2800  }
0x28: {  	[sflag:s13] =	ssyncset.done $0x0  }
0x29: {  	[sflag:s13] =	ssyncadd.s32 $0xFFFFD800  }
0x2a: {  	_ =	swait.ge [sflag:s14], $0x2800  }
0x2b: {  	[sflag:s14] =	ssyncset.done $0x0  }
0x2c: {  	[sflag:s14] =	ssyncadd.s32 $0xFFFFD800  }
0x2d: {  	_ =	swait.ge [sflag:s15], $0x2800  }
0x2e: {  	[sflag:s15] =	ssyncset.done $0x0  }
0x2f: {  	[sflag:s15] =	ssyncadd.s32 $0xFFFFD800  }
0x30: {  	[bflag:$0x0] =	sbarrier.arrive $0xFFFF  }
0x31: {  	s13 =	rddreg [dreg:$0x8]  }
0x32: {  	s22 =	simm.s32 @p0 $0x1FCD;
	s5 =	rddreg [dreg:$0xc];
	s13 =	sshrl.u32 @p0 s13, $0x3  }
0x33: {  	[hbm:s5], [sflag:s22] =	dma.local @p0 [spmem:s13], $0x2800  }
0x34: {  	s13 =	simm.s32 @p0 $0xD  }
0x35: {  	s23 =	stileid.u32;
	_ =	swait.ge @p0 [sflag:s13], $0x2800  }
0x36: {  	s22 =	sshll.u32 @!p0 s23, $0x6;
	[sflag:s13] =	ssyncset.done @p0 $0x0;
	s5 =	rddreg [dreg:$0xb]  }
0x37: {  	[sflag:s13] =	ssyncadd.s32 @p0 $0xFFFFD800;
	s13 =	sor.u32 @!p0 $0x1C0D, s22;
	s22 =	sshrl.u32 @!p0 s8, $0x3  }
0x38: {  	[hbm:s5], [sflag:s13] =	dma.local @!p0 [spmem:s22], $0x2700  }
0x39: {  	s13 =	simm.s32 @!p0 $0xD  }
0x3a: {  	_ =	swait.ge @!p0 [sflag:s13], $0x2700  }
0x3b: {  	s21 =	sadd.s32 $0x1, s21;
	s22 =	rddreg [dreg:$0xd]  }
0x3c: {  	p5 =	sne.s32 s21, s22  }
.Ltmp1:
0x3d: {  	_ = 	snop;
	(pc) =	sbr.rel @!p5 .LBB2_27-.Ltmp1, $3  }
0x3e: {  	_ =	sdelay $0x1  }
0x3f: {  	[sflag:s13] =	ssyncset.done @!p0 $0x0  }
0x40: {  	[sflag:s13] =	ssyncadd.s32 @!p0 $0xFFFFD900  }
.LBB2_1:
0x41: {  	s13 =	rddreg [dreg:$0x3]  }
0x42: {  	s5 =	rddreg [dreg:$0x4]  }
0x43: {  	[tilespmem:s3], [sflag:$0x1] =	stream.linear.gather [hbm4b:s13+s3], $0x100, $0x38;
	[tilespmem:$0x1DC80] =	vst v63  }
0x44: {  	s22 =	rddreg [dreg:$0x5]  }
0x45: {  	[tilespmem:s18], [sflag:$0x2] =	stream.linear.gather [hbm4b:s5+s3], $0x100, $0x38;
	[tilespmem:$0x1DC80] =	vst v63  }
0x46: {  	s5 =	rddreg [dreg:$0xf]  }
0x47: {  	[tilespmem:s19], [sflag:$0x3] =	stream.linear.gather [hbm4b:s22+s3], $0x100, $0x38;
	[tilespmem:$0x1DC80] =	vst v63  }
0x48: {  	s13 =	simm.s32 @!p1 $0x1FCD;
	s22 =	rddreg [dreg:$0x9]  }
0x49: {  	[spmem:s5], [sflag:s13] =	dma.local @!p1 [hbm:s22], $0x2800  }
0x4a: {  	s13 =	simm.s32 @!p1 $0xD  }
0x4b: {  	_ =	swait.ge @!p1 [sflag:s13], $0x2800  }
0x4c: {  	[sflag:s13] =	ssyncset.done @!p1 $0x0;
	s22 =	rddreg [dreg:$0xa]  }
0x4d: {  	s5 =	rddreg [dreg:$0x10];
	[sflag:s13] =	ssyncadd.s32 @!p1 $0xFFFFD800;
	s13 =	simm.s32 @!p3 $0x1FCD  }
0x4e: {  	[spmem:s5], [sflag:s13] =	dma.local @!p3 [hbm:s22], $0x2800  }
0x4f: {  	s13 =	simm.s32 @!p3 $0xD  }
0x50: {  	_ =	swait.ge @!p3 [sflag:s13], $0x2800  }
0x51: {  	s5 =	rddreg [dreg:$0x11]  }
0x52: {  	[sflag:s13] =	ssyncset.done @!p3 $0x0;
	s22 =	rddreg [dreg:$0x12]  }
0x53: {  	[sflag:s13] =	ssyncadd.s32 @!p3 $0xFFFFD800;
	s13 =	rddreg [dreg:$0x6]  }
0x54: {  	[spmem:s22], [sflag:s5] =	dma.local @!p2 [hbm:s13], $0x2700  }
0x55: {  	s13 =	simm.s32 @!p2 $0xD  }
0x56: {  	_ =	swait.ge @!p2 [sflag:s13], $0x2700  }
0x57: {  	s22 =	sshll.u32 @!p4 s23, $0x6;
	[sflag:s13] =	ssyncset.done @!p2 $0x0;
	s23 =	rddreg [dreg:$0x7]  }
0x58: {  	[sflag:s13] =	ssyncadd.s32 @!p2 $0xFFFFD900;
	s13 =	sor.u32 @!p4 $0x1C0D, s22;
	s22 =	sshrl.u32 @!p4 s8, $0x3  }
0x59: {  	[spmem:s22], [sflag:s13] =	dma.local @!p4 [hbm:s23], $0x2700  }
0x5a: {  	s13 =	simm.s32 @!p4 $0xD  }
0x5b: {  	_ =	swait.ge @!p4 [sflag:s13], $0x2700  }
0x5c: {  	[sflag:s13] =	ssyncset.done @!p4 $0x0  }
0x5d: {  	[sflag:s13] =	ssyncadd.s32 @!p4 $0xFFFFD900  }
0x5e: {  	_ =	swait.ge [sflag:s24], $0x100  }
0x5f: {  	[sflag:s24] =	ssyncset.done $0x0  }
0x60: {  	[sflag:s24] =	ssyncadd.s32 $0xFFFFFF00  }
0x61: {  	[tilespmem:s26], [sflag:$0x5] =	stream.indirect.gather [hbm4b:s4+s25], $0x80, s3, s25, $0xb8;
	[tilespmem:$0x1DC80] =	vst v63  }
0x62: {  	_ =	swait.ge [sflag:s28], $0x100  }
.Ltmp2:
0x63: {  	[sflag:s28] =	ssyncset.done $0x0;
	(pc) =	sbr.rel .LBB2_2-.Ltmp2, $4  }
0x64: {  	[sflag:s28] =	ssyncadd.s32 $0xFFFFFF00  }
0x65: {  	[tilespmem:s29], [sflag:$0x6] =	stream.indirect.gather [hbm4b:s4+s25], $0x80, s18, s25, $0xb8;
	[tilespmem:$0x1DC80] =	vst v63  }
0x66: {  	[bflag:$0x0] =	sbarrier.arrive $0xFFFF  }
0x67: {  	s23 =	simm.s32 $0x0;
	s22 =	rddreg [dreg:$0xe]  }
.LBB2_21:
0x68: {  	p5 =	seq.s32 s23, $0x0  }
0x69: {  	s13 =	simm.s32 @!p5 $0xB  }
0x6a: {  	_ =	swait.ge @!p5 [sflag:s13], $0x2800  }
0x6b: {  	[sflag:s13] =	ssyncset.done @!p5 $0x0  }
0x6c: {  	[sflag:s13] =	ssyncadd.s32 @!p5 $0xFFFFD800  }
0x6d: {  	[tilespmem:s19], [sflag:$0x3] =	stream.linear.gather [hbm4b:s22+s3], $0x100, $0x38;
	[tilespmem:$0x1DC80] =	vst v63  }
.LBB2_23:
0x6e: {  	_ =	swait.ge [sflag:s28], $0x100  }
0x6f: {  	[sflag:s28] =	ssyncset.done $0x0  }
0x70: {  	[sflag:s28] =	ssyncadd.s32 $0xFFFFFF00  }
0x71: {  	[tilespmem:s29], [sflag:$0x6] =	stream.indirect.gather [hbm4b:s4+s25], $0x80, s18, s25, $0xb8;
	[tilespmem:$0x1DC80] =	vst v63  }
.LBB2_24:
0x72: {  	_ =	swait.ge [sflag:s11], $0x2800  }
0x73: {  	[sflag:s11] =	ssyncset.done $0x0  }
0x74: {  	[sflag:s11] =	ssyncadd.s32 $0xFFFFD800  }
0x75: {  	[spmem:s2] =	stream.indirect.scatter.add.f32 [tilespmem:s9], [sflag:$0xC], $0x80, s20, s25, $0xb8;
	[tilespmem:$0x1DC80] =	vst v63  }
.LBB2_25:
0x76: {  	s23 =	sadd.s32 $0x1, s23  }
0x77: {  	p5 =	sne.s32 s23, $0x7D  }
.Ltmp3:
0x78: {  	_ = 	snop;
	(pc) =	sbr.rel @!p5 .LBB2_26-.Ltmp3, $2  }
0x79: {  	_ =	sdelay $0x2  }
0x7a: {  	s22 =	sadd.s32 $0x20, s22  }
.LBB2_2:
0x7b: {  	s13 =	sand.u32 $0x3, s23  }
0x7c: {  	p5 =	sgt.s32 s13, $0x1  }
.Ltmp4:
0x7d: {  	_ = 	snop;
	(pc) =	sbr.rel @p5 .LBB2_19-.Ltmp4, $1  }
0x7e: {  	_ =	sdelay $0x3  }
0x7f: {  	p5 =	seq.s32 s13, $0x0  }
.Ltmp5:
0x80: {  	_ = 	snop;
	(pc) =	sbr.rel @!p5 .LBB2_9-.Ltmp5, $1  }
0x81: {  	_ =	sdelay $0x3  }
0x82: {  	p5 =	sgt.u32 s23, $0x79  }
.Ltmp6:
0x83: {  	_ = 	snop;
	(pc) =	sbr.rel @p5 .LBB2_6-.Ltmp6, $1  }
0x84: {  	_ =	sdelay $0x3  }
0x85: {  	p5 =	seq.s32 s23, $0x0  }
.Ltmp7:
0x86: {  	s13 =	simm.s32 @!p5 $0xC;
	(pc) =	sbr.rel .LBB2_7-.Ltmp7, $4  }
0x87: {  	_ =	swait.ge @!p5 [sflag:s13], $0x2800  }
0x88: {  	[sflag:s13] =	ssyncset.done @!p5 $0x0  }
0x89: {  	[sflag:s13] =	ssyncadd.s32 @!p5 $0xFFFFD800  }
0x8a: {  	[tilespmem:s30], [sflag:$0x4] =	stream.linear.gather [hbm4b:s22+s3], $0x100, $0x38;
	[tilespmem:$0x1DC80] =	vst v63  }
.LBB2_19:
0x8b: {  	p6 =	seq.s32 s13, $0x2  }
.Ltmp8:
0x8c: {  	_ = 	snop;
	(pc) =	sbr.rel @!p6 .LBB2_20-.Ltmp8, $2  }
0x8d: {  	_ =	sdelay $0x2  }
0x8e: {  	p5 =	sgt.u32 s23, $0x79  }
.Ltmp9:
0x8f: {  	(pc) =	sbr.rel @p5 .LBB2_16-.Ltmp9, $1  }
0x90: {  	_ =	sdelay $0x3  }
0x91: {  	p5 =	seq.s32 s23, $0x0  }
.Ltmp10:
0x92: {  	s13 =	simm.s32 @!p5 $0xA;
	(pc) =	sbr.rel .LBB2_17-.Ltmp10, $4  }
0x93: {  	_ =	swait.ge @!p5 [sflag:s13], $0x2800  }
0x94: {  	[sflag:s13] =	ssyncset.done @!p5 $0x0  }
0x95: {  	[sflag:s13] =	ssyncadd.s32 @!p5 $0xFFFFD800  }
0x96: {  	[tilespmem:s18], [sflag:$0x2] =	stream.linear.gather [hbm4b:s22+s3], $0x100, $0x38;
	[tilespmem:$0x1DC80] =	vst v63  }
.LBB2_9:
0x97: {  	p5 =	sgt.u32 s23, $0x79  }
.Ltmp11:
0x98: {  	_ = 	snop;
	(pc) =	sbr.rel @p5 .LBB2_12-.Ltmp11, $1  }
0x99: {  	_ =	sdelay $0x3  }
0x9a: {  	p5 =	seq.s32 s23, $0x0  }
.Ltmp12:
0x9b: {  	s13 =	simm.s32 @!p5 $0x9;
	(pc) =	sbr.rel .LBB2_11-.Ltmp12, $4  }
0x9c: {  	_ =	swait.ge @!p5 [sflag:s13], $0x2800  }
0x9d: {  	[sflag:s13] =	ssyncset.done @!p5 $0x0  }
0x9e: {  	[sflag:s13] =	ssyncadd.s32 @!p5 $0xFFFFD800  }
0x9f: {  	[tilespmem:s3], [sflag:$0x1] =	stream.linear.gather [hbm4b:s22+s3], $0x100, $0x38;
	[tilespmem:$0x1DC80] =	vst v63  }
.LBB2_20:
.Ltmp13:
0xa0: {  	(pc) =	sbr.rel @!p5 .LBB2_21-.Ltmp13, $1  }
0xa1: {  	_ =	sdelay $0x3  }
0xa2: {  	p5 =	sne.s32 s23, $0x7A  }
.Ltmp14:
0xa3: {  	_ = 	snop;
	(pc) =	sbr.rel @p5 .LBB2_24-.Ltmp14, $4  }
.Ltmp15:
0xa4: {  	_ = 	snop;
	(pc) =	sbr.rel @!p5 .LBB2_23-.Ltmp15, $4  }
0xa5: {  	_ = 	snop  }
0xa6: {  	_ = 	snop  }
0xa7: {  	_ = 	snop  }
0xa8: {  	_ = 	snop  }
.LBB2_6:
0xa9: {  	p5 =	sne.s32 s23, $0x7A  }
.Ltmp16:
0xaa: {  	_ = 	snop;
	(pc) =	sbr.rel @p5 .LBB2_8-.Ltmp16, $1  }
0xab: {  	_ =	sdelay $0x3  }
.LBB2_7:
0xac: {  	_ =	swait.ge [sflag:s31], $0x100  }
0xad: {  	[sflag:s31] =	ssyncset.done $0x0  }
0xae: {  	[sflag:s31] =	ssyncadd.s32 $0xFFFFFF00  }
0xaf: {  	[tilespmem:s0], [sflag:$0x7] =	stream.indirect.gather [hbm4b:s4+s25], $0x80, s19, s25, $0xb8;
	[tilespmem:$0x1DC80] =	vst v63  }
.LBB2_8:
.Ltmp17:
0xb0: {  	(pc) =	sbr.rel .LBB2_25-.Ltmp17, $4  }
0xb1: {  	_ =	swait.ge [sflag:s6], $0x2800  }
0xb2: {  	[sflag:s6] =	ssyncset.done $0x0  }
0xb3: {  	[sflag:s6] =	ssyncadd.s32 $0xFFFFD800  }
0xb4: {  	[spmem:s2] =	stream.indirect.scatter.add.f32 [tilespmem:s26], [sflag:$0x9], $0x80, s7, s25, $0xb8;
	[tilespmem:$0x1DC80] =	vst v63  }
.LBB2_16:
0xb5: {  	p5 =	sne.s32 s23, $0x7A  }
.Ltmp18:
0xb6: {  	_ = 	snop;
	(pc) =	sbr.rel @p5 .LBB2_18-.Ltmp18, $1  }
0xb7: {  	_ =	sdelay $0x3  }
.LBB2_17:
0xb8: {  	_ =	swait.ge [sflag:s24], $0x100  }
0xb9: {  	[sflag:s24] =	ssyncset.done $0x0  }
0xba: {  	[sflag:s24] =	ssyncadd.s32 $0xFFFFFF00  }
0xbb: {  	[tilespmem:s26], [sflag:$0x5] =	stream.indirect.gather [hbm4b:s4+s25], $0x80, s3, s25, $0xb8;
	[tilespmem:$0x1DC80] =	vst v63  }
.LBB2_18:
.Ltmp19:
0xbc: {  	(pc) =	sbr.rel .LBB2_25-.Ltmp19, $4  }
0xbd: {  	_ =	swait.ge [sflag:s16], $0x2800  }
0xbe: {  	[sflag:s16] =	ssyncset.done $0x0  }
0xbf: {  	[sflag:s16] =	ssyncadd.s32 $0xFFFFD800  }
0xc0: {  	[spmem:s2] =	stream.indirect.scatter.add.f32 [tilespmem:s0], [sflag:$0xB], $0x80, s17, s25, $0xb8;
	[tilespmem:$0x1DC80] =	vst v63  }
.LBB2_12:
0xc1: {  	p5 =	seq.s32 s23, $0x7A  }
.Ltmp20:
0xc2: {  	_ = 	snop;
	(pc) =	sbr.rel @!p5 .LBB2_13-.Ltmp20, $1  }
0xc3: {  	_ =	sdelay $0x3  }
.LBB2_11:
0xc4: {  	_ =	swait.ge [sflag:s1], $0x100  }
0xc5: {  	[sflag:s1] =	ssyncset.done $0x0  }
0xc6: {  	[sflag:s1] =	ssyncadd.s32 $0xFFFFFF00  }
0xc7: {  	[tilespmem:s9], [sflag:$0x8] =	stream.indirect.gather [hbm4b:s4+s25], $0x80, s30, s25, $0xb8;
	[tilespmem:$0x1DC80] =	vst v63  }
.Ltmp21:
0xc8: {  	_ = 	snop;
	(pc) =	sbr.rel .LBB2_25-.Ltmp21, $4  }
0xc9: {  	_ =	swait.ge [sflag:s10], $0x2800  }
0xca: {  	[sflag:s10] =	ssyncset.done $0x0  }
0xcb: {  	[sflag:s10] =	ssyncadd.s32 $0xFFFFD800  }
0xcc: {  	[spmem:s2] =	stream.indirect.scatter.add.f32 [tilespmem:s29], [sflag:$0xA], $0x80, s12, s25, $0xb8;
	[tilespmem:$0x1DC80] =	vst v63  }
.LBB2_13:
.Ltmp22:
0xcd: {  	(pc) =	sbr.rel .LBB2_25-.Ltmp22, $4  }
0xce: {  	_ =	swait.ge [sflag:s10], $0x2800  }
0xcf: {  	[sflag:s10] =	ssyncset.done $0x0  }
0xd0: {  	[sflag:s10] =	ssyncadd.s32 $0xFFFFD800  }
0xd1: {  	[spmem:s2] =	stream.indirect.scatter.add.f32 [tilespmem:s29], [sflag:$0xA], $0x80, s12, s25, $0xb8;
	[tilespmem:$0x1DC80] =	vst v63  }
.LBB2_27:
0xd2: {  	_ =	sfence.sel $0x180000  }
0xd3: {  	[bflag:$0x0] =	sbarrier.arrive $0xFFFF  }
0xd4: {  	_ =	strace $0x9000004D  }
0xd5: {  	[bflag:$0x2] =	sbarrier.arrive $0xFFFF  }
0xd6: {  	p0 =	sne.s32 s23, $0x0;
	s0 =	rddreg [dreg:$0x2]  }
0xd7: {  	s0 =	sadd.s32 @!p0 $0x100000, s0  }
0xd8: {  	[sflag:s0] =	ssyncadd.tile.s32 @!p0 $0x1;
	_ =	shalt  }
.Lfunc_end2:
_tile_overlayer_lowered:
.L_overlay_start_2:
0xd9: {  	(tag) =	ssettag $0x2  }
0xda: {  	s0 =	rddreg [dreg:$0x0];
	s2 =	stileid.u32  }
0xdb: {  	s1 =	rddreg [dreg:$0x1];
	p0 =	sne.s32 s2, $0x0  }
0xdc: {  	s3 =	rddreg [dreg:$0x2];
	[bflag:$0x3] =	sbarrier.arrive $0xFFFF;
	s2 =	simm.s32 @!p0 $0x1C0D  }
0xdd: {  	[timem:s3], [sflag:s2] =	dma.local @!p0 [hbm:s0], s1  }
0xde: {  	s0 =	simm.s32 @!p0 $0xD  }
0xdf: {  	_ =	swait.ge @!p0 [sflag:s0], s1  }
0xe0: {  	s1 =	ssub.s32 @!p0 $0x0, s1;
	[sflag:s0] =	ssyncset.done @!p0 $0x0  }
0xe1: {  	[sflag:s0] =	ssyncadd.s32 @!p0 s1  }
0xe2: {  	[bflag:$0x3] =	sbarrier.arrive $0xFFFF  }
0xe3: {  	_ =	shalt  }

// kernel: kernel.19.cloned.1.call-start
scs
__scs_entry_jumppad:
0x0: {  	(pc) =	sbr.rel $0x88, $3  }
0x1: {  	(tag) =	ssettag $0x0;
	lr =	simm.s32 $0x1  }
0x2: {  	[smem:$0x3F95] =	sst lr;
	_ =	strace $0xD0000000  }
0x3: {  	_ = 	snop  }
0x4: {  	_ = 	snop  }
0x5: {  	_ = 	snop  }
0x6: {  	_ = 	snop  }
0x7: {  	_ = 	snop  }
__scs_overlays_trampoline_lowered:
0x8: {  	[smem:$0x3FA4] =	sst s0  }
0x9: {  	[smem:$0x3FA5] =	sst s1  }
0xa: {  	[smem:$0x3FA6] =	sst s2  }
0xb: {  	[smem:$0x3FA7] =	sst s3  }
0xc: {  	[smem:$0x3FA8] =	sst s4  }
0xd: {  	[smem:$0x3FA9] =	sst s5  }
0xe: {  	[smem:$0x3FAA] =	sst s6  }
0xf: {  	[smem:$0x3FAB] =	sst s7  }
0x10: {  	[smem:$0x3FAC] =	sst s8  }
0x11: {  	[smem:$0x3FAD] =	sst s9;
	s0 =	simm.s32 @!p0 $0x0  }
0x12: {  	s1 =	sld [smem:$0x3F93];
	s0 =	simm.s32 @p0 $0x1  }
0x13: {  	[smem:$0x3FAE] =	sst s0;
	s0 =	simm.s32 @!p1 $0x0  }
0x14: {  	s2 =	sld [smem:$0x3F92];
	s0 =	simm.s32 @p1 $0x1  }
0x15: {  	[smem:$0x3FAF] =	sst s0;
	s0 =	simm.s32 @!p2 $0x0  }
0x16: {  	s3 =	sld [smem:$0x3FDB];
	s0 =	simm.s32 @p2 $0x1  }
0x17: {  	s4 =	simm.s32 $0x1BF5;
	[smem:$0x3FB1] =	sst s0  }
0x18: {  	s0 =	sld [smem:$0x3F94];
	_ =	swait.ge [sflag:s4], $0x0  }
0x19: {  	s7 =	sld [smem:$0x3F95]  }
0x1a: {  	s8 =	sadd.s32 $0xFFFFE003, lr  }
0x1b: {  	s9 =	sadd.s32 $0xFFFFFEF7, lr;
	s5 =	simm.s32 $0xFFFFFFFF;
	p2 =	slt.u32 s8, $0xFFFFF086  }
0x1c: {  	p1 =	slt.u32 s9, $0xF7A;
	s5 =	simm.s32 @!p2 $0x0  }
0x1d: {  	s5 =	simm.s32 @p1 $0x1;
	p0 =	seq.s32 s7, s2  }
0x1e: {  	s7 =	smul.u32 @!p0 $0xF7A, s2;
	p2 =	seq.s32 @!p0 s5, $0x0  }
0x1f: {  	s9 =	smul.u32 $0xF7A, s1;
	s8 =	simm.s32 @!p0 $0x1BF5;
	p2 =	por !p2, p0  }
0x20: {  	[sflag:s8] =	ssyncset.s32 @!p0 $0xFFFFF086;
	s6 =	sadd.s32 @!p0 s3, s7;
	s7 =	simm.s32 @!p0 $0x108  }
0x21: {  	s3 =	sadd.s32 s3, s9;
	s6 =	sadd.s32 @!p0 $0x88, s6;
	s7 =	simm.s32 @p2 $0x1082  }
0x22: {  	[simem:s7], [sflag:s8] =	dma.local @!p0 [hbm:s6], $0xF7A  }
0x23: {  	s9 =	sor.u32 $0xD0000000, s2;
	s6 =	simm.s32 $0x108;
	_ =	swait.ge @!p0 [sflag:s8], $0x0  }
0x24: {  	s3 =	sadd.s32 $0x88, s3;
	s6 =	simm.s32 @!p1 $0x1082;
	[sflag:s4] =	ssyncset.s32 $0xFFFFF086  }
0x25: {  	[simem:s6], [sflag:s4] =	dma.local [hbm:s3], $0xF7A  }
0x26: {  	[smem:$0x3F95] =	sst s1;
	(tag) =	ssettag s2;
	_ =	strace s9  }
0x27: {  	s1 =	sld [smem:$0x3FA5]  }
0x28: {  	s2 =	sld [smem:$0x3FA6]  }
0x29: {  	s4 =	sld [smem:$0x3FA8]  }
0x2a: {  	p0 =	seq.s32 s5, $0x0;
	s5 =	sld [smem:$0x3FA9]  }
0x2b: {  	s6 =	sld [smem:$0x3FAA]  }
0x2c: {  	s7 =	sld [smem:$0x3FAB]  }
0x2d: {  	s3 =	simm.s32 $0x108;
	s8 =	sld [smem:$0x3FAC]  }
0x2e: {  	s3 =	simm.s32 @!p0 $0x1082;
	s9 =	sld [smem:$0x3FAD]  }
0x2f: {  	lr =	sadd.s32 s0, s3;
	s0 =	sld [smem:$0x3FA4]  }
0x30: {  	s3 =	sld [smem:$0x3FA7]  }
0x31: {  	[smem:$0x3FB0] =	sst s10  }
0x32: {  	s10 =	sld [smem:$0x3FAE];
	_ =	sdelay $0x3  }
0x33: {  	p0 =	seq.s32 s10, $0x1;
	s10 =	sld [smem:$0x3FB0];
	_ =	sdelay $0x3  }
0x34: {  	[smem:$0x3FB0] =	sst s10  }
0x35: {  	s10 =	sld [smem:$0x3FAF];
	_ =	sdelay $0x3  }
0x36: {  	p1 =	seq.s32 s10, $0x1;
	s10 =	sld [smem:$0x3FB0];
	_ =	sdelay $0x3  }
0x37: {  	[smem:$0x3FB0] =	sst s10  }
0x38: {  	s10 =	sld [smem:$0x3FB1]  }
0x39: {  	_ = 	snop;
	(pc) =	sbr.ind lr, $3  }
0x3a: {  	_ = 	snop  }
0x3b: {  	_ = 	snop  }
0x3c: {  	p2 =	seq.s32 s10, $0x1;
	s10 =	sld [smem:$0x3FB0]  }
0x3d: {  	_ =	shalt  }
0x3e: {  	_ =	shalt  }
0x3f: {  	_ =	shalt  }
0x40: {  	_ =	shalt  }
0x41: {  	_ =	shalt  }
0x42: {  	_ =	shalt  }
0x43: {  	_ =	shalt  }
0x44: {  	_ =	shalt  }
0x45: {  	_ =	shalt  }
0x46: {  	_ =	shalt  }
0x47: {  	_ =	shalt  }
0x48: {  	_ =	shalt  }
0x49: {  	_ =	shalt  }
0x4a: {  	_ =	shalt  }
0x4b: {  	_ =	shalt  }
0x4c: {  	_ =	shalt  }
0x4d: {  	_ =	shalt  }
0x4e: {  	_ =	shalt  }
0x4f: {  	_ =	shalt  }
0x50: {  	_ =	shalt  }
0x51: {  	_ =	shalt  }
0x52: {  	_ =	shalt  }
0x53: {  	_ =	shalt  }
0x54: {  	_ =	shalt  }
0x55: {  	_ =	shalt  }
0x56: {  	_ =	shalt  }
0x57: {  	_ =	shalt  }
0x58: {  	_ =	shalt  }
0x59: {  	_ =	shalt  }
0x5a: {  	_ =	shalt  }
0x5b: {  	_ =	shalt  }
0x5c: {  	_ =	shalt  }
0x5d: {  	_ =	shalt  }
0x5e: {  	_ =	shalt  }
0x5f: {  	_ =	shalt  }
0x60: {  	_ =	shalt  }
0x61: {  	_ =	shalt  }
0x62: {  	_ =	shalt  }
0x63: {  	_ =	shalt  }
0x64: {  	_ =	shalt  }
0x65: {  	_ =	shalt  }
0x66: {  	_ =	shalt  }
0x67: {  	_ =	shalt  }
0x68: {  	_ =	shalt  }
0x69: {  	_ =	shalt  }
0x6a: {  	_ =	shalt  }
0x6b: {  	_ =	shalt  }
0x6c: {  	_ =	shalt  }
0x6d: {  	_ =	shalt  }
0x6e: {  	_ =	shalt  }
0x6f: {  	_ =	shalt  }
0x70: {  	_ =	shalt  }
0x71: {  	_ =	shalt  }
0x72: {  	_ =	shalt  }
0x73: {  	_ =	shalt  }
0x74: {  	_ =	shalt  }
0x75: {  	_ =	shalt  }
0x76: {  	_ =	shalt  }
0x77: {  	_ =	shalt  }
0x78: {  	_ =	shalt  }
0x79: {  	_ =	shalt  }
0x7a: {  	_ =	shalt  }
0x7b: {  	_ =	shalt  }
0x7c: {  	_ =	shalt  }
0x7d: {  	_ =	shalt  }
0x7e: {  	_ =	shalt  }
0x7f: {  	_ =	shalt  }
0x80: {  	_ =	shalt  }
0x81: {  	_ =	shalt  }
0x82: {  	_ =	shalt  }
0x83: {  	_ =	shalt  }
0x84: {  	_ =	shalt  }
0x85: {  	_ =	shalt  }
0x86: {  	_ =	shalt  }
0x87: {  	_ =	shalt  }
.Lfunc_end0:
.L_simem_size_0:
called_computation.3_lowered:
.L_overlay_start_0:
0x88: {  	s2 =	sld [smem:$0x3FD9]  }
0x89: {  	s3 =	sld [smem:$0x3FFE];
	_ =	sdelay $0x1  }
0x8a: {  	s1 =	srdreg.scid  }
0x8b: {  	s0 =	sand.u32 $0x1, s1  }
0x8c: {  	s16 =	sshll.u32 s0, $0xA;
	s2 =	sadd.s32 s3, s2  }
0x8d: {  	s2 =	sadd.s32 s2, s16  }
0x8e: {  	[smem:$0x3FBC] =	sst s2  }
0x8f: {  	_ = 	snop  }
0x90: {  	(tm) =	ssettm $0x1  }
0x91: {  	s17 =	sld [smem:$0x3FFB];
	_ =	sdelay $0x3  }
0x92: {  	_ =	strace s17  }
0x93: {  	s2 =	sld [smem:$0x3FFC];
	_ =	sdelay $0x3  }
0x94: {  	_ =	strace s2  }
0x95: {  	s2 =	sld [smem:$0x3FFD];
	_ =	sdelay $0x3  }
0x96: {  	_ =	strace s2  }
0x97: {  	_ =	strace $0x8FFFFFFF  }
0x98: {  	s18 =	sld [smem:$0x3FDB];
	_ =	sdelay $0x1  }
0x99: {  	s19 =	simm.s32 $_scs_section_size  }
0x9a: {  	s4 =	simm.s32 $_size__tile_overlayer_lowered;
	s5 =	simm.s32 $_tile_overlayer_lowered  }
0x9b: {  	s22 =	simm.s32 $0x1BFF;
	s21 =	sshll.u32 s5, $0x1;
	s2 =	sadd.s32 s19, s18  }
0x9c: {  	s6 =	simm.s32 $0x0;
	s20 =	sshll.u32 s4, $0x1;
	s4 =	sadd.s32 s21, s2  }
0x9d: {  	[timem:s6], [sflag:s22] =	dma.local [hbm:s4], s20  }
0x9e: {  	_ =	swait.ge [sflag:s22], s20  }
0x9f: {  	s3 =	ssub.s32 $0x0, s20;
	[sflag:s22] =	ssyncset.done $0x0  }
0xa0: {  	[sflag:s22] =	ssyncadd.s32 s3;
	_ =	sdelay $0x1  }
0xa1: {  	s23 =	simm.s32 $0x1B8B  }
0xa2: {  	_ =	swait.ge [sflag:s23], $0x1  }
0xa3: {  	[sflag:s23] =	ssyncset.done $0x0  }
0xa4: {  	s25 =	simm.s32 $0x1B8E;
	s24 =	sld [smem:$0x3FFE];
	[sflag:s23] =	ssyncadd.s32 $0xFFFFFFFF  }
0xa5: {  	s26 =	simm.s32 $execute0_lowered;
	[smem:$0x3FD2] =	sst s25  }
0xa6: {  	s4 =	sshll.u32 s26, $0x1;
	_ =	strace $0x8000004F;
	[dreg:$0x1] =	wrdreg $0xFFFFFFFF  }
0xa7: {  	s28 =	simm.s32 $_size_execute0_lowered;
	s2 =	sadd.s32 s2, s4;
	[dreg:$0x0] =	wrdreg $0x0  }
0xa8: {  	s4 =	sshll.u32 s28, $0x1;
	[dreg:$0x2] =	wrdreg s2  }
0xa9: {  	[dreg:$0x3] =	wrdreg s4  }
0xaa: {  	[dreg:$0x4] =	wrdreg $0xC0  }
0xab: {  	_ =	task [dreg:s6], $0x5FFFF  }
0xac: {  	[dreg:$0x1] =	wrdreg $0xFFFFFFFF  }
0xad: {  	[dreg:$0x0] =	wrdreg $0x60  }
0xae: {  	[dreg:$0x2] =	wrdreg s24  }
0xaf: {  	[dreg:$0x3] =	wrdreg $0xA4000  }
0xb0: {  	[dreg:$0x4] =	wrdreg $0x9  }
0xb1: {  	_ =	task.clear_ibuf [dreg:s6], $0x5FFFF;
	_ =	strace $0x9000004F  }
0xb2: {  	s29 =	simm.s32 $0x9;
	_ =	strace $0x80000051  }
0xb3: {  	_ =	swait.ge [sflag:s29], $0x1  }
0xb4: {  	[sflag:s29] =	ssyncadd.s32 $0xFFFFFFFF  }
0xb5: {  	_ =	strace $0x90000051  }
0xb6: {  	_ =	sfence  }
0xb7: {  	s30 =	sld [smem:$0x0];
	_ =	sdelay $0x2  }
0xb8: {  	s31 =	sshll.u32 s1, $0xD;
	s1 =	sshrl.u32 s1, $0x2  }
0xb9: {  	s3 =	sand.u32 $0x4000, s31;
	s1 =	sadd.s32 s1, s30  }
0xba: {  	s0 =	sor.u32 s3, s0;
	s1 =	sshll.u32 s1, $0x11  }
0xbb: {  	s0 =	sor.u32 s1, s0  }
0xbc: {  	s0 =	sadd.s32 $0x8F2B, s0  }
0xbd: {  	[sflag:s0] =	ssyncadd.remote.s32 $0x1  }
0xbe: {  	_ =	sfence.sel $0xFFFF  }
0xbf: {  	[dreg:$0x0] =	wrdreg $0xFFFFFFFF;
	(pc) =	sbr.abs _section_cstart, $3  }
0xc0: {  	[dreg:$0x1] =	wrdreg $0xFFFFFFFF  }
0xc1: {  	_ =	task.clear_ibuf [dreg:s6], $0x2FFFF;
	_ =	strace $0x9FFFFFFF  }
0xc2: {  	(tm) =	ssettm $0x7FFFFFFF  }
0xc3: {  	_ =	shalt  }
tec
execute0_lowered:
.L_overlay_start_1:
0x0: {  	(tag) =	ssettag $0x1  }
0x1: {  	s0 =	rddreg [dreg:$0x0]  }
0x2: {  	s2 =	rddreg [dreg:$0x1]  }
0x3: {  	s3 =	simm.s32 $0x0;
	s23 =	stileid.u32;
	s1 =	srdreg.scid  }
0x4: {  	s28 =	simm.s32 $0x2;
	s29 =	simm.s32 $0x2C00;
	s30 =	simm.s32 $0x300  }
0x5: {  	s31 =	simm.s32 $0x3;
	s15 =	simm.s32 $0xC;
	s5 =	smul.u32 $0x2700, s23  }
0x6: {  	[smem:$0x7FF] =	sst s3;
	s1 =	sand.u32 $0x1, s1;
	s12 =	smul.u32 $0x4E000, s23  }
0x7: {  	s4 =	sshll.u32 s23, $0x1;
	s7 =	sadd.s32 $0x88600, s0;
	s19 =	smul.u32 $0x13800, s23  }
0x8: {  	s10 =	sadd.s32 $0xCEC00, s0;
	s20 =	smul.u32 $0xFA00, s23;
	s14 =	sadd.s32 $0x37B00, s0  }
0x9: {  	p0 =	seq.s32 s23, $0xF;
	_ =	strace $0x80000050;
	s6 =	sor.u32 s1, s4  }
0xa: {  	s4 =	sadd.s32 $0xA7A00, s0;
	s8 =	ssub.s32 $0x2, s1;
	s16 =	smul.u32 $0x138800, s1  }
0xb: {  	s21 =	smul.u32 $0x7D00, s1;
	[dreg:$0x9] =	wrdreg s14;
	p3 =	sne.s32 @p0 s1, $0x0  }
0xc: {  	p4 =	sne.s32 @!p0 s1, $0x0;
	s14 =	simm.s32 $0xB;
	s6 =	smul.u32 $0x7D00, s6  }
0xd: {  	s9 =	sadd.s32 s5, s0;
	s11 =	sshrl.u32 s8, $0x1;
	s18 =	sshrl.u32 s12, $0x2  }
0xe: {  	s5 =	sadd.s32 s4, s5;
	s0 =	sadd.s32 $0xCC300, s0;
	p1 =	por !p3, !p0  }
0xf: {  	p2 =	por !p4, p0;
	p3 =	por p3, !p0;
	p4 =	por p4, p0  }
0x10: {  	s12 =	simm.s32 $0x180;
	s11 =	ssub.s32 s8, s11;
	[dreg:$0x7] =	wrdreg s5  }
0x11: {  	s8 =	sadd.s32 s18, s2;
	s9 =	sadd.s32 $0x13200, s9;
	[dreg:$0xa] =	wrdreg s0  }
0x12: {  	s22 =	sadd.s32 s19, s16;
	s5 =	sadd.s32 s21, s20;
	s18 =	simm.s32 $0x100  }
0x13: {  	s19 =	simm.s32 $0x200;
	s20 =	simm.s32 $0x380;
	s21 =	simm.s32 $0x0  }
0x14: {  	s6 =	sshrl.u32 s6, $0x3;
	[dreg:$0x6] =	wrdreg s9;
	s9 =	sadd.s32 $0x124800, s2  }
0x15: {  	s0 =	sshrl.u32 s22, $0x3;
	s5 =	sadd.s32 $0x300, s5;
	s26 =	smax.u32 s11, $0x1  }
0x16: {  	s11 =	simm.s32 $0x8;
	s13 =	sadd.s32 s7, s6;
	s6 =	sshrl.u32 s16, $0x3  }
0x17: {  	s0 =	sadd.s32 s10, s0;
	s25 =	sshrl.u32 s5, $0x3;
	[dreg:$0xd] =	wrdreg s26  }
0x18: {  	[dreg:$0x8] =	wrdreg s9;
	s1 =	sshrl.u32 @!p3 s9, $0x3;
	s26 =	simm.s32 $0x400  }
0x19: {  	s16 =	simm.s32 $0x7;
	s17 =	sadd.s32 $0x20, s13;
	[dreg:$0x3] =	wrdreg s13  }
0x1a: {  	s13 =	sadd.s32 $0x40, s13;
	s6 =	sadd.s32 s10, s6;
	[dreg:$0xb] =	wrdreg s0  }
0x1b: {  	s0 =	sadd.s32 s25, s7;
	[dreg:$0x10] =	wrdreg s1;
	s25 =	simm.s32 $0x50  }
0x1c: {  	s7 =	simm.s32 $0x80;
	s1 =	simm.s32 $0x4;
	[dreg:$0x4] =	wrdreg s17  }
0x1d: {  	s10 =	simm.s32 $0x6;
	[dreg:$0x5] =	wrdreg s13;
	s24 =	sadd.s32 $0x24900, s6  }
.Ltmp0:
0x1e: {  	[dreg:$0xe] =	wrdreg s0;
	s0 =	sshrl.u32 @!p1 s9, $0x3;
	(pc) =	sbr.rel .LBB2_1-.Ltmp0, $4  }
0x1f: {  	s6 =	simm.s32 $0x5;
	[dreg:$0xf] =	wrdreg s0;
	s0 =	sshll.u32 @!p2 s23, $0x6  }
0x20: {  	s9 =	simm.s32 $0x7C00;
	[dreg:$0xc] =	wrdreg s24;
	s0 =	sor.u32 @!p2 $0x1C0D, s0  }
0x21: {  	s17 =	simm.s32 $0x280;
	[dreg:$0x11] =	wrdreg s0;
	s0 =	sshrl.u32 @!p2 s8, $0x3  }
0x22: {  	s24 =	simm.s32 $0x1;
	[dreg:$0x12] =	wrdreg s0;
	s0 =	simm.s32 $0x5400  }
.LBB2_26:
0x23: {  	s5 =	simm.s32 $0x9  }
0x24: {  	_ =	swait.ge [sflag:s5], $0x2800  }
0x25: {  	[sflag:s5] =	ssyncset.done $0x0  }
0x26: {  	s13 =	simm.s32 $0xA;
	[sflag:s5] =	ssyncadd.s32 $0xFFFFD800  }
0x27: {  	_ =	swait.ge [sflag:s13], $0x2800  }
0x28: {  	[sflag:s13] =	ssyncset.done $0x0  }
0x29: {  	[sflag:s13] =	ssyncadd.s32 $0xFFFFD800  }
0x2a: {  	_ =	swait.ge [sflag:s14], $0x2800  }
0x2b: {  	[sflag:s14] =	ssyncset.done $0x0  }
0x2c: {  	[sflag:s14] =	ssyncadd.s32 $0xFFFFD800  }
0x2d: {  	_ =	swait.ge [sflag:s15], $0x2800  }
0x2e: {  	[sflag:s15] =	ssyncset.done $0x0  }
0x2f: {  	[sflag:s15] =	ssyncadd.s32 $0xFFFFD800  }
0x30: {  	[bflag:$0x0] =	sbarrier.arrive $0xFFFF  }
0x31: {  	s13 =	rddreg [dreg:$0x8]  }
0x32: {  	s22 =	simm.s32 @p0 $0x1FCD;
	s5 =	rddreg [dreg:$0xc];
	s13 =	sshrl.u32 @p0 s13, $0x3  }
0x33: {  	[hbm:s5], [sflag:s22] =	dma.local @p0 [spmem:s13], $0x2800  }
0x34: {  	s13 =	simm.s32 @p0 $0xD  }
0x35: {  	s23 =	stileid.u32;
	_ =	swait.ge @p0 [sflag:s13], $0x2800  }
0x36: {  	s22 =	sshll.u32 @!p0 s23, $0x6;
	[sflag:s13] =	ssyncset.done @p0 $0x0;
	s5 =	rddreg [dreg:$0xb]  }
0x37: {  	[sflag:s13] =	ssyncadd.s32 @p0 $0xFFFFD800;
	s13 =	sor.u32 @!p0 $0x1C0D, s22;
	s22 =	sshrl.u32 @!p0 s8, $0x3  }
0x38: {  	[hbm:s5], [sflag:s13] =	dma.local @!p0 [spmem:s22], $0x2700  }
0x39: {  	s13 =	simm.s32 @!p0 $0xD  }
0x3a: {  	_ =	swait.ge @!p0 [sflag:s13], $0x2700  }
0x3b: {  	s21 =	sadd.s32 $0x1, s21;
	s22 =	rddreg [dreg:$0xd]  }
0x3c: {  	p5 =	sne.s32 s21, s22  }
.Ltmp1:
0x3d: {  	_ = 	snop;
	(pc) =	sbr.rel @!p5 .LBB2_27-.Ltmp1, $3  }
0x3e: {  	_ =	sdelay $0x1  }
0x3f: {  	[sflag:s13] =	ssyncset.done @!p0 $0x0  }
0x40: {  	[sflag:s13] =	ssyncadd.s32 @!p0 $0xFFFFD900  }
.LBB2_1:
0x41: {  	s13 =	rddreg [dreg:$0x3]  }
0x42: {  	s5 =	rddreg [dreg:$0x4]  }
0x43: {  	[tilespmem:s3], [sflag:$0x1] =	stream.linear.gather [hbm4b:s13+s3], $0x100, $0x38;
	[tilespmem:$0x1DC80] =	vst v63  }
0x44: {  	s22 =	rddreg [dreg:$0x5]  }
0x45: {  	[tilespmem:s18], [sflag:$0x2] =	stream.linear.gather [hbm4b:s5+s3], $0x100, $0x38;
	[tilespmem:$0x1DC80] =	vst v63  }
0x46: {  	s5 =	rddreg [dreg:$0xf]  }
0x47: {  	[tilespmem:s19], [sflag:$0x3] =	stream.linear.gather [hbm4b:s22+s3], $0x100, $0x38;
	[tilespmem:$0x1DC80] =	vst v63  }
0x48: {  	s13 =	simm.s32 @!p1 $0x1FCD;
	s22 =	rddreg [dreg:$0x9]  }
0x49: {  	[spmem:s5], [sflag:s13] =	dma.local @!p1 [hbm:s22], $0x2800  }
0x4a: {  	s13 =	simm.s32 @!p1 $0xD  }
0x4b: {  	_ =	swait.ge @!p1 [sflag:s13], $0x2800  }
0x4c: {  	[sflag:s13] =	ssyncset.done @!p1 $0x0;
	s22 =	rddreg [dreg:$0xa]  }
0x4d: {  	s5 =	rddreg [dreg:$0x10];
	[sflag:s13] =	ssyncadd.s32 @!p1 $0xFFFFD800;
	s13 =	simm.s32 @!p3 $0x1FCD  }
0x4e: {  	[spmem:s5], [sflag:s13] =	dma.local @!p3 [hbm:s22], $0x2800  }
0x4f: {  	s13 =	simm.s32 @!p3 $0xD  }
0x50: {  	_ =	swait.ge @!p3 [sflag:s13], $0x2800  }
0x51: {  	s5 =	rddreg [dreg:$0x11]  }
0x52: {  	[sflag:s13] =	ssyncset.done @!p3 $0x0;
	s22 =	rddreg [dreg:$0x12]  }
0x53: {  	[sflag:s13] =	ssyncadd.s32 @!p3 $0xFFFFD800;
	s13 =	rddreg [dreg:$0x6]  }
0x54: {  	[spmem:s22], [sflag:s5] =	dma.local @!p2 [hbm:s13], $0x2700  }
0x55: {  	s13 =	simm.s32 @!p2 $0xD  }
0x56: {  	_ =	swait.ge @!p2 [sflag:s13], $0x2700  }
0x57: {  	s22 =	sshll.u32 @!p4 s23, $0x6;
	[sflag:s13] =	ssyncset.done @!p2 $0x0;
	s23 =	rddreg [dreg:$0x7]  }
0x58: {  	[sflag:s13] =	ssyncadd.s32 @!p2 $0xFFFFD900;
	s13 =	sor.u32 @!p4 $0x1C0D, s22;
	s22 =	sshrl.u32 @!p4 s8, $0x3  }
0x59: {  	[spmem:s22], [sflag:s13] =	dma.local @!p4 [hbm:s23], $0x2700  }
0x5a: {  	s13 =	simm.s32 @!p4 $0xD  }
0x5b: {  	_ =	swait.ge @!p4 [sflag:s13], $0x2700  }
0x5c: {  	[sflag:s13] =	ssyncset.done @!p4 $0x0  }
0x5d: {  	[sflag:s13] =	ssyncadd.s32 @!p4 $0xFFFFD900  }
0x5e: {  	_ =	swait.ge [sflag:s24], $0x100  }
0x5f: {  	[sflag:s24] =	ssyncset.done $0x0  }
0x60: {  	[sflag:s24] =	ssyncadd.s32 $0xFFFFFF00  }
0x61: {  	[tilespmem:s26], [sflag:$0x5] =	stream.indirect.gather [hbm4b:s4+s25], $0x80, s3, s25, $0xb8;
	[tilespmem:$0x1DC80] =	vst v63  }
0x62: {  	_ =	swait.ge [sflag:s28], $0x100  }
.Ltmp2:
0x63: {  	[sflag:s28] =	ssyncset.done $0x0;
	(pc) =	sbr.rel .LBB2_2-.Ltmp2, $4  }
0x64: {  	[sflag:s28] =	ssyncadd.s32 $0xFFFFFF00  }
0x65: {  	[tilespmem:s29], [sflag:$0x6] =	stream.indirect.gather [hbm4b:s4+s25], $0x80, s18, s25, $0xb8;
	[tilespmem:$0x1DC80] =	vst v63  }
0x66: {  	[bflag:$0x0] =	sbarrier.arrive $0xFFFF  }
0x67: {  	s23 =	simm.s32 $0x0;
	s22 =	rddreg [dreg:$0xe]  }
.LBB2_21:
0x68: {  	p5 =	seq.s32 s23, $0x0  }
0x69: {  	s13 =	simm.s32 @!p5 $0xB  }
0x6a: {  	_ =	swait.ge @!p5 [sflag:s13], $0x2800  }
0x6b: {  	[sflag:s13] =	ssyncset.done @!p5 $0x0  }
0x6c: {  	[sflag:s13] =	ssyncadd.s32 @!p5 $0xFFFFD800  }
0x6d: {  	[tilespmem:s19], [sflag:$0x3] =	stream.linear.gather [hbm4b:s22+s3], $0x100, $0x38;
	[tilespmem:$0x1DC80] =	vst v63  }
.LBB2_23:
0x6e: {  	_ =	swait.ge [sflag:s28], $0x100  }
0x6f: {  	[sflag:s28] =	ssyncset.done $0x0  }
0x70: {  	[sflag:s28] =	ssyncadd.s32 $0xFFFFFF00  }
0x71: {  	[tilespmem:s29], [sflag:$0x6] =	stream.indirect.gather [hbm4b:s4+s25], $0x80, s18, s25, $0xb8;
	[tilespmem:$0x1DC80] =	vst v63  }
.LBB2_24:
0x72: {  	_ =	swait.ge [sflag:s11], $0x2800  }
0x73: {  	[sflag:s11] =	ssyncset.done $0x0  }
0x74: {  	[sflag:s11] =	ssyncadd.s32 $0xFFFFD800  }
0x75: {  	[spmem:s2] =	stream.indirect.scatter.add.f32 [tilespmem:s9], [sflag:$0xC], $0x80, s20, s25, $0xb8;
	[tilespmem:$0x1DC80] =	vst v63  }
.LBB2_25:
0x76: {  	s23 =	sadd.s32 $0x1, s23  }
0x77: {  	p5 =	sne.s32 s23, $0x7D  }
.Ltmp3:
0x78: {  	_ = 	snop;
	(pc) =	sbr.rel @!p5 .LBB2_26-.Ltmp3, $2  }
0x79: {  	_ =	sdelay $0x2  }
0x7a: {  	s22 =	sadd.s32 $0x20, s22  }
.LBB2_2:
0x7b: {  	s13 =	sand.u32 $0x3, s23  }
0x7c: {  	p5 =	sgt.s32 s13, $0x1  }
.Ltmp4:
0x7d: {  	_ = 	snop;
	(pc) =	sbr.rel @p5 .LBB2_19-.Ltmp4, $1  }
0x7e: {  	_ =	sdelay $0x3  }
0x7f: {  	p5 =	seq.s32 s13, $0x0  }
.Ltmp5:
0x80: {  	_ = 	snop;
	(pc) =	sbr.rel @!p5 .LBB2_9-.Ltmp5, $1  }
0x81: {  	_ =	sdelay $0x3  }
0x82: {  	p5 =	sgt.u32 s23, $0x79  }
.Ltmp6:
0x83: {  	_ = 	snop;
	(pc) =	sbr.rel @p5 .LBB2_6-.Ltmp6, $1  }
0x84: {  	_ =	sdelay $0x3  }
0x85: {  	p5 =	seq.s32 s23, $0x0  }
.Ltmp7:
0x86: {  	s13 =	simm.s32 @!p5 $0xC;
	(pc) =	sbr.rel .LBB2_7-.Ltmp7, $4  }
0x87: {  	_ =	swait.ge @!p5 [sflag:s13], $0x2800  }
0x88: {  	[sflag:s13] =	ssyncset.done @!p5 $0x0  }
0x89: {  	[sflag:s13] =	ssyncadd.s32 @!p5 $0xFFFFD800  }
0x8a: {  	[tilespmem:s30], [sflag:$0x4] =	stream.linear.gather [hbm4b:s22+s3], $0x100, $0x38;
	[tilespmem:$0x1DC80] =	vst v63  }
.LBB2_19:
0x8b: {  	p6 =	seq.s32 s13, $0x2  }
.Ltmp8:
0x8c: {  	_ = 	snop;
	(pc) =	sbr.rel @!p6 .LBB2_20-.Ltmp8, $2  }
0x8d: {  	_ =	sdelay $0x2  }
0x8e: {  	p5 =	sgt.u32 s23, $0x79  }
.Ltmp9:
0x8f: {  	(pc) =	sbr.rel @p5 .LBB2_16-.Ltmp9, $1  }
0x90: {  	_ =	sdelay $0x3  }
0x91: {  	p5 =	seq.s32 s23, $0x0  }
.Ltmp10:
0x92: {  	s13 =	simm.s32 @!p5 $0xA;
	(pc) =	sbr.rel .LBB2_17-.Ltmp10, $4  }
0x93: {  	_ =	swait.ge @!p5 [sflag:s13], $0x2800  }
0x94: {  	[sflag:s13] =	ssyncset.done @!p5 $0x0  }
0x95: {  	[sflag:s13] =	ssyncadd.s32 @!p5 $0xFFFFD800  }
0x96: {  	[tilespmem:s18], [sflag:$0x2] =	stream.linear.gather [hbm4b:s22+s3], $0x100, $0x38;
	[tilespmem:$0x1DC80] =	vst v63  }
.LBB2_9:
0x97: {  	p5 =	sgt.u32 s23, $0x79  }
.Ltmp11:
0x98: {  	_ = 	snop;
	(pc) =	sbr.rel @p5 .LBB2_12-.Ltmp11, $1  }
0x99: {  	_ =	sdelay $0x3  }
0x9a: {  	p5 =	seq.s32 s23, $0x0  }
.Ltmp12:
0x9b: {  	s13 =	simm.s32 @!p5 $0x9;
	(pc) =	sbr.rel .LBB2_11-.Ltmp12, $4  }
0x9c: {  	_ =	swait.ge @!p5 [sflag:s13], $0x2800  }
0x9d: {  	[sflag:s13] =	ssyncset.done @!p5 $0x0  }
0x9e: {  	[sflag:s13] =	ssyncadd.s32 @!p5 $0xFFFFD800  }
0x9f: {  	[tilespmem:s3], [sflag:$0x1] =	stream.linear.gather [hbm4b:s22+s3], $0x100, $0x38;
	[tilespmem:$0x1DC80] =	vst v63  }
.LBB2_20:
.Ltmp13:
0xa0: {  	(pc) =	sbr.rel @!p5 .LBB2_21-.Ltmp13, $1  }
0xa1: {  	_ =	sdelay $0x3  }
0xa2: {  	p5 =	sne.s32 s23, $0x7A  }
.Ltmp14:
0xa3: {  	_ = 	snop;
	(pc) =	sbr.rel @p5 .LBB2_24-.Ltmp14, $4  }
.Ltmp15:
0xa4: {  	_ = 	snop;
	(pc) =	sbr.rel @!p5 .LBB2_23-.Ltmp15, $4  }
0xa5: {  	_ = 	snop  }
0xa6: {  	_ = 	snop  }
0xa7: {  	_ = 	snop  }
0xa8: {  	_ = 	snop  }
.LBB2_6:
0xa9: {  	p5 =	sne.s32 s23, $0x7A  }
.Ltmp16:
0xaa: {  	_ = 	snop;
	(pc) =	sbr.rel @p5 .LBB2_8-.Ltmp16, $1  }
0xab: {  	_ =	sdelay $0x3  }
.LBB2_7:
0xac: {  	_ =	swait.ge [sflag:s31], $0x100  }
0xad: {  	[sflag:s31] =	ssyncset.done $0x0  }
0xae: {  	[sflag:s31] =	ssyncadd.s32 $0xFFFFFF00  }
0xaf: {  	[tilespmem:s0], [sflag:$0x7] =	stream.indirect.gather [hbm4b:s4+s25], $0x80, s19, s25, $0xb8;
	[tilespmem:$0x1DC80] =	vst v63  }
.LBB2_8:
.Ltmp17:
0xb0: {  	(pc) =	sbr.rel .LBB2_25-.Ltmp17, $4  }
0xb1: {  	_ =	swait.ge [sflag:s6], $0x2800  }
0xb2: {  	[sflag:s6] =	ssyncset.done $0x0  }
0xb3: {  	[sflag:s6] =	ssyncadd.s32 $0xFFFFD800  }
0xb4: {  	[spmem:s2] =	stream.indirect.scatter.add.f32 [tilespmem:s26], [sflag:$0x9], $0x80, s7, s25, $0xb8;
	[tilespmem:$0x1DC80] =	vst v63  }
.LBB2_16:
0xb5: {  	p5 =	sne.s32 s23, $0x7A  }
.Ltmp18:
0xb6: {  	_ = 	snop;
	(pc) =	sbr.rel @p5 .LBB2_18-.Ltmp18, $1  }
0xb7: {  	_ =	sdelay $0x3  }
.LBB2_17:
0xb8: {  	_ =	swait.ge [sflag:s24], $0x100  }
0xb9: {  	[sflag:s24] =	ssyncset.done $0x0  }
0xba: {  	[sflag:s24] =	ssyncadd.s32 $0xFFFFFF00  }
0xbb: {  	[tilespmem:s26], [sflag:$0x5] =	stream.indirect.gather [hbm4b:s4+s25], $0x80, s3, s25, $0xb8;
	[tilespmem:$0x1DC80] =	vst v63  }
.LBB2_18:
.Ltmp19:
0xbc: {  	(pc) =	sbr.rel .LBB2_25-.Ltmp19, $4  }
0xbd: {  	_ =	swait.ge [sflag:s16], $0x2800  }
0xbe: {  	[sflag:s16] =	ssyncset.done $0x0  }
0xbf: {  	[sflag:s16] =	ssyncadd.s32 $0xFFFFD800  }
0xc0: {  	[spmem:s2] =	stream.indirect.scatter.add.f32 [tilespmem:s0], [sflag:$0xB], $0x80, s17, s25, $0xb8;
	[tilespmem:$0x1DC80] =	vst v63  }
.LBB2_12:
0xc1: {  	p5 =	seq.s32 s23, $0x7A  }
.Ltmp20:
0xc2: {  	_ = 	snop;
	(pc) =	sbr.rel @!p5 .LBB2_13-.Ltmp20, $1  }
0xc3: {  	_ =	sdelay $0x3  }
.LBB2_11:
0xc4: {  	_ =	swait.ge [sflag:s1], $0x100  }
0xc5: {  	[sflag:s1] =	ssyncset.done $0x0  }
0xc6: {  	[sflag:s1] =	ssyncadd.s32 $0xFFFFFF00  }
0xc7: {  	[tilespmem:s9], [sflag:$0x8] =	stream.indirect.gather [hbm4b:s4+s25], $0x80, s30, s25, $0xb8;
	[tilespmem:$0x1DC80] =	vst v63  }
.Ltmp21:
0xc8: {  	_ = 	snop;
	(pc) =	sbr.rel .LBB2_25-.Ltmp21, $4  }
0xc9: {  	_ =	swait.ge [sflag:s10], $0x2800  }
0xca: {  	[sflag:s10] =	ssyncset.done $0x0  }
0xcb: {  	[sflag:s10] =	ssyncadd.s32 $0xFFFFD800  }
0xcc: {  	[spmem:s2] =	stream.indirect.scatter.add.f32 [tilespmem:s29], [sflag:$0xA], $0x80, s12, s25, $0xb8;
	[tilespmem:$0x1DC80] =	vst v63  }
.LBB2_13:
.Ltmp22:
0xcd: {  	(pc) =	sbr.rel .LBB2_25-.Ltmp22, $4  }
0xce: {  	_ =	swait.ge [sflag:s10], $0x2800  }
0xcf: {  	[sflag:s10] =	ssyncset.done $0x0  }
0xd0: {  	[sflag:s10] =	ssyncadd.s32 $0xFFFFD800  }
0xd1: {  	[spmem:s2] =	stream.indirect.scatter.add.f32 [tilespmem:s29], [sflag:$0xA], $0x80, s12, s25, $0xb8;
	[tilespmem:$0x1DC80] =	vst v63  }
.LBB2_27:
0xd2: {  	_ =	sfence.sel $0x180000  }
0xd3: {  	[bflag:$0x0] =	sbarrier.arrive $0xFFFF  }
0xd4: {  	_ =	strace $0x90000050  }
0xd5: {  	[bflag:$0x2] =	sbarrier.arrive $0xFFFF  }
0xd6: {  	p0 =	sne.s32 s23, $0x0;
	s0 =	rddreg [dreg:$0x2]  }
0xd7: {  	s0 =	sadd.s32 @!p0 $0x100000, s0  }
0xd8: {  	[sflag:s0] =	ssyncadd.tile.s32 @!p0 $0x1;
	_ =	shalt  }
.Lfunc_end2:
_tile_overlayer_lowered:
.L_overlay_start_2:
0xd9: {  	(tag) =	ssettag $0x2  }
0xda: {  	s0 =	rddreg [dreg:$0x0];
	s2 =	stileid.u32  }
0xdb: {  	s1 =	rddreg [dreg:$0x1];
	p0 =	sne.s32 s2, $0x0  }
0xdc: {  	s3 =	rddreg [dreg:$0x2];
	[bflag:$0x3] =	sbarrier.arrive $0xFFFF;
	s2 =	simm.s32 @!p0 $0x1C0D  }
0xdd: {  	[timem:s3], [sflag:s2] =	dma.local @!p0 [hbm:s0], s1  }
0xde: {  	s0 =	simm.s32 @!p0 $0xD  }
0xdf: {  	_ =	swait.ge @!p0 [sflag:s0], s1  }
0xe0: {  	s1 =	ssub.s32 @!p0 $0x0, s1;
	[sflag:s0] =	ssyncset.done @!p0 $0x0  }
0xe1: {  	[sflag:s0] =	ssyncadd.s32 @!p0 s1  }
0xe2: {  	[bflag:$0x3] =	sbarrier.arrive $0xFFFF  }
0xe3: {  	_ =	shalt  }

</sc_bundles>
